<compile_context>
chip_gen: v7x
topology: tpu7x:2x2x1
jax: 0.10.2.dev20260603
libtpu: 0.0.44.dev20260713+nightly
codegen_flags: <defaults>
</compile_context>

<pallas_src>
import functools

import jax
import jax.numpy as jnp
from jax import lax
from jax.experimental import pallas as pl
from jax.experimental.pallas import tpu as pltpu
from jax.experimental.pallas import tpu_sc as plsc

_NUM_BLOCKS = 4
_ASPECT = 0.75
_NC = 2
_NS = 16
_L = 16


def _make_sc_call(batch, height, width):
    seq = height * width
    nw = _NC * _NS
    bpw = batch // nw
    n_chunks = width // _L

    mesh = plsc.VectorSubcoreMesh(core_axis_name="c", subcore_axis_name="s")

    @functools.partial(
        pl.kernel,
        mesh=mesh,
        out_type=[
            jax.ShapeDtypeStruct((batch, seq), jnp.int32),
            jax.ShapeDtypeStruct((batch, seq), jnp.int32),
        ],
        scratch_types=(
            [pltpu.VMEM((batch // (_NC * _NS), 4 * _NUM_BLOCKS), jnp.int32)]
            + [pltpu.VMEM((seq,), jnp.int32) for _ in range(batch // (_NC * _NS))]
            + [pltpu.VMEM((seq + _L,), jnp.int32) for _ in range(batch // (_NC * _NS))]
            + [pltpu.SemaphoreType.DMA, pltpu.SemaphoreType.DMA]
        ),
        compiler_params=pltpu.CompilerParams(needs_layout_passes=False),
    )
    def sc_call(params_hbm, mask_hbm, pos_hbm, wparams_v, *bufs):
        mask_bufs = bufs[:bpw]
        pos_bufs = bufs[bpw:2 * bpw]
        msem, psem = bufs[2 * bpw], bufs[2 * bpw + 1]
        wid = lax.axis_index("s") * _NC + lax.axis_index("c")
        lane = lax.iota(jnp.int32, _L)
        neg1 = jnp.full((_L,), -1, jnp.int32)
        handles = []

        pltpu.sync_copy(params_hbm.at[pl.ds(wid * bpw, bpw)], wparams_v)

        for pi in range(bpw // 2):
            b0, b1 = 2 * pi, 2 * pi + 1
            sub = []
            for bi in (b0, b1):
                prow = wparams_v[bi, :]
                par = [prow[c] for c in range(4 * _NUM_BLOCKS)]
                tops = par[0:4]
                bm1 = par[4:8]
                colsgn = [[
                    ((((lane + j * _L) - par[8 + k])
                      | (par[12 + k] - (lane + j * _L))) >> 31)
                    for j in range(n_chunks)] for k in range(_NUM_BLOCKS)]
                sub.append((tops, bm1, colsgn))

            def row_body(r, cnts):
                new = []
                for (tops, bm1, colsgn), cnt, mask_v, pos_v in zip(
                        sub, cnts,
                        (mask_bufs[b0], mask_bufs[b1]),
                        (pos_bufs[b0], pos_bufs[b1])):
                    rowsgn = [
                        ((r - tops[k]) | (bm1[k] - r)) >> 31
                        for k in range(_NUM_BLOCKS)
                    ]
                    for j in range(n_chunks):
                        base = r * width + j * _L
                        s = rowsgn[0] | colsgn[0][j]
                        for k in range(1, _NUM_BLOCKS):
                            s = s & (rowsgn[k] | colsgn[k][j])
                        mi = s + 1
                        mask_v[pl.ds(base, _L)] = mi
                        pos_v[pl.ds(base, _L)] = neg1
                        plsc.store_compressed(
                            pos_v.at[pl.ds(cnt, _L)], lane + base,
                            mask=mi > 0)
                        pc = plsc.all_reduce_population_count(mi > 0)
                        cnt = cnt + pc[0]
                    new.append(cnt)
                return tuple(new)

            lax.fori_loop(0, height, row_body,
                          (jnp.int32(0), jnp.int32(0)))
            for bi in (b0, b1):
                b = wid * bpw + bi
                handles.append(
                    pltpu.async_copy(mask_bufs[bi], mask_hbm.at[b], msem))
                handles.append(
                    pltpu.async_copy(pos_bufs[bi].at[pl.ds(0, seq)],
                                     pos_hbm.at[b], psem))

        for h in handles:
            h.wait()

    return sc_call


def kernel(batch_size, seq_len, height, width, scales, rand_top, rand_left):
    height_static = 64
    width_static = 64
    batch_static = scales.shape[0] // _NUM_BLOCKS

    areas = (scales * height * width).astype(jnp.int32)
    hs = jnp.clip(
        jnp.sqrt(areas.astype(jnp.float32) / _ASPECT).astype(jnp.int32),
        1, height)
    ws = jnp.clip((areas / jnp.clip(hs, 1, None)).astype(jnp.int32), 1, width)
    max_tops = jnp.clip(height - hs + 1, 1, None)
    max_lefts = jnp.clip(width - ws + 1, 1, None)
    tops = (rand_top * max_tops.astype(jnp.float32)).astype(jnp.int32)
    lefts = (rand_left * max_lefts.astype(jnp.float32)).astype(jnp.int32)

    b = batch_static
    k = _NUM_BLOCKS
    params = jnp.stack(
        [tops.reshape(b, k), (tops + hs - 1).reshape(b, k),
         lefts.reshape(b, k), (lefts + ws - 1).reshape(b, k)],
        axis=1).reshape(b, 4 * k).astype(jnp.int32)

    sc_call = _make_sc_call(batch_static, height_static, width_static)
    mask_i, positions = sc_call(params)

    target_mask = mask_i.astype(bool)
    return (jnp.logical_not(target_mask), target_mask, positions)

# --- scband reference (transcript-rebuilt; emitter-appended) ---
"""Pipeline reference for scband-block-mask-generator-69973607186866 (READ-ONLY COPY).

The authoritative reference and input builder live on the scoring server;
editing this copy changes nothing except your own understanding.
"""

import jax, jax.numpy as jnp
import numpy as np

NUM_TARGET_BLOCKS = 4
TARGET_SCALE_MIN = 0.15
TARGET_SCALE_MAX = 0.2
TARGET_ASPECT_RATIO = 0.75


def setup_inputs(seed: int = 0):
    key = jax.random.key(seed)
    batch_size = 256
    height = 64
    width = 64
    seq_len = height * width
    total_blocks = batch_size * NUM_TARGET_BLOCKS
    k1, k2, k3 = jax.random.split(key, 3)
    scales = jax.random.uniform(k1, (total_blocks,), minval=TARGET_SCALE_MIN, maxval=TARGET_SCALE_MAX, dtype=jnp.float32)
    rand_top = jax.random.uniform(k2, (total_blocks,), dtype=jnp.float32)
    rand_left = jax.random.uniform(k3, (total_blocks,), dtype=jnp.float32)
    return {"batch_size": batch_size, "seq_len": seq_len, "height": height, "width": width,
            "scales": scales, "rand_top": rand_top, "rand_left": rand_left}


def _build_masks(batch_size, seq_len, height, width, scales, rand_top, rand_left):
    num_blocks = NUM_TARGET_BLOCKS
    total_blocks = scales.shape[0]
    batch_static = total_blocks // num_blocks
    height_static = 64
    width_static = 64
    block_areas = (scales * height * width).astype(jnp.int32)
    block_hs = jnp.clip(jnp.sqrt(block_areas.astype(jnp.float32) / TARGET_ASPECT_RATIO).astype(jnp.int32), 1, height)
    block_ws = jnp.clip((block_areas / jnp.clip(block_hs, 1, None)).astype(jnp.int32), 1, width)
    max_tops = jnp.clip(height - block_hs + 1, 1, None)
    max_lefts = jnp.clip(width - block_ws + 1, 1, None)
    tops = (rand_top * max_tops.astype(jnp.float32)).astype(jnp.int32)
    lefts = (rand_left * max_lefts.astype(jnp.float32)).astype(jnp.int32)
    row_idx = jnp.arange(height_static)
    col_idx = jnp.arange(width_static)
    in_rows = (row_idx[None, :] >= tops[:, None]) & (row_idx[None, :] < (tops + block_hs)[:, None])
    in_cols = (col_idx[None, :] >= lefts[:, None]) & (col_idx[None, :] < (lefts + block_ws)[:, None])
    flat_pos = row_idx[:, None] * width + col_idx[None, :]
    block_mask = in_rows[:, :, None] & in_cols[:, None, :] & (flat_pos[None, :, :] < seq_len)
    target_mask = block_mask.reshape(batch_static, num_blocks, height_static * width_static).any(axis=1)
    target_mask = target_mask & (jnp.arange(batch_static) < batch_size)[:, None]
    context_mask = jnp.logical_not(target_mask)
    return context_mask, target_mask


def reference(batch_size, seq_len, height, width, scales, rand_top, rand_left):
    context_mask, target_mask = _build_masks(batch_size, seq_len, height, width, scales, rand_top, rand_left)
    batch_static = target_mask.shape[0]
    seq_static = target_mask.shape[1]
    pos = [jnp.nonzero(target_mask[b], size=seq_static, fill_value=-1)[0] for b in range(batch_static)]
    target_positions = jnp.stack(pos, axis=0)
    return (context_mask, target_mask, target_positions)

if __name__ == "__main__":
    import jax
    _d = setup_inputs()
    print(jax.jit(kernel)(*tuple(_d.values())))

</pallas_src>

<mosaic_0001>
#map = affine_map<(d0, d1) -> (0, 0)>
module attributes {stable_mosaic.version = 14 : i64} {
  func.func @sc_call(%arg0: i32, %arg1: i32, %arg2: memref<256x16xi32, #tpu.memory_space<hbm>>, %arg3: memref<256x4096xi32, #tpu.memory_space<hbm>>, %arg4: memref<256x4096xi32, #tpu.memory_space<hbm>>, %arg5: memref<8x16xi32, #tpu.memory_space<vmem>>, %arg6: memref<4096xi32, #tpu.memory_space<vmem>>, %arg7: memref<4096xi32, #tpu.memory_space<vmem>>, %arg8: memref<4096xi32, #tpu.memory_space<vmem>>, %arg9: memref<4096xi32, #tpu.memory_space<vmem>>, %arg10: memref<4096xi32, #tpu.memory_space<vmem>>, %arg11: memref<4096xi32, #tpu.memory_space<vmem>>, %arg12: memref<4096xi32, #tpu.memory_space<vmem>>, %arg13: memref<4096xi32, #tpu.memory_space<vmem>>, %arg14: memref<4112xi32, #tpu.memory_space<vmem>>, %arg15: memref<4112xi32, #tpu.memory_space<vmem>>, %arg16: memref<4112xi32, #tpu.memory_space<vmem>>, %arg17: memref<4112xi32, #tpu.memory_space<vmem>>, %arg18: memref<4112xi32, #tpu.memory_space<vmem>>, %arg19: memref<4112xi32, #tpu.memory_space<vmem>>, %arg20: memref<4112xi32, #tpu.memory_space<vmem>>, %arg21: memref<4112xi32, #tpu.memory_space<vmem>>, %arg22: memref<!tpu.dma_semaphore, #tpu.memory_space<semaphore_mem>>, %arg23: memref<!tpu.dma_semaphore, #tpu.memory_space<semaphore_mem>>) attributes {dimension_semantics = [#tpu.dimension_semantics<core_parallel>, #tpu.dimension_semantics<subcore_parallel>], iteration_bounds = array<i64: 2, 16>, scalar_prefetch = 0 : i64, scratch_operands = 19 : i64, tpu.core_type = #tpu.core_type<sc_vector_subcore>, window_params = [{transform_indices = #map}, {transform_indices = #map}, {transform_indices = #map}]} {
    %mul3A = arith.constant 2 : i32
    %mul3A_0 = arith.muli %arg1, %mul3A : i32
    %add3A = arith.addi %mul3A_0, %arg0 : i32
    %iota3A = tpu.iota {dimensions = array<i32: 0>} : vector<16xi32>
    %broadcast_in_dim3A = arith.constant -1 : i32
    %broadcast_in_dim3A_1 = vector.broadcast %broadcast_in_dim3A : i32 to vector<16xi32>
    %mul3A_2 = arith.constant 8 : i32
    %mul3A_3 = arith.muli %add3A, %mul3A_2 : i32
    "tpu.region"() ({
      %run_scoped3A = tpu.sem_alloc : memref<!tpu.dma_semaphore, #tpu.memory_space<semaphore_mem>>
      %dma_start3A_2395 = arith.constant 0 : i32
      %dma_start3A_2396 = tpu.memref_slice %arg2[%mul3A_3, %dma_start3A_2395] : memref<256x16xi32, #tpu.memory_space<hbm>> -> memref<8x16xi32, #tpu.memory_space<hbm>>
      %dma_start3A_2397 = arith.constant 0 : i32
      %dma_start3A_2398 = tpu.memref_slice %arg2[%mul3A_3, %dma_start3A_2397] : memref<256x16xi32, #tpu.memory_space<hbm>> -> memref<8x16xi32, #tpu.memory_space<hbm>>
      tpu.enqueue_dma source(%dma_start3A_2398 : memref<8x16xi32, #tpu.memory_space<hbm>>) target(%arg5 : memref<8x16xi32, #tpu.memory_space<vmem>>) target_semaphore(%run_scoped3A : memref<!tpu.dma_semaphore, #tpu.memory_space<semaphore_mem>>)
      %dma_wait3A_2399 = arith.constant 0 : i32
      %dma_wait3A_2400 = tpu.memref_slice %arg2[%mul3A_3, %dma_wait3A_2399] : memref<256x16xi32, #tpu.memory_space<hbm>> -> memref<8x16xi32, #tpu.memory_space<hbm>>
      %dma_wait3A_2401 = arith.constant 0 : i32
      %dma_wait3A_2402 = tpu.memref_slice %arg2[%mul3A_3, %dma_wait3A_2401] : memref<256x16xi32, #tpu.memory_space<hbm>> -> memref<8x16xi32, #tpu.memory_space<hbm>>
      tpu.wait_dma2 semaphore(%run_scoped3A : memref<!tpu.dma_semaphore, #tpu.memory_space<semaphore_mem>>) src(%dma_wait3A_2402 : memref<8x16xi32, #tpu.memory_space<hbm>>) dst(%arg5 : memref<8x16xi32, #tpu.memory_space<vmem>>)
      tpu.yield
    }) : () -> ()
    %get3A = arith.constant 0 : i32
    %get3A_4 = arith.index_cast %get3A : i32 to index
    %get3A_5 = arith.constant 0 : index
    %get3A_6 = tpu.vector_load %arg5[%get3A_4, %get3A_5] {strides = array<i32>} : memref<8x16xi32, #tpu.memory_space<vmem>>, vector<16xi32>,
    %slice3A = vector.extract_strided_slice %get3A_6 {offsets = [0], sizes = [1], strides = [1]} : vector<16xi32> to vector<1xi32>
    %squeeze3A = vector.extract %slice3A[0] : i32 from vector<1xi32>
    %slice3A_7 = vector.extract_strided_slice %get3A_6 {offsets = [1], sizes = [1], strides = [1]} : vector<16xi32> to vector<1xi32>
    %squeeze3A_8 = vector.extract %slice3A_7[0] : i32 from vector<1xi32>
    %slice3A_9 = vector.extract_strided_slice %get3A_6 {offsets = [2], sizes = [1], strides = [1]} : vector<16xi32> to vector<1xi32>
    %squeeze3A_10 = vector.extract %slice3A_9[0] : i32 from vector<1xi32>
    %slice3A_11 = vector.extract_strided_slice %get3A_6 {offsets = [3], sizes = [1], strides = [1]} : vector<16xi32> to vector<1xi32>
    %squeeze3A_12 = vector.extract %slice3A_11[0] : i32 from vector<1xi32>
    %slice3A_13 = vector.extract_strided_slice %get3A_6 {offsets = [4], sizes = [1], strides = [1]} : vector<16xi32> to vector<1xi32>
    %squeeze3A_14 = vector.extract %slice3A_13[0] : i32 from vector<1xi32>
    %slice3A_15 = vector.extract_strided_slice %get3A_6 {offsets = [5], sizes = [1], strides = [1]} : vector<16xi32> to vector<1xi32>
    %squeeze3A_16 = vector.extract %slice3A_15[0] : i32 from vector<1xi32>
    %slice3A_17 = vector.extract_strided_slice %get3A_6 {offsets = [6], sizes = [1], strides = [1]} : vector<16xi32> to vector<1xi32>
    %squeeze3A_18 = vector.extract %slice3A_17[0] : i32 from vector<1xi32>
    %slice3A_19 = vector.extract_strided_slice %get3A_6 {offsets = [7], sizes = [1], strides = [1]} : vector<16xi32> to vector<1xi32>
    %squeeze3A_20 = vector.extract %slice3A_19[0] : i32 from vector<1xi32>
    %slice3A_21 = vector.extract_strided_slice %get3A_6 {offsets = [8], sizes = [1], strides = [1]} : vector<16xi32> to vector<1xi32>
    %squeeze3A_22 = vector.extract %slice3A_21[0] : i32 from vector<1xi32>
    %slice3A_23 = vector.extract_strided_slice %get3A_6 {offsets = [9], sizes = [1], strides = [1]} : vector<16xi32> to vector<1xi32>
    %squeeze3A_24 = vector.extract %slice3A_23[0] : i32 from vector<1xi32>
    %slice3A_25 = vector.extract_strided_slice %get3A_6 {offsets = [10], sizes = [1], strides = [1]} : vector<16xi32> to vector<1xi32>
    %squeeze3A_26 = vector.extract %slice3A_25[0] : i32 from vector<1xi32>
    %slice3A_27 = vector.extract_strided_slice %get3A_6 {offsets = [11], sizes = [1], strides = [1]} : vector<16xi32> to vector<1xi32>
    %squeeze3A_28 = vector.extract %slice3A_27[0] : i32 from vector<1xi32>
    %slice3A_29 = vector.extract_strided_slice %get3A_6 {offsets = [12], sizes = [1], strides = [1]} : vector<16xi32> to vector<1xi32>
    %squeeze3A_30 = vector.extract %slice3A_29[0] : i32 from vector<1xi32>
    %slice3A_31 = vector.extract_strided_slice %get3A_6 {offsets = [13], sizes = [1], strides = [1]} : vector<16xi32> to vector<1xi32>
    %squeeze3A_32 = vector.extract %slice3A_31[0] : i32 from vector<1xi32>
    %slice3A_33 = vector.extract_strided_slice %get3A_6 {offsets = [14], sizes = [1], strides = [1]} : vector<16xi32> to vector<1xi32>
    %squeeze3A_34 = vector.extract %slice3A_33[0] : i32 from vector<1xi32>
    %slice3A_35 = vector.extract_strided_slice %get3A_6 {offsets = [15], sizes = [1], strides = [1]} : vector<16xi32> to vector<1xi32>
    %squeeze3A_36 = vector.extract %slice3A_35[0] : i32 from vector<1xi32>
    %add3A_37 = arith.constant 0 : i32
    %add3A_38 = vector.broadcast %add3A_37 : i32 to vector<16xi32>
    %add3A_39 = arith.addi %iota3A, %add3A_38 : vector<16xi32>
    %sub3A = vector.broadcast %squeeze3A_22 : i32 to vector<16xi32>
    %sub3A_40 = arith.subi %add3A_39, %sub3A : vector<16xi32>
    %add3A_41 = arith.constant 0 : i32
    %add3A_42 = vector.broadcast %add3A_41 : i32 to vector<16xi32>
    %add3A_43 = arith.addi %iota3A, %add3A_42 : vector<16xi32>
    %sub3A_44 = vector.broadcast %squeeze3A_30 : i32 to vector<16xi32>
    %sub3A_45 = arith.subi %sub3A_44, %add3A_43 : vector<16xi32>
    %or3A = arith.ori %sub3A_40, %sub3A_45 : vector<16xi32>
    %shift_right_arithmetic3A = arith.constant 31 : i32
    %shift_right_arithmetic3A_46 = vector.broadcast %shift_right_arithmetic3A : i32 to vector<16xi32>
    %shift_right_arithmetic3A_47 = arith.shrsi %or3A, %shift_right_arithmetic3A_46 : vector<16xi32>
    %add3A_48 = arith.constant 16 : i32
    %add3A_49 = vector.broadcast %add3A_48 : i32 to vector<16xi32>
    %add3A_50 = arith.addi %iota3A, %add3A_49 : vector<16xi32>
    %sub3A_51 = vector.broadcast %squeeze3A_22 : i32 to vector<16xi32>
    %sub3A_52 = arith.subi %add3A_50, %sub3A_51 : vector<16xi32>
    %add3A_53 = arith.constant 16 : i32
    %add3A_54 = vector.broadcast %add3A_53 : i32 to vector<16xi32>
    %add3A_55 = arith.addi %iota3A, %add3A_54 : vector<16xi32>
    %sub3A_56 = vector.broadcast %squeeze3A_30 : i32 to vector<16xi32>
    %sub3A_57 = arith.subi %sub3A_56, %add3A_55 : vector<16xi32>
    %or3A_58 = arith.ori %sub3A_52, %sub3A_57 : vector<16xi32>
    %shift_right_arithmetic3A_59 = arith.constant 31 : i32
    %shift_right_arithmetic3A_60 = vector.broadcast %shift_right_arithmetic3A_59 : i32 to vector<16xi32>
    %shift_right_arithmetic3A_61 = arith.shrsi %or3A_58, %shift_right_arithmetic3A_60 : vector<16xi32>
    %add3A_62 = arith.constant 32 : i32
    %add3A_63 = vector.broadcast %add3A_62 : i32 to vector<16xi32>
    %add3A_64 = arith.addi %iota3A, %add3A_63 : vector<16xi32>
    %sub3A_65 = vector.broadcast %squeeze3A_22 : i32 to vector<16xi32>
    %sub3A_66 = arith.subi %add3A_64, %sub3A_65 : vector<16xi32>
    %add3A_67 = arith.constant 32 : i32
    %add3A_68 = vector.broadcast %add3A_67 : i32 to vector<16xi32>
    %add3A_69 = arith.addi %iota3A, %add3A_68 : vector<16xi32>
    %sub3A_70 = vector.broadcast %squeeze3A_30 : i32 to vector<16xi32>
    %sub3A_71 = arith.subi %sub3A_70, %add3A_69 : vector<16xi32>
    %or3A_72 = arith.ori %sub3A_66, %sub3A_71 : vector<16xi32>
    %shift_right_arithmetic3A_73 = arith.constant 31 : i32
    %shift_right_arithmetic3A_74 = vector.broadcast %shift_right_arithmetic3A_73 : i32 to vector<16xi32>
    %shift_right_arithmetic3A_75 = arith.shrsi %or3A_72, %shift_right_arithmetic3A_74 : vector<16xi32>
    %add3A_76 = arith.constant 48 : i32
    %add3A_77 = vector.broadcast %add3A_76 : i32 to vector<16xi32>
    %add3A_78 = arith.addi %iota3A, %add3A_77 : vector<16xi32>
    %sub3A_79 = vector.broadcast %squeeze3A_22 : i32 to vector<16xi32>
    %sub3A_80 = arith.subi %add3A_78, %sub3A_79 : vector<16xi32>
    %add3A_81 = arith.constant 48 : i32
    %add3A_82 = vector.broadcast %add3A_81 : i32 to vector<16xi32>
    %add3A_83 = arith.addi %iota3A, %add3A_82 : vector<16xi32>
    %sub3A_84 = vector.broadcast %squeeze3A_30 : i32 to vector<16xi32>
    %sub3A_85 = arith.subi %sub3A_84, %add3A_83 : vector<16xi32>
    %or3A_86 = arith.ori %sub3A_80, %sub3A_85 : vector<16xi32>
    %shift_right_arithmetic3A_87 = arith.constant 31 : i32
    %shift_right_arithmetic3A_88 = vector.broadcast %shift_right_arithmetic3A_87 : i32 to vector<16xi32>
    %shift_right_arithmetic3A_89 = arith.shrsi %or3A_86, %shift_right_arithmetic3A_88 : vector<16xi32>
    %add3A_90 = arith.constant 0 : i32
    %add3A_91 = vector.broadcast %add3A_90 : i32 to vector<16xi32>
    %add3A_92 = arith.addi %iota3A, %add3A_91 : vector<16xi32>
    %sub3A_93 = vector.broadcast %squeeze3A_24 : i32 to vector<16xi32>
    %sub3A_94 = arith.subi %add3A_92, %sub3A_93 : vector<16xi32>
    %add3A_95 = arith.constant 0 : i32
    %add3A_96 = vector.broadcast %add3A_95 : i32 to vector<16xi32>
    %add3A_97 = arith.addi %iota3A, %add3A_96 : vector<16xi32>
    %sub3A_98 = vector.broadcast %squeeze3A_32 : i32 to vector<16xi32>
    %sub3A_99 = arith.subi %sub3A_98, %add3A_97 : vector<16xi32>
    %or3A_100 = arith.ori %sub3A_94, %sub3A_99 : vector<16xi32>
    %shift_right_arithmetic3A_101 = arith.constant 31 : i32
    %shift_right_arithmetic3A_102 = vector.broadcast %shift_right_arithmetic3A_101 : i32 to vector<16xi32>
    %shift_right_arithmetic3A_103 = arith.shrsi %or3A_100, %shift_right_arithmetic3A_102 : vector<16xi32>
    %add3A_104 = arith.constant 16 : i32
    %add3A_105 = vector.broadcast %add3A_104 : i32 to vector<16xi32>
    %add3A_106 = arith.addi %iota3A, %add3A_105 : vector<16xi32>
    %sub3A_107 = vector.broadcast %squeeze3A_24 : i32 to vector<16xi32>
    %sub3A_108 = arith.subi %add3A_106, %sub3A_107 : vector<16xi32>
    %add3A_109 = arith.constant 16 : i32
    %add3A_110 = vector.broadcast %add3A_109 : i32 to vector<16xi32>
    %add3A_111 = arith.addi %iota3A, %add3A_110 : vector<16xi32>
    %sub3A_112 = vector.broadcast %squeeze3A_32 : i32 to vector<16xi32>
    %sub3A_113 = arith.subi %sub3A_112, %add3A_111 : vector<16xi32>
    %or3A_114 = arith.ori %sub3A_108, %sub3A_113 : vector<16xi32>
    %shift_right_arithmetic3A_115 = arith.constant 31 : i32
    %shift_right_arithmetic3A_116 = vector.broadcast %shift_right_arithmetic3A_115 : i32 to vector<16xi32>
    %shift_right_arithmetic3A_117 = arith.shrsi %or3A_114, %shift_right_arithmetic3A_116 : vector<16xi32>
    %add3A_118 = arith.constant 32 : i32
    %add3A_119 = vector.broadcast %add3A_118 : i32 to vector<16xi32>
    %add3A_120 = arith.addi %iota3A, %add3A_119 : vector<16xi32>
    %sub3A_121 = vector.broadcast %squeeze3A_24 : i32 to vector<16xi32>
    %sub3A_122 = arith.subi %add3A_120, %sub3A_121 : vector<16xi32>
    %add3A_123 = arith.constant 32 : i32
    %add3A_124 = vector.broadcast %add3A_123 : i32 to vector<16xi32>
    %add3A_125 = arith.addi %iota3A, %add3A_124 : vector<16xi32>
    %sub3A_126 = vector.broadcast %squeeze3A_32 : i32 to vector<16xi32>
    %sub3A_127 = arith.subi %sub3A_126, %add3A_125 : vector<16xi32>
    %or3A_128 = arith.ori %sub3A_122, %sub3A_127 : vector<16xi32>
    %shift_right_arithmetic3A_129 = arith.constant 31 : i32
    %shift_right_arithmetic3A_130 = vector.broadcast %shift_right_arithmetic3A_129 : i32 to vector<16xi32>
    %shift_right_arithmetic3A_131 = arith.shrsi %or3A_128, %shift_right_arithmetic3A_130 : vector<16xi32>
    %add3A_132 = arith.constant 48 : i32
    %add3A_133 = vector.broadcast %add3A_132 : i32 to vector<16xi32>
    %add3A_134 = arith.addi %iota3A, %add3A_133 : vector<16xi32>
    %sub3A_135 = vector.broadcast %squeeze3A_24 : i32 to vector<16xi32>
    %sub3A_136 = arith.subi %add3A_134, %sub3A_135 : vector<16xi32>
    %add3A_137 = arith.constant 48 : i32
    %add3A_138 = vector.broadcast %add3A_137 : i32 to vector<16xi32>
    %add3A_139 = arith.addi %iota3A, %add3A_138 : vector<16xi32>
    %sub3A_140 = vector.broadcast %squeeze3A_32 : i32 to vector<16xi32>
    %sub3A_141 = arith.subi %sub3A_140, %add3A_139 : vector<16xi32>
    %or3A_142 = arith.ori %sub3A_136, %sub3A_141 : vector<16xi32>
    %shift_right_arithmetic3A_143 = arith.constant 31 : i32
    %shift_right_arithmetic3A_144 = vector.broadcast %shift_right_arithmetic3A_143 : i32 to vector<16xi32>
    %shift_right_arithmetic3A_145 = arith.shrsi %or3A_142, %shift_right_arithmetic3A_144 : vector<16xi32>
    %add3A_146 = arith.constant 0 : i32
    %add3A_147 = vector.broadcast %add3A_146 : i32 to vector<16xi32>
    %add3A_148 = arith.addi %iota3A, %add3A_147 : vector<16xi32>
    %sub3A_149 = vector.broadcast %squeeze3A_26 : i32 to vector<16xi32>
    %sub3A_150 = arith.subi %add3A_148, %sub3A_149 : vector<16xi32>
    %add3A_151 = arith.constant 0 : i32
    %add3A_152 = vector.broadcast %add3A_151 : i32 to vector<16xi32>
    %add3A_153 = arith.addi %iota3A, %add3A_152 : vector<16xi32>
    %sub3A_154 = vector.broadcast %squeeze3A_34 : i32 to vector<16xi32>
    %sub3A_155 = arith.subi %sub3A_154, %add3A_153 : vector<16xi32>
    %or3A_156 = arith.ori %sub3A_150, %sub3A_155 : vector<16xi32>
    %shift_right_arithmetic3A_157 = arith.constant 31 : i32
    %shift_right_arithmetic3A_158 = vector.broadcast %shift_right_arithmetic3A_157 : i32 to vector<16xi32>
    %shift_right_arithmetic3A_159 = arith.shrsi %or3A_156, %shift_right_arithmetic3A_158 : vector<16xi32>
    %add3A_160 = arith.constant 16 : i32
    %add3A_161 = vector.broadcast %add3A_160 : i32 to vector<16xi32>
    %add3A_162 = arith.addi %iota3A, %add3A_161 : vector<16xi32>
    %sub3A_163 = vector.broadcast %squeeze3A_26 : i32 to vector<16xi32>
    %sub3A_164 = arith.subi %add3A_162, %sub3A_163 : vector<16xi32>
    %add3A_165 = arith.constant 16 : i32
    %add3A_166 = vector.broadcast %add3A_165 : i32 to vector<16xi32>
    %add3A_167 = arith.addi %iota3A, %add3A_166 : vector<16xi32>
    %sub3A_168 = vector.broadcast %squeeze3A_34 : i32 to vector<16xi32>
    %sub3A_169 = arith.subi %sub3A_168, %add3A_167 : vector<16xi32>
    %or3A_170 = arith.ori %sub3A_164, %sub3A_169 : vector<16xi32>
    %shift_right_arithmetic3A_171 = arith.constant 31 : i32
    %shift_right_arithmetic3A_172 = vector.broadcast %shift_right_arithmetic3A_171 : i32 to vector<16xi32>
    %shift_right_arithmetic3A_173 = arith.shrsi %or3A_170, %shift_right_arithmetic3A_172 : vector<16xi32>
    %add3A_174 = arith.constant 32 : i32
    %add3A_175 = vector.broadcast %add3A_174 : i32 to vector<16xi32>
    %add3A_176 = arith.addi %iota3A, %add3A_175 : vector<16xi32>
    %sub3A_177 = vector.broadcast %squeeze3A_26 : i32 to vector<16xi32>
    %sub3A_178 = arith.subi %add3A_176, %sub3A_177 : vector<16xi32>
    %add3A_179 = arith.constant 32 : i32
    %add3A_180 = vector.broadcast %add3A_179 : i32 to vector<16xi32>
    %add3A_181 = arith.addi %iota3A, %add3A_180 : vector<16xi32>
    %sub3A_182 = vector.broadcast %squeeze3A_34 : i32 to vector<16xi32>
    %sub3A_183 = arith.subi %sub3A_182, %add3A_181 : vector<16xi32>
    %or3A_184 = arith.ori %sub3A_178, %sub3A_183 : vector<16xi32>
    %shift_right_arithmetic3A_185 = arith.constant 31 : i32
    %shift_right_arithmetic3A_186 = vector.broadcast %shift_right_arithmetic3A_185 : i32 to vector<16xi32>
    %shift_right_arithmetic3A_187 = arith.shrsi %or3A_184, %shift_right_arithmetic3A_186 : vector<16xi32>
    %add3A_188 = arith.constant 48 : i32
    %add3A_189 = vector.broadcast %add3A_188 : i32 to vector<16xi32>
    %add3A_190 = arith.addi %iota3A, %add3A_189 : vector<16xi32>
    %sub3A_191 = vector.broadcast %squeeze3A_26 : i32 to vector<16xi32>
    %sub3A_192 = arith.subi %add3A_190, %sub3A_191 : vector<16xi32>
    %add3A_193 = arith.constant 48 : i32
    %add3A_194 = vector.broadcast %add3A_193 : i32 to vector<16xi32>
    %add3A_195 = arith.addi %iota3A, %add3A_194 : vector<16xi32>
    %sub3A_196 = vector.broadcast %squeeze3A_34 : i32 to vector<16xi32>
    %sub3A_197 = arith.subi %sub3A_196, %add3A_195 : vector<16xi32>
    %or3A_198 = arith.ori %sub3A_192, %sub3A_197 : vector<16xi32>
    %shift_right_arithmetic3A_199 = arith.constant 31 : i32
    %shift_right_arithmetic3A_200 = vector.broadcast %shift_right_arithmetic3A_199 : i32 to vector<16xi32>
    %shift_right_arithmetic3A_201 = arith.shrsi %or3A_198, %shift_right_arithmetic3A_200 : vector<16xi32>
    %add3A_202 = arith.constant 0 : i32
    %add3A_203 = vector.broadcast %add3A_202 : i32 to vector<16xi32>
    %add3A_204 = arith.addi %iota3A, %add3A_203 : vector<16xi32>
    %sub3A_205 = vector.broadcast %squeeze3A_28 : i32 to vector<16xi32>
    %sub3A_206 = arith.subi %add3A_204, %sub3A_205 : vector<16xi32>
    %add3A_207 = arith.constant 0 : i32
    %add3A_208 = vector.broadcast %add3A_207 : i32 to vector<16xi32>
    %add3A_209 = arith.addi %iota3A, %add3A_208 : vector<16xi32>
    %sub3A_210 = vector.broadcast %squeeze3A_36 : i32 to vector<16xi32>
    %sub3A_211 = arith.subi %sub3A_210, %add3A_209 : vector<16xi32>
    %or3A_212 = arith.ori %sub3A_206, %sub3A_211 : vector<16xi32>
    %shift_right_arithmetic3A_213 = arith.constant 31 : i32
    %shift_right_arithmetic3A_214 = vector.broadcast %shift_right_arithmetic3A_213 : i32 to vector<16xi32>
    %shift_right_arithmetic3A_215 = arith.shrsi %or3A_212, %shift_right_arithmetic3A_214 : vector<16xi32>
    %add3A_216 = arith.constant 16 : i32
    %add3A_217 = vector.broadcast %add3A_216 : i32 to vector<16xi32>
    %add3A_218 = arith.addi %iota3A, %add3A_217 : vector<16xi32>
    %sub3A_219 = vector.broadcast %squeeze3A_28 : i32 to vector<16xi32>
    %sub3A_220 = arith.subi %add3A_218, %sub3A_219 : vector<16xi32>
    %add3A_221 = arith.constant 16 : i32
    %add3A_222 = vector.broadcast %add3A_221 : i32 to vector<16xi32>
    %add3A_223 = arith.addi %iota3A, %add3A_222 : vector<16xi32>
    %sub3A_224 = vector.broadcast %squeeze3A_36 : i32 to vector<16xi32>
    %sub3A_225 = arith.subi %sub3A_224, %add3A_223 : vector<16xi32>
    %or3A_226 = arith.ori %sub3A_220, %sub3A_225 : vector<16xi32>
    %shift_right_arithmetic3A_227 = arith.constant 31 : i32
    %shift_right_arithmetic3A_228 = vector.broadcast %shift_right_arithmetic3A_227 : i32 to vector<16xi32>
    %shift_right_arithmetic3A_229 = arith.shrsi %or3A_226, %shift_right_arithmetic3A_228 : vector<16xi32>
    %add3A_230 = arith.constant 32 : i32
    %add3A_231 = vector.broadcast %add3A_230 : i32 to vector<16xi32>
    %add3A_232 = arith.addi %iota3A, %add3A_231 : vector<16xi32>
    %sub3A_233 = vector.broadcast %squeeze3A_28 : i32 to vector<16xi32>
    %sub3A_234 = arith.subi %add3A_232, %sub3A_233 : vector<16xi32>
    %add3A_235 = arith.constant 32 : i32
    %add3A_236 = vector.broadcast %add3A_235 : i32 to vector<16xi32>
    %add3A_237 = arith.addi %iota3A, %add3A_236 : vector<16xi32>
    %sub3A_238 = vector.broadcast %squeeze3A_36 : i32 to vector<16xi32>
    %sub3A_239 = arith.subi %sub3A_238, %add3A_237 : vector<16xi32>
    %or3A_240 = arith.ori %sub3A_234, %sub3A_239 : vector<16xi32>
    %shift_right_arithmetic3A_241 = arith.constant 31 : i32
    %shift_right_arithmetic3A_242 = vector.broadcast %shift_right_arithmetic3A_241 : i32 to vector<16xi32>
    %shift_right_arithmetic3A_243 = arith.shrsi %or3A_240, %shift_right_arithmetic3A_242 : vector<16xi32>
    %add3A_244 = arith.constant 48 : i32
    %add3A_245 = vector.broadcast %add3A_244 : i32 to vector<16xi32>
    %add3A_246 = arith.addi %iota3A, %add3A_245 : vector<16xi32>
    %sub3A_247 = vector.broadcast %squeeze3A_28 : i32 to vector<16xi32>
    %sub3A_248 = arith.subi %add3A_246, %sub3A_247 : vector<16xi32>
    %add3A_249 = arith.constant 48 : i32
    %add3A_250 = vector.broadcast %add3A_249 : i32 to vector<16xi32>
    %add3A_251 = arith.addi %iota3A, %add3A_250 : vector<16xi32>
    %sub3A_252 = vector.broadcast %squeeze3A_36 : i32 to vector<16xi32>
    %sub3A_253 = arith.subi %sub3A_252, %add3A_251 : vector<16xi32>
    %or3A_254 = arith.ori %sub3A_248, %sub3A_253 : vector<16xi32>
    %shift_right_arithmetic3A_255 = arith.constant 31 : i32
    %shift_right_arithmetic3A_256 = vector.broadcast %shift_right_arithmetic3A_255 : i32 to vector<16xi32>
    %shift_right_arithmetic3A_257 = arith.shrsi %or3A_254, %shift_right_arithmetic3A_256 : vector<16xi32>
    %get3A_258 = arith.constant 1 : i32
    %get3A_259 = arith.index_cast %get3A_258 : i32 to index
    %get3A_260 = arith.constant 0 : index
    %get3A_261 = tpu.vector_load %arg5[%get3A_259, %get3A_260] {strides = array<i32>} : memref<8x16xi32, #tpu.memory_space<vmem>>, vector<16xi32>,
    %slice3A_262 = vector.extract_strided_slice %get3A_261 {offsets = [0], sizes = [1], strides = [1]} : vector<16xi32> to vector<1xi32>
    %squeeze3A_263 = vector.extract %slice3A_262[0] : i32 from vector<1xi32>
    %slice3A_264 = vector.extract_strided_slice %get3A_261 {offsets = [1], sizes = [1], strides = [1]} : vector<16xi32> to vector<1xi32>
    %squeeze3A_265 = vector.extract %slice3A_264[0] : i32 from vector<1xi32>
    %slice3A_266 = vector.extract_strided_slice %get3A_261 {offsets = [2], sizes = [1], strides = [1]} : vector<16xi32> to vector<1xi32>
    %squeeze3A_267 = vector.extract %slice3A_266[0] : i32 from vector<1xi32>
    %slice3A_268 = vector.extract_strided_slice %get3A_261 {offsets = [3], sizes = [1], strides = [1]} : vector<16xi32> to vector<1xi32>
    %squeeze3A_269 = vector.extract %slice3A_268[0] : i32 from vector<1xi32>
    %slice3A_270 = vector.extract_strided_slice %get3A_261 {offsets = [4], sizes = [1], strides = [1]} : vector<16xi32> to vector<1xi32>
    %squeeze3A_271 = vector.extract %slice3A_270[0] : i32 from vector<1xi32>
    %slice3A_272 = vector.extract_strided_slice %get3A_261 {offsets = [5], sizes = [1], strides = [1]} : vector<16xi32> to vector<1xi32>
    %squeeze3A_273 = vector.extract %slice3A_272[0] : i32 from vector<1xi32>
    %slice3A_274 = vector.extract_strided_slice %get3A_261 {offsets = [6], sizes = [1], strides = [1]} : vector<16xi32> to vector<1xi32>
    %squeeze3A_275 = vector.extract %slice3A_274[0] : i32 from vector<1xi32>
    %slice3A_276 = vector.extract_strided_slice %get3A_261 {offsets = [7], sizes = [1], strides = [1]} : vector<16xi32> to vector<1xi32>
    %squeeze3A_277 = vector.extract %slice3A_276[0] : i32 from vector<1xi32>
    %slice3A_278 = vector.extract_strided_slice %get3A_261 {offsets = [8], sizes = [1], strides = [1]} : vector<16xi32> to vector<1xi32>
    %squeeze3A_279 = vector.extract %slice3A_278[0] : i32 from vector<1xi32>
    %slice3A_280 = vector.extract_strided_slice %get3A_261 {offsets = [9], sizes = [1], strides = [1]} : vector<16xi32> to vector<1xi32>
    %squeeze3A_281 = vector.extract %slice3A_280[0] : i32 from vector<1xi32>
    %slice3A_282 = vector.extract_strided_slice %get3A_261 {offsets = [10], sizes = [1], strides = [1]} : vector<16xi32> to vector<1xi32>
    %squeeze3A_283 = vector.extract %slice3A_282[0] : i32 from vector<1xi32>
    %slice3A_284 = vector.extract_strided_slice %get3A_261 {offsets = [11], sizes = [1], strides = [1]} : vector<16xi32> to vector<1xi32>
    %squeeze3A_285 = vector.extract %slice3A_284[0] : i32 from vector<1xi32>
    %slice3A_286 = vector.extract_strided_slice %get3A_261 {offsets = [12], sizes = [1], strides = [1]} : vector<16xi32> to vector<1xi32>
    %squeeze3A_287 = vector.extract %slice3A_286[0] : i32 from vector<1xi32>
    %slice3A_288 = vector.extract_strided_slice %get3A_261 {offsets = [13], sizes = [1], strides = [1]} : vector<16xi32> to vector<1xi32>
    %squeeze3A_289 = vector.extract %slice3A_288[0] : i32 from vector<1xi32>
    %slice3A_290 = vector.extract_strided_slice %get3A_261 {offsets = [14], sizes = [1], strides = [1]} : vector<16xi32> to vector<1xi32>
    %squeeze3A_291 = vector.extract %slice3A_290[0] : i32 from vector<1xi32>
    %slice3A_292 = vector.extract_strided_slice %get3A_261 {offsets = [15], sizes = [1], strides = [1]} : vector<16xi32> to vector<1xi32>
    %squeeze3A_293 = vector.extract %slice3A_292[0] : i32 from vector<1xi32>
    %add3A_294 = arith.constant 0 : i32
    %add3A_295 = vector.broadcast %add3A_294 : i32 to vector<16xi32>
    %add3A_296 = arith.addi %iota3A, %add3A_295 : vector<16xi32>
    %sub3A_297 = vector.broadcast %squeeze3A_279 : i32 to vector<16xi32>
    %sub3A_298 = arith.subi %add3A_296, %sub3A_297 : vector<16xi32>
    %add3A_299 = arith.constant 0 : i32
    %add3A_300 = vector.broadcast %add3A_299 : i32 to vector<16xi32>
    %add3A_301 = arith.addi %iota3A, %add3A_300 : vector<16xi32>
    %sub3A_302 = vector.broadcast %squeeze3A_287 : i32 to vector<16xi32>
    %sub3A_303 = arith.subi %sub3A_302, %add3A_301 : vector<16xi32>
    %or3A_304 = arith.ori %sub3A_298, %sub3A_303 : vector<16xi32>
    %shift_right_arithmetic3A_305 = arith.constant 31 : i32
    %shift_right_arithmetic3A_306 = vector.broadcast %shift_right_arithmetic3A_305 : i32 to vector<16xi32>
    %shift_right_arithmetic3A_307 = arith.shrsi %or3A_304, %shift_right_arithmetic3A_306 : vector<16xi32>
    %add3A_308 = arith.constant 16 : i32
    %add3A_309 = vector.broadcast %add3A_308 : i32 to vector<16xi32>
    %add3A_310 = arith.addi %iota3A, %add3A_309 : vector<16xi32>
    %sub3A_311 = vector.broadcast %squeeze3A_279 : i32 to vector<16xi32>
    %sub3A_312 = arith.subi %add3A_310, %sub3A_311 : vector<16xi32>
    %add3A_313 = arith.constant 16 : i32
    %add3A_314 = vector.broadcast %add3A_313 : i32 to vector<16xi32>
    %add3A_315 = arith.addi %iota3A, %add3A_314 : vector<16xi32>
    %sub3A_316 = vector.broadcast %squeeze3A_287 : i32 to vector<16xi32>
    %sub3A_317 = arith.subi %sub3A_316, %add3A_315 : vector<16xi32>
    %or3A_318 = arith.ori %sub3A_312, %sub3A_317 : vector<16xi32>
    %shift_right_arithmetic3A_319 = arith.constant 31 : i32
    %shift_right_arithmetic3A_320 = vector.broadcast %shift_right_arithmetic3A_319 : i32 to vector<16xi32>
    %shift_right_arithmetic3A_321 = arith.shrsi %or3A_318, %shift_right_arithmetic3A_320 : vector<16xi32>
    %add3A_322 = arith.constant 32 : i32
    %add3A_323 = vector.broadcast %add3A_322 : i32 to vector<16xi32>
    %add3A_324 = arith.addi %iota3A, %add3A_323 : vector<16xi32>
    %sub3A_325 = vector.broadcast %squeeze3A_279 : i32 to vector<16xi32>
    %sub3A_326 = arith.subi %add3A_324, %sub3A_325 : vector<16xi32>
    %add3A_327 = arith.constant 32 : i32
    %add3A_328 = vector.broadcast %add3A_327 : i32 to vector<16xi32>
    %add3A_329 = arith.addi %iota3A, %add3A_328 : vector<16xi32>
    %sub3A_330 = vector.broadcast %squeeze3A_287 : i32 to vector<16xi32>
    %sub3A_331 = arith.subi %sub3A_330, %add3A_329 : vector<16xi32>
    %or3A_332 = arith.ori %sub3A_326, %sub3A_331 : vector<16xi32>
    %shift_right_arithmetic3A_333 = arith.constant 31 : i32
    %shift_right_arithmetic3A_334 = vector.broadcast %shift_right_arithmetic3A_333 : i32 to vector<16xi32>
    %shift_right_arithmetic3A_335 = arith.shrsi %or3A_332, %shift_right_arithmetic3A_334 : vector<16xi32>
    %add3A_336 = arith.constant 48 : i32
    %add3A_337 = vector.broadcast %add3A_336 : i32 to vector<16xi32>
    %add3A_338 = arith.addi %iota3A, %add3A_337 : vector<16xi32>
    %sub3A_339 = vector.broadcast %squeeze3A_279 : i32 to vector<16xi32>
    %sub3A_340 = arith.subi %add3A_338, %sub3A_339 : vector<16xi32>
    %add3A_341 = arith.constant 48 : i32
    %add3A_342 = vector.broadcast %add3A_341 : i32 to vector<16xi32>
    %add3A_343 = arith.addi %iota3A, %add3A_342 : vector<16xi32>
    %sub3A_344 = vector.broadcast %squeeze3A_287 : i32 to vector<16xi32>
    %sub3A_345 = arith.subi %sub3A_344, %add3A_343 : vector<16xi32>
    %or3A_346 = arith.ori %sub3A_340, %sub3A_345 : vector<16xi32>
    %shift_right_arithmetic3A_347 = arith.constant 31 : i32
    %shift_right_arithmetic3A_348 = vector.broadcast %shift_right_arithmetic3A_347 : i32 to vector<16xi32>
    %shift_right_arithmetic3A_349 = arith.shrsi %or3A_346, %shift_right_arithmetic3A_348 : vector<16xi32>
    %add3A_350 = arith.constant 0 : i32
    %add3A_351 = vector.broadcast %add3A_350 : i32 to vector<16xi32>
    %add3A_352 = arith.addi %iota3A, %add3A_351 : vector<16xi32>
    %sub3A_353 = vector.broadcast %squeeze3A_281 : i32 to vector<16xi32>
    %sub3A_354 = arith.subi %add3A_352, %sub3A_353 : vector<16xi32>
    %add3A_355 = arith.constant 0 : i32
    %add3A_356 = vector.broadcast %add3A_355 : i32 to vector<16xi32>
    %add3A_357 = arith.addi %iota3A, %add3A_356 : vector<16xi32>
    %sub3A_358 = vector.broadcast %squeeze3A_289 : i32 to vector<16xi32>
    %sub3A_359 = arith.subi %sub3A_358, %add3A_357 : vector<16xi32>
    %or3A_360 = arith.ori %sub3A_354, %sub3A_359 : vector<16xi32>
    %shift_right_arithmetic3A_361 = arith.constant 31 : i32
    %shift_right_arithmetic3A_362 = vector.broadcast %shift_right_arithmetic3A_361 : i32 to vector<16xi32>
    %shift_right_arithmetic3A_363 = arith.shrsi %or3A_360, %shift_right_arithmetic3A_362 : vector<16xi32>
    %add3A_364 = arith.constant 16 : i32
    %add3A_365 = vector.broadcast %add3A_364 : i32 to vector<16xi32>
    %add3A_366 = arith.addi %iota3A, %add3A_365 : vector<16xi32>
    %sub3A_367 = vector.broadcast %squeeze3A_281 : i32 to vector<16xi32>
    %sub3A_368 = arith.subi %add3A_366, %sub3A_367 : vector<16xi32>
    %add3A_369 = arith.constant 16 : i32
    %add3A_370 = vector.broadcast %add3A_369 : i32 to vector<16xi32>
    %add3A_371 = arith.addi %iota3A, %add3A_370 : vector<16xi32>
    %sub3A_372 = vector.broadcast %squeeze3A_289 : i32 to vector<16xi32>
    %sub3A_373 = arith.subi %sub3A_372, %add3A_371 : vector<16xi32>
    %or3A_374 = arith.ori %sub3A_368, %sub3A_373 : vector<16xi32>
    %shift_right_arithmetic3A_375 = arith.constant 31 : i32
    %shift_right_arithmetic3A_376 = vector.broadcast %shift_right_arithmetic3A_375 : i32 to vector<16xi32>
    %shift_right_arithmetic3A_377 = arith.shrsi %or3A_374, %shift_right_arithmetic3A_376 : vector<16xi32>
    %add3A_378 = arith.constant 32 : i32
    %add3A_379 = vector.broadcast %add3A_378 : i32 to vector<16xi32>
    %add3A_380 = arith.addi %iota3A, %add3A_379 : vector<16xi32>
    %sub3A_381 = vector.broadcast %squeeze3A_281 : i32 to vector<16xi32>
    %sub3A_382 = arith.subi %add3A_380, %sub3A_381 : vector<16xi32>
    %add3A_383 = arith.constant 32 : i32
    %add3A_384 = vector.broadcast %add3A_383 : i32 to vector<16xi32>
    %add3A_385 = arith.addi %iota3A, %add3A_384 : vector<16xi32>
    %sub3A_386 = vector.broadcast %squeeze3A_289 : i32 to vector<16xi32>
    %sub3A_387 = arith.subi %sub3A_386, %add3A_385 : vector<16xi32>
    %or3A_388 = arith.ori %sub3A_382, %sub3A_387 : vector<16xi32>
    %shift_right_arithmetic3A_389 = arith.constant 31 : i32
    %shift_right_arithmetic3A_390 = vector.broadcast %shift_right_arithmetic3A_389 : i32 to vector<16xi32>
    %shift_right_arithmetic3A_391 = arith.shrsi %or3A_388, %shift_right_arithmetic3A_390 : vector<16xi32>
    %add3A_392 = arith.constant 48 : i32
    %add3A_393 = vector.broadcast %add3A_392 : i32 to vector<16xi32>
    %add3A_394 = arith.addi %iota3A, %add3A_393 : vector<16xi32>
    %sub3A_395 = vector.broadcast %squeeze3A_281 : i32 to vector<16xi32>
    %sub3A_396 = arith.subi %add3A_394, %sub3A_395 : vector<16xi32>
    %add3A_397 = arith.constant 48 : i32
    %add3A_398 = vector.broadcast %add3A_397 : i32 to vector<16xi32>
    %add3A_399 = arith.addi %iota3A, %add3A_398 : vector<16xi32>
    %sub3A_400 = vector.broadcast %squeeze3A_289 : i32 to vector<16xi32>
    %sub3A_401 = arith.subi %sub3A_400, %add3A_399 : vector<16xi32>
    %or3A_402 = arith.ori %sub3A_396, %sub3A_401 : vector<16xi32>
    %shift_right_arithmetic3A_403 = arith.constant 31 : i32
    %shift_right_arithmetic3A_404 = vector.broadcast %shift_right_arithmetic3A_403 : i32 to vector<16xi32>
    %shift_right_arithmetic3A_405 = arith.shrsi %or3A_402, %shift_right_arithmetic3A_404 : vector<16xi32>
    %add3A_406 = arith.constant 0 : i32
    %add3A_407 = vector.broadcast %add3A_406 : i32 to vector<16xi32>
    %add3A_408 = arith.addi %iota3A, %add3A_407 : vector<16xi32>
    %sub3A_409 = vector.broadcast %squeeze3A_283 : i32 to vector<16xi32>
    %sub3A_410 = arith.subi %add3A_408, %sub3A_409 : vector<16xi32>
    %add3A_411 = arith.constant 0 : i32
    %add3A_412 = vector.broadcast %add3A_411 : i32 to vector<16xi32>
    %add3A_413 = arith.addi %iota3A, %add3A_412 : vector<16xi32>
    %sub3A_414 = vector.broadcast %squeeze3A_291 : i32 to vector<16xi32>
    %sub3A_415 = arith.subi %sub3A_414, %add3A_413 : vector<16xi32>
    %or3A_416 = arith.ori %sub3A_410, %sub3A_415 : vector<16xi32>
    %shift_right_arithmetic3A_417 = arith.constant 31 : i32
    %shift_right_arithmetic3A_418 = vector.broadcast %shift_right_arithmetic3A_417 : i32 to vector<16xi32>
    %shift_right_arithmetic3A_419 = arith.shrsi %or3A_416, %shift_right_arithmetic3A_418 : vector<16xi32>
    %add3A_420 = arith.constant 16 : i32
    %add3A_421 = vector.broadcast %add3A_420 : i32 to vector<16xi32>
    %add3A_422 = arith.addi %iota3A, %add3A_421 : vector<16xi32>
    %sub3A_423 = vector.broadcast %squeeze3A_283 : i32 to vector<16xi32>
    %sub3A_424 = arith.subi %add3A_422, %sub3A_423 : vector<16xi32>
    %add3A_425 = arith.constant 16 : i32
    %add3A_426 = vector.broadcast %add3A_425 : i32 to vector<16xi32>
    %add3A_427 = arith.addi %iota3A, %add3A_426 : vector<16xi32>
    %sub3A_428 = vector.broadcast %squeeze3A_291 : i32 to vector<16xi32>
    %sub3A_429 = arith.subi %sub3A_428, %add3A_427 : vector<16xi32>
    %or3A_430 = arith.ori %sub3A_424, %sub3A_429 : vector<16xi32>
    %shift_right_arithmetic3A_431 = arith.constant 31 : i32
    %shift_right_arithmetic3A_432 = vector.broadcast %shift_right_arithmetic3A_431 : i32 to vector<16xi32>
    %shift_right_arithmetic3A_433 = arith.shrsi %or3A_430, %shift_right_arithmetic3A_432 : vector<16xi32>
    %add3A_434 = arith.constant 32 : i32
    %add3A_435 = vector.broadcast %add3A_434 : i32 to vector<16xi32>
    %add3A_436 = arith.addi %iota3A, %add3A_435 : vector<16xi32>
    %sub3A_437 = vector.broadcast %squeeze3A_283 : i32 to vector<16xi32>
    %sub3A_438 = arith.subi %add3A_436, %sub3A_437 : vector<16xi32>
    %add3A_439 = arith.constant 32 : i32
    %add3A_440 = vector.broadcast %add3A_439 : i32 to vector<16xi32>
    %add3A_441 = arith.addi %iota3A, %add3A_440 : vector<16xi32>
    %sub3A_442 = vector.broadcast %squeeze3A_291 : i32 to vector<16xi32>
    %sub3A_443 = arith.subi %sub3A_442, %add3A_441 : vector<16xi32>
    %or3A_444 = arith.ori %sub3A_438, %sub3A_443 : vector<16xi32>
    %shift_right_arithmetic3A_445 = arith.constant 31 : i32
    %shift_right_arithmetic3A_446 = vector.broadcast %shift_right_arithmetic3A_445 : i32 to vector<16xi32>
    %shift_right_arithmetic3A_447 = arith.shrsi %or3A_444, %shift_right_arithmetic3A_446 : vector<16xi32>
    %add3A_448 = arith.constant 48 : i32
    %add3A_449 = vector.broadcast %add3A_448 : i32 to vector<16xi32>
    %add3A_450 = arith.addi %iota3A, %add3A_449 : vector<16xi32>
    %sub3A_451 = vector.broadcast %squeeze3A_283 : i32 to vector<16xi32>
    %sub3A_452 = arith.subi %add3A_450, %sub3A_451 : vector<16xi32>
    %add3A_453 = arith.constant 48 : i32
    %add3A_454 = vector.broadcast %add3A_453 : i32 to vector<16xi32>
    %add3A_455 = arith.addi %iota3A, %add3A_454 : vector<16xi32>
    %sub3A_456 = vector.broadcast %squeeze3A_291 : i32 to vector<16xi32>
    %sub3A_457 = arith.subi %sub3A_456, %add3A_455 : vector<16xi32>
    %or3A_458 = arith.ori %sub3A_452, %sub3A_457 : vector<16xi32>
    %shift_right_arithmetic3A_459 = arith.constant 31 : i32
    %shift_right_arithmetic3A_460 = vector.broadcast %shift_right_arithmetic3A_459 : i32 to vector<16xi32>
    %shift_right_arithmetic3A_461 = arith.shrsi %or3A_458, %shift_right_arithmetic3A_460 : vector<16xi32>
    %add3A_462 = arith.constant 0 : i32
    %add3A_463 = vector.broadcast %add3A_462 : i32 to vector<16xi32>
    %add3A_464 = arith.addi %iota3A, %add3A_463 : vector<16xi32>
    %sub3A_465 = vector.broadcast %squeeze3A_285 : i32 to vector<16xi32>
    %sub3A_466 = arith.subi %add3A_464, %sub3A_465 : vector<16xi32>
    %add3A_467 = arith.constant 0 : i32
    %add3A_468 = vector.broadcast %add3A_467 : i32 to vector<16xi32>
    %add3A_469 = arith.addi %iota3A, %add3A_468 : vector<16xi32>
    %sub3A_470 = vector.broadcast %squeeze3A_293 : i32 to vector<16xi32>
    %sub3A_471 = arith.subi %sub3A_470, %add3A_469 : vector<16xi32>
    %or3A_472 = arith.ori %sub3A_466, %sub3A_471 : vector<16xi32>
    %shift_right_arithmetic3A_473 = arith.constant 31 : i32
    %shift_right_arithmetic3A_474 = vector.broadcast %shift_right_arithmetic3A_473 : i32 to vector<16xi32>
    %shift_right_arithmetic3A_475 = arith.shrsi %or3A_472, %shift_right_arithmetic3A_474 : vector<16xi32>
    %add3A_476 = arith.constant 16 : i32
    %add3A_477 = vector.broadcast %add3A_476 : i32 to vector<16xi32>
    %add3A_478 = arith.addi %iota3A, %add3A_477 : vector<16xi32>
    %sub3A_479 = vector.broadcast %squeeze3A_285 : i32 to vector<16xi32>
    %sub3A_480 = arith.subi %add3A_478, %sub3A_479 : vector<16xi32>
    %add3A_481 = arith.constant 16 : i32
    %add3A_482 = vector.broadcast %add3A_481 : i32 to vector<16xi32>
    %add3A_483 = arith.addi %iota3A, %add3A_482 : vector<16xi32>
    %sub3A_484 = vector.broadcast %squeeze3A_293 : i32 to vector<16xi32>
    %sub3A_485 = arith.subi %sub3A_484, %add3A_483 : vector<16xi32>
    %or3A_486 = arith.ori %sub3A_480, %sub3A_485 : vector<16xi32>
    %shift_right_arithmetic3A_487 = arith.constant 31 : i32
    %shift_right_arithmetic3A_488 = vector.broadcast %shift_right_arithmetic3A_487 : i32 to vector<16xi32>
    %shift_right_arithmetic3A_489 = arith.shrsi %or3A_486, %shift_right_arithmetic3A_488 : vector<16xi32>
    %add3A_490 = arith.constant 32 : i32
    %add3A_491 = vector.broadcast %add3A_490 : i32 to vector<16xi32>
    %add3A_492 = arith.addi %iota3A, %add3A_491 : vector<16xi32>
    %sub3A_493 = vector.broadcast %squeeze3A_285 : i32 to vector<16xi32>
    %sub3A_494 = arith.subi %add3A_492, %sub3A_493 : vector<16xi32>
    %add3A_495 = arith.constant 32 : i32
    %add3A_496 = vector.broadcast %add3A_495 : i32 to vector<16xi32>
    %add3A_497 = arith.addi %iota3A, %add3A_496 : vector<16xi32>
    %sub3A_498 = vector.broadcast %squeeze3A_293 : i32 to vector<16xi32>
    %sub3A_499 = arith.subi %sub3A_498, %add3A_497 : vector<16xi32>
    %or3A_500 = arith.ori %sub3A_494, %sub3A_499 : vector<16xi32>
    %shift_right_arithmetic3A_501 = arith.constant 31 : i32
    %shift_right_arithmetic3A_502 = vector.broadcast %shift_right_arithmetic3A_501 : i32 to vector<16xi32>
    %shift_right_arithmetic3A_503 = arith.shrsi %or3A_500, %shift_right_arithmetic3A_502 : vector<16xi32>
    %add3A_504 = arith.constant 48 : i32
    %add3A_505 = vector.broadcast %add3A_504 : i32 to vector<16xi32>
    %add3A_506 = arith.addi %iota3A, %add3A_505 : vector<16xi32>
    %sub3A_507 = vector.broadcast %squeeze3A_285 : i32 to vector<16xi32>
    %sub3A_508 = arith.subi %add3A_506, %sub3A_507 : vector<16xi32>
    %add3A_509 = arith.constant 48 : i32
    %add3A_510 = vector.broadcast %add3A_509 : i32 to vector<16xi32>
    %add3A_511 = arith.addi %iota3A, %add3A_510 : vector<16xi32>
    %sub3A_512 = vector.broadcast %squeeze3A_293 : i32 to vector<16xi32>
    %sub3A_513 = arith.subi %sub3A_512, %add3A_511 : vector<16xi32>
    %or3A_514 = arith.ori %sub3A_508, %sub3A_513 : vector<16xi32>
    %shift_right_arithmetic3A_515 = arith.constant 31 : i32
    %shift_right_arithmetic3A_516 = vector.broadcast %shift_right_arithmetic3A_515 : i32 to vector<16xi32>
    %shift_right_arithmetic3A_517 = arith.shrsi %or3A_514, %shift_right_arithmetic3A_516 : vector<16xi32>
    %scan3A = arith.constant 0 : i32
    %scan3A_518 = arith.constant 0 : i32
    %scan3A_519 = arith.constant 0 : i32
    %scan3A_520 = arith.constant 64 : i32
    %scan3A_521 = arith.addi %scan3A_519, %scan3A_520 : i32
    %scan3A_522 = arith.constant 1 : i32
    %scan3A_523:2 = scf.for %scan3A_2395 = %scan3A_519 to %scan3A_521 step %scan3A_522 iter_args(%scan3A_2396 = %scan3A, %scan3A_2397 = %scan3A_518) -> (i32, i32)  : i32 {
      %sub3A_2398 = arith.subi %scan3A_2395, %squeeze3A : i32
      %sub3A_2399 = arith.subi %squeeze3A_14, %scan3A_2395 : i32
      %or3A_2400 = arith.ori %sub3A_2398, %sub3A_2399 : i32
      %shift_right_arithmetic3A_2401 = arith.constant 31 : i32
      %shift_right_arithmetic3A_2402 = arith.shrsi %or3A_2400, %shift_right_arithmetic3A_2401 : i32
      %sub3A_2403 = arith.subi %scan3A_2395, %squeeze3A_8 : i32
      %sub3A_2404 = arith.subi %squeeze3A_16, %scan3A_2395 : i32
      %or3A_2405 = arith.ori %sub3A_2403, %sub3A_2404 : i32
      %shift_right_arithmetic3A_2406 = arith.constant 31 : i32
      %shift_right_arithmetic3A_2407 = arith.shrsi %or3A_2405, %shift_right_arithmetic3A_2406 : i32
      %sub3A_2408 = arith.subi %scan3A_2395, %squeeze3A_10 : i32
      %sub3A_2409 = arith.subi %squeeze3A_18, %scan3A_2395 : i32
      %or3A_2410 = arith.ori %sub3A_2408, %sub3A_2409 : i32
      %shift_right_arithmetic3A_2411 = arith.constant 31 : i32
      %shift_right_arithmetic3A_2412 = arith.shrsi %or3A_2410, %shift_right_arithmetic3A_2411 : i32
      %sub3A_2413 = arith.subi %scan3A_2395, %squeeze3A_12 : i32
      %sub3A_2414 = arith.subi %squeeze3A_20, %scan3A_2395 : i32
      %or3A_2415 = arith.ori %sub3A_2413, %sub3A_2414 : i32
      %shift_right_arithmetic3A_2416 = arith.constant 31 : i32
      %shift_right_arithmetic3A_2417 = arith.shrsi %or3A_2415, %shift_right_arithmetic3A_2416 : i32
      %mul3A_2418 = arith.constant 64 : i32
      %mul3A_2419 = arith.muli %scan3A_2395, %mul3A_2418 : i32
      %add3A_2420 = arith.constant 0 : i32
      %add3A_2421 = arith.addi %mul3A_2419, %add3A_2420 : i32
      %or3A_2422 = vector.broadcast %shift_right_arithmetic3A_2402 : i32 to vector<16xi32>
      %or3A_2423 = arith.ori %or3A_2422, %shift_right_arithmetic3A_47 : vector<16xi32>
      %or3A_2424 = vector.broadcast %shift_right_arithmetic3A_2407 : i32 to vector<16xi32>
      %or3A_2425 = arith.ori %or3A_2424, %shift_right_arithmetic3A_103 : vector<16xi32>
      %and3A = arith.andi %or3A_2423, %or3A_2425 : vector<16xi32>
      %or3A_2426 = vector.broadcast %shift_right_arithmetic3A_2412 : i32 to vector<16xi32>
      %or3A_2427 = arith.ori %or3A_2426, %shift_right_arithmetic3A_159 : vector<16xi32>
      %and3A_2428 = arith.andi %and3A, %or3A_2427 : vector<16xi32>
      %or3A_2429 = vector.broadcast %shift_right_arithmetic3A_2417 : i32 to vector<16xi32>
      %or3A_2430 = arith.ori %or3A_2429, %shift_right_arithmetic3A_215 : vector<16xi32>
      %and3A_2431 = arith.andi %and3A_2428, %or3A_2430 : vector<16xi32>
      %add3A_2432 = arith.constant 1 : i32
      %add3A_2433 = vector.broadcast %add3A_2432 : i32 to vector<16xi32>
      %add3A_2434 = arith.addi %and3A_2431, %add3A_2433 : vector<16xi32>
      %swap3A = arith.index_cast %add3A_2421 : i32 to index
      %swap3A_2435 = tpu.vector_load %arg6[%swap3A] {strides = array<i32>} : memref<4096xi32, #tpu.memory_space<vmem>>, vector<16xi32>,
      tpu.vector_store %arg6[%swap3A], %add3A_2434 {strides = array<i32>} : memref<4096xi32, #tpu.memory_space<vmem>>, vector<16xi32>,
      %swap3A_2436 = arith.index_cast %add3A_2421 : i32 to index
      %swap3A_2437 = tpu.vector_load %arg14[%swap3A_2436] {strides = array<i32>} : memref<4112xi32, #tpu.memory_space<vmem>>, vector<16xi32>,
      tpu.vector_store %arg14[%swap3A_2436], %broadcast_in_dim3A_1 {strides = array<i32>} : memref<4112xi32, #tpu.memory_space<vmem>>, vector<16xi32>,
      %add3A_2438 = vector.broadcast %add3A_2421 : i32 to vector<16xi32>
      %add3A_2439 = arith.addi %iota3A, %add3A_2438 : vector<16xi32>
      %gt3A = arith.constant 0 : i32
      %gt3A_2440 = vector.broadcast %gt3A : i32 to vector<16xi32>
      %gt3A_2441 = arith.cmpi sgt, %add3A_2434, %gt3A_2440 : vector<16xi32>
      %swap3A_2442 = arith.index_cast %scan3A_2396 : i32 to index
      %swap3A_2443 = tpu.vector_load %arg14[%swap3A_2442] masked %gt3A_2441 {strides = array<i32>} : memref<4112xi32, #tpu.memory_space<vmem>>, vector<16xi32>, vector<16xi1>
      tpu.vector_store %arg14[%swap3A_2442], %add3A_2439 masked %gt3A_2441 {strides = array<i32>} : memref<4112xi32, #tpu.memory_space<vmem>>, vector<16xi32>, vector<16xi1>
      %gt3A_2444 = arith.constant 0 : i32
      %gt3A_2445 = vector.broadcast %gt3A_2444 : i32 to vector<16xi32>
      %gt3A_2446 = arith.cmpi sgt, %add3A_2434, %gt3A_2445 : vector<16xi32>
      %all_reduce_population_count3A = tpu.all_reduce %gt3A_2446 {dim = 0 : i64, kind = #tpu.reduction_kind<sum>} : vector<16xi1> -> vector<16xi32>
      %slice3A_2447 = vector.extract_strided_slice %all_reduce_population_count3A {offsets = [0], sizes = [1], strides = [1]} : vector<16xi32> to vector<1xi32>
      %squeeze3A_2448 = vector.extract %slice3A_2447[0] : i32 from vector<1xi32>
      %add3A_2449 = arith.addi %scan3A_2396, %squeeze3A_2448 : i32
      %mul3A_2450 = arith.constant 64 : i32
      %mul3A_2451 = arith.muli %scan3A_2395, %mul3A_2450 : i32
      %add3A_2452 = arith.constant 16 : i32
      %add3A_2453 = arith.addi %mul3A_2451, %add3A_2452 : i32
      %or3A_2454 = vector.broadcast %shift_right_arithmetic3A_2402 : i32 to vector<16xi32>
      %or3A_2455 = arith.ori %or3A_2454, %shift_right_arithmetic3A_61 : vector<16xi32>
      %or3A_2456 = vector.broadcast %shift_right_arithmetic3A_2407 : i32 to vector<16xi32>
      %or3A_2457 = arith.ori %or3A_2456, %shift_right_arithmetic3A_117 : vector<16xi32>
      %and3A_2458 = arith.andi %or3A_2455, %or3A_2457 : vector<16xi32>
      %or3A_2459 = vector.broadcast %shift_right_arithmetic3A_2412 : i32 to vector<16xi32>
      %or3A_2460 = arith.ori %or3A_2459, %shift_right_arithmetic3A_173 : vector<16xi32>
      %and3A_2461 = arith.andi %and3A_2458, %or3A_2460 : vector<16xi32>
      %or3A_2462 = vector.broadcast %shift_right_arithmetic3A_2417 : i32 to vector<16xi32>
      %or3A_2463 = arith.ori %or3A_2462, %shift_right_arithmetic3A_229 : vector<16xi32>
      %and3A_2464 = arith.andi %and3A_2461, %or3A_2463 : vector<16xi32>
      %add3A_2465 = arith.constant 1 : i32
      %add3A_2466 = vector.broadcast %add3A_2465 : i32 to vector<16xi32>
      %add3A_2467 = arith.addi %and3A_2464, %add3A_2466 : vector<16xi32>
      %swap3A_2468 = arith.index_cast %add3A_2453 : i32 to index
      %swap3A_2469 = tpu.vector_load %arg6[%swap3A_2468] {strides = array<i32>} : memref<4096xi32, #tpu.memory_space<vmem>>, vector<16xi32>,
      tpu.vector_store %arg6[%swap3A_2468], %add3A_2467 {strides = array<i32>} : memref<4096xi32, #tpu.memory_space<vmem>>, vector<16xi32>,
      %swap3A_2470 = arith.index_cast %add3A_2453 : i32 to index
      %swap3A_2471 = tpu.vector_load %arg14[%swap3A_2470] {strides = array<i32>} : memref<4112xi32, #tpu.memory_space<vmem>>, vector<16xi32>,
      tpu.vector_store %arg14[%swap3A_2470], %broadcast_in_dim3A_1 {strides = array<i32>} : memref<4112xi32, #tpu.memory_space<vmem>>, vector<16xi32>,
      %add3A_2472 = vector.broadcast %add3A_2453 : i32 to vector<16xi32>
      %add3A_2473 = arith.addi %iota3A, %add3A_2472 : vector<16xi32>
      %gt3A_2474 = arith.constant 0 : i32
      %gt3A_2475 = vector.broadcast %gt3A_2474 : i32 to vector<16xi32>
      %gt3A_2476 = arith.cmpi sgt, %add3A_2467, %gt3A_2475 : vector<16xi32>
      %swap3A_2477 = arith.index_cast %add3A_2449 : i32 to index
      %swap3A_2478 = tpu.vector_load %arg14[%swap3A_2477] masked %gt3A_2476 {strides = array<i32>} : memref<4112xi32, #tpu.memory_space<vmem>>, vector<16xi32>, vector<16xi1>
      tpu.vector_store %arg14[%swap3A_2477], %add3A_2473 masked %gt3A_2476 {strides = array<i32>} : memref<4112xi32, #tpu.memory_space<vmem>>, vector<16xi32>, vector<16xi1>
      %gt3A_2479 = arith.constant 0 : i32
      %gt3A_2480 = vector.broadcast %gt3A_2479 : i32 to vector<16xi32>
      %gt3A_2481 = arith.cmpi sgt, %add3A_2467, %gt3A_2480 : vector<16xi32>
      %all_reduce_population_count3A_2482 = tpu.all_reduce %gt3A_2481 {dim = 0 : i64, kind = #tpu.reduction_kind<sum>} : vector<16xi1> -> vector<16xi32>
      %slice3A_2483 = vector.extract_strided_slice %all_reduce_population_count3A_2482 {offsets = [0], sizes = [1], strides = [1]} : vector<16xi32> to vector<1xi32>
      %squeeze3A_2484 = vector.extract %slice3A_2483[0] : i32 from vector<1xi32>
      %add3A_2485 = arith.addi %add3A_2449, %squeeze3A_2484 : i32
      %mul3A_2486 = arith.constant 64 : i32
      %mul3A_2487 = arith.muli %scan3A_2395, %mul3A_2486 : i32
      %add3A_2488 = arith.constant 32 : i32
      %add3A_2489 = arith.addi %mul3A_2487, %add3A_2488 : i32
      %or3A_2490 = vector.broadcast %shift_right_arithmetic3A_2402 : i32 to vector<16xi32>
      %or3A_2491 = arith.ori %or3A_2490, %shift_right_arithmetic3A_75 : vector<16xi32>
      %or3A_2492 = vector.broadcast %shift_right_arithmetic3A_2407 : i32 to vector<16xi32>
      %or3A_2493 = arith.ori %or3A_2492, %shift_right_arithmetic3A_131 : vector<16xi32>
      %and3A_2494 = arith.andi %or3A_2491, %or3A_2493 : vector<16xi32>
      %or3A_2495 = vector.broadcast %shift_right_arithmetic3A_2412 : i32 to vector<16xi32>
      %or3A_2496 = arith.ori %or3A_2495, %shift_right_arithmetic3A_187 : vector<16xi32>
      %and3A_2497 = arith.andi %and3A_2494, %or3A_2496 : vector<16xi32>
      %or3A_2498 = vector.broadcast %shift_right_arithmetic3A_2417 : i32 to vector<16xi32>
      %or3A_2499 = arith.ori %or3A_2498, %shift_right_arithmetic3A_243 : vector<16xi32>
      %and3A_2500 = arith.andi %and3A_2497, %or3A_2499 : vector<16xi32>
      %add3A_2501 = arith.constant 1 : i32
      %add3A_2502 = vector.broadcast %add3A_2501 : i32 to vector<16xi32>
      %add3A_2503 = arith.addi %and3A_2500, %add3A_2502 : vector<16xi32>
      %swap3A_2504 = arith.index_cast %add3A_2489 : i32 to index
      %swap3A_2505 = tpu.vector_load %arg6[%swap3A_2504] {strides = array<i32>} : memref<4096xi32, #tpu.memory_space<vmem>>, vector<16xi32>,
      tpu.vector_store %arg6[%swap3A_2504], %add3A_2503 {strides = array<i32>} : memref<4096xi32, #tpu.memory_space<vmem>>, vector<16xi32>,
      %swap3A_2506 = arith.index_cast %add3A_2489 : i32 to index
      %swap3A_2507 = tpu.vector_load %arg14[%swap3A_2506] {strides = array<i32>} : memref<4112xi32, #tpu.memory_space<vmem>>, vector<16xi32>,
      tpu.vector_store %arg14[%swap3A_2506], %broadcast_in_dim3A_1 {strides = array<i32>} : memref<4112xi32, #tpu.memory_space<vmem>>, vector<16xi32>,
      %add3A_2508 = vector.broadcast %add3A_2489 : i32 to vector<16xi32>
      %add3A_2509 = arith.addi %iota3A, %add3A_2508 : vector<16xi32>
      %gt3A_2510 = arith.constant 0 : i32
      %gt3A_2511 = vector.broadcast %gt3A_2510 : i32 to vector<16xi32>
      %gt3A_2512 = arith.cmpi sgt, %add3A_2503, %gt3A_2511 : vector<16xi32>
      %swap3A_2513 = arith.index_cast %add3A_2485 : i32 to index
      %swap3A_2514 = tpu.vector_load %arg14[%swap3A_2513] masked %gt3A_2512 {strides = array<i32>} : memref<4112xi32, #tpu.memory_space<vmem>>, vector<16xi32>, vector<16xi1>
      tpu.vector_store %arg14[%swap3A_2513], %add3A_2509 masked %gt3A_2512 {strides = array<i32>} : memref<4112xi32, #tpu.memory_space<vmem>>, vector<16xi32>, vector<16xi1>
      %gt3A_2515 = arith.constant 0 : i32
      %gt3A_2516 = vector.broadcast %gt3A_2515 : i32 to vector<16xi32>
      %gt3A_2517 = arith.cmpi sgt, %add3A_2503, %gt3A_2516 : vector<16xi32>
      %all_reduce_population_count3A_2518 = tpu.all_reduce %gt3A_2517 {dim = 0 : i64, kind = #tpu.reduction_kind<sum>} : vector<16xi1> -> vector<16xi32>
      %slice3A_2519 = vector.extract_strided_slice %all_reduce_population_count3A_2518 {offsets = [0], sizes = [1], strides = [1]} : vector<16xi32> to vector<1xi32>
      %squeeze3A_2520 = vector.extract %slice3A_2519[0] : i32 from vector<1xi32>
      %add3A_2521 = arith.addi %add3A_2485, %squeeze3A_2520 : i32
      %mul3A_2522 = arith.constant 64 : i32
      %mul3A_2523 = arith.muli %scan3A_2395, %mul3A_2522 : i32
      %add3A_2524 = arith.constant 48 : i32
      %add3A_2525 = arith.addi %mul3A_2523, %add3A_2524 : i32
      %or3A_2526 = vector.broadcast %shift_right_arithmetic3A_2402 : i32 to vector<16xi32>
      %or3A_2527 = arith.ori %or3A_2526, %shift_right_arithmetic3A_89 : vector<16xi32>
      %or3A_2528 = vector.broadcast %shift_right_arithmetic3A_2407 : i32 to vector<16xi32>
      %or3A_2529 = arith.ori %or3A_2528, %shift_right_arithmetic3A_145 : vector<16xi32>
      %and3A_2530 = arith.andi %or3A_2527, %or3A_2529 : vector<16xi32>
      %or3A_2531 = vector.broadcast %shift_right_arithmetic3A_2412 : i32 to vector<16xi32>
      %or3A_2532 = arith.ori %or3A_2531, %shift_right_arithmetic3A_201 : vector<16xi32>
      %and3A_2533 = arith.andi %and3A_2530, %or3A_2532 : vector<16xi32>
      %or3A_2534 = vector.broadcast %shift_right_arithmetic3A_2417 : i32 to vector<16xi32>
      %or3A_2535 = arith.ori %or3A_2534, %shift_right_arithmetic3A_257 : vector<16xi32>
      %and3A_2536 = arith.andi %and3A_2533, %or3A_2535 : vector<16xi32>
      %add3A_2537 = arith.constant 1 : i32
      %add3A_2538 = vector.broadcast %add3A_2537 : i32 to vector<16xi32>
      %add3A_2539 = arith.addi %and3A_2536, %add3A_2538 : vector<16xi32>
      %swap3A_2540 = arith.index_cast %add3A_2525 : i32 to index
      %swap3A_2541 = tpu.vector_load %arg6[%swap3A_2540] {strides = array<i32>} : memref<4096xi32, #tpu.memory_space<vmem>>, vector<16xi32>,
      tpu.vector_store %arg6[%swap3A_2540], %add3A_2539 {strides = array<i32>} : memref<4096xi32, #tpu.memory_space<vmem>>, vector<16xi32>,
      %swap3A_2542 = arith.index_cast %add3A_2525 : i32 to index
      %swap3A_2543 = tpu.vector_load %arg14[%swap3A_2542] {strides = array<i32>} : memref<4112xi32, #tpu.memory_space<vmem>>, vector<16xi32>,
      tpu.vector_store %arg14[%swap3A_2542], %broadcast_in_dim3A_1 {strides = array<i32>} : memref<4112xi32, #tpu.memory_space<vmem>>, vector<16xi32>,
      %add3A_2544 = vector.broadcast %add3A_2525 : i32 to vector<16xi32>
      %add3A_2545 = arith.addi %iota3A, %add3A_2544 : vector<16xi32>
      %gt3A_2546 = arith.constant 0 : i32
      %gt3A_2547 = vector.broadcast %gt3A_2546 : i32 to vector<16xi32>
      %gt3A_2548 = arith.cmpi sgt, %add3A_2539, %gt3A_2547 : vector<16xi32>
      %swap3A_2549 = arith.index_cast %add3A_2521 : i32 to index
      %swap3A_2550 = tpu.vector_load %arg14[%swap3A_2549] masked %gt3A_2548 {strides = array<i32>} : memref<4112xi32, #tpu.memory_space<vmem>>, vector<16xi32>, vector<16xi1>
      tpu.vector_store %arg14[%swap3A_2549], %add3A_2545 masked %gt3A_2548 {strides = array<i32>} : memref<4112xi32, #tpu.memory_space<vmem>>, vector<16xi32>, vector<16xi1>
      %gt3A_2551 = arith.constant 0 : i32
      %gt3A_2552 = vector.broadcast %gt3A_2551 : i32 to vector<16xi32>
      %gt3A_2553 = arith.cmpi sgt, %add3A_2539, %gt3A_2552 : vector<16xi32>
      %all_reduce_population_count3A_2554 = tpu.all_reduce %gt3A_2553 {dim = 0 : i64, kind = #tpu.reduction_kind<sum>} : vector<16xi1> -> vector<16xi32>
      %slice3A_2555 = vector.extract_strided_slice %all_reduce_population_count3A_2554 {offsets = [0], sizes = [1], strides = [1]} : vector<16xi32> to vector<1xi32>
      %squeeze3A_2556 = vector.extract %slice3A_2555[0] : i32 from vector<1xi32>
      %add3A_2557 = arith.addi %add3A_2521, %squeeze3A_2556 : i32
      %sub3A_2558 = arith.subi %scan3A_2395, %squeeze3A_263 : i32
      %sub3A_2559 = arith.subi %squeeze3A_271, %scan3A_2395 : i32
      %or3A_2560 = arith.ori %sub3A_2558, %sub3A_2559 : i32
      %shift_right_arithmetic3A_2561 = arith.constant 31 : i32
      %shift_right_arithmetic3A_2562 = arith.shrsi %or3A_2560, %shift_right_arithmetic3A_2561 : i32
      %sub3A_2563 = arith.subi %scan3A_2395, %squeeze3A_265 : i32
      %sub3A_2564 = arith.subi %squeeze3A_273, %scan3A_2395 : i32
      %or3A_2565 = arith.ori %sub3A_2563, %sub3A_2564 : i32
      %shift_right_arithmetic3A_2566 = arith.constant 31 : i32
      %shift_right_arithmetic3A_2567 = arith.shrsi %or3A_2565, %shift_right_arithmetic3A_2566 : i32
      %sub3A_2568 = arith.subi %scan3A_2395, %squeeze3A_267 : i32
      %sub3A_2569 = arith.subi %squeeze3A_275, %scan3A_2395 : i32
      %or3A_2570 = arith.ori %sub3A_2568, %sub3A_2569 : i32
      %shift_right_arithmetic3A_2571 = arith.constant 31 : i32
      %shift_right_arithmetic3A_2572 = arith.shrsi %or3A_2570, %shift_right_arithmetic3A_2571 : i32
      %sub3A_2573 = arith.subi %scan3A_2395, %squeeze3A_269 : i32
      %sub3A_2574 = arith.subi %squeeze3A_277, %scan3A_2395 : i32
      %or3A_2575 = arith.ori %sub3A_2573, %sub3A_2574 : i32
      %shift_right_arithmetic3A_2576 = arith.constant 31 : i32
      %shift_right_arithmetic3A_2577 = arith.shrsi %or3A_2575, %shift_right_arithmetic3A_2576 : i32
      %mul3A_2578 = arith.constant 64 : i32
      %mul3A_2579 = arith.muli %scan3A_2395, %mul3A_2578 : i32
      %add3A_2580 = arith.constant 0 : i32
      %add3A_2581 = arith.addi %mul3A_2579, %add3A_2580 : i32
      %or3A_2582 = vector.broadcast %shift_right_arithmetic3A_2562 : i32 to vector<16xi32>
      %or3A_2583 = arith.ori %or3A_2582, %shift_right_arithmetic3A_307 : vector<16xi32>
      %or3A_2584 = vector.broadcast %shift_right_arithmetic3A_2567 : i32 to vector<16xi32>
      %or3A_2585 = arith.ori %or3A_2584, %shift_right_arithmetic3A_363 : vector<16xi32>
      %and3A_2586 = arith.andi %or3A_2583, %or3A_2585 : vector<16xi32>
      %or3A_2587 = vector.broadcast %shift_right_arithmetic3A_2572 : i32 to vector<16xi32>
      %or3A_2588 = arith.ori %or3A_2587, %shift_right_arithmetic3A_419 : vector<16xi32>
      %and3A_2589 = arith.andi %and3A_2586, %or3A_2588 : vector<16xi32>
      %or3A_2590 = vector.broadcast %shift_right_arithmetic3A_2577 : i32 to vector<16xi32>
      %or3A_2591 = arith.ori %or3A_2590, %shift_right_arithmetic3A_475 : vector<16xi32>
      %and3A_2592 = arith.andi %and3A_2589, %or3A_2591 : vector<16xi32>
      %add3A_2593 = arith.constant 1 : i32
      %add3A_2594 = vector.broadcast %add3A_2593 : i32 to vector<16xi32>
      %add3A_2595 = arith.addi %and3A_2592, %add3A_2594 : vector<16xi32>
      %swap3A_2596 = arith.index_cast %add3A_2581 : i32 to index
      %swap3A_2597 = tpu.vector_load %arg7[%swap3A_2596] {strides = array<i32>} : memref<4096xi32, #tpu.memory_space<vmem>>, vector<16xi32>,
      tpu.vector_store %arg7[%swap3A_2596], %add3A_2595 {strides = array<i32>} : memref<4096xi32, #tpu.memory_space<vmem>>, vector<16xi32>,
      %swap3A_2598 = arith.index_cast %add3A_2581 : i32 to index
      %swap3A_2599 = tpu.vector_load %arg15[%swap3A_2598] {strides = array<i32>} : memref<4112xi32, #tpu.memory_space<vmem>>, vector<16xi32>,
      tpu.vector_store %arg15[%swap3A_2598], %broadcast_in_dim3A_1 {strides = array<i32>} : memref<4112xi32, #tpu.memory_space<vmem>>, vector<16xi32>,
      %add3A_2600 = vector.broadcast %add3A_2581 : i32 to vector<16xi32>
      %add3A_2601 = arith.addi %iota3A, %add3A_2600 : vector<16xi32>
      %gt3A_2602 = arith.constant 0 : i32
      %gt3A_2603 = vector.broadcast %gt3A_2602 : i32 to vector<16xi32>
      %gt3A_2604 = arith.cmpi sgt, %add3A_2595, %gt3A_2603 : vector<16xi32>
      %swap3A_2605 = arith.index_cast %scan3A_2397 : i32 to index
      %swap3A_2606 = tpu.vector_load %arg15[%swap3A_2605] masked %gt3A_2604 {strides = array<i32>} : memref<4112xi32, #tpu.memory_space<vmem>>, vector<16xi32>, vector<16xi1>
      tpu.vector_store %arg15[%swap3A_2605], %add3A_2601 masked %gt3A_2604 {strides = array<i32>} : memref<4112xi32, #tpu.memory_space<vmem>>, vector<16xi32>, vector<16xi1>
      %gt3A_2607 = arith.constant 0 : i32
      %gt3A_2608 = vector.broadcast %gt3A_2607 : i32 to vector<16xi32>
      %gt3A_2609 = arith.cmpi sgt, %add3A_2595, %gt3A_2608 : vector<16xi32>
      %all_reduce_population_count3A_2610 = tpu.all_reduce %gt3A_2609 {dim = 0 : i64, kind = #tpu.reduction_kind<sum>} : vector<16xi1> -> vector<16xi32>
      %slice3A_2611 = vector.extract_strided_slice %all_reduce_population_count3A_2610 {offsets = [0], sizes = [1], strides = [1]} : vector<16xi32> to vector<1xi32>
      %squeeze3A_2612 = vector.extract %slice3A_2611[0] : i32 from vector<1xi32>
      %add3A_2613 = arith.addi %scan3A_2397, %squeeze3A_2612 : i32
      %mul3A_2614 = arith.constant 64 : i32
      %mul3A_2615 = arith.muli %scan3A_2395, %mul3A_2614 : i32
      %add3A_2616 = arith.constant 16 : i32
      %add3A_2617 = arith.addi %mul3A_2615, %add3A_2616 : i32
      %or3A_2618 = vector.broadcast %shift_right_arithmetic3A_2562 : i32 to vector<16xi32>
      %or3A_2619 = arith.ori %or3A_2618, %shift_right_arithmetic3A_321 : vector<16xi32>
      %or3A_2620 = vector.broadcast %shift_right_arithmetic3A_2567 : i32 to vector<16xi32>
      %or3A_2621 = arith.ori %or3A_2620, %shift_right_arithmetic3A_377 : vector<16xi32>
      %and3A_2622 = arith.andi %or3A_2619, %or3A_2621 : vector<16xi32>
      %or3A_2623 = vector.broadcast %shift_right_arithmetic3A_2572 : i32 to vector<16xi32>
      %or3A_2624 = arith.ori %or3A_2623, %shift_right_arithmetic3A_433 : vector<16xi32>
      %and3A_2625 = arith.andi %and3A_2622, %or3A_2624 : vector<16xi32>
      %or3A_2626 = vector.broadcast %shift_right_arithmetic3A_2577 : i32 to vector<16xi32>
      %or3A_2627 = arith.ori %or3A_2626, %shift_right_arithmetic3A_489 : vector<16xi32>
      %and3A_2628 = arith.andi %and3A_2625, %or3A_2627 : vector<16xi32>
      %add3A_2629 = arith.constant 1 : i32
      %add3A_2630 = vector.broadcast %add3A_2629 : i32 to vector<16xi32>
      %add3A_2631 = arith.addi %and3A_2628, %add3A_2630 : vector<16xi32>
      %swap3A_2632 = arith.index_cast %add3A_2617 : i32 to index
      %swap3A_2633 = tpu.vector_load %arg7[%swap3A_2632] {strides = array<i32>} : memref<4096xi32, #tpu.memory_space<vmem>>, vector<16xi32>,
      tpu.vector_store %arg7[%swap3A_2632], %add3A_2631 {strides = array<i32>} : memref<4096xi32, #tpu.memory_space<vmem>>, vector<16xi32>,
      %swap3A_2634 = arith.index_cast %add3A_2617 : i32 to index
      %swap3A_2635 = tpu.vector_load %arg15[%swap3A_2634] {strides = array<i32>} : memref<4112xi32, #tpu.memory_space<vmem>>, vector<16xi32>,
      tpu.vector_store %arg15[%swap3A_2634], %broadcast_in_dim3A_1 {strides = array<i32>} : memref<4112xi32, #tpu.memory_space<vmem>>, vector<16xi32>,
      %add3A_2636 = vector.broadcast %add3A_2617 : i32 to vector<16xi32>
      %add3A_2637 = arith.addi %iota3A, %add3A_2636 : vector<16xi32>
      %gt3A_2638 = arith.constant 0 : i32
      %gt3A_2639 = vector.broadcast %gt3A_2638 : i32 to vector<16xi32>
      %gt3A_2640 = arith.cmpi sgt, %add3A_2631, %gt3A_2639 : vector<16xi32>
      %swap3A_2641 = arith.index_cast %add3A_2613 : i32 to index
      %swap3A_2642 = tpu.vector_load %arg15[%swap3A_2641] masked %gt3A_2640 {strides = array<i32>} : memref<4112xi32, #tpu.memory_space<vmem>>, vector<16xi32>, vector<16xi1>
      tpu.vector_store %arg15[%swap3A_2641], %add3A_2637 masked %gt3A_2640 {strides = array<i32>} : memref<4112xi32, #tpu.memory_space<vmem>>, vector<16xi32>, vector<16xi1>
      %gt3A_2643 = arith.constant 0 : i32
      %gt3A_2644 = vector.broadcast %gt3A_2643 : i32 to vector<16xi32>
      %gt3A_2645 = arith.cmpi sgt, %add3A_2631, %gt3A_2644 : vector<16xi32>
      %all_reduce_population_count3A_2646 = tpu.all_reduce %gt3A_2645 {dim = 0 : i64, kind = #tpu.reduction_kind<sum>} : vector<16xi1> -> vector<16xi32>
      %slice3A_2647 = vector.extract_strided_slice %all_reduce_population_count3A_2646 {offsets = [0], sizes = [1], strides = [1]} : vector<16xi32> to vector<1xi32>
      %squeeze3A_2648 = vector.extract %slice3A_2647[0] : i32 from vector<1xi32>
      %add3A_2649 = arith.addi %add3A_2613, %squeeze3A_2648 : i32
      %mul3A_2650 = arith.constant 64 : i32
      %mul3A_2651 = arith.muli %scan3A_2395, %mul3A_2650 : i32
      %add3A_2652 = arith.constant 32 : i32
      %add3A_2653 = arith.addi %mul3A_2651, %add3A_2652 : i32
      %or3A_2654 = vector.broadcast %shift_right_arithmetic3A_2562 : i32 to vector<16xi32>
      %or3A_2655 = arith.ori %or3A_2654, %shift_right_arithmetic3A_335 : vector<16xi32>
      %or3A_2656 = vector.broadcast %shift_right_arithmetic3A_2567 : i32 to vector<16xi32>
      %or3A_2657 = arith.ori %or3A_2656, %shift_right_arithmetic3A_391 : vector<16xi32>
      %and3A_2658 = arith.andi %or3A_2655, %or3A_2657 : vector<16xi32>
      %or3A_2659 = vector.broadcast %shift_right_arithmetic3A_2572 : i32 to vector<16xi32>
      %or3A_2660 = arith.ori %or3A_2659, %shift_right_arithmetic3A_447 : vector<16xi32>
      %and3A_2661 = arith.andi %and3A_2658, %or3A_2660 : vector<16xi32>
      %or3A_2662 = vector.broadcast %shift_right_arithmetic3A_2577 : i32 to vector<16xi32>
      %or3A_2663 = arith.ori %or3A_2662, %shift_right_arithmetic3A_503 : vector<16xi32>
      %and3A_2664 = arith.andi %and3A_2661, %or3A_2663 : vector<16xi32>
      %add3A_2665 = arith.constant 1 : i32
      %add3A_2666 = vector.broadcast %add3A_2665 : i32 to vector<16xi32>
      %add3A_2667 = arith.addi %and3A_2664, %add3A_2666 : vector<16xi32>
      %swap3A_2668 = arith.index_cast %add3A_2653 : i32 to index
      %swap3A_2669 = tpu.vector_load %arg7[%swap3A_2668] {strides = array<i32>} : memref<4096xi32, #tpu.memory_space<vmem>>, vector<16xi32>,
      tpu.vector_store %arg7[%swap3A_2668], %add3A_2667 {strides = array<i32>} : memref<4096xi32, #tpu.memory_space<vmem>>, vector<16xi32>,
      %swap3A_2670 = arith.index_cast %add3A_2653 : i32 to index
      %swap3A_2671 = tpu.vector_load %arg15[%swap3A_2670] {strides = array<i32>} : memref<4112xi32, #tpu.memory_space<vmem>>, vector<16xi32>,
      tpu.vector_store %arg15[%swap3A_2670], %broadcast_in_dim3A_1 {strides = array<i32>} : memref<4112xi32, #tpu.memory_space<vmem>>, vector<16xi32>,
      %add3A_2672 = vector.broadcast %add3A_2653 : i32 to vector<16xi32>
      %add3A_2673 = arith.addi %iota3A, %add3A_2672 : vector<16xi32>
      %gt3A_2674 = arith.constant 0 : i32
      %gt3A_2675 = vector.broadcast %gt3A_2674 : i32 to vector<16xi32>
      %gt3A_2676 = arith.cmpi sgt, %add3A_2667, %gt3A_2675 : vector<16xi32>
      %swap3A_2677 = arith.index_cast %add3A_2649 : i32 to index
      %swap3A_2678 = tpu.vector_load %arg15[%swap3A_2677] masked %gt3A_2676 {strides = array<i32>} : memref<4112xi32, #tpu.memory_space<vmem>>, vector<16xi32>, vector<16xi1>
      tpu.vector_store %arg15[%swap3A_2677], %add3A_2673 masked %gt3A_2676 {strides = array<i32>} : memref<4112xi32, #tpu.memory_space<vmem>>, vector<16xi32>, vector<16xi1>
      %gt3A_2679 = arith.constant 0 : i32
      %gt3A_2680 = vector.broadcast %gt3A_2679 : i32 to vector<16xi32>
      %gt3A_2681 = arith.cmpi sgt, %add3A_2667, %gt3A_2680 : vector<16xi32>
      %all_reduce_population_count3A_2682 = tpu.all_reduce %gt3A_2681 {dim = 0 : i64, kind = #tpu.reduction_kind<sum>} : vector<16xi1> -> vector<16xi32>
      %slice3A_2683 = vector.extract_strided_slice %all_reduce_population_count3A_2682 {offsets = [0], sizes = [1], strides = [1]} : vector<16xi32> to vector<1xi32>
      %squeeze3A_2684 = vector.extract %slice3A_2683[0] : i32 from vector<1xi32>
      %add3A_2685 = arith.addi %add3A_2649, %squeeze3A_2684 : i32
      %mul3A_2686 = arith.constant 64 : i32
      %mul3A_2687 = arith.muli %scan3A_2395, %mul3A_2686 : i32
      %add3A_2688 = arith.constant 48 : i32
      %add3A_2689 = arith.addi %mul3A_2687, %add3A_2688 : i32
      %or3A_2690 = vector.broadcast %shift_right_arithmetic3A_2562 : i32 to vector<16xi32>
      %or3A_2691 = arith.ori %or3A_2690, %shift_right_arithmetic3A_349 : vector<16xi32>
      %or3A_2692 = vector.broadcast %shift_right_arithmetic3A_2567 : i32 to vector<16xi32>
      %or3A_2693 = arith.ori %or3A_2692, %shift_right_arithmetic3A_405 : vector<16xi32>
      %and3A_2694 = arith.andi %or3A_2691, %or3A_2693 : vector<16xi32>
      %or3A_2695 = vector.broadcast %shift_right_arithmetic3A_2572 : i32 to vector<16xi32>
      %or3A_2696 = arith.ori %or3A_2695, %shift_right_arithmetic3A_461 : vector<16xi32>
      %and3A_2697 = arith.andi %and3A_2694, %or3A_2696 : vector<16xi32>
      %or3A_2698 = vector.broadcast %shift_right_arithmetic3A_2577 : i32 to vector<16xi32>
      %or3A_2699 = arith.ori %or3A_2698, %shift_right_arithmetic3A_517 : vector<16xi32>
      %and3A_2700 = arith.andi %and3A_2697, %or3A_2699 : vector<16xi32>
      %add3A_2701 = arith.constant 1 : i32
      %add3A_2702 = vector.broadcast %add3A_2701 : i32 to vector<16xi32>
      %add3A_2703 = arith.addi %and3A_2700, %add3A_2702 : vector<16xi32>
      %swap3A_2704 = arith.index_cast %add3A_2689 : i32 to index
      %swap3A_2705 = tpu.vector_load %arg7[%swap3A_2704] {strides = array<i32>} : memref<4096xi32, #tpu.memory_space<vmem>>, vector<16xi32>,
      tpu.vector_store %arg7[%swap3A_2704], %add3A_2703 {strides = array<i32>} : memref<4096xi32, #tpu.memory_space<vmem>>, vector<16xi32>,
      %swap3A_2706 = arith.index_cast %add3A_2689 : i32 to index
      %swap3A_2707 = tpu.vector_load %arg15[%swap3A_2706] {strides = array<i32>} : memref<4112xi32, #tpu.memory_space<vmem>>, vector<16xi32>,
      tpu.vector_store %arg15[%swap3A_2706], %broadcast_in_dim3A_1 {strides = array<i32>} : memref<4112xi32, #tpu.memory_space<vmem>>, vector<16xi32>,
      %add3A_2708 = vector.broadcast %add3A_2689 : i32 to vector<16xi32>
      %add3A_2709 = arith.addi %iota3A, %add3A_2708 : vector<16xi32>
      %gt3A_2710 = arith.constant 0 : i32
      %gt3A_2711 = vector.broadcast %gt3A_2710 : i32 to vector<16xi32>
      %gt3A_2712 = arith.cmpi sgt, %add3A_2703, %gt3A_2711 : vector<16xi32>
      %swap3A_2713 = arith.index_cast %add3A_2685 : i32 to index
      %swap3A_2714 = tpu.vector_load %arg15[%swap3A_2713] masked %gt3A_2712 {strides = array<i32>} : memref<4112xi32, #tpu.memory_space<vmem>>, vector<16xi32>, vector<16xi1>
      tpu.vector_store %arg15[%swap3A_2713], %add3A_2709 masked %gt3A_2712 {strides = array<i32>} : memref<4112xi32, #tpu.memory_space<vmem>>, vector<16xi32>, vector<16xi1>
      %gt3A_2715 = arith.constant 0 : i32
      %gt3A_2716 = vector.broadcast %gt3A_2715 : i32 to vector<16xi32>
      %gt3A_2717 = arith.cmpi sgt, %add3A_2703, %gt3A_2716 : vector<16xi32>
      %all_reduce_population_count3A_2718 = tpu.all_reduce %gt3A_2717 {dim = 0 : i64, kind = #tpu.reduction_kind<sum>} : vector<16xi1> -> vector<16xi32>
      %slice3A_2719 = vector.extract_strided_slice %all_reduce_population_count3A_2718 {offsets = [0], sizes = [1], strides = [1]} : vector<16xi32> to vector<1xi32>
      %squeeze3A_2720 = vector.extract %slice3A_2719[0] : i32 from vector<1xi32>
      %add3A_2721 = arith.addi %add3A_2685, %squeeze3A_2720 : i32
      scf.yield %add3A_2557, %add3A_2721 : i32, i32
    }
    %scan3A_524 = arith.constant 64 : i32
    %mul3A_525 = arith.constant 8 : i32
    %mul3A_526 = arith.muli %add3A, %mul3A_525 : i32
    %add3A_527 = arith.constant 0 : i32
    %add3A_528 = arith.addi %mul3A_526, %add3A_527 : i32
    %dma_start3A = arith.constant 0 : i32
    %dma_start3A_529 = tpu.memref_slice %arg3[%add3A_528, %dma_start3A] : memref<256x4096xi32, #tpu.memory_space<hbm>> -> memref<1x4096xi32, #tpu.memory_space<hbm>>
    %dma_start3A_530 = tpu.memref_squeeze %dma_start3A_529 : memref<1x4096xi32, #tpu.memory_space<hbm>> -> memref<4096xi32, #tpu.memory_space<hbm>>
    %dma_start3A_531 = arith.constant 0 : i32
    %dma_start3A_532 = tpu.memref_slice %arg3[%add3A_528, %dma_start3A_531] : memref<256x4096xi32, #tpu.memory_space<hbm>> -> memref<1x4096xi32, #tpu.memory_space<hbm>>
    %dma_start3A_533 = tpu.memref_squeeze %dma_start3A_532 : memref<1x4096xi32, #tpu.memory_space<hbm>> -> memref<4096xi32, #tpu.memory_space<hbm>>
    tpu.enqueue_dma source(%arg6 : memref<4096xi32, #tpu.memory_space<vmem>>) target(%dma_start3A_533 : memref<4096xi32, #tpu.memory_space<hbm>>) target_semaphore(%arg22 : memref<!tpu.dma_semaphore, #tpu.memory_space<semaphore_mem>>)
    %dma_start3A_534 = arith.constant 0 : i32
    %dma_start3A_535 = tpu.memref_slice %arg14[%dma_start3A_534] : memref<4112xi32, #tpu.memory_space<vmem>> -> memref<4096xi32, #tpu.memory_space<vmem>>
    %dma_start3A_536 = arith.constant 0 : i32
    %dma_start3A_537 = tpu.memref_slice %arg4[%add3A_528, %dma_start3A_536] : memref<256x4096xi32, #tpu.memory_space<hbm>> -> memref<1x4096xi32, #tpu.memory_space<hbm>>
    %dma_start3A_538 = tpu.memref_squeeze %dma_start3A_537 : memref<1x4096xi32, #tpu.memory_space<hbm>> -> memref<4096xi32, #tpu.memory_space<hbm>>
    %dma_start3A_539 = arith.constant 0 : i32
    %dma_start3A_540 = tpu.memref_slice %arg4[%add3A_528, %dma_start3A_539] : memref<256x4096xi32, #tpu.memory_space<hbm>> -> memref<1x4096xi32, #tpu.memory_space<hbm>>
    %dma_start3A_541 = tpu.memref_squeeze %dma_start3A_540 : memref<1x4096xi32, #tpu.memory_space<hbm>> -> memref<4096xi32, #tpu.memory_space<hbm>>
    %dma_start3A_542 = arith.constant 0 : i32
    %dma_start3A_543 = tpu.memref_slice %arg14[%dma_start3A_542] : memref<4112xi32, #tpu.memory_space<vmem>> -> memref<4096xi32, #tpu.memory_space<vmem>>
    tpu.enqueue_dma source(%dma_start3A_543 : memref<4096xi32, #tpu.memory_space<vmem>>) target(%dma_start3A_541 : memref<4096xi32, #tpu.memory_space<hbm>>) target_semaphore(%arg23 : memref<!tpu.dma_semaphore, #tpu.memory_space<semaphore_mem>>)
    %mul3A_544 = arith.constant 8 : i32
    %mul3A_545 = arith.muli %add3A, %mul3A_544 : i32
    %add3A_546 = arith.constant 1 : i32
    %add3A_547 = arith.addi %mul3A_545, %add3A_546 : i32
    %dma_start3A_548 = arith.constant 0 : i32
    %dma_start3A_549 = tpu.memref_slice %arg3[%add3A_547, %dma_start3A_548] : memref<256x4096xi32, #tpu.memory_space<hbm>> -> memref<1x4096xi32, #tpu.memory_space<hbm>>
    %dma_start3A_550 = tpu.memref_squeeze %dma_start3A_549 : memref<1x4096xi32, #tpu.memory_space<hbm>> -> memref<4096xi32, #tpu.memory_space<hbm>>
    %dma_start3A_551 = arith.constant 0 : i32
    %dma_start3A_552 = tpu.memref_slice %arg3[%add3A_547, %dma_start3A_551] : memref<256x4096xi32, #tpu.memory_space<hbm>> -> memref<1x4096xi32, #tpu.memory_space<hbm>>
    %dma_start3A_553 = tpu.memref_squeeze %dma_start3A_552 : memref<1x4096xi32, #tpu.memory_space<hbm>> -> memref<4096xi32, #tpu.memory_space<hbm>>
    tpu.enqueue_dma source(%arg7 : memref<4096xi32, #tpu.memory_space<vmem>>) target(%dma_start3A_553 : memref<4096xi32, #tpu.memory_space<hbm>>) target_semaphore(%arg22 : memref<!tpu.dma_semaphore, #tpu.memory_space<semaphore_mem>>)
    %dma_start3A_554 = arith.constant 0 : i32
    %dma_start3A_555 = tpu.memref_slice %arg15[%dma_start3A_554] : memref<4112xi32, #tpu.memory_space<vmem>> -> memref<4096xi32, #tpu.memory_space<vmem>>
    %dma_start3A_556 = arith.constant 0 : i32
    %dma_start3A_557 = tpu.memref_slice %arg4[%add3A_547, %dma_start3A_556] : memref<256x4096xi32, #tpu.memory_space<hbm>> -> memref<1x4096xi32, #tpu.memory_space<hbm>>
    %dma_start3A_558 = tpu.memref_squeeze %dma_start3A_557 : memref<1x4096xi32, #tpu.memory_space<hbm>> -> memref<4096xi32, #tpu.memory_space<hbm>>
    %dma_start3A_559 = arith.constant 0 : i32
    %dma_start3A_560 = tpu.memref_slice %arg4[%add3A_547, %dma_start3A_559] : memref<256x4096xi32, #tpu.memory_space<hbm>> -> memref<1x4096xi32, #tpu.memory_space<hbm>>
    %dma_start3A_561 = tpu.memref_squeeze %dma_start3A_560 : memref<1x4096xi32, #tpu.memory_space<hbm>> -> memref<4096xi32, #tpu.memory_space<hbm>>
    %dma_start3A_562 = arith.constant 0 : i32
    %dma_start3A_563 = tpu.memref_slice %arg15[%dma_start3A_562] : memref<4112xi32, #tpu.memory_space<vmem>> -> memref<4096xi32, #tpu.memory_space<vmem>>
    tpu.enqueue_dma source(%dma_start3A_563 : memref<4096xi32, #tpu.memory_space<vmem>>) target(%dma_start3A_561 : memref<4096xi32, #tpu.memory_space<hbm>>) target_semaphore(%arg23 : memref<!tpu.dma_semaphore, #tpu.memory_space<semaphore_mem>>)
    %get3A_564 = arith.constant 2 : i32
    %get3A_565 = arith.index_cast %get3A_564 : i32 to index
    %get3A_566 = arith.constant 0 : index
    %get3A_567 = tpu.vector_load %arg5[%get3A_565, %get3A_566] {strides = array<i32>} : memref<8x16xi32, #tpu.memory_space<vmem>>, vector<16xi32>,
    %slice3A_568 = vector.extract_strided_slice %get3A_567 {offsets = [0], sizes = [1], strides = [1]} : vector<16xi32> to vector<1xi32>
    %squeeze3A_569 = vector.extract %slice3A_568[0] : i32 from vector<1xi32>
    %slice3A_570 = vector.extract_strided_slice %get3A_567 {offsets = [1], sizes = [1], strides = [1]} : vector<16xi32> to vector<1xi32>
    %squeeze3A_571 = vector.extract %slice3A_570[0] : i32 from vector<1xi32>
    %slice3A_572 = vector.extract_strided_slice %get3A_567 {offsets = [2], sizes = [1], strides = [1]} : vector<16xi32> to vector<1xi32>
    %squeeze3A_573 = vector.extract %slice3A_572[0] : i32 from vector<1xi32>
    %slice3A_574 = vector.extract_strided_slice %get3A_567 {offsets = [3], sizes = [1], strides = [1]} : vector<16xi32> to vector<1xi32>
    %squeeze3A_575 = vector.extract %slice3A_574[0] : i32 from vector<1xi32>
    %slice3A_576 = vector.extract_strided_slice %get3A_567 {offsets = [4], sizes = [1], strides = [1]} : vector<16xi32> to vector<1xi32>
    %squeeze3A_577 = vector.extract %slice3A_576[0] : i32 from vector<1xi32>
    %slice3A_578 = vector.extract_strided_slice %get3A_567 {offsets = [5], sizes = [1], strides = [1]} : vector<16xi32> to vector<1xi32>
    %squeeze3A_579 = vector.extract %slice3A_578[0] : i32 from vector<1xi32>
    %slice3A_580 = vector.extract_strided_slice %get3A_567 {offsets = [6], sizes = [1], strides = [1]} : vector<16xi32> to vector<1xi32>
    %squeeze3A_581 = vector.extract %slice3A_580[0] : i32 from vector<1xi32>
    %slice3A_582 = vector.extract_strided_slice %get3A_567 {offsets = [7], sizes = [1], strides = [1]} : vector<16xi32> to vector<1xi32>
    %squeeze3A_583 = vector.extract %slice3A_582[0] : i32 from vector<1xi32>
    %slice3A_584 = vector.extract_strided_slice %get3A_567 {offsets = [8], sizes = [1], strides = [1]} : vector<16xi32> to vector<1xi32>
    %squeeze3A_585 = vector.extract %slice3A_584[0] : i32 from vector<1xi32>
    %slice3A_586 = vector.extract_strided_slice %get3A_567 {offsets = [9], sizes = [1], strides = [1]} : vector<16xi32> to vector<1xi32>
    %squeeze3A_587 = vector.extract %slice3A_586[0] : i32 from vector<1xi32>
    %slice3A_588 = vector.extract_strided_slice %get3A_567 {offsets = [10], sizes = [1], strides = [1]} : vector<16xi32> to vector<1xi32>
    %squeeze3A_589 = vector.extract %slice3A_588[0] : i32 from vector<1xi32>
    %slice3A_590 = vector.extract_strided_slice %get3A_567 {offsets = [11], sizes = [1], strides = [1]} : vector<16xi32> to vector<1xi32>
    %squeeze3A_591 = vector.extract %slice3A_590[0] : i32 from vector<1xi32>
    %slice3A_592 = vector.extract_strided_slice %get3A_567 {offsets = [12], sizes = [1], strides = [1]} : vector<16xi32> to vector<1xi32>
    %squeeze3A_593 = vector.extract %slice3A_592[0] : i32 from vector<1xi32>
    %slice3A_594 = vector.extract_strided_slice %get3A_567 {offsets = [13], sizes = [1], strides = [1]} : vector<16xi32> to vector<1xi32>
    %squeeze3A_595 = vector.extract %slice3A_594[0] : i32 from vector<1xi32>
    %slice3A_596 = vector.extract_strided_slice %get3A_567 {offsets = [14], sizes = [1], strides = [1]} : vector<16xi32> to vector<1xi32>
    %squeeze3A_597 = vector.extract %slice3A_596[0] : i32 from vector<1xi32>
    %slice3A_598 = vector.extract_strided_slice %get3A_567 {offsets = [15], sizes = [1], strides = [1]} : vector<16xi32> to vector<1xi32>
    %squeeze3A_599 = vector.extract %slice3A_598[0] : i32 from vector<1xi32>
    %add3A_600 = arith.constant 0 : i32
    %add3A_601 = vector.broadcast %add3A_600 : i32 to vector<16xi32>
    %add3A_602 = arith.addi %iota3A, %add3A_601 : vector<16xi32>
    %sub3A_603 = vector.broadcast %squeeze3A_585 : i32 to vector<16xi32>
    %sub3A_604 = arith.subi %add3A_602, %sub3A_603 : vector<16xi32>
    %add3A_605 = arith.constant 0 : i32
    %add3A_606 = vector.broadcast %add3A_605 : i32 to vector<16xi32>
    %add3A_607 = arith.addi %iota3A, %add3A_606 : vector<16xi32>
    %sub3A_608 = vector.broadcast %squeeze3A_593 : i32 to vector<16xi32>
    %sub3A_609 = arith.subi %sub3A_608, %add3A_607 : vector<16xi32>
    %or3A_610 = arith.ori %sub3A_604, %sub3A_609 : vector<16xi32>
    %shift_right_arithmetic3A_611 = arith.constant 31 : i32
    %shift_right_arithmetic3A_612 = vector.broadcast %shift_right_arithmetic3A_611 : i32 to vector<16xi32>
    %shift_right_arithmetic3A_613 = arith.shrsi %or3A_610, %shift_right_arithmetic3A_612 : vector<16xi32>
    %add3A_614 = arith.constant 16 : i32
    %add3A_615 = vector.broadcast %add3A_614 : i32 to vector<16xi32>
    %add3A_616 = arith.addi %iota3A, %add3A_615 : vector<16xi32>
    %sub3A_617 = vector.broadcast %squeeze3A_585 : i32 to vector<16xi32>
    %sub3A_618 = arith.subi %add3A_616, %sub3A_617 : vector<16xi32>
    %add3A_619 = arith.constant 16 : i32
    %add3A_620 = vector.broadcast %add3A_619 : i32 to vector<16xi32>
    %add3A_621 = arith.addi %iota3A, %add3A_620 : vector<16xi32>
    %sub3A_622 = vector.broadcast %squeeze3A_593 : i32 to vector<16xi32>
    %sub3A_623 = arith.subi %sub3A_622, %add3A_621 : vector<16xi32>
    %or3A_624 = arith.ori %sub3A_618, %sub3A_623 : vector<16xi32>
    %shift_right_arithmetic3A_625 = arith.constant 31 : i32
    %shift_right_arithmetic3A_626 = vector.broadcast %shift_right_arithmetic3A_625 : i32 to vector<16xi32>
    %shift_right_arithmetic3A_627 = arith.shrsi %or3A_624, %shift_right_arithmetic3A_626 : vector<16xi32>
    %add3A_628 = arith.constant 32 : i32
    %add3A_629 = vector.broadcast %add3A_628 : i32 to vector<16xi32>
    %add3A_630 = arith.addi %iota3A, %add3A_629 : vector<16xi32>
    %sub3A_631 = vector.broadcast %squeeze3A_585 : i32 to vector<16xi32>
    %sub3A_632 = arith.subi %add3A_630, %sub3A_631 : vector<16xi32>
    %add3A_633 = arith.constant 32 : i32
    %add3A_634 = vector.broadcast %add3A_633 : i32 to vector<16xi32>
    %add3A_635 = arith.addi %iota3A, %add3A_634 : vector<16xi32>
    %sub3A_636 = vector.broadcast %squeeze3A_593 : i32 to vector<16xi32>
    %sub3A_637 = arith.subi %sub3A_636, %add3A_635 : vector<16xi32>
    %or3A_638 = arith.ori %sub3A_632, %sub3A_637 : vector<16xi32>
    %shift_right_arithmetic3A_639 = arith.constant 31 : i32
    %shift_right_arithmetic3A_640 = vector.broadcast %shift_right_arithmetic3A_639 : i32 to vector<16xi32>
    %shift_right_arithmetic3A_641 = arith.shrsi %or3A_638, %shift_right_arithmetic3A_640 : vector<16xi32>
    %add3A_642 = arith.constant 48 : i32
    %add3A_643 = vector.broadcast %add3A_642 : i32 to vector<16xi32>
    %add3A_644 = arith.addi %iota3A, %add3A_643 : vector<16xi32>
    %sub3A_645 = vector.broadcast %squeeze3A_585 : i32 to vector<16xi32>
    %sub3A_646 = arith.subi %add3A_644, %sub3A_645 : vector<16xi32>
    %add3A_647 = arith.constant 48 : i32
    %add3A_648 = vector.broadcast %add3A_647 : i32 to vector<16xi32>
    %add3A_649 = arith.addi %iota3A, %add3A_648 : vector<16xi32>
    %sub3A_650 = vector.broadcast %squeeze3A_593 : i32 to vector<16xi32>
    %sub3A_651 = arith.subi %sub3A_650, %add3A_649 : vector<16xi32>
    %or3A_652 = arith.ori %sub3A_646, %sub3A_651 : vector<16xi32>
    %shift_right_arithmetic3A_653 = arith.constant 31 : i32
    %shift_right_arithmetic3A_654 = vector.broadcast %shift_right_arithmetic3A_653 : i32 to vector<16xi32>
    %shift_right_arithmetic3A_655 = arith.shrsi %or3A_652, %shift_right_arithmetic3A_654 : vector<16xi32>
    %add3A_656 = arith.constant 0 : i32
    %add3A_657 = vector.broadcast %add3A_656 : i32 to vector<16xi32>
    %add3A_658 = arith.addi %iota3A, %add3A_657 : vector<16xi32>
    %sub3A_659 = vector.broadcast %squeeze3A_587 : i32 to vector<16xi32>
    %sub3A_660 = arith.subi %add3A_658, %sub3A_659 : vector<16xi32>
    %add3A_661 = arith.constant 0 : i32
    %add3A_662 = vector.broadcast %add3A_661 : i32 to vector<16xi32>
    %add3A_663 = arith.addi %iota3A, %add3A_662 : vector<16xi32>
    %sub3A_664 = vector.broadcast %squeeze3A_595 : i32 to vector<16xi32>
    %sub3A_665 = arith.subi %sub3A_664, %add3A_663 : vector<16xi32>
    %or3A_666 = arith.ori %sub3A_660, %sub3A_665 : vector<16xi32>
    %shift_right_arithmetic3A_667 = arith.constant 31 : i32
    %shift_right_arithmetic3A_668 = vector.broadcast %shift_right_arithmetic3A_667 : i32 to vector<16xi32>
    %shift_right_arithmetic3A_669 = arith.shrsi %or3A_666, %shift_right_arithmetic3A_668 : vector<16xi32>
    %add3A_670 = arith.constant 16 : i32
    %add3A_671 = vector.broadcast %add3A_670 : i32 to vector<16xi32>
    %add3A_672 = arith.addi %iota3A, %add3A_671 : vector<16xi32>
    %sub3A_673 = vector.broadcast %squeeze3A_587 : i32 to vector<16xi32>
    %sub3A_674 = arith.subi %add3A_672, %sub3A_673 : vector<16xi32>
    %add3A_675 = arith.constant 16 : i32
    %add3A_676 = vector.broadcast %add3A_675 : i32 to vector<16xi32>
    %add3A_677 = arith.addi %iota3A, %add3A_676 : vector<16xi32>
    %sub3A_678 = vector.broadcast %squeeze3A_595 : i32 to vector<16xi32>
    %sub3A_679 = arith.subi %sub3A_678, %add3A_677 : vector<16xi32>
    %or3A_680 = arith.ori %sub3A_674, %sub3A_679 : vector<16xi32>
    %shift_right_arithmetic3A_681 = arith.constant 31 : i32
    %shift_right_arithmetic3A_682 = vector.broadcast %shift_right_arithmetic3A_681 : i32 to vector<16xi32>
    %shift_right_arithmetic3A_683 = arith.shrsi %or3A_680, %shift_right_arithmetic3A_682 : vector<16xi32>
    %add3A_684 = arith.constant 32 : i32
    %add3A_685 = vector.broadcast %add3A_684 : i32 to vector<16xi32>
    %add3A_686 = arith.addi %iota3A, %add3A_685 : vector<16xi32>
    %sub3A_687 = vector.broadcast %squeeze3A_587 : i32 to vector<16xi32>
    %sub3A_688 = arith.subi %add3A_686, %sub3A_687 : vector<16xi32>
    %add3A_689 = arith.constant 32 : i32
    %add3A_690 = vector.broadcast %add3A_689 : i32 to vector<16xi32>
    %add3A_691 = arith.addi %iota3A, %add3A_690 : vector<16xi32>
    %sub3A_692 = vector.broadcast %squeeze3A_595 : i32 to vector<16xi32>
    %sub3A_693 = arith.subi %sub3A_692, %add3A_691 : vector<16xi32>
    %or3A_694 = arith.ori %sub3A_688, %sub3A_693 : vector<16xi32>
    %shift_right_arithmetic3A_695 = arith.constant 31 : i32
    %shift_right_arithmetic3A_696 = vector.broadcast %shift_right_arithmetic3A_695 : i32 to vector<16xi32>
    %shift_right_arithmetic3A_697 = arith.shrsi %or3A_694, %shift_right_arithmetic3A_696 : vector<16xi32>
    %add3A_698 = arith.constant 48 : i32
    %add3A_699 = vector.broadcast %add3A_698 : i32 to vector<16xi32>
    %add3A_700 = arith.addi %iota3A, %add3A_699 : vector<16xi32>
    %sub3A_701 = vector.broadcast %squeeze3A_587 : i32 to vector<16xi32>
    %sub3A_702 = arith.subi %add3A_700, %sub3A_701 : vector<16xi32>
    %add3A_703 = arith.constant 48 : i32
    %add3A_704 = vector.broadcast %add3A_703 : i32 to vector<16xi32>
    %add3A_705 = arith.addi %iota3A, %add3A_704 : vector<16xi32>
    %sub3A_706 = vector.broadcast %squeeze3A_595 : i32 to vector<16xi32>
    %sub3A_707 = arith.subi %sub3A_706, %add3A_705 : vector<16xi32>
    %or3A_708 = arith.ori %sub3A_702, %sub3A_707 : vector<16xi32>
    %shift_right_arithmetic3A_709 = arith.constant 31 : i32
    %shift_right_arithmetic3A_710 = vector.broadcast %shift_right_arithmetic3A_709 : i32 to vector<16xi32>
    %shift_right_arithmetic3A_711 = arith.shrsi %or3A_708, %shift_right_arithmetic3A_710 : vector<16xi32>
    %add3A_712 = arith.constant 0 : i32
    %add3A_713 = vector.broadcast %add3A_712 : i32 to vector<16xi32>
    %add3A_714 = arith.addi %iota3A, %add3A_713 : vector<16xi32>
    %sub3A_715 = vector.broadcast %squeeze3A_589 : i32 to vector<16xi32>
    %sub3A_716 = arith.subi %add3A_714, %sub3A_715 : vector<16xi32>
    %add3A_717 = arith.constant 0 : i32
    %add3A_718 = vector.broadcast %add3A_717 : i32 to vector<16xi32>
    %add3A_719 = arith.addi %iota3A, %add3A_718 : vector<16xi32>
    %sub3A_720 = vector.broadcast %squeeze3A_597 : i32 to vector<16xi32>
    %sub3A_721 = arith.subi %sub3A_720, %add3A_719 : vector<16xi32>
    %or3A_722 = arith.ori %sub3A_716, %sub3A_721 : vector<16xi32>
    %shift_right_arithmetic3A_723 = arith.constant 31 : i32
    %shift_right_arithmetic3A_724 = vector.broadcast %shift_right_arithmetic3A_723 : i32 to vector<16xi32>
    %shift_right_arithmetic3A_725 = arith.shrsi %or3A_722, %shift_right_arithmetic3A_724 : vector<16xi32>
    %add3A_726 = arith.constant 16 : i32
    %add3A_727 = vector.broadcast %add3A_726 : i32 to vector<16xi32>
    %add3A_728 = arith.addi %iota3A, %add3A_727 : vector<16xi32>
    %sub3A_729 = vector.broadcast %squeeze3A_589 : i32 to vector<16xi32>
    %sub3A_730 = arith.subi %add3A_728, %sub3A_729 : vector<16xi32>
    %add3A_731 = arith.constant 16 : i32
    %add3A_732 = vector.broadcast %add3A_731 : i32 to vector<16xi32>
    %add3A_733 = arith.addi %iota3A, %add3A_732 : vector<16xi32>
    %sub3A_734 = vector.broadcast %squeeze3A_597 : i32 to vector<16xi32>
    %sub3A_735 = arith.subi %sub3A_734, %add3A_733 : vector<16xi32>
    %or3A_736 = arith.ori %sub3A_730, %sub3A_735 : vector<16xi32>
    %shift_right_arithmetic3A_737 = arith.constant 31 : i32
    %shift_right_arithmetic3A_738 = vector.broadcast %shift_right_arithmetic3A_737 : i32 to vector<16xi32>
    %shift_right_arithmetic3A_739 = arith.shrsi %or3A_736, %shift_right_arithmetic3A_738 : vector<16xi32>
    %add3A_740 = arith.constant 32 : i32
    %add3A_741 = vector.broadcast %add3A_740 : i32 to vector<16xi32>
    %add3A_742 = arith.addi %iota3A, %add3A_741 : vector<16xi32>
    %sub3A_743 = vector.broadcast %squeeze3A_589 : i32 to vector<16xi32>
    %sub3A_744 = arith.subi %add3A_742, %sub3A_743 : vector<16xi32>
    %add3A_745 = arith.constant 32 : i32
    %add3A_746 = vector.broadcast %add3A_745 : i32 to vector<16xi32>
    %add3A_747 = arith.addi %iota3A, %add3A_746 : vector<16xi32>
    %sub3A_748 = vector.broadcast %squeeze3A_597 : i32 to vector<16xi32>
    %sub3A_749 = arith.subi %sub3A_748, %add3A_747 : vector<16xi32>
    %or3A_750 = arith.ori %sub3A_744, %sub3A_749 : vector<16xi32>
    %shift_right_arithmetic3A_751 = arith.constant 31 : i32
    %shift_right_arithmetic3A_752 = vector.broadcast %shift_right_arithmetic3A_751 : i32 to vector<16xi32>
    %shift_right_arithmetic3A_753 = arith.shrsi %or3A_750, %shift_right_arithmetic3A_752 : vector<16xi32>
    %add3A_754 = arith.constant 48 : i32
    %add3A_755 = vector.broadcast %add3A_754 : i32 to vector<16xi32>
    %add3A_756 = arith.addi %iota3A, %add3A_755 : vector<16xi32>
    %sub3A_757 = vector.broadcast %squeeze3A_589 : i32 to vector<16xi32>
    %sub3A_758 = arith.subi %add3A_756, %sub3A_757 : vector<16xi32>
    %add3A_759 = arith.constant 48 : i32
    %add3A_760 = vector.broadcast %add3A_759 : i32 to vector<16xi32>
    %add3A_761 = arith.addi %iota3A, %add3A_760 : vector<16xi32>
    %sub3A_762 = vector.broadcast %squeeze3A_597 : i32 to vector<16xi32>
    %sub3A_763 = arith.subi %sub3A_762, %add3A_761 : vector<16xi32>
    %or3A_764 = arith.ori %sub3A_758, %sub3A_763 : vector<16xi32>
    %shift_right_arithmetic3A_765 = arith.constant 31 : i32
    %shift_right_arithmetic3A_766 = vector.broadcast %shift_right_arithmetic3A_765 : i32 to vector<16xi32>
    %shift_right_arithmetic3A_767 = arith.shrsi %or3A_764, %shift_right_arithmetic3A_766 : vector<16xi32>
    %add3A_768 = arith.constant 0 : i32
    %add3A_769 = vector.broadcast %add3A_768 : i32 to vector<16xi32>
    %add3A_770 = arith.addi %iota3A, %add3A_769 : vector<16xi32>
    %sub3A_771 = vector.broadcast %squeeze3A_591 : i32 to vector<16xi32>
    %sub3A_772 = arith.subi %add3A_770, %sub3A_771 : vector<16xi32>
    %add3A_773 = arith.constant 0 : i32
    %add3A_774 = vector.broadcast %add3A_773 : i32 to vector<16xi32>
    %add3A_775 = arith.addi %iota3A, %add3A_774 : vector<16xi32>
    %sub3A_776 = vector.broadcast %squeeze3A_599 : i32 to vector<16xi32>
    %sub3A_777 = arith.subi %sub3A_776, %add3A_775 : vector<16xi32>
    %or3A_778 = arith.ori %sub3A_772, %sub3A_777 : vector<16xi32>
    %shift_right_arithmetic3A_779 = arith.constant 31 : i32
    %shift_right_arithmetic3A_780 = vector.broadcast %shift_right_arithmetic3A_779 : i32 to vector<16xi32>
    %shift_right_arithmetic3A_781 = arith.shrsi %or3A_778, %shift_right_arithmetic3A_780 : vector<16xi32>
    %add3A_782 = arith.constant 16 : i32
    %add3A_783 = vector.broadcast %add3A_782 : i32 to vector<16xi32>
    %add3A_784 = arith.addi %iota3A, %add3A_783 : vector<16xi32>
    %sub3A_785 = vector.broadcast %squeeze3A_591 : i32 to vector<16xi32>
    %sub3A_786 = arith.subi %add3A_784, %sub3A_785 : vector<16xi32>
    %add3A_787 = arith.constant 16 : i32
    %add3A_788 = vector.broadcast %add3A_787 : i32 to vector<16xi32>
    %add3A_789 = arith.addi %iota3A, %add3A_788 : vector<16xi32>
    %sub3A_790 = vector.broadcast %squeeze3A_599 : i32 to vector<16xi32>
    %sub3A_791 = arith.subi %sub3A_790, %add3A_789 : vector<16xi32>
    %or3A_792 = arith.ori %sub3A_786, %sub3A_791 : vector<16xi32>
    %shift_right_arithmetic3A_793 = arith.constant 31 : i32
    %shift_right_arithmetic3A_794 = vector.broadcast %shift_right_arithmetic3A_793 : i32 to vector<16xi32>
    %shift_right_arithmetic3A_795 = arith.shrsi %or3A_792, %shift_right_arithmetic3A_794 : vector<16xi32>
    %add3A_796 = arith.constant 32 : i32
    %add3A_797 = vector.broadcast %add3A_796 : i32 to vector<16xi32>
    %add3A_798 = arith.addi %iota3A, %add3A_797 : vector<16xi32>
    %sub3A_799 = vector.broadcast %squeeze3A_591 : i32 to vector<16xi32>
    %sub3A_800 = arith.subi %add3A_798, %sub3A_799 : vector<16xi32>
    %add3A_801 = arith.constant 32 : i32
    %add3A_802 = vector.broadcast %add3A_801 : i32 to vector<16xi32>
    %add3A_803 = arith.addi %iota3A, %add3A_802 : vector<16xi32>
    %sub3A_804 = vector.broadcast %squeeze3A_599 : i32 to vector<16xi32>
    %sub3A_805 = arith.subi %sub3A_804, %add3A_803 : vector<16xi32>
    %or3A_806 = arith.ori %sub3A_800, %sub3A_805 : vector<16xi32>
    %shift_right_arithmetic3A_807 = arith.constant 31 : i32
    %shift_right_arithmetic3A_808 = vector.broadcast %shift_right_arithmetic3A_807 : i32 to vector<16xi32>
    %shift_right_arithmetic3A_809 = arith.shrsi %or3A_806, %shift_right_arithmetic3A_808 : vector<16xi32>
    %add3A_810 = arith.constant 48 : i32
    %add3A_811 = vector.broadcast %add3A_810 : i32 to vector<16xi32>
    %add3A_812 = arith.addi %iota3A, %add3A_811 : vector<16xi32>
    %sub3A_813 = vector.broadcast %squeeze3A_591 : i32 to vector<16xi32>
    %sub3A_814 = arith.subi %add3A_812, %sub3A_813 : vector<16xi32>
    %add3A_815 = arith.constant 48 : i32
    %add3A_816 = vector.broadcast %add3A_815 : i32 to vector<16xi32>
    %add3A_817 = arith.addi %iota3A, %add3A_816 : vector<16xi32>
    %sub3A_818 = vector.broadcast %squeeze3A_599 : i32 to vector<16xi32>
    %sub3A_819 = arith.subi %sub3A_818, %add3A_817 : vector<16xi32>
    %or3A_820 = arith.ori %sub3A_814, %sub3A_819 : vector<16xi32>
    %shift_right_arithmetic3A_821 = arith.constant 31 : i32
    %shift_right_arithmetic3A_822 = vector.broadcast %shift_right_arithmetic3A_821 : i32 to vector<16xi32>
    %shift_right_arithmetic3A_823 = arith.shrsi %or3A_820, %shift_right_arithmetic3A_822 : vector<16xi32>
    %get3A_824 = arith.constant 3 : i32
    %get3A_825 = arith.index_cast %get3A_824 : i32 to index
    %get3A_826 = arith.constant 0 : index
    %get3A_827 = tpu.vector_load %arg5[%get3A_825, %get3A_826] {strides = array<i32>} : memref<8x16xi32, #tpu.memory_space<vmem>>, vector<16xi32>,
    %slice3A_828 = vector.extract_strided_slice %get3A_827 {offsets = [0], sizes = [1], strides = [1]} : vector<16xi32> to vector<1xi32>
    %squeeze3A_829 = vector.extract %slice3A_828[0] : i32 from vector<1xi32>
    %slice3A_830 = vector.extract_strided_slice %get3A_827 {offsets = [1], sizes = [1], strides = [1]} : vector<16xi32> to vector<1xi32>
    %squeeze3A_831 = vector.extract %slice3A_830[0] : i32 from vector<1xi32>
    %slice3A_832 = vector.extract_strided_slice %get3A_827 {offsets = [2], sizes = [1], strides = [1]} : vector<16xi32> to vector<1xi32>
    %squeeze3A_833 = vector.extract %slice3A_832[0] : i32 from vector<1xi32>
    %slice3A_834 = vector.extract_strided_slice %get3A_827 {offsets = [3], sizes = [1], strides = [1]} : vector<16xi32> to vector<1xi32>
    %squeeze3A_835 = vector.extract %slice3A_834[0] : i32 from vector<1xi32>
    %slice3A_836 = vector.extract_strided_slice %get3A_827 {offsets = [4], sizes = [1], strides = [1]} : vector<16xi32> to vector<1xi32>
    %squeeze3A_837 = vector.extract %slice3A_836[0] : i32 from vector<1xi32>
    %slice3A_838 = vector.extract_strided_slice %get3A_827 {offsets = [5], sizes = [1], strides = [1]} : vector<16xi32> to vector<1xi32>
    %squeeze3A_839 = vector.extract %slice3A_838[0] : i32 from vector<1xi32>
    %slice3A_840 = vector.extract_strided_slice %get3A_827 {offsets = [6], sizes = [1], strides = [1]} : vector<16xi32> to vector<1xi32>
    %squeeze3A_841 = vector.extract %slice3A_840[0] : i32 from vector<1xi32>
    %slice3A_842 = vector.extract_strided_slice %get3A_827 {offsets = [7], sizes = [1], strides = [1]} : vector<16xi32> to vector<1xi32>
    %squeeze3A_843 = vector.extract %slice3A_842[0] : i32 from vector<1xi32>
    %slice3A_844 = vector.extract_strided_slice %get3A_827 {offsets = [8], sizes = [1], strides = [1]} : vector<16xi32> to vector<1xi32>
    %squeeze3A_845 = vector.extract %slice3A_844[0] : i32 from vector<1xi32>
    %slice3A_846 = vector.extract_strided_slice %get3A_827 {offsets = [9], sizes = [1], strides = [1]} : vector<16xi32> to vector<1xi32>
    %squeeze3A_847 = vector.extract %slice3A_846[0] : i32 from vector<1xi32>
    %slice3A_848 = vector.extract_strided_slice %get3A_827 {offsets = [10], sizes = [1], strides = [1]} : vector<16xi32> to vector<1xi32>
    %squeeze3A_849 = vector.extract %slice3A_848[0] : i32 from vector<1xi32>
    %slice3A_850 = vector.extract_strided_slice %get3A_827 {offsets = [11], sizes = [1], strides = [1]} : vector<16xi32> to vector<1xi32>
    %squeeze3A_851 = vector.extract %slice3A_850[0] : i32 from vector<1xi32>
    %slice3A_852 = vector.extract_strided_slice %get3A_827 {offsets = [12], sizes = [1], strides = [1]} : vector<16xi32> to vector<1xi32>
    %squeeze3A_853 = vector.extract %slice3A_852[0] : i32 from vector<1xi32>
    %slice3A_854 = vector.extract_strided_slice %get3A_827 {offsets = [13], sizes = [1], strides = [1]} : vector<16xi32> to vector<1xi32>
    %squeeze3A_855 = vector.extract %slice3A_854[0] : i32 from vector<1xi32>
    %slice3A_856 = vector.extract_strided_slice %get3A_827 {offsets = [14], sizes = [1], strides = [1]} : vector<16xi32> to vector<1xi32>
    %squeeze3A_857 = vector.extract %slice3A_856[0] : i32 from vector<1xi32>
    %slice3A_858 = vector.extract_strided_slice %get3A_827 {offsets = [15], sizes = [1], strides = [1]} : vector<16xi32> to vector<1xi32>
    %squeeze3A_859 = vector.extract %slice3A_858[0] : i32 from vector<1xi32>
    %add3A_860 = arith.constant 0 : i32
    %add3A_861 = vector.broadcast %add3A_860 : i32 to vector<16xi32>
    %add3A_862 = arith.addi %iota3A, %add3A_861 : vector<16xi32>
    %sub3A_863 = vector.broadcast %squeeze3A_845 : i32 to vector<16xi32>
    %sub3A_864 = arith.subi %add3A_862, %sub3A_863 : vector<16xi32>
    %add3A_865 = arith.constant 0 : i32
    %add3A_866 = vector.broadcast %add3A_865 : i32 to vector<16xi32>
    %add3A_867 = arith.addi %iota3A, %add3A_866 : vector<16xi32>
    %sub3A_868 = vector.broadcast %squeeze3A_853 : i32 to vector<16xi32>
    %sub3A_869 = arith.subi %sub3A_868, %add3A_867 : vector<16xi32>
    %or3A_870 = arith.ori %sub3A_864, %sub3A_869 : vector<16xi32>
    %shift_right_arithmetic3A_871 = arith.constant 31 : i32
    %shift_right_arithmetic3A_872 = vector.broadcast %shift_right_arithmetic3A_871 : i32 to vector<16xi32>
    %shift_right_arithmetic3A_873 = arith.shrsi %or3A_870, %shift_right_arithmetic3A_872 : vector<16xi32>
    %add3A_874 = arith.constant 16 : i32
    %add3A_875 = vector.broadcast %add3A_874 : i32 to vector<16xi32>
    %add3A_876 = arith.addi %iota3A, %add3A_875 : vector<16xi32>
    %sub3A_877 = vector.broadcast %squeeze3A_845 : i32 to vector<16xi32>
    %sub3A_878 = arith.subi %add3A_876, %sub3A_877 : vector<16xi32>
    %add3A_879 = arith.constant 16 : i32
    %add3A_880 = vector.broadcast %add3A_879 : i32 to vector<16xi32>
    %add3A_881 = arith.addi %iota3A, %add3A_880 : vector<16xi32>
    %sub3A_882 = vector.broadcast %squeeze3A_853 : i32 to vector<16xi32>
    %sub3A_883 = arith.subi %sub3A_882, %add3A_881 : vector<16xi32>
    %or3A_884 = arith.ori %sub3A_878, %sub3A_883 : vector<16xi32>
    %shift_right_arithmetic3A_885 = arith.constant 31 : i32
    %shift_right_arithmetic3A_886 = vector.broadcast %shift_right_arithmetic3A_885 : i32 to vector<16xi32>
    %shift_right_arithmetic3A_887 = arith.shrsi %or3A_884, %shift_right_arithmetic3A_886 : vector<16xi32>
    %add3A_888 = arith.constant 32 : i32
    %add3A_889 = vector.broadcast %add3A_888 : i32 to vector<16xi32>
    %add3A_890 = arith.addi %iota3A, %add3A_889 : vector<16xi32>
    %sub3A_891 = vector.broadcast %squeeze3A_845 : i32 to vector<16xi32>
    %sub3A_892 = arith.subi %add3A_890, %sub3A_891 : vector<16xi32>
    %add3A_893 = arith.constant 32 : i32
    %add3A_894 = vector.broadcast %add3A_893 : i32 to vector<16xi32>
    %add3A_895 = arith.addi %iota3A, %add3A_894 : vector<16xi32>
    %sub3A_896 = vector.broadcast %squeeze3A_853 : i32 to vector<16xi32>
    %sub3A_897 = arith.subi %sub3A_896, %add3A_895 : vector<16xi32>
    %or3A_898 = arith.ori %sub3A_892, %sub3A_897 : vector<16xi32>
    %shift_right_arithmetic3A_899 = arith.constant 31 : i32
    %shift_right_arithmetic3A_900 = vector.broadcast %shift_right_arithmetic3A_899 : i32 to vector<16xi32>
    %shift_right_arithmetic3A_901 = arith.shrsi %or3A_898, %shift_right_arithmetic3A_900 : vector<16xi32>
    %add3A_902 = arith.constant 48 : i32
    %add3A_903 = vector.broadcast %add3A_902 : i32 to vector<16xi32>
    %add3A_904 = arith.addi %iota3A, %add3A_903 : vector<16xi32>
    %sub3A_905 = vector.broadcast %squeeze3A_845 : i32 to vector<16xi32>
    %sub3A_906 = arith.subi %add3A_904, %sub3A_905 : vector<16xi32>
    %add3A_907 = arith.constant 48 : i32
    %add3A_908 = vector.broadcast %add3A_907 : i32 to vector<16xi32>
    %add3A_909 = arith.addi %iota3A, %add3A_908 : vector<16xi32>
    %sub3A_910 = vector.broadcast %squeeze3A_853 : i32 to vector<16xi32>
    %sub3A_911 = arith.subi %sub3A_910, %add3A_909 : vector<16xi32>
    %or3A_912 = arith.ori %sub3A_906, %sub3A_911 : vector<16xi32>
    %shift_right_arithmetic3A_913 = arith.constant 31 : i32
    %shift_right_arithmetic3A_914 = vector.broadcast %shift_right_arithmetic3A_913 : i32 to vector<16xi32>
    %shift_right_arithmetic3A_915 = arith.shrsi %or3A_912, %shift_right_arithmetic3A_914 : vector<16xi32>
    %add3A_916 = arith.constant 0 : i32
    %add3A_917 = vector.broadcast %add3A_916 : i32 to vector<16xi32>
    %add3A_918 = arith.addi %iota3A, %add3A_917 : vector<16xi32>
    %sub3A_919 = vector.broadcast %squeeze3A_847 : i32 to vector<16xi32>
    %sub3A_920 = arith.subi %add3A_918, %sub3A_919 : vector<16xi32>
    %add3A_921 = arith.constant 0 : i32
    %add3A_922 = vector.broadcast %add3A_921 : i32 to vector<16xi32>
    %add3A_923 = arith.addi %iota3A, %add3A_922 : vector<16xi32>
    %sub3A_924 = vector.broadcast %squeeze3A_855 : i32 to vector<16xi32>
    %sub3A_925 = arith.subi %sub3A_924, %add3A_923 : vector<16xi32>
    %or3A_926 = arith.ori %sub3A_920, %sub3A_925 : vector<16xi32>
    %shift_right_arithmetic3A_927 = arith.constant 31 : i32
    %shift_right_arithmetic3A_928 = vector.broadcast %shift_right_arithmetic3A_927 : i32 to vector<16xi32>
    %shift_right_arithmetic3A_929 = arith.shrsi %or3A_926, %shift_right_arithmetic3A_928 : vector<16xi32>
    %add3A_930 = arith.constant 16 : i32
    %add3A_931 = vector.broadcast %add3A_930 : i32 to vector<16xi32>
    %add3A_932 = arith.addi %iota3A, %add3A_931 : vector<16xi32>
    %sub3A_933 = vector.broadcast %squeeze3A_847 : i32 to vector<16xi32>
    %sub3A_934 = arith.subi %add3A_932, %sub3A_933 : vector<16xi32>
    %add3A_935 = arith.constant 16 : i32
    %add3A_936 = vector.broadcast %add3A_935 : i32 to vector<16xi32>
    %add3A_937 = arith.addi %iota3A, %add3A_936 : vector<16xi32>
    %sub3A_938 = vector.broadcast %squeeze3A_855 : i32 to vector<16xi32>
    %sub3A_939 = arith.subi %sub3A_938, %add3A_937 : vector<16xi32>
    %or3A_940 = arith.ori %sub3A_934, %sub3A_939 : vector<16xi32>
    %shift_right_arithmetic3A_941 = arith.constant 31 : i32
    %shift_right_arithmetic3A_942 = vector.broadcast %shift_right_arithmetic3A_941 : i32 to vector<16xi32>
    %shift_right_arithmetic3A_943 = arith.shrsi %or3A_940, %shift_right_arithmetic3A_942 : vector<16xi32>
    %add3A_944 = arith.constant 32 : i32
    %add3A_945 = vector.broadcast %add3A_944 : i32 to vector<16xi32>
    %add3A_946 = arith.addi %iota3A, %add3A_945 : vector<16xi32>
    %sub3A_947 = vector.broadcast %squeeze3A_847 : i32 to vector<16xi32>
    %sub3A_948 = arith.subi %add3A_946, %sub3A_947 : vector<16xi32>
    %add3A_949 = arith.constant 32 : i32
    %add3A_950 = vector.broadcast %add3A_949 : i32 to vector<16xi32>
    %add3A_951 = arith.addi %iota3A, %add3A_950 : vector<16xi32>
    %sub3A_952 = vector.broadcast %squeeze3A_855 : i32 to vector<16xi32>
    %sub3A_953 = arith.subi %sub3A_952, %add3A_951 : vector<16xi32>
    %or3A_954 = arith.ori %sub3A_948, %sub3A_953 : vector<16xi32>
    %shift_right_arithmetic3A_955 = arith.constant 31 : i32
    %shift_right_arithmetic3A_956 = vector.broadcast %shift_right_arithmetic3A_955 : i32 to vector<16xi32>
    %shift_right_arithmetic3A_957 = arith.shrsi %or3A_954, %shift_right_arithmetic3A_956 : vector<16xi32>
    %add3A_958 = arith.constant 48 : i32
    %add3A_959 = vector.broadcast %add3A_958 : i32 to vector<16xi32>
    %add3A_960 = arith.addi %iota3A, %add3A_959 : vector<16xi32>
    %sub3A_961 = vector.broadcast %squeeze3A_847 : i32 to vector<16xi32>
    %sub3A_962 = arith.subi %add3A_960, %sub3A_961 : vector<16xi32>
    %add3A_963 = arith.constant 48 : i32
    %add3A_964 = vector.broadcast %add3A_963 : i32 to vector<16xi32>
    %add3A_965 = arith.addi %iota3A, %add3A_964 : vector<16xi32>
    %sub3A_966 = vector.broadcast %squeeze3A_855 : i32 to vector<16xi32>
    %sub3A_967 = arith.subi %sub3A_966, %add3A_965 : vector<16xi32>
    %or3A_968 = arith.ori %sub3A_962, %sub3A_967 : vector<16xi32>
    %shift_right_arithmetic3A_969 = arith.constant 31 : i32
    %shift_right_arithmetic3A_970 = vector.broadcast %shift_right_arithmetic3A_969 : i32 to vector<16xi32>
    %shift_right_arithmetic3A_971 = arith.shrsi %or3A_968, %shift_right_arithmetic3A_970 : vector<16xi32>
    %add3A_972 = arith.constant 0 : i32
    %add3A_973 = vector.broadcast %add3A_972 : i32 to vector<16xi32>
    %add3A_974 = arith.addi %iota3A, %add3A_973 : vector<16xi32>
    %sub3A_975 = vector.broadcast %squeeze3A_849 : i32 to vector<16xi32>
    %sub3A_976 = arith.subi %add3A_974, %sub3A_975 : vector<16xi32>
    %add3A_977 = arith.constant 0 : i32
    %add3A_978 = vector.broadcast %add3A_977 : i32 to vector<16xi32>
    %add3A_979 = arith.addi %iota3A, %add3A_978 : vector<16xi32>
    %sub3A_980 = vector.broadcast %squeeze3A_857 : i32 to vector<16xi32>
    %sub3A_981 = arith.subi %sub3A_980, %add3A_979 : vector<16xi32>
    %or3A_982 = arith.ori %sub3A_976, %sub3A_981 : vector<16xi32>
    %shift_right_arithmetic3A_983 = arith.constant 31 : i32
    %shift_right_arithmetic3A_984 = vector.broadcast %shift_right_arithmetic3A_983 : i32 to vector<16xi32>
    %shift_right_arithmetic3A_985 = arith.shrsi %or3A_982, %shift_right_arithmetic3A_984 : vector<16xi32>
    %add3A_986 = arith.constant 16 : i32
    %add3A_987 = vector.broadcast %add3A_986 : i32 to vector<16xi32>
    %add3A_988 = arith.addi %iota3A, %add3A_987 : vector<16xi32>
    %sub3A_989 = vector.broadcast %squeeze3A_849 : i32 to vector<16xi32>
    %sub3A_990 = arith.subi %add3A_988, %sub3A_989 : vector<16xi32>
    %add3A_991 = arith.constant 16 : i32
    %add3A_992 = vector.broadcast %add3A_991 : i32 to vector<16xi32>
    %add3A_993 = arith.addi %iota3A, %add3A_992 : vector<16xi32>
    %sub3A_994 = vector.broadcast %squeeze3A_857 : i32 to vector<16xi32>
    %sub3A_995 = arith.subi %sub3A_994, %add3A_993 : vector<16xi32>
    %or3A_996 = arith.ori %sub3A_990, %sub3A_995 : vector<16xi32>
    %shift_right_arithmetic3A_997 = arith.constant 31 : i32
    %shift_right_arithmetic3A_998 = vector.broadcast %shift_right_arithmetic3A_997 : i32 to vector<16xi32>
    %shift_right_arithmetic3A_999 = arith.shrsi %or3A_996, %shift_right_arithmetic3A_998 : vector<16xi32>
    %add3A_1000 = arith.constant 32 : i32
    %add3A_1001 = vector.broadcast %add3A_1000 : i32 to vector<16xi32>
    %add3A_1002 = arith.addi %iota3A, %add3A_1001 : vector<16xi32>
    %sub3A_1003 = vector.broadcast %squeeze3A_849 : i32 to vector<16xi32>
    %sub3A_1004 = arith.subi %add3A_1002, %sub3A_1003 : vector<16xi32>
    %add3A_1005 = arith.constant 32 : i32
    %add3A_1006 = vector.broadcast %add3A_1005 : i32 to vector<16xi32>
    %add3A_1007 = arith.addi %iota3A, %add3A_1006 : vector<16xi32>
    %sub3A_1008 = vector.broadcast %squeeze3A_857 : i32 to vector<16xi32>
    %sub3A_1009 = arith.subi %sub3A_1008, %add3A_1007 : vector<16xi32>
    %or3A_1010 = arith.ori %sub3A_1004, %sub3A_1009 : vector<16xi32>
    %shift_right_arithmetic3A_1011 = arith.constant 31 : i32
    %shift_right_arithmetic3A_1012 = vector.broadcast %shift_right_arithmetic3A_1011 : i32 to vector<16xi32>
    %shift_right_arithmetic3A_1013 = arith.shrsi %or3A_1010, %shift_right_arithmetic3A_1012 : vector<16xi32>
    %add3A_1014 = arith.constant 48 : i32
    %add3A_1015 = vector.broadcast %add3A_1014 : i32 to vector<16xi32>
    %add3A_1016 = arith.addi %iota3A, %add3A_1015 : vector<16xi32>
    %sub3A_1017 = vector.broadcast %squeeze3A_849 : i32 to vector<16xi32>
    %sub3A_1018 = arith.subi %add3A_1016, %sub3A_1017 : vector<16xi32>
    %add3A_1019 = arith.constant 48 : i32
    %add3A_1020 = vector.broadcast %add3A_1019 : i32 to vector<16xi32>
    %add3A_1021 = arith.addi %iota3A, %add3A_1020 : vector<16xi32>
    %sub3A_1022 = vector.broadcast %squeeze3A_857 : i32 to vector<16xi32>
    %sub3A_1023 = arith.subi %sub3A_1022, %add3A_1021 : vector<16xi32>
    %or3A_1024 = arith.ori %sub3A_1018, %sub3A_1023 : vector<16xi32>
    %shift_right_arithmetic3A_1025 = arith.constant 31 : i32
    %shift_right_arithmetic3A_1026 = vector.broadcast %shift_right_arithmetic3A_1025 : i32 to vector<16xi32>
    %shift_right_arithmetic3A_1027 = arith.shrsi %or3A_1024, %shift_right_arithmetic3A_1026 : vector<16xi32>
    %add3A_1028 = arith.constant 0 : i32
    %add3A_1029 = vector.broadcast %add3A_1028 : i32 to vector<16xi32>
    %add3A_1030 = arith.addi %iota3A, %add3A_1029 : vector<16xi32>
    %sub3A_1031 = vector.broadcast %squeeze3A_851 : i32 to vector<16xi32>
    %sub3A_1032 = arith.subi %add3A_1030, %sub3A_1031 : vector<16xi32>
    %add3A_1033 = arith.constant 0 : i32
    %add3A_1034 = vector.broadcast %add3A_1033 : i32 to vector<16xi32>
    %add3A_1035 = arith.addi %iota3A, %add3A_1034 : vector<16xi32>
    %sub3A_1036 = vector.broadcast %squeeze3A_859 : i32 to vector<16xi32>
    %sub3A_1037 = arith.subi %sub3A_1036, %add3A_1035 : vector<16xi32>
    %or3A_1038 = arith.ori %sub3A_1032, %sub3A_1037 : vector<16xi32>
    %shift_right_arithmetic3A_1039 = arith.constant 31 : i32
    %shift_right_arithmetic3A_1040 = vector.broadcast %shift_right_arithmetic3A_1039 : i32 to vector<16xi32>
    %shift_right_arithmetic3A_1041 = arith.shrsi %or3A_1038, %shift_right_arithmetic3A_1040 : vector<16xi32>
    %add3A_1042 = arith.constant 16 : i32
    %add3A_1043 = vector.broadcast %add3A_1042 : i32 to vector<16xi32>
    %add3A_1044 = arith.addi %iota3A, %add3A_1043 : vector<16xi32>
    %sub3A_1045 = vector.broadcast %squeeze3A_851 : i32 to vector<16xi32>
    %sub3A_1046 = arith.subi %add3A_1044, %sub3A_1045 : vector<16xi32>
    %add3A_1047 = arith.constant 16 : i32
    %add3A_1048 = vector.broadcast %add3A_1047 : i32 to vector<16xi32>
    %add3A_1049 = arith.addi %iota3A, %add3A_1048 : vector<16xi32>
    %sub3A_1050 = vector.broadcast %squeeze3A_859 : i32 to vector<16xi32>
    %sub3A_1051 = arith.subi %sub3A_1050, %add3A_1049 : vector<16xi32>
    %or3A_1052 = arith.ori %sub3A_1046, %sub3A_1051 : vector<16xi32>
    %shift_right_arithmetic3A_1053 = arith.constant 31 : i32
    %shift_right_arithmetic3A_1054 = vector.broadcast %shift_right_arithmetic3A_1053 : i32 to vector<16xi32>
    %shift_right_arithmetic3A_1055 = arith.shrsi %or3A_1052, %shift_right_arithmetic3A_1054 : vector<16xi32>
    %add3A_1056 = arith.constant 32 : i32
    %add3A_1057 = vector.broadcast %add3A_1056 : i32 to vector<16xi32>
    %add3A_1058 = arith.addi %iota3A, %add3A_1057 : vector<16xi32>
    %sub3A_1059 = vector.broadcast %squeeze3A_851 : i32 to vector<16xi32>
    %sub3A_1060 = arith.subi %add3A_1058, %sub3A_1059 : vector<16xi32>
    %add3A_1061 = arith.constant 32 : i32
    %add3A_1062 = vector.broadcast %add3A_1061 : i32 to vector<16xi32>
    %add3A_1063 = arith.addi %iota3A, %add3A_1062 : vector<16xi32>
    %sub3A_1064 = vector.broadcast %squeeze3A_859 : i32 to vector<16xi32>
    %sub3A_1065 = arith.subi %sub3A_1064, %add3A_1063 : vector<16xi32>
    %or3A_1066 = arith.ori %sub3A_1060, %sub3A_1065 : vector<16xi32>
    %shift_right_arithmetic3A_1067 = arith.constant 31 : i32
    %shift_right_arithmetic3A_1068 = vector.broadcast %shift_right_arithmetic3A_1067 : i32 to vector<16xi32>
    %shift_right_arithmetic3A_1069 = arith.shrsi %or3A_1066, %shift_right_arithmetic3A_1068 : vector<16xi32>
    %add3A_1070 = arith.constant 48 : i32
    %add3A_1071 = vector.broadcast %add3A_1070 : i32 to vector<16xi32>
    %add3A_1072 = arith.addi %iota3A, %add3A_1071 : vector<16xi32>
    %sub3A_1073 = vector.broadcast %squeeze3A_851 : i32 to vector<16xi32>
    %sub3A_1074 = arith.subi %add3A_1072, %sub3A_1073 : vector<16xi32>
    %add3A_1075 = arith.constant 48 : i32
    %add3A_1076 = vector.broadcast %add3A_1075 : i32 to vector<16xi32>
    %add3A_1077 = arith.addi %iota3A, %add3A_1076 : vector<16xi32>
    %sub3A_1078 = vector.broadcast %squeeze3A_859 : i32 to vector<16xi32>
    %sub3A_1079 = arith.subi %sub3A_1078, %add3A_1077 : vector<16xi32>
    %or3A_1080 = arith.ori %sub3A_1074, %sub3A_1079 : vector<16xi32>
    %shift_right_arithmetic3A_1081 = arith.constant 31 : i32
    %shift_right_arithmetic3A_1082 = vector.broadcast %shift_right_arithmetic3A_1081 : i32 to vector<16xi32>
    %shift_right_arithmetic3A_1083 = arith.shrsi %or3A_1080, %shift_right_arithmetic3A_1082 : vector<16xi32>
    %scan3A_1084 = arith.constant 0 : i32
    %scan3A_1085 = arith.constant 0 : i32
    %scan3A_1086 = arith.constant 0 : i32
    %scan3A_1087 = arith.constant 64 : i32
    %scan3A_1088 = arith.addi %scan3A_1086, %scan3A_1087 : i32
    %scan3A_1089 = arith.constant 1 : i32
    %scan3A_1090:2 = scf.for %scan3A_2395 = %scan3A_1086 to %scan3A_1088 step %scan3A_1089 iter_args(%scan3A_2396 = %scan3A_1084, %scan3A_2397 = %scan3A_1085) -> (i32, i32)  : i32 {
      %sub3A_2398 = arith.subi %scan3A_2395, %squeeze3A_569 : i32
      %sub3A_2399 = arith.subi %squeeze3A_577, %scan3A_2395 : i32
      %or3A_2400 = arith.ori %sub3A_2398, %sub3A_2399 : i32
      %shift_right_arithmetic3A_2401 = arith.constant 31 : i32
      %shift_right_arithmetic3A_2402 = arith.shrsi %or3A_2400, %shift_right_arithmetic3A_2401 : i32
      %sub3A_2403 = arith.subi %scan3A_2395, %squeeze3A_571 : i32
      %sub3A_2404 = arith.subi %squeeze3A_579, %scan3A_2395 : i32
      %or3A_2405 = arith.ori %sub3A_2403, %sub3A_2404 : i32
      %shift_right_arithmetic3A_2406 = arith.constant 31 : i32
      %shift_right_arithmetic3A_2407 = arith.shrsi %or3A_2405, %shift_right_arithmetic3A_2406 : i32
      %sub3A_2408 = arith.subi %scan3A_2395, %squeeze3A_573 : i32
      %sub3A_2409 = arith.subi %squeeze3A_581, %scan3A_2395 : i32
      %or3A_2410 = arith.ori %sub3A_2408, %sub3A_2409 : i32
      %shift_right_arithmetic3A_2411 = arith.constant 31 : i32
      %shift_right_arithmetic3A_2412 = arith.shrsi %or3A_2410, %shift_right_arithmetic3A_2411 : i32
      %sub3A_2413 = arith.subi %scan3A_2395, %squeeze3A_575 : i32
      %sub3A_2414 = arith.subi %squeeze3A_583, %scan3A_2395 : i32
      %or3A_2415 = arith.ori %sub3A_2413, %sub3A_2414 : i32
      %shift_right_arithmetic3A_2416 = arith.constant 31 : i32
      %shift_right_arithmetic3A_2417 = arith.shrsi %or3A_2415, %shift_right_arithmetic3A_2416 : i32
      %mul3A_2418 = arith.constant 64 : i32
      %mul3A_2419 = arith.muli %scan3A_2395, %mul3A_2418 : i32
      %add3A_2420 = arith.constant 0 : i32
      %add3A_2421 = arith.addi %mul3A_2419, %add3A_2420 : i32
      %or3A_2422 = vector.broadcast %shift_right_arithmetic3A_2402 : i32 to vector<16xi32>
      %or3A_2423 = arith.ori %or3A_2422, %shift_right_arithmetic3A_613 : vector<16xi32>
      %or3A_2424 = vector.broadcast %shift_right_arithmetic3A_2407 : i32 to vector<16xi32>
      %or3A_2425 = arith.ori %or3A_2424, %shift_right_arithmetic3A_669 : vector<16xi32>
      %and3A = arith.andi %or3A_2423, %or3A_2425 : vector<16xi32>
      %or3A_2426 = vector.broadcast %shift_right_arithmetic3A_2412 : i32 to vector<16xi32>
      %or3A_2427 = arith.ori %or3A_2426, %shift_right_arithmetic3A_725 : vector<16xi32>
      %and3A_2428 = arith.andi %and3A, %or3A_2427 : vector<16xi32>
      %or3A_2429 = vector.broadcast %shift_right_arithmetic3A_2417 : i32 to vector<16xi32>
      %or3A_2430 = arith.ori %or3A_2429, %shift_right_arithmetic3A_781 : vector<16xi32>
      %and3A_2431 = arith.andi %and3A_2428, %or3A_2430 : vector<16xi32>
      %add3A_2432 = arith.constant 1 : i32
      %add3A_2433 = vector.broadcast %add3A_2432 : i32 to vector<16xi32>
      %add3A_2434 = arith.addi %and3A_2431, %add3A_2433 : vector<16xi32>
      %swap3A = arith.index_cast %add3A_2421 : i32 to index
      %swap3A_2435 = tpu.vector_load %arg8[%swap3A] {strides = array<i32>} : memref<4096xi32, #tpu.memory_space<vmem>>, vector<16xi32>,
      tpu.vector_store %arg8[%swap3A], %add3A_2434 {strides = array<i32>} : memref<4096xi32, #tpu.memory_space<vmem>>, vector<16xi32>,
      %swap3A_2436 = arith.index_cast %add3A_2421 : i32 to index
      %swap3A_2437 = tpu.vector_load %arg16[%swap3A_2436] {strides = array<i32>} : memref<4112xi32, #tpu.memory_space<vmem>>, vector<16xi32>,
      tpu.vector_store %arg16[%swap3A_2436], %broadcast_in_dim3A_1 {strides = array<i32>} : memref<4112xi32, #tpu.memory_space<vmem>>, vector<16xi32>,
      %add3A_2438 = vector.broadcast %add3A_2421 : i32 to vector<16xi32>
      %add3A_2439 = arith.addi %iota3A, %add3A_2438 : vector<16xi32>
      %gt3A = arith.constant 0 : i32
      %gt3A_2440 = vector.broadcast %gt3A : i32 to vector<16xi32>
      %gt3A_2441 = arith.cmpi sgt, %add3A_2434, %gt3A_2440 : vector<16xi32>
      %swap3A_2442 = arith.index_cast %scan3A_2396 : i32 to index
      %swap3A_2443 = tpu.vector_load %arg16[%swap3A_2442] masked %gt3A_2441 {strides = array<i32>} : memref<4112xi32, #tpu.memory_space<vmem>>, vector<16xi32>, vector<16xi1>
      tpu.vector_store %arg16[%swap3A_2442], %add3A_2439 masked %gt3A_2441 {strides = array<i32>} : memref<4112xi32, #tpu.memory_space<vmem>>, vector<16xi32>, vector<16xi1>
      %gt3A_2444 = arith.constant 0 : i32
      %gt3A_2445 = vector.broadcast %gt3A_2444 : i32 to vector<16xi32>
      %gt3A_2446 = arith.cmpi sgt, %add3A_2434, %gt3A_2445 : vector<16xi32>
      %all_reduce_population_count3A = tpu.all_reduce %gt3A_2446 {dim = 0 : i64, kind = #tpu.reduction_kind<sum>} : vector<16xi1> -> vector<16xi32>
      %slice3A_2447 = vector.extract_strided_slice %all_reduce_population_count3A {offsets = [0], sizes = [1], strides = [1]} : vector<16xi32> to vector<1xi32>
      %squeeze3A_2448 = vector.extract %slice3A_2447[0] : i32 from vector<1xi32>
      %add3A_2449 = arith.addi %scan3A_2396, %squeeze3A_2448 : i32
      %mul3A_2450 = arith.constant 64 : i32
      %mul3A_2451 = arith.muli %scan3A_2395, %mul3A_2450 : i32
      %add3A_2452 = arith.constant 16 : i32
      %add3A_2453 = arith.addi %mul3A_2451, %add3A_2452 : i32
      %or3A_2454 = vector.broadcast %shift_right_arithmetic3A_2402 : i32 to vector<16xi32>
      %or3A_2455 = arith.ori %or3A_2454, %shift_right_arithmetic3A_627 : vector<16xi32>
      %or3A_2456 = vector.broadcast %shift_right_arithmetic3A_2407 : i32 to vector<16xi32>
      %or3A_2457 = arith.ori %or3A_2456, %shift_right_arithmetic3A_683 : vector<16xi32>
      %and3A_2458 = arith.andi %or3A_2455, %or3A_2457 : vector<16xi32>
      %or3A_2459 = vector.broadcast %shift_right_arithmetic3A_2412 : i32 to vector<16xi32>
      %or3A_2460 = arith.ori %or3A_2459, %shift_right_arithmetic3A_739 : vector<16xi32>
      %and3A_2461 = arith.andi %and3A_2458, %or3A_2460 : vector<16xi32>
      %or3A_2462 = vector.broadcast %shift_right_arithmetic3A_2417 : i32 to vector<16xi32>
      %or3A_2463 = arith.ori %or3A_2462, %shift_right_arithmetic3A_795 : vector<16xi32>
      %and3A_2464 = arith.andi %and3A_2461, %or3A_2463 : vector<16xi32>
      %add3A_2465 = arith.constant 1 : i32
      %add3A_2466 = vector.broadcast %add3A_2465 : i32 to vector<16xi32>
      %add3A_2467 = arith.addi %and3A_2464, %add3A_2466 : vector<16xi32>
      %swap3A_2468 = arith.index_cast %add3A_2453 : i32 to index
      %swap3A_2469 = tpu.vector_load %arg8[%swap3A_2468] {strides = array<i32>} : memref<4096xi32, #tpu.memory_space<vmem>>, vector<16xi32>,
      tpu.vector_store %arg8[%swap3A_2468], %add3A_2467 {strides = array<i32>} : memref<4096xi32, #tpu.memory_space<vmem>>, vector<16xi32>,
      %swap3A_2470 = arith.index_cast %add3A_2453 : i32 to index
      %swap3A_2471 = tpu.vector_load %arg16[%swap3A_2470] {strides = array<i32>} : memref<4112xi32, #tpu.memory_space<vmem>>, vector<16xi32>,
      tpu.vector_store %arg16[%swap3A_2470], %broadcast_in_dim3A_1 {strides = array<i32>} : memref<4112xi32, #tpu.memory_space<vmem>>, vector<16xi32>,
      %add3A_2472 = vector.broadcast %add3A_2453 : i32 to vector<16xi32>
      %add3A_2473 = arith.addi %iota3A, %add3A_2472 : vector<16xi32>
      %gt3A_2474 = arith.constant 0 : i32
      %gt3A_2475 = vector.broadcast %gt3A_2474 : i32 to vector<16xi32>
      %gt3A_2476 = arith.cmpi sgt, %add3A_2467, %gt3A_2475 : vector<16xi32>
      %swap3A_2477 = arith.index_cast %add3A_2449 : i32 to index
      %swap3A_2478 = tpu.vector_load %arg16[%swap3A_2477] masked %gt3A_2476 {strides = array<i32>} : memref<4112xi32, #tpu.memory_space<vmem>>, vector<16xi32>, vector<16xi1>
      tpu.vector_store %arg16[%swap3A_2477], %add3A_2473 masked %gt3A_2476 {strides = array<i32>} : memref<4112xi32, #tpu.memory_space<vmem>>, vector<16xi32>, vector<16xi1>
      %gt3A_2479 = arith.constant 0 : i32
      %gt3A_2480 = vector.broadcast %gt3A_2479 : i32 to vector<16xi32>
      %gt3A_2481 = arith.cmpi sgt, %add3A_2467, %gt3A_2480 : vector<16xi32>
      %all_reduce_population_count3A_2482 = tpu.all_reduce %gt3A_2481 {dim = 0 : i64, kind = #tpu.reduction_kind<sum>} : vector<16xi1> -> vector<16xi32>
      %slice3A_2483 = vector.extract_strided_slice %all_reduce_population_count3A_2482 {offsets = [0], sizes = [1], strides = [1]} : vector<16xi32> to vector<1xi32>
      %squeeze3A_2484 = vector.extract %slice3A_2483[0] : i32 from vector<1xi32>
      %add3A_2485 = arith.addi %add3A_2449, %squeeze3A_2484 : i32
      %mul3A_2486 = arith.constant 64 : i32
      %mul3A_2487 = arith.muli %scan3A_2395, %mul3A_2486 : i32
      %add3A_2488 = arith.constant 32 : i32
      %add3A_2489 = arith.addi %mul3A_2487, %add3A_2488 : i32
      %or3A_2490 = vector.broadcast %shift_right_arithmetic3A_2402 : i32 to vector<16xi32>
      %or3A_2491 = arith.ori %or3A_2490, %shift_right_arithmetic3A_641 : vector<16xi32>
      %or3A_2492 = vector.broadcast %shift_right_arithmetic3A_2407 : i32 to vector<16xi32>
      %or3A_2493 = arith.ori %or3A_2492, %shift_right_arithmetic3A_697 : vector<16xi32>
      %and3A_2494 = arith.andi %or3A_2491, %or3A_2493 : vector<16xi32>
      %or3A_2495 = vector.broadcast %shift_right_arithmetic3A_2412 : i32 to vector<16xi32>
      %or3A_2496 = arith.ori %or3A_2495, %shift_right_arithmetic3A_753 : vector<16xi32>
      %and3A_2497 = arith.andi %and3A_2494, %or3A_2496 : vector<16xi32>
      %or3A_2498 = vector.broadcast %shift_right_arithmetic3A_2417 : i32 to vector<16xi32>
      %or3A_2499 = arith.ori %or3A_2498, %shift_right_arithmetic3A_809 : vector<16xi32>
      %and3A_2500 = arith.andi %and3A_2497, %or3A_2499 : vector<16xi32>
      %add3A_2501 = arith.constant 1 : i32
      %add3A_2502 = vector.broadcast %add3A_2501 : i32 to vector<16xi32>
      %add3A_2503 = arith.addi %and3A_2500, %add3A_2502 : vector<16xi32>
      %swap3A_2504 = arith.index_cast %add3A_2489 : i32 to index
      %swap3A_2505 = tpu.vector_load %arg8[%swap3A_2504] {strides = array<i32>} : memref<4096xi32, #tpu.memory_space<vmem>>, vector<16xi32>,
      tpu.vector_store %arg8[%swap3A_2504], %add3A_2503 {strides = array<i32>} : memref<4096xi32, #tpu.memory_space<vmem>>, vector<16xi32>,
      %swap3A_2506 = arith.index_cast %add3A_2489 : i32 to index
      %swap3A_2507 = tpu.vector_load %arg16[%swap3A_2506] {strides = array<i32>} : memref<4112xi32, #tpu.memory_space<vmem>>, vector<16xi32>,
      tpu.vector_store %arg16[%swap3A_2506], %broadcast_in_dim3A_1 {strides = array<i32>} : memref<4112xi32, #tpu.memory_space<vmem>>, vector<16xi32>,
      %add3A_2508 = vector.broadcast %add3A_2489 : i32 to vector<16xi32>
      %add3A_2509 = arith.addi %iota3A, %add3A_2508 : vector<16xi32>
      %gt3A_2510 = arith.constant 0 : i32
      %gt3A_2511 = vector.broadcast %gt3A_2510 : i32 to vector<16xi32>
      %gt3A_2512 = arith.cmpi sgt, %add3A_2503, %gt3A_2511 : vector<16xi32>
      %swap3A_2513 = arith.index_cast %add3A_2485 : i32 to index
      %swap3A_2514 = tpu.vector_load %arg16[%swap3A_2513] masked %gt3A_2512 {strides = array<i32>} : memref<4112xi32, #tpu.memory_space<vmem>>, vector<16xi32>, vector<16xi1>
      tpu.vector_store %arg16[%swap3A_2513], %add3A_2509 masked %gt3A_2512 {strides = array<i32>} : memref<4112xi32, #tpu.memory_space<vmem>>, vector<16xi32>, vector<16xi1>
      %gt3A_2515 = arith.constant 0 : i32
      %gt3A_2516 = vector.broadcast %gt3A_2515 : i32 to vector<16xi32>
      %gt3A_2517 = arith.cmpi sgt, %add3A_2503, %gt3A_2516 : vector<16xi32>
      %all_reduce_population_count3A_2518 = tpu.all_reduce %gt3A_2517 {dim = 0 : i64, kind = #tpu.reduction_kind<sum>} : vector<16xi1> -> vector<16xi32>
      %slice3A_2519 = vector.extract_strided_slice %all_reduce_population_count3A_2518 {offsets = [0], sizes = [1], strides = [1]} : vector<16xi32> to vector<1xi32>
      %squeeze3A_2520 = vector.extract %slice3A_2519[0] : i32 from vector<1xi32>
      %add3A_2521 = arith.addi %add3A_2485, %squeeze3A_2520 : i32
      %mul3A_2522 = arith.constant 64 : i32
      %mul3A_2523 = arith.muli %scan3A_2395, %mul3A_2522 : i32
      %add3A_2524 = arith.constant 48 : i32
      %add3A_2525 = arith.addi %mul3A_2523, %add3A_2524 : i32
      %or3A_2526 = vector.broadcast %shift_right_arithmetic3A_2402 : i32 to vector<16xi32>
      %or3A_2527 = arith.ori %or3A_2526, %shift_right_arithmetic3A_655 : vector<16xi32>
      %or3A_2528 = vector.broadcast %shift_right_arithmetic3A_2407 : i32 to vector<16xi32>
      %or3A_2529 = arith.ori %or3A_2528, %shift_right_arithmetic3A_711 : vector<16xi32>
      %and3A_2530 = arith.andi %or3A_2527, %or3A_2529 : vector<16xi32>
      %or3A_2531 = vector.broadcast %shift_right_arithmetic3A_2412 : i32 to vector<16xi32>
      %or3A_2532 = arith.ori %or3A_2531, %shift_right_arithmetic3A_767 : vector<16xi32>
      %and3A_2533 = arith.andi %and3A_2530, %or3A_2532 : vector<16xi32>
      %or3A_2534 = vector.broadcast %shift_right_arithmetic3A_2417 : i32 to vector<16xi32>
      %or3A_2535 = arith.ori %or3A_2534, %shift_right_arithmetic3A_823 : vector<16xi32>
      %and3A_2536 = arith.andi %and3A_2533, %or3A_2535 : vector<16xi32>
      %add3A_2537 = arith.constant 1 : i32
      %add3A_2538 = vector.broadcast %add3A_2537 : i32 to vector<16xi32>
      %add3A_2539 = arith.addi %and3A_2536, %add3A_2538 : vector<16xi32>
      %swap3A_2540 = arith.index_cast %add3A_2525 : i32 to index
      %swap3A_2541 = tpu.vector_load %arg8[%swap3A_2540] {strides = array<i32>} : memref<4096xi32, #tpu.memory_space<vmem>>, vector<16xi32>,
      tpu.vector_store %arg8[%swap3A_2540], %add3A_2539 {strides = array<i32>} : memref<4096xi32, #tpu.memory_space<vmem>>, vector<16xi32>,
      %swap3A_2542 = arith.index_cast %add3A_2525 : i32 to index
      %swap3A_2543 = tpu.vector_load %arg16[%swap3A_2542] {strides = array<i32>} : memref<4112xi32, #tpu.memory_space<vmem>>, vector<16xi32>,
      tpu.vector_store %arg16[%swap3A_2542], %broadcast_in_dim3A_1 {strides = array<i32>} : memref<4112xi32, #tpu.memory_space<vmem>>, vector<16xi32>,
      %add3A_2544 = vector.broadcast %add3A_2525 : i32 to vector<16xi32>
      %add3A_2545 = arith.addi %iota3A, %add3A_2544 : vector<16xi32>
      %gt3A_2546 = arith.constant 0 : i32
      %gt3A_2547 = vector.broadcast %gt3A_2546 : i32 to vector<16xi32>
      %gt3A_2548 = arith.cmpi sgt, %add3A_2539, %gt3A_2547 : vector<16xi32>
      %swap3A_2549 = arith.index_cast %add3A_2521 : i32 to index
      %swap3A_2550 = tpu.vector_load %arg16[%swap3A_2549] masked %gt3A_2548 {strides = array<i32>} : memref<4112xi32, #tpu.memory_space<vmem>>, vector<16xi32>, vector<16xi1>
      tpu.vector_store %arg16[%swap3A_2549], %add3A_2545 masked %gt3A_2548 {strides = array<i32>} : memref<4112xi32, #tpu.memory_space<vmem>>, vector<16xi32>, vector<16xi1>
      %gt3A_2551 = arith.constant 0 : i32
      %gt3A_2552 = vector.broadcast %gt3A_2551 : i32 to vector<16xi32>
      %gt3A_2553 = arith.cmpi sgt, %add3A_2539, %gt3A_2552 : vector<16xi32>
      %all_reduce_population_count3A_2554 = tpu.all_reduce %gt3A_2553 {dim = 0 : i64, kind = #tpu.reduction_kind<sum>} : vector<16xi1> -> vector<16xi32>
      %slice3A_2555 = vector.extract_strided_slice %all_reduce_population_count3A_2554 {offsets = [0], sizes = [1], strides = [1]} : vector<16xi32> to vector<1xi32>
      %squeeze3A_2556 = vector.extract %slice3A_2555[0] : i32 from vector<1xi32>
      %add3A_2557 = arith.addi %add3A_2521, %squeeze3A_2556 : i32
      %sub3A_2558 = arith.subi %scan3A_2395, %squeeze3A_829 : i32
      %sub3A_2559 = arith.subi %squeeze3A_837, %scan3A_2395 : i32
      %or3A_2560 = arith.ori %sub3A_2558, %sub3A_2559 : i32
      %shift_right_arithmetic3A_2561 = arith.constant 31 : i32
      %shift_right_arithmetic3A_2562 = arith.shrsi %or3A_2560, %shift_right_arithmetic3A_2561 : i32
      %sub3A_2563 = arith.subi %scan3A_2395, %squeeze3A_831 : i32
      %sub3A_2564 = arith.subi %squeeze3A_839, %scan3A_2395 : i32
      %or3A_2565 = arith.ori %sub3A_2563, %sub3A_2564 : i32
      %shift_right_arithmetic3A_2566 = arith.constant 31 : i32
      %shift_right_arithmetic3A_2567 = arith.shrsi %or3A_2565, %shift_right_arithmetic3A_2566 : i32
      %sub3A_2568 = arith.subi %scan3A_2395, %squeeze3A_833 : i32
      %sub3A_2569 = arith.subi %squeeze3A_841, %scan3A_2395 : i32
      %or3A_2570 = arith.ori %sub3A_2568, %sub3A_2569 : i32
      %shift_right_arithmetic3A_2571 = arith.constant 31 : i32
      %shift_right_arithmetic3A_2572 = arith.shrsi %or3A_2570, %shift_right_arithmetic3A_2571 : i32
      %sub3A_2573 = arith.subi %scan3A_2395, %squeeze3A_835 : i32
      %sub3A_2574 = arith.subi %squeeze3A_843, %scan3A_2395 : i32
      %or3A_2575 = arith.ori %sub3A_2573, %sub3A_2574 : i32
      %shift_right_arithmetic3A_2576 = arith.constant 31 : i32
      %shift_right_arithmetic3A_2577 = arith.shrsi %or3A_2575, %shift_right_arithmetic3A_2576 : i32
      %mul3A_2578 = arith.constant 64 : i32
      %mul3A_2579 = arith.muli %scan3A_2395, %mul3A_2578 : i32
      %add3A_2580 = arith.constant 0 : i32
      %add3A_2581 = arith.addi %mul3A_2579, %add3A_2580 : i32
      %or3A_2582 = vector.broadcast %shift_right_arithmetic3A_2562 : i32 to vector<16xi32>
      %or3A_2583 = arith.ori %or3A_2582, %shift_right_arithmetic3A_873 : vector<16xi32>
      %or3A_2584 = vector.broadcast %shift_right_arithmetic3A_2567 : i32 to vector<16xi32>
      %or3A_2585 = arith.ori %or3A_2584, %shift_right_arithmetic3A_929 : vector<16xi32>
      %and3A_2586 = arith.andi %or3A_2583, %or3A_2585 : vector<16xi32>
      %or3A_2587 = vector.broadcast %shift_right_arithmetic3A_2572 : i32 to vector<16xi32>
      %or3A_2588 = arith.ori %or3A_2587, %shift_right_arithmetic3A_985 : vector<16xi32>
      %and3A_2589 = arith.andi %and3A_2586, %or3A_2588 : vector<16xi32>
      %or3A_2590 = vector.broadcast %shift_right_arithmetic3A_2577 : i32 to vector<16xi32>
      %or3A_2591 = arith.ori %or3A_2590, %shift_right_arithmetic3A_1041 : vector<16xi32>
      %and3A_2592 = arith.andi %and3A_2589, %or3A_2591 : vector<16xi32>
      %add3A_2593 = arith.constant 1 : i32
      %add3A_2594 = vector.broadcast %add3A_2593 : i32 to vector<16xi32>
      %add3A_2595 = arith.addi %and3A_2592, %add3A_2594 : vector<16xi32>
      %swap3A_2596 = arith.index_cast %add3A_2581 : i32 to index
      %swap3A_2597 = tpu.vector_load %arg9[%swap3A_2596] {strides = array<i32>} : memref<4096xi32, #tpu.memory_space<vmem>>, vector<16xi32>,
      tpu.vector_store %arg9[%swap3A_2596], %add3A_2595 {strides = array<i32>} : memref<4096xi32, #tpu.memory_space<vmem>>, vector<16xi32>,
      %swap3A_2598 = arith.index_cast %add3A_2581 : i32 to index
      %swap3A_2599 = tpu.vector_load %arg17[%swap3A_2598] {strides = array<i32>} : memref<4112xi32, #tpu.memory_space<vmem>>, vector<16xi32>,
      tpu.vector_store %arg17[%swap3A_2598], %broadcast_in_dim3A_1 {strides = array<i32>} : memref<4112xi32, #tpu.memory_space<vmem>>, vector<16xi32>,
      %add3A_2600 = vector.broadcast %add3A_2581 : i32 to vector<16xi32>
      %add3A_2601 = arith.addi %iota3A, %add3A_2600 : vector<16xi32>
      %gt3A_2602 = arith.constant 0 : i32
      %gt3A_2603 = vector.broadcast %gt3A_2602 : i32 to vector<16xi32>
      %gt3A_2604 = arith.cmpi sgt, %add3A_2595, %gt3A_2603 : vector<16xi32>
      %swap3A_2605 = arith.index_cast %scan3A_2397 : i32 to index
      %swap3A_2606 = tpu.vector_load %arg17[%swap3A_2605] masked %gt3A_2604 {strides = array<i32>} : memref<4112xi32, #tpu.memory_space<vmem>>, vector<16xi32>, vector<16xi1>
      tpu.vector_store %arg17[%swap3A_2605], %add3A_2601 masked %gt3A_2604 {strides = array<i32>} : memref<4112xi32, #tpu.memory_space<vmem>>, vector<16xi32>, vector<16xi1>
      %gt3A_2607 = arith.constant 0 : i32
      %gt3A_2608 = vector.broadcast %gt3A_2607 : i32 to vector<16xi32>
      %gt3A_2609 = arith.cmpi sgt, %add3A_2595, %gt3A_2608 : vector<16xi32>
      %all_reduce_population_count3A_2610 = tpu.all_reduce %gt3A_2609 {dim = 0 : i64, kind = #tpu.reduction_kind<sum>} : vector<16xi1> -> vector<16xi32>
      %slice3A_2611 = vector.extract_strided_slice %all_reduce_population_count3A_2610 {offsets = [0], sizes = [1], strides = [1]} : vector<16xi32> to vector<1xi32>
      %squeeze3A_2612 = vector.extract %slice3A_2611[0] : i32 from vector<1xi32>
      %add3A_2613 = arith.addi %scan3A_2397, %squeeze3A_2612 : i32
      %mul3A_2614 = arith.constant 64 : i32
      %mul3A_2615 = arith.muli %scan3A_2395, %mul3A_2614 : i32
      %add3A_2616 = arith.constant 16 : i32
      %add3A_2617 = arith.addi %mul3A_2615, %add3A_2616 : i32
      %or3A_2618 = vector.broadcast %shift_right_arithmetic3A_2562 : i32 to vector<16xi32>
      %or3A_2619 = arith.ori %or3A_2618, %shift_right_arithmetic3A_887 : vector<16xi32>
      %or3A_2620 = vector.broadcast %shift_right_arithmetic3A_2567 : i32 to vector<16xi32>
      %or3A_2621 = arith.ori %or3A_2620, %shift_right_arithmetic3A_943 : vector<16xi32>
      %and3A_2622 = arith.andi %or3A_2619, %or3A_2621 : vector<16xi32>
      %or3A_2623 = vector.broadcast %shift_right_arithmetic3A_2572 : i32 to vector<16xi32>
      %or3A_2624 = arith.ori %or3A_2623, %shift_right_arithmetic3A_999 : vector<16xi32>
      %and3A_2625 = arith.andi %and3A_2622, %or3A_2624 : vector<16xi32>
      %or3A_2626 = vector.broadcast %shift_right_arithmetic3A_2577 : i32 to vector<16xi32>
      %or3A_2627 = arith.ori %or3A_2626, %shift_right_arithmetic3A_1055 : vector<16xi32>
      %and3A_2628 = arith.andi %and3A_2625, %or3A_2627 : vector<16xi32>
      %add3A_2629 = arith.constant 1 : i32
      %add3A_2630 = vector.broadcast %add3A_2629 : i32 to vector<16xi32>
      %add3A_2631 = arith.addi %and3A_2628, %add3A_2630 : vector<16xi32>
      %swap3A_2632 = arith.index_cast %add3A_2617 : i32 to index
      %swap3A_2633 = tpu.vector_load %arg9[%swap3A_2632] {strides = array<i32>} : memref<4096xi32, #tpu.memory_space<vmem>>, vector<16xi32>,
      tpu.vector_store %arg9[%swap3A_2632], %add3A_2631 {strides = array<i32>} : memref<4096xi32, #tpu.memory_space<vmem>>, vector<16xi32>,
      %swap3A_2634 = arith.index_cast %add3A_2617 : i32 to index
      %swap3A_2635 = tpu.vector_load %arg17[%swap3A_2634] {strides = array<i32>} : memref<4112xi32, #tpu.memory_space<vmem>>, vector<16xi32>,
      tpu.vector_store %arg17[%swap3A_2634], %broadcast_in_dim3A_1 {strides = array<i32>} : memref<4112xi32, #tpu.memory_space<vmem>>, vector<16xi32>,
      %add3A_2636 = vector.broadcast %add3A_2617 : i32 to vector<16xi32>
      %add3A_2637 = arith.addi %iota3A, %add3A_2636 : vector<16xi32>
      %gt3A_2638 = arith.constant 0 : i32
      %gt3A_2639 = vector.broadcast %gt3A_2638 : i32 to vector<16xi32>
      %gt3A_2640 = arith.cmpi sgt, %add3A_2631, %gt3A_2639 : vector<16xi32>
      %swap3A_2641 = arith.index_cast %add3A_2613 : i32 to index
      %swap3A_2642 = tpu.vector_load %arg17[%swap3A_2641] masked %gt3A_2640 {strides = array<i32>} : memref<4112xi32, #tpu.memory_space<vmem>>, vector<16xi32>, vector<16xi1>
      tpu.vector_store %arg17[%swap3A_2641], %add3A_2637 masked %gt3A_2640 {strides = array<i32>} : memref<4112xi32, #tpu.memory_space<vmem>>, vector<16xi32>, vector<16xi1>
      %gt3A_2643 = arith.constant 0 : i32
      %gt3A_2644 = vector.broadcast %gt3A_2643 : i32 to vector<16xi32>
      %gt3A_2645 = arith.cmpi sgt, %add3A_2631, %gt3A_2644 : vector<16xi32>
      %all_reduce_population_count3A_2646 = tpu.all_reduce %gt3A_2645 {dim = 0 : i64, kind = #tpu.reduction_kind<sum>} : vector<16xi1> -> vector<16xi32>
      %slice3A_2647 = vector.extract_strided_slice %all_reduce_population_count3A_2646 {offsets = [0], sizes = [1], strides = [1]} : vector<16xi32> to vector<1xi32>
      %squeeze3A_2648 = vector.extract %slice3A_2647[0] : i32 from vector<1xi32>
      %add3A_2649 = arith.addi %add3A_2613, %squeeze3A_2648 : i32
      %mul3A_2650 = arith.constant 64 : i32
      %mul3A_2651 = arith.muli %scan3A_2395, %mul3A_2650 : i32
      %add3A_2652 = arith.constant 32 : i32
      %add3A_2653 = arith.addi %mul3A_2651, %add3A_2652 : i32
      %or3A_2654 = vector.broadcast %shift_right_arithmetic3A_2562 : i32 to vector<16xi32>
      %or3A_2655 = arith.ori %or3A_2654, %shift_right_arithmetic3A_901 : vector<16xi32>
      %or3A_2656 = vector.broadcast %shift_right_arithmetic3A_2567 : i32 to vector<16xi32>
      %or3A_2657 = arith.ori %or3A_2656, %shift_right_arithmetic3A_957 : vector<16xi32>
      %and3A_2658 = arith.andi %or3A_2655, %or3A_2657 : vector<16xi32>
      %or3A_2659 = vector.broadcast %shift_right_arithmetic3A_2572 : i32 to vector<16xi32>
      %or3A_2660 = arith.ori %or3A_2659, %shift_right_arithmetic3A_1013 : vector<16xi32>
      %and3A_2661 = arith.andi %and3A_2658, %or3A_2660 : vector<16xi32>
      %or3A_2662 = vector.broadcast %shift_right_arithmetic3A_2577 : i32 to vector<16xi32>
      %or3A_2663 = arith.ori %or3A_2662, %shift_right_arithmetic3A_1069 : vector<16xi32>
      %and3A_2664 = arith.andi %and3A_2661, %or3A_2663 : vector<16xi32>
      %add3A_2665 = arith.constant 1 : i32
      %add3A_2666 = vector.broadcast %add3A_2665 : i32 to vector<16xi32>
      %add3A_2667 = arith.addi %and3A_2664, %add3A_2666 : vector<16xi32>
      %swap3A_2668 = arith.index_cast %add3A_2653 : i32 to index
      %swap3A_2669 = tpu.vector_load %arg9[%swap3A_2668] {strides = array<i32>} : memref<4096xi32, #tpu.memory_space<vmem>>, vector<16xi32>,
      tpu.vector_store %arg9[%swap3A_2668], %add3A_2667 {strides = array<i32>} : memref<4096xi32, #tpu.memory_space<vmem>>, vector<16xi32>,
      %swap3A_2670 = arith.index_cast %add3A_2653 : i32 to index
      %swap3A_2671 = tpu.vector_load %arg17[%swap3A_2670] {strides = array<i32>} : memref<4112xi32, #tpu.memory_space<vmem>>, vector<16xi32>,
      tpu.vector_store %arg17[%swap3A_2670], %broadcast_in_dim3A_1 {strides = array<i32>} : memref<4112xi32, #tpu.memory_space<vmem>>, vector<16xi32>,
      %add3A_2672 = vector.broadcast %add3A_2653 : i32 to vector<16xi32>
      %add3A_2673 = arith.addi %iota3A, %add3A_2672 : vector<16xi32>
      %gt3A_2674 = arith.constant 0 : i32
      %gt3A_2675 = vector.broadcast %gt3A_2674 : i32 to vector<16xi32>
      %gt3A_2676 = arith.cmpi sgt, %add3A_2667, %gt3A_2675 : vector<16xi32>
      %swap3A_2677 = arith.index_cast %add3A_2649 : i32 to index
      %swap3A_2678 = tpu.vector_load %arg17[%swap3A_2677] masked %gt3A_2676 {strides = array<i32>} : memref<4112xi32, #tpu.memory_space<vmem>>, vector<16xi32>, vector<16xi1>
      tpu.vector_store %arg17[%swap3A_2677], %add3A_2673 masked %gt3A_2676 {strides = array<i32>} : memref<4112xi32, #tpu.memory_space<vmem>>, vector<16xi32>, vector<16xi1>
      %gt3A_2679 = arith.constant 0 : i32
      %gt3A_2680 = vector.broadcast %gt3A_2679 : i32 to vector<16xi32>
      %gt3A_2681 = arith.cmpi sgt, %add3A_2667, %gt3A_2680 : vector<16xi32>
      %all_reduce_population_count3A_2682 = tpu.all_reduce %gt3A_2681 {dim = 0 : i64, kind = #tpu.reduction_kind<sum>} : vector<16xi1> -> vector<16xi32>
      %slice3A_2683 = vector.extract_strided_slice %all_reduce_population_count3A_2682 {offsets = [0], sizes = [1], strides = [1]} : vector<16xi32> to vector<1xi32>
      %squeeze3A_2684 = vector.extract %slice3A_2683[0] : i32 from vector<1xi32>
      %add3A_2685 = arith.addi %add3A_2649, %squeeze3A_2684 : i32
      %mul3A_2686 = arith.constant 64 : i32
      %mul3A_2687 = arith.muli %scan3A_2395, %mul3A_2686 : i32
      %add3A_2688 = arith.constant 48 : i32
      %add3A_2689 = arith.addi %mul3A_2687, %add3A_2688 : i32
      %or3A_2690 = vector.broadcast %shift_right_arithmetic3A_2562 : i32 to vector<16xi32>
      %or3A_2691 = arith.ori %or3A_2690, %shift_right_arithmetic3A_915 : vector<16xi32>
      %or3A_2692 = vector.broadcast %shift_right_arithmetic3A_2567 : i32 to vector<16xi32>
      %or3A_2693 = arith.ori %or3A_2692, %shift_right_arithmetic3A_971 : vector<16xi32>
      %and3A_2694 = arith.andi %or3A_2691, %or3A_2693 : vector<16xi32>
      %or3A_2695 = vector.broadcast %shift_right_arithmetic3A_2572 : i32 to vector<16xi32>
      %or3A_2696 = arith.ori %or3A_2695, %shift_right_arithmetic3A_1027 : vector<16xi32>
      %and3A_2697 = arith.andi %and3A_2694, %or3A_2696 : vector<16xi32>
      %or3A_2698 = vector.broadcast %shift_right_arithmetic3A_2577 : i32 to vector<16xi32>
      %or3A_2699 = arith.ori %or3A_2698, %shift_right_arithmetic3A_1083 : vector<16xi32>
      %and3A_2700 = arith.andi %and3A_2697, %or3A_2699 : vector<16xi32>
      %add3A_2701 = arith.constant 1 : i32
      %add3A_2702 = vector.broadcast %add3A_2701 : i32 to vector<16xi32>
      %add3A_2703 = arith.addi %and3A_2700, %add3A_2702 : vector<16xi32>
      %swap3A_2704 = arith.index_cast %add3A_2689 : i32 to index
      %swap3A_2705 = tpu.vector_load %arg9[%swap3A_2704] {strides = array<i32>} : memref<4096xi32, #tpu.memory_space<vmem>>, vector<16xi32>,
      tpu.vector_store %arg9[%swap3A_2704], %add3A_2703 {strides = array<i32>} : memref<4096xi32, #tpu.memory_space<vmem>>, vector<16xi32>,
      %swap3A_2706 = arith.index_cast %add3A_2689 : i32 to index
      %swap3A_2707 = tpu.vector_load %arg17[%swap3A_2706] {strides = array<i32>} : memref<4112xi32, #tpu.memory_space<vmem>>, vector<16xi32>,
      tpu.vector_store %arg17[%swap3A_2706], %broadcast_in_dim3A_1 {strides = array<i32>} : memref<4112xi32, #tpu.memory_space<vmem>>, vector<16xi32>,
      %add3A_2708 = vector.broadcast %add3A_2689 : i32 to vector<16xi32>
      %add3A_2709 = arith.addi %iota3A, %add3A_2708 : vector<16xi32>
      %gt3A_2710 = arith.constant 0 : i32
      %gt3A_2711 = vector.broadcast %gt3A_2710 : i32 to vector<16xi32>
      %gt3A_2712 = arith.cmpi sgt, %add3A_2703, %gt3A_2711 : vector<16xi32>
      %swap3A_2713 = arith.index_cast %add3A_2685 : i32 to index
      %swap3A_2714 = tpu.vector_load %arg17[%swap3A_2713] masked %gt3A_2712 {strides = array<i32>} : memref<4112xi32, #tpu.memory_space<vmem>>, vector<16xi32>, vector<16xi1>
      tpu.vector_store %arg17[%swap3A_2713], %add3A_2709 masked %gt3A_2712 {strides = array<i32>} : memref<4112xi32, #tpu.memory_space<vmem>>, vector<16xi32>, vector<16xi1>
      %gt3A_2715 = arith.constant 0 : i32
      %gt3A_2716 = vector.broadcast %gt3A_2715 : i32 to vector<16xi32>
      %gt3A_2717 = arith.cmpi sgt, %add3A_2703, %gt3A_2716 : vector<16xi32>
      %all_reduce_population_count3A_2718 = tpu.all_reduce %gt3A_2717 {dim = 0 : i64, kind = #tpu.reduction_kind<sum>} : vector<16xi1> -> vector<16xi32>
      %slice3A_2719 = vector.extract_strided_slice %all_reduce_population_count3A_2718 {offsets = [0], sizes = [1], strides = [1]} : vector<16xi32> to vector<1xi32>
      %squeeze3A_2720 = vector.extract %slice3A_2719[0] : i32 from vector<1xi32>
      %add3A_2721 = arith.addi %add3A_2685, %squeeze3A_2720 : i32
      scf.yield %add3A_2557, %add3A_2721 : i32, i32
    }
    %scan3A_1091 = arith.constant 64 : i32
    %mul3A_1092 = arith.constant 8 : i32
    %mul3A_1093 = arith.muli %add3A, %mul3A_1092 : i32
    %add3A_1094 = arith.constant 2 : i32
    %add3A_1095 = arith.addi %mul3A_1093, %add3A_1094 : i32
    %dma_start3A_1096 = arith.constant 0 : i32
    %dma_start3A_1097 = tpu.memref_slice %arg3[%add3A_1095, %dma_start3A_1096] : memref<256x4096xi32, #tpu.memory_space<hbm>> -> memref<1x4096xi32, #tpu.memory_space<hbm>>
    %dma_start3A_1098 = tpu.memref_squeeze %dma_start3A_1097 : memref<1x4096xi32, #tpu.memory_space<hbm>> -> memref<4096xi32, #tpu.memory_space<hbm>>
    %dma_start3A_1099 = arith.constant 0 : i32
    %dma_start3A_1100 = tpu.memref_slice %arg3[%add3A_1095, %dma_start3A_1099] : memref<256x4096xi32, #tpu.memory_space<hbm>> -> memref<1x4096xi32, #tpu.memory_space<hbm>>
    %dma_start3A_1101 = tpu.memref_squeeze %dma_start3A_1100 : memref<1x4096xi32, #tpu.memory_space<hbm>> -> memref<4096xi32, #tpu.memory_space<hbm>>
    tpu.enqueue_dma source(%arg8 : memref<4096xi32, #tpu.memory_space<vmem>>) target(%dma_start3A_1101 : memref<4096xi32, #tpu.memory_space<hbm>>) target_semaphore(%arg22 : memref<!tpu.dma_semaphore, #tpu.memory_space<semaphore_mem>>)
    %dma_start3A_1102 = arith.constant 0 : i32
    %dma_start3A_1103 = tpu.memref_slice %arg16[%dma_start3A_1102] : memref<4112xi32, #tpu.memory_space<vmem>> -> memref<4096xi32, #tpu.memory_space<vmem>>
    %dma_start3A_1104 = arith.constant 0 : i32
    %dma_start3A_1105 = tpu.memref_slice %arg4[%add3A_1095, %dma_start3A_1104] : memref<256x4096xi32, #tpu.memory_space<hbm>> -> memref<1x4096xi32, #tpu.memory_space<hbm>>
    %dma_start3A_1106 = tpu.memref_squeeze %dma_start3A_1105 : memref<1x4096xi32, #tpu.memory_space<hbm>> -> memref<4096xi32, #tpu.memory_space<hbm>>
    %dma_start3A_1107 = arith.constant 0 : i32
    %dma_start3A_1108 = tpu.memref_slice %arg4[%add3A_1095, %dma_start3A_1107] : memref<256x4096xi32, #tpu.memory_space<hbm>> -> memref<1x4096xi32, #tpu.memory_space<hbm>>
    %dma_start3A_1109 = tpu.memref_squeeze %dma_start3A_1108 : memref<1x4096xi32, #tpu.memory_space<hbm>> -> memref<4096xi32, #tpu.memory_space<hbm>>
    %dma_start3A_1110 = arith.constant 0 : i32
    %dma_start3A_1111 = tpu.memref_slice %arg16[%dma_start3A_1110] : memref<4112xi32, #tpu.memory_space<vmem>> -> memref<4096xi32, #tpu.memory_space<vmem>>
    tpu.enqueue_dma source(%dma_start3A_1111 : memref<4096xi32, #tpu.memory_space<vmem>>) target(%dma_start3A_1109 : memref<4096xi32, #tpu.memory_space<hbm>>) target_semaphore(%arg23 : memref<!tpu.dma_semaphore, #tpu.memory_space<semaphore_mem>>)
    %mul3A_1112 = arith.constant 8 : i32
    %mul3A_1113 = arith.muli %add3A, %mul3A_1112 : i32
    %add3A_1114 = arith.constant 3 : i32
    %add3A_1115 = arith.addi %mul3A_1113, %add3A_1114 : i32
    %dma_start3A_1116 = arith.constant 0 : i32
    %dma_start3A_1117 = tpu.memref_slice %arg3[%add3A_1115, %dma_start3A_1116] : memref<256x4096xi32, #tpu.memory_space<hbm>> -> memref<1x4096xi32, #tpu.memory_space<hbm>>
    %dma_start3A_1118 = tpu.memref_squeeze %dma_start3A_1117 : memref<1x4096xi32, #tpu.memory_space<hbm>> -> memref<4096xi32, #tpu.memory_space<hbm>>
    %dma_start3A_1119 = arith.constant 0 : i32
    %dma_start3A_1120 = tpu.memref_slice %arg3[%add3A_1115, %dma_start3A_1119] : memref<256x4096xi32, #tpu.memory_space<hbm>> -> memref<1x4096xi32, #tpu.memory_space<hbm>>
    %dma_start3A_1121 = tpu.memref_squeeze %dma_start3A_1120 : memref<1x4096xi32, #tpu.memory_space<hbm>> -> memref<4096xi32, #tpu.memory_space<hbm>>
    tpu.enqueue_dma source(%arg9 : memref<4096xi32, #tpu.memory_space<vmem>>) target(%dma_start3A_1121 : memref<4096xi32, #tpu.memory_space<hbm>>) target_semaphore(%arg22 : memref<!tpu.dma_semaphore, #tpu.memory_space<semaphore_mem>>)
    %dma_start3A_1122 = arith.constant 0 : i32
    %dma_start3A_1123 = tpu.memref_slice %arg17[%dma_start3A_1122] : memref<4112xi32, #tpu.memory_space<vmem>> -> memref<4096xi32, #tpu.memory_space<vmem>>
    %dma_start3A_1124 = arith.constant 0 : i32
    %dma_start3A_1125 = tpu.memref_slice %arg4[%add3A_1115, %dma_start3A_1124] : memref<256x4096xi32, #tpu.memory_space<hbm>> -> memref<1x4096xi32, #tpu.memory_space<hbm>>
    %dma_start3A_1126 = tpu.memref_squeeze %dma_start3A_1125 : memref<1x4096xi32, #tpu.memory_space<hbm>> -> memref<4096xi32, #tpu.memory_space<hbm>>
    %dma_start3A_1127 = arith.constant 0 : i32
    %dma_start3A_1128 = tpu.memref_slice %arg4[%add3A_1115, %dma_start3A_1127] : memref<256x4096xi32, #tpu.memory_space<hbm>> -> memref<1x4096xi32, #tpu.memory_space<hbm>>
    %dma_start3A_1129 = tpu.memref_squeeze %dma_start3A_1128 : memref<1x4096xi32, #tpu.memory_space<hbm>> -> memref<4096xi32, #tpu.memory_space<hbm>>
    %dma_start3A_1130 = arith.constant 0 : i32
    %dma_start3A_1131 = tpu.memref_slice %arg17[%dma_start3A_1130] : memref<4112xi32, #tpu.memory_space<vmem>> -> memref<4096xi32, #tpu.memory_space<vmem>>
    tpu.enqueue_dma source(%dma_start3A_1131 : memref<4096xi32, #tpu.memory_space<vmem>>) target(%dma_start3A_1129 : memref<4096xi32, #tpu.memory_space<hbm>>) target_semaphore(%arg23 : memref<!tpu.dma_semaphore, #tpu.memory_space<semaphore_mem>>)
    %get3A_1132 = arith.constant 4 : i32
    %get3A_1133 = arith.index_cast %get3A_1132 : i32 to index
    %get3A_1134 = arith.constant 0 : index
    %get3A_1135 = tpu.vector_load %arg5[%get3A_1133, %get3A_1134] {strides = array<i32>} : memref<8x16xi32, #tpu.memory_space<vmem>>, vector<16xi32>,
    %slice3A_1136 = vector.extract_strided_slice %get3A_1135 {offsets = [0], sizes = [1], strides = [1]} : vector<16xi32> to vector<1xi32>
    %squeeze3A_1137 = vector.extract %slice3A_1136[0] : i32 from vector<1xi32>
    %slice3A_1138 = vector.extract_strided_slice %get3A_1135 {offsets = [1], sizes = [1], strides = [1]} : vector<16xi32> to vector<1xi32>
    %squeeze3A_1139 = vector.extract %slice3A_1138[0] : i32 from vector<1xi32>
    %slice3A_1140 = vector.extract_strided_slice %get3A_1135 {offsets = [2], sizes = [1], strides = [1]} : vector<16xi32> to vector<1xi32>
    %squeeze3A_1141 = vector.extract %slice3A_1140[0] : i32 from vector<1xi32>
    %slice3A_1142 = vector.extract_strided_slice %get3A_1135 {offsets = [3], sizes = [1], strides = [1]} : vector<16xi32> to vector<1xi32>
    %squeeze3A_1143 = vector.extract %slice3A_1142[0] : i32 from vector<1xi32>
    %slice3A_1144 = vector.extract_strided_slice %get3A_1135 {offsets = [4], sizes = [1], strides = [1]} : vector<16xi32> to vector<1xi32>
    %squeeze3A_1145 = vector.extract %slice3A_1144[0] : i32 from vector<1xi32>
    %slice3A_1146 = vector.extract_strided_slice %get3A_1135 {offsets = [5], sizes = [1], strides = [1]} : vector<16xi32> to vector<1xi32>
    %squeeze3A_1147 = vector.extract %slice3A_1146[0] : i32 from vector<1xi32>
    %slice3A_1148 = vector.extract_strided_slice %get3A_1135 {offsets = [6], sizes = [1], strides = [1]} : vector<16xi32> to vector<1xi32>
    %squeeze3A_1149 = vector.extract %slice3A_1148[0] : i32 from vector<1xi32>
    %slice3A_1150 = vector.extract_strided_slice %get3A_1135 {offsets = [7], sizes = [1], strides = [1]} : vector<16xi32> to vector<1xi32>
    %squeeze3A_1151 = vector.extract %slice3A_1150[0] : i32 from vector<1xi32>
    %slice3A_1152 = vector.extract_strided_slice %get3A_1135 {offsets = [8], sizes = [1], strides = [1]} : vector<16xi32> to vector<1xi32>
    %squeeze3A_1153 = vector.extract %slice3A_1152[0] : i32 from vector<1xi32>
    %slice3A_1154 = vector.extract_strided_slice %get3A_1135 {offsets = [9], sizes = [1], strides = [1]} : vector<16xi32> to vector<1xi32>
    %squeeze3A_1155 = vector.extract %slice3A_1154[0] : i32 from vector<1xi32>
    %slice3A_1156 = vector.extract_strided_slice %get3A_1135 {offsets = [10], sizes = [1], strides = [1]} : vector<16xi32> to vector<1xi32>
    %squeeze3A_1157 = vector.extract %slice3A_1156[0] : i32 from vector<1xi32>
    %slice3A_1158 = vector.extract_strided_slice %get3A_1135 {offsets = [11], sizes = [1], strides = [1]} : vector<16xi32> to vector<1xi32>
    %squeeze3A_1159 = vector.extract %slice3A_1158[0] : i32 from vector<1xi32>
    %slice3A_1160 = vector.extract_strided_slice %get3A_1135 {offsets = [12], sizes = [1], strides = [1]} : vector<16xi32> to vector<1xi32>
    %squeeze3A_1161 = vector.extract %slice3A_1160[0] : i32 from vector<1xi32>
    %slice3A_1162 = vector.extract_strided_slice %get3A_1135 {offsets = [13], sizes = [1], strides = [1]} : vector<16xi32> to vector<1xi32>
    %squeeze3A_1163 = vector.extract %slice3A_1162[0] : i32 from vector<1xi32>
    %slice3A_1164 = vector.extract_strided_slice %get3A_1135 {offsets = [14], sizes = [1], strides = [1]} : vector<16xi32> to vector<1xi32>
    %squeeze3A_1165 = vector.extract %slice3A_1164[0] : i32 from vector<1xi32>
    %slice3A_1166 = vector.extract_strided_slice %get3A_1135 {offsets = [15], sizes = [1], strides = [1]} : vector<16xi32> to vector<1xi32>
    %squeeze3A_1167 = vector.extract %slice3A_1166[0] : i32 from vector<1xi32>
    %add3A_1168 = arith.constant 0 : i32
    %add3A_1169 = vector.broadcast %add3A_1168 : i32 to vector<16xi32>
    %add3A_1170 = arith.addi %iota3A, %add3A_1169 : vector<16xi32>
    %sub3A_1171 = vector.broadcast %squeeze3A_1153 : i32 to vector<16xi32>
    %sub3A_1172 = arith.subi %add3A_1170, %sub3A_1171 : vector<16xi32>
    %add3A_1173 = arith.constant 0 : i32
    %add3A_1174 = vector.broadcast %add3A_1173 : i32 to vector<16xi32>
    %add3A_1175 = arith.addi %iota3A, %add3A_1174 : vector<16xi32>
    %sub3A_1176 = vector.broadcast %squeeze3A_1161 : i32 to vector<16xi32>
    %sub3A_1177 = arith.subi %sub3A_1176, %add3A_1175 : vector<16xi32>
    %or3A_1178 = arith.ori %sub3A_1172, %sub3A_1177 : vector<16xi32>
    %shift_right_arithmetic3A_1179 = arith.constant 31 : i32
    %shift_right_arithmetic3A_1180 = vector.broadcast %shift_right_arithmetic3A_1179 : i32 to vector<16xi32>
    %shift_right_arithmetic3A_1181 = arith.shrsi %or3A_1178, %shift_right_arithmetic3A_1180 : vector<16xi32>
    %add3A_1182 = arith.constant 16 : i32
    %add3A_1183 = vector.broadcast %add3A_1182 : i32 to vector<16xi32>
    %add3A_1184 = arith.addi %iota3A, %add3A_1183 : vector<16xi32>
    %sub3A_1185 = vector.broadcast %squeeze3A_1153 : i32 to vector<16xi32>
    %sub3A_1186 = arith.subi %add3A_1184, %sub3A_1185 : vector<16xi32>
    %add3A_1187 = arith.constant 16 : i32
    %add3A_1188 = vector.broadcast %add3A_1187 : i32 to vector<16xi32>
    %add3A_1189 = arith.addi %iota3A, %add3A_1188 : vector<16xi32>
    %sub3A_1190 = vector.broadcast %squeeze3A_1161 : i32 to vector<16xi32>
    %sub3A_1191 = arith.subi %sub3A_1190, %add3A_1189 : vector<16xi32>
    %or3A_1192 = arith.ori %sub3A_1186, %sub3A_1191 : vector<16xi32>
    %shift_right_arithmetic3A_1193 = arith.constant 31 : i32
    %shift_right_arithmetic3A_1194 = vector.broadcast %shift_right_arithmetic3A_1193 : i32 to vector<16xi32>
    %shift_right_arithmetic3A_1195 = arith.shrsi %or3A_1192, %shift_right_arithmetic3A_1194 : vector<16xi32>
    %add3A_1196 = arith.constant 32 : i32
    %add3A_1197 = vector.broadcast %add3A_1196 : i32 to vector<16xi32>
    %add3A_1198 = arith.addi %iota3A, %add3A_1197 : vector<16xi32>
    %sub3A_1199 = vector.broadcast %squeeze3A_1153 : i32 to vector<16xi32>
    %sub3A_1200 = arith.subi %add3A_1198, %sub3A_1199 : vector<16xi32>
    %add3A_1201 = arith.constant 32 : i32
    %add3A_1202 = vector.broadcast %add3A_1201 : i32 to vector<16xi32>
    %add3A_1203 = arith.addi %iota3A, %add3A_1202 : vector<16xi32>
    %sub3A_1204 = vector.broadcast %squeeze3A_1161 : i32 to vector<16xi32>
    %sub3A_1205 = arith.subi %sub3A_1204, %add3A_1203 : vector<16xi32>
    %or3A_1206 = arith.ori %sub3A_1200, %sub3A_1205 : vector<16xi32>
    %shift_right_arithmetic3A_1207 = arith.constant 31 : i32
    %shift_right_arithmetic3A_1208 = vector.broadcast %shift_right_arithmetic3A_1207 : i32 to vector<16xi32>
    %shift_right_arithmetic3A_1209 = arith.shrsi %or3A_1206, %shift_right_arithmetic3A_1208 : vector<16xi32>
    %add3A_1210 = arith.constant 48 : i32
    %add3A_1211 = vector.broadcast %add3A_1210 : i32 to vector<16xi32>
    %add3A_1212 = arith.addi %iota3A, %add3A_1211 : vector<16xi32>
    %sub3A_1213 = vector.broadcast %squeeze3A_1153 : i32 to vector<16xi32>
    %sub3A_1214 = arith.subi %add3A_1212, %sub3A_1213 : vector<16xi32>
    %add3A_1215 = arith.constant 48 : i32
    %add3A_1216 = vector.broadcast %add3A_1215 : i32 to vector<16xi32>
    %add3A_1217 = arith.addi %iota3A, %add3A_1216 : vector<16xi32>
    %sub3A_1218 = vector.broadcast %squeeze3A_1161 : i32 to vector<16xi32>
    %sub3A_1219 = arith.subi %sub3A_1218, %add3A_1217 : vector<16xi32>
    %or3A_1220 = arith.ori %sub3A_1214, %sub3A_1219 : vector<16xi32>
    %shift_right_arithmetic3A_1221 = arith.constant 31 : i32
    %shift_right_arithmetic3A_1222 = vector.broadcast %shift_right_arithmetic3A_1221 : i32 to vector<16xi32>
    %shift_right_arithmetic3A_1223 = arith.shrsi %or3A_1220, %shift_right_arithmetic3A_1222 : vector<16xi32>
    %add3A_1224 = arith.constant 0 : i32
    %add3A_1225 = vector.broadcast %add3A_1224 : i32 to vector<16xi32>
    %add3A_1226 = arith.addi %iota3A, %add3A_1225 : vector<16xi32>
    %sub3A_1227 = vector.broadcast %squeeze3A_1155 : i32 to vector<16xi32>
    %sub3A_1228 = arith.subi %add3A_1226, %sub3A_1227 : vector<16xi32>
    %add3A_1229 = arith.constant 0 : i32
    %add3A_1230 = vector.broadcast %add3A_1229 : i32 to vector<16xi32>
    %add3A_1231 = arith.addi %iota3A, %add3A_1230 : vector<16xi32>
    %sub3A_1232 = vector.broadcast %squeeze3A_1163 : i32 to vector<16xi32>
    %sub3A_1233 = arith.subi %sub3A_1232, %add3A_1231 : vector<16xi32>
    %or3A_1234 = arith.ori %sub3A_1228, %sub3A_1233 : vector<16xi32>
    %shift_right_arithmetic3A_1235 = arith.constant 31 : i32
    %shift_right_arithmetic3A_1236 = vector.broadcast %shift_right_arithmetic3A_1235 : i32 to vector<16xi32>
    %shift_right_arithmetic3A_1237 = arith.shrsi %or3A_1234, %shift_right_arithmetic3A_1236 : vector<16xi32>
    %add3A_1238 = arith.constant 16 : i32
    %add3A_1239 = vector.broadcast %add3A_1238 : i32 to vector<16xi32>
    %add3A_1240 = arith.addi %iota3A, %add3A_1239 : vector<16xi32>
    %sub3A_1241 = vector.broadcast %squeeze3A_1155 : i32 to vector<16xi32>
    %sub3A_1242 = arith.subi %add3A_1240, %sub3A_1241 : vector<16xi32>
    %add3A_1243 = arith.constant 16 : i32
    %add3A_1244 = vector.broadcast %add3A_1243 : i32 to vector<16xi32>
    %add3A_1245 = arith.addi %iota3A, %add3A_1244 : vector<16xi32>
    %sub3A_1246 = vector.broadcast %squeeze3A_1163 : i32 to vector<16xi32>
    %sub3A_1247 = arith.subi %sub3A_1246, %add3A_1245 : vector<16xi32>
    %or3A_1248 = arith.ori %sub3A_1242, %sub3A_1247 : vector<16xi32>
    %shift_right_arithmetic3A_1249 = arith.constant 31 : i32
    %shift_right_arithmetic3A_1250 = vector.broadcast %shift_right_arithmetic3A_1249 : i32 to vector<16xi32>
    %shift_right_arithmetic3A_1251 = arith.shrsi %or3A_1248, %shift_right_arithmetic3A_1250 : vector<16xi32>
    %add3A_1252 = arith.constant 32 : i32
    %add3A_1253 = vector.broadcast %add3A_1252 : i32 to vector<16xi32>
    %add3A_1254 = arith.addi %iota3A, %add3A_1253 : vector<16xi32>
    %sub3A_1255 = vector.broadcast %squeeze3A_1155 : i32 to vector<16xi32>
    %sub3A_1256 = arith.subi %add3A_1254, %sub3A_1255 : vector<16xi32>
    %add3A_1257 = arith.constant 32 : i32
    %add3A_1258 = vector.broadcast %add3A_1257 : i32 to vector<16xi32>
    %add3A_1259 = arith.addi %iota3A, %add3A_1258 : vector<16xi32>
    %sub3A_1260 = vector.broadcast %squeeze3A_1163 : i32 to vector<16xi32>
    %sub3A_1261 = arith.subi %sub3A_1260, %add3A_1259 : vector<16xi32>
    %or3A_1262 = arith.ori %sub3A_1256, %sub3A_1261 : vector<16xi32>
    %shift_right_arithmetic3A_1263 = arith.constant 31 : i32
    %shift_right_arithmetic3A_1264 = vector.broadcast %shift_right_arithmetic3A_1263 : i32 to vector<16xi32>
    %shift_right_arithmetic3A_1265 = arith.shrsi %or3A_1262, %shift_right_arithmetic3A_1264 : vector<16xi32>
    %add3A_1266 = arith.constant 48 : i32
    %add3A_1267 = vector.broadcast %add3A_1266 : i32 to vector<16xi32>
    %add3A_1268 = arith.addi %iota3A, %add3A_1267 : vector<16xi32>
    %sub3A_1269 = vector.broadcast %squeeze3A_1155 : i32 to vector<16xi32>
    %sub3A_1270 = arith.subi %add3A_1268, %sub3A_1269 : vector<16xi32>
    %add3A_1271 = arith.constant 48 : i32
    %add3A_1272 = vector.broadcast %add3A_1271 : i32 to vector<16xi32>
    %add3A_1273 = arith.addi %iota3A, %add3A_1272 : vector<16xi32>
    %sub3A_1274 = vector.broadcast %squeeze3A_1163 : i32 to vector<16xi32>
    %sub3A_1275 = arith.subi %sub3A_1274, %add3A_1273 : vector<16xi32>
    %or3A_1276 = arith.ori %sub3A_1270, %sub3A_1275 : vector<16xi32>
    %shift_right_arithmetic3A_1277 = arith.constant 31 : i32
    %shift_right_arithmetic3A_1278 = vector.broadcast %shift_right_arithmetic3A_1277 : i32 to vector<16xi32>
    %shift_right_arithmetic3A_1279 = arith.shrsi %or3A_1276, %shift_right_arithmetic3A_1278 : vector<16xi32>
    %add3A_1280 = arith.constant 0 : i32
    %add3A_1281 = vector.broadcast %add3A_1280 : i32 to vector<16xi32>
    %add3A_1282 = arith.addi %iota3A, %add3A_1281 : vector<16xi32>
    %sub3A_1283 = vector.broadcast %squeeze3A_1157 : i32 to vector<16xi32>
    %sub3A_1284 = arith.subi %add3A_1282, %sub3A_1283 : vector<16xi32>
    %add3A_1285 = arith.constant 0 : i32
    %add3A_1286 = vector.broadcast %add3A_1285 : i32 to vector<16xi32>
    %add3A_1287 = arith.addi %iota3A, %add3A_1286 : vector<16xi32>
    %sub3A_1288 = vector.broadcast %squeeze3A_1165 : i32 to vector<16xi32>
    %sub3A_1289 = arith.subi %sub3A_1288, %add3A_1287 : vector<16xi32>
    %or3A_1290 = arith.ori %sub3A_1284, %sub3A_1289 : vector<16xi32>
    %shift_right_arithmetic3A_1291 = arith.constant 31 : i32
    %shift_right_arithmetic3A_1292 = vector.broadcast %shift_right_arithmetic3A_1291 : i32 to vector<16xi32>
    %shift_right_arithmetic3A_1293 = arith.shrsi %or3A_1290, %shift_right_arithmetic3A_1292 : vector<16xi32>
    %add3A_1294 = arith.constant 16 : i32
    %add3A_1295 = vector.broadcast %add3A_1294 : i32 to vector<16xi32>
    %add3A_1296 = arith.addi %iota3A, %add3A_1295 : vector<16xi32>
    %sub3A_1297 = vector.broadcast %squeeze3A_1157 : i32 to vector<16xi32>
    %sub3A_1298 = arith.subi %add3A_1296, %sub3A_1297 : vector<16xi32>
    %add3A_1299 = arith.constant 16 : i32
    %add3A_1300 = vector.broadcast %add3A_1299 : i32 to vector<16xi32>
    %add3A_1301 = arith.addi %iota3A, %add3A_1300 : vector<16xi32>
    %sub3A_1302 = vector.broadcast %squeeze3A_1165 : i32 to vector<16xi32>
    %sub3A_1303 = arith.subi %sub3A_1302, %add3A_1301 : vector<16xi32>
    %or3A_1304 = arith.ori %sub3A_1298, %sub3A_1303 : vector<16xi32>
    %shift_right_arithmetic3A_1305 = arith.constant 31 : i32
    %shift_right_arithmetic3A_1306 = vector.broadcast %shift_right_arithmetic3A_1305 : i32 to vector<16xi32>
    %shift_right_arithmetic3A_1307 = arith.shrsi %or3A_1304, %shift_right_arithmetic3A_1306 : vector<16xi32>
    %add3A_1308 = arith.constant 32 : i32
    %add3A_1309 = vector.broadcast %add3A_1308 : i32 to vector<16xi32>
    %add3A_1310 = arith.addi %iota3A, %add3A_1309 : vector<16xi32>
    %sub3A_1311 = vector.broadcast %squeeze3A_1157 : i32 to vector<16xi32>
    %sub3A_1312 = arith.subi %add3A_1310, %sub3A_1311 : vector<16xi32>
    %add3A_1313 = arith.constant 32 : i32
    %add3A_1314 = vector.broadcast %add3A_1313 : i32 to vector<16xi32>
    %add3A_1315 = arith.addi %iota3A, %add3A_1314 : vector<16xi32>
    %sub3A_1316 = vector.broadcast %squeeze3A_1165 : i32 to vector<16xi32>
    %sub3A_1317 = arith.subi %sub3A_1316, %add3A_1315 : vector<16xi32>
    %or3A_1318 = arith.ori %sub3A_1312, %sub3A_1317 : vector<16xi32>
    %shift_right_arithmetic3A_1319 = arith.constant 31 : i32
    %shift_right_arithmetic3A_1320 = vector.broadcast %shift_right_arithmetic3A_1319 : i32 to vector<16xi32>
    %shift_right_arithmetic3A_1321 = arith.shrsi %or3A_1318, %shift_right_arithmetic3A_1320 : vector<16xi32>
    %add3A_1322 = arith.constant 48 : i32
    %add3A_1323 = vector.broadcast %add3A_1322 : i32 to vector<16xi32>
    %add3A_1324 = arith.addi %iota3A, %add3A_1323 : vector<16xi32>
    %sub3A_1325 = vector.broadcast %squeeze3A_1157 : i32 to vector<16xi32>
    %sub3A_1326 = arith.subi %add3A_1324, %sub3A_1325 : vector<16xi32>
    %add3A_1327 = arith.constant 48 : i32
    %add3A_1328 = vector.broadcast %add3A_1327 : i32 to vector<16xi32>
    %add3A_1329 = arith.addi %iota3A, %add3A_1328 : vector<16xi32>
    %sub3A_1330 = vector.broadcast %squeeze3A_1165 : i32 to vector<16xi32>
    %sub3A_1331 = arith.subi %sub3A_1330, %add3A_1329 : vector<16xi32>
    %or3A_1332 = arith.ori %sub3A_1326, %sub3A_1331 : vector<16xi32>
    %shift_right_arithmetic3A_1333 = arith.constant 31 : i32
    %shift_right_arithmetic3A_1334 = vector.broadcast %shift_right_arithmetic3A_1333 : i32 to vector<16xi32>
    %shift_right_arithmetic3A_1335 = arith.shrsi %or3A_1332, %shift_right_arithmetic3A_1334 : vector<16xi32>
    %add3A_1336 = arith.constant 0 : i32
    %add3A_1337 = vector.broadcast %add3A_1336 : i32 to vector<16xi32>
    %add3A_1338 = arith.addi %iota3A, %add3A_1337 : vector<16xi32>
    %sub3A_1339 = vector.broadcast %squeeze3A_1159 : i32 to vector<16xi32>
    %sub3A_1340 = arith.subi %add3A_1338, %sub3A_1339 : vector<16xi32>
    %add3A_1341 = arith.constant 0 : i32
    %add3A_1342 = vector.broadcast %add3A_1341 : i32 to vector<16xi32>
    %add3A_1343 = arith.addi %iota3A, %add3A_1342 : vector<16xi32>
    %sub3A_1344 = vector.broadcast %squeeze3A_1167 : i32 to vector<16xi32>
    %sub3A_1345 = arith.subi %sub3A_1344, %add3A_1343 : vector<16xi32>
    %or3A_1346 = arith.ori %sub3A_1340, %sub3A_1345 : vector<16xi32>
    %shift_right_arithmetic3A_1347 = arith.constant 31 : i32
    %shift_right_arithmetic3A_1348 = vector.broadcast %shift_right_arithmetic3A_1347 : i32 to vector<16xi32>
    %shift_right_arithmetic3A_1349 = arith.shrsi %or3A_1346, %shift_right_arithmetic3A_1348 : vector<16xi32>
    %add3A_1350 = arith.constant 16 : i32
    %add3A_1351 = vector.broadcast %add3A_1350 : i32 to vector<16xi32>
    %add3A_1352 = arith.addi %iota3A, %add3A_1351 : vector<16xi32>
    %sub3A_1353 = vector.broadcast %squeeze3A_1159 : i32 to vector<16xi32>
    %sub3A_1354 = arith.subi %add3A_1352, %sub3A_1353 : vector<16xi32>
    %add3A_1355 = arith.constant 16 : i32
    %add3A_1356 = vector.broadcast %add3A_1355 : i32 to vector<16xi32>
    %add3A_1357 = arith.addi %iota3A, %add3A_1356 : vector<16xi32>
    %sub3A_1358 = vector.broadcast %squeeze3A_1167 : i32 to vector<16xi32>
    %sub3A_1359 = arith.subi %sub3A_1358, %add3A_1357 : vector<16xi32>
    %or3A_1360 = arith.ori %sub3A_1354, %sub3A_1359 : vector<16xi32>
    %shift_right_arithmetic3A_1361 = arith.constant 31 : i32
    %shift_right_arithmetic3A_1362 = vector.broadcast %shift_right_arithmetic3A_1361 : i32 to vector<16xi32>
    %shift_right_arithmetic3A_1363 = arith.shrsi %or3A_1360, %shift_right_arithmetic3A_1362 : vector<16xi32>
    %add3A_1364 = arith.constant 32 : i32
    %add3A_1365 = vector.broadcast %add3A_1364 : i32 to vector<16xi32>
    %add3A_1366 = arith.addi %iota3A, %add3A_1365 : vector<16xi32>
    %sub3A_1367 = vector.broadcast %squeeze3A_1159 : i32 to vector<16xi32>
    %sub3A_1368 = arith.subi %add3A_1366, %sub3A_1367 : vector<16xi32>
    %add3A_1369 = arith.constant 32 : i32
    %add3A_1370 = vector.broadcast %add3A_1369 : i32 to vector<16xi32>
    %add3A_1371 = arith.addi %iota3A, %add3A_1370 : vector<16xi32>
    %sub3A_1372 = vector.broadcast %squeeze3A_1167 : i32 to vector<16xi32>
    %sub3A_1373 = arith.subi %sub3A_1372, %add3A_1371 : vector<16xi32>
    %or3A_1374 = arith.ori %sub3A_1368, %sub3A_1373 : vector<16xi32>
    %shift_right_arithmetic3A_1375 = arith.constant 31 : i32
    %shift_right_arithmetic3A_1376 = vector.broadcast %shift_right_arithmetic3A_1375 : i32 to vector<16xi32>
    %shift_right_arithmetic3A_1377 = arith.shrsi %or3A_1374, %shift_right_arithmetic3A_1376 : vector<16xi32>
    %add3A_1378 = arith.constant 48 : i32
    %add3A_1379 = vector.broadcast %add3A_1378 : i32 to vector<16xi32>
    %add3A_1380 = arith.addi %iota3A, %add3A_1379 : vector<16xi32>
    %sub3A_1381 = vector.broadcast %squeeze3A_1159 : i32 to vector<16xi32>
    %sub3A_1382 = arith.subi %add3A_1380, %sub3A_1381 : vector<16xi32>
    %add3A_1383 = arith.constant 48 : i32
    %add3A_1384 = vector.broadcast %add3A_1383 : i32 to vector<16xi32>
    %add3A_1385 = arith.addi %iota3A, %add3A_1384 : vector<16xi32>
    %sub3A_1386 = vector.broadcast %squeeze3A_1167 : i32 to vector<16xi32>
    %sub3A_1387 = arith.subi %sub3A_1386, %add3A_1385 : vector<16xi32>
    %or3A_1388 = arith.ori %sub3A_1382, %sub3A_1387 : vector<16xi32>
    %shift_right_arithmetic3A_1389 = arith.constant 31 : i32
    %shift_right_arithmetic3A_1390 = vector.broadcast %shift_right_arithmetic3A_1389 : i32 to vector<16xi32>
    %shift_right_arithmetic3A_1391 = arith.shrsi %or3A_1388, %shift_right_arithmetic3A_1390 : vector<16xi32>
    %get3A_1392 = arith.constant 5 : i32
    %get3A_1393 = arith.index_cast %get3A_1392 : i32 to index
    %get3A_1394 = arith.constant 0 : index
    %get3A_1395 = tpu.vector_load %arg5[%get3A_1393, %get3A_1394] {strides = array<i32>} : memref<8x16xi32, #tpu.memory_space<vmem>>, vector<16xi32>,
    %slice3A_1396 = vector.extract_strided_slice %get3A_1395 {offsets = [0], sizes = [1], strides = [1]} : vector<16xi32> to vector<1xi32>
    %squeeze3A_1397 = vector.extract %slice3A_1396[0] : i32 from vector<1xi32>
    %slice3A_1398 = vector.extract_strided_slice %get3A_1395 {offsets = [1], sizes = [1], strides = [1]} : vector<16xi32> to vector<1xi32>
    %squeeze3A_1399 = vector.extract %slice3A_1398[0] : i32 from vector<1xi32>
    %slice3A_1400 = vector.extract_strided_slice %get3A_1395 {offsets = [2], sizes = [1], strides = [1]} : vector<16xi32> to vector<1xi32>
    %squeeze3A_1401 = vector.extract %slice3A_1400[0] : i32 from vector<1xi32>
    %slice3A_1402 = vector.extract_strided_slice %get3A_1395 {offsets = [3], sizes = [1], strides = [1]} : vector<16xi32> to vector<1xi32>
    %squeeze3A_1403 = vector.extract %slice3A_1402[0] : i32 from vector<1xi32>
    %slice3A_1404 = vector.extract_strided_slice %get3A_1395 {offsets = [4], sizes = [1], strides = [1]} : vector<16xi32> to vector<1xi32>
    %squeeze3A_1405 = vector.extract %slice3A_1404[0] : i32 from vector<1xi32>
    %slice3A_1406 = vector.extract_strided_slice %get3A_1395 {offsets = [5], sizes = [1], strides = [1]} : vector<16xi32> to vector<1xi32>
    %squeeze3A_1407 = vector.extract %slice3A_1406[0] : i32 from vector<1xi32>
    %slice3A_1408 = vector.extract_strided_slice %get3A_1395 {offsets = [6], sizes = [1], strides = [1]} : vector<16xi32> to vector<1xi32>
    %squeeze3A_1409 = vector.extract %slice3A_1408[0] : i32 from vector<1xi32>
    %slice3A_1410 = vector.extract_strided_slice %get3A_1395 {offsets = [7], sizes = [1], strides = [1]} : vector<16xi32> to vector<1xi32>
    %squeeze3A_1411 = vector.extract %slice3A_1410[0] : i32 from vector<1xi32>
    %slice3A_1412 = vector.extract_strided_slice %get3A_1395 {offsets = [8], sizes = [1], strides = [1]} : vector<16xi32> to vector<1xi32>
    %squeeze3A_1413 = vector.extract %slice3A_1412[0] : i32 from vector<1xi32>
    %slice3A_1414 = vector.extract_strided_slice %get3A_1395 {offsets = [9], sizes = [1], strides = [1]} : vector<16xi32> to vector<1xi32>
    %squeeze3A_1415 = vector.extract %slice3A_1414[0] : i32 from vector<1xi32>
    %slice3A_1416 = vector.extract_strided_slice %get3A_1395 {offsets = [10], sizes = [1], strides = [1]} : vector<16xi32> to vector<1xi32>
    %squeeze3A_1417 = vector.extract %slice3A_1416[0] : i32 from vector<1xi32>
    %slice3A_1418 = vector.extract_strided_slice %get3A_1395 {offsets = [11], sizes = [1], strides = [1]} : vector<16xi32> to vector<1xi32>
    %squeeze3A_1419 = vector.extract %slice3A_1418[0] : i32 from vector<1xi32>
    %slice3A_1420 = vector.extract_strided_slice %get3A_1395 {offsets = [12], sizes = [1], strides = [1]} : vector<16xi32> to vector<1xi32>
    %squeeze3A_1421 = vector.extract %slice3A_1420[0] : i32 from vector<1xi32>
    %slice3A_1422 = vector.extract_strided_slice %get3A_1395 {offsets = [13], sizes = [1], strides = [1]} : vector<16xi32> to vector<1xi32>
    %squeeze3A_1423 = vector.extract %slice3A_1422[0] : i32 from vector<1xi32>
    %slice3A_1424 = vector.extract_strided_slice %get3A_1395 {offsets = [14], sizes = [1], strides = [1]} : vector<16xi32> to vector<1xi32>
    %squeeze3A_1425 = vector.extract %slice3A_1424[0] : i32 from vector<1xi32>
    %slice3A_1426 = vector.extract_strided_slice %get3A_1395 {offsets = [15], sizes = [1], strides = [1]} : vector<16xi32> to vector<1xi32>
    %squeeze3A_1427 = vector.extract %slice3A_1426[0] : i32 from vector<1xi32>
    %add3A_1428 = arith.constant 0 : i32
    %add3A_1429 = vector.broadcast %add3A_1428 : i32 to vector<16xi32>
    %add3A_1430 = arith.addi %iota3A, %add3A_1429 : vector<16xi32>
    %sub3A_1431 = vector.broadcast %squeeze3A_1413 : i32 to vector<16xi32>
    %sub3A_1432 = arith.subi %add3A_1430, %sub3A_1431 : vector<16xi32>
    %add3A_1433 = arith.constant 0 : i32
    %add3A_1434 = vector.broadcast %add3A_1433 : i32 to vector<16xi32>
    %add3A_1435 = arith.addi %iota3A, %add3A_1434 : vector<16xi32>
    %sub3A_1436 = vector.broadcast %squeeze3A_1421 : i32 to vector<16xi32>
    %sub3A_1437 = arith.subi %sub3A_1436, %add3A_1435 : vector<16xi32>
    %or3A_1438 = arith.ori %sub3A_1432, %sub3A_1437 : vector<16xi32>
    %shift_right_arithmetic3A_1439 = arith.constant 31 : i32
    %shift_right_arithmetic3A_1440 = vector.broadcast %shift_right_arithmetic3A_1439 : i32 to vector<16xi32>
    %shift_right_arithmetic3A_1441 = arith.shrsi %or3A_1438, %shift_right_arithmetic3A_1440 : vector<16xi32>
    %add3A_1442 = arith.constant 16 : i32
    %add3A_1443 = vector.broadcast %add3A_1442 : i32 to vector<16xi32>
    %add3A_1444 = arith.addi %iota3A, %add3A_1443 : vector<16xi32>
    %sub3A_1445 = vector.broadcast %squeeze3A_1413 : i32 to vector<16xi32>
    %sub3A_1446 = arith.subi %add3A_1444, %sub3A_1445 : vector<16xi32>
    %add3A_1447 = arith.constant 16 : i32
    %add3A_1448 = vector.broadcast %add3A_1447 : i32 to vector<16xi32>
    %add3A_1449 = arith.addi %iota3A, %add3A_1448 : vector<16xi32>
    %sub3A_1450 = vector.broadcast %squeeze3A_1421 : i32 to vector<16xi32>
    %sub3A_1451 = arith.subi %sub3A_1450, %add3A_1449 : vector<16xi32>
    %or3A_1452 = arith.ori %sub3A_1446, %sub3A_1451 : vector<16xi32>
    %shift_right_arithmetic3A_1453 = arith.constant 31 : i32
    %shift_right_arithmetic3A_1454 = vector.broadcast %shift_right_arithmetic3A_1453 : i32 to vector<16xi32>
    %shift_right_arithmetic3A_1455 = arith.shrsi %or3A_1452, %shift_right_arithmetic3A_1454 : vector<16xi32>
    %add3A_1456 = arith.constant 32 : i32
    %add3A_1457 = vector.broadcast %add3A_1456 : i32 to vector<16xi32>
    %add3A_1458 = arith.addi %iota3A, %add3A_1457 : vector<16xi32>
    %sub3A_1459 = vector.broadcast %squeeze3A_1413 : i32 to vector<16xi32>
    %sub3A_1460 = arith.subi %add3A_1458, %sub3A_1459 : vector<16xi32>
    %add3A_1461 = arith.constant 32 : i32
    %add3A_1462 = vector.broadcast %add3A_1461 : i32 to vector<16xi32>
    %add3A_1463 = arith.addi %iota3A, %add3A_1462 : vector<16xi32>
    %sub3A_1464 = vector.broadcast %squeeze3A_1421 : i32 to vector<16xi32>
    %sub3A_1465 = arith.subi %sub3A_1464, %add3A_1463 : vector<16xi32>
    %or3A_1466 = arith.ori %sub3A_1460, %sub3A_1465 : vector<16xi32>
    %shift_right_arithmetic3A_1467 = arith.constant 31 : i32
    %shift_right_arithmetic3A_1468 = vector.broadcast %shift_right_arithmetic3A_1467 : i32 to vector<16xi32>
    %shift_right_arithmetic3A_1469 = arith.shrsi %or3A_1466, %shift_right_arithmetic3A_1468 : vector<16xi32>
    %add3A_1470 = arith.constant 48 : i32
    %add3A_1471 = vector.broadcast %add3A_1470 : i32 to vector<16xi32>
    %add3A_1472 = arith.addi %iota3A, %add3A_1471 : vector<16xi32>
    %sub3A_1473 = vector.broadcast %squeeze3A_1413 : i32 to vector<16xi32>
    %sub3A_1474 = arith.subi %add3A_1472, %sub3A_1473 : vector<16xi32>
    %add3A_1475 = arith.constant 48 : i32
    %add3A_1476 = vector.broadcast %add3A_1475 : i32 to vector<16xi32>
    %add3A_1477 = arith.addi %iota3A, %add3A_1476 : vector<16xi32>
    %sub3A_1478 = vector.broadcast %squeeze3A_1421 : i32 to vector<16xi32>
    %sub3A_1479 = arith.subi %sub3A_1478, %add3A_1477 : vector<16xi32>
    %or3A_1480 = arith.ori %sub3A_1474, %sub3A_1479 : vector<16xi32>
    %shift_right_arithmetic3A_1481 = arith.constant 31 : i32
    %shift_right_arithmetic3A_1482 = vector.broadcast %shift_right_arithmetic3A_1481 : i32 to vector<16xi32>
    %shift_right_arithmetic3A_1483 = arith.shrsi %or3A_1480, %shift_right_arithmetic3A_1482 : vector<16xi32>
    %add3A_1484 = arith.constant 0 : i32
    %add3A_1485 = vector.broadcast %add3A_1484 : i32 to vector<16xi32>
    %add3A_1486 = arith.addi %iota3A, %add3A_1485 : vector<16xi32>
    %sub3A_1487 = vector.broadcast %squeeze3A_1415 : i32 to vector<16xi32>
    %sub3A_1488 = arith.subi %add3A_1486, %sub3A_1487 : vector<16xi32>
    %add3A_1489 = arith.constant 0 : i32
    %add3A_1490 = vector.broadcast %add3A_1489 : i32 to vector<16xi32>
    %add3A_1491 = arith.addi %iota3A, %add3A_1490 : vector<16xi32>
    %sub3A_1492 = vector.broadcast %squeeze3A_1423 : i32 to vector<16xi32>
    %sub3A_1493 = arith.subi %sub3A_1492, %add3A_1491 : vector<16xi32>
    %or3A_1494 = arith.ori %sub3A_1488, %sub3A_1493 : vector<16xi32>
    %shift_right_arithmetic3A_1495 = arith.constant 31 : i32
    %shift_right_arithmetic3A_1496 = vector.broadcast %shift_right_arithmetic3A_1495 : i32 to vector<16xi32>
    %shift_right_arithmetic3A_1497 = arith.shrsi %or3A_1494, %shift_right_arithmetic3A_1496 : vector<16xi32>
    %add3A_1498 = arith.constant 16 : i32
    %add3A_1499 = vector.broadcast %add3A_1498 : i32 to vector<16xi32>
    %add3A_1500 = arith.addi %iota3A, %add3A_1499 : vector<16xi32>
    %sub3A_1501 = vector.broadcast %squeeze3A_1415 : i32 to vector<16xi32>
    %sub3A_1502 = arith.subi %add3A_1500, %sub3A_1501 : vector<16xi32>
    %add3A_1503 = arith.constant 16 : i32
    %add3A_1504 = vector.broadcast %add3A_1503 : i32 to vector<16xi32>
    %add3A_1505 = arith.addi %iota3A, %add3A_1504 : vector<16xi32>
    %sub3A_1506 = vector.broadcast %squeeze3A_1423 : i32 to vector<16xi32>
    %sub3A_1507 = arith.subi %sub3A_1506, %add3A_1505 : vector<16xi32>
    %or3A_1508 = arith.ori %sub3A_1502, %sub3A_1507 : vector<16xi32>
    %shift_right_arithmetic3A_1509 = arith.constant 31 : i32
    %shift_right_arithmetic3A_1510 = vector.broadcast %shift_right_arithmetic3A_1509 : i32 to vector<16xi32>
    %shift_right_arithmetic3A_1511 = arith.shrsi %or3A_1508, %shift_right_arithmetic3A_1510 : vector<16xi32>
    %add3A_1512 = arith.constant 32 : i32
    %add3A_1513 = vector.broadcast %add3A_1512 : i32 to vector<16xi32>
    %add3A_1514 = arith.addi %iota3A, %add3A_1513 : vector<16xi32>
    %sub3A_1515 = vector.broadcast %squeeze3A_1415 : i32 to vector<16xi32>
    %sub3A_1516 = arith.subi %add3A_1514, %sub3A_1515 : vector<16xi32>
    %add3A_1517 = arith.constant 32 : i32
    %add3A_1518 = vector.broadcast %add3A_1517 : i32 to vector<16xi32>
    %add3A_1519 = arith.addi %iota3A, %add3A_1518 : vector<16xi32>
    %sub3A_1520 = vector.broadcast %squeeze3A_1423 : i32 to vector<16xi32>
    %sub3A_1521 = arith.subi %sub3A_1520, %add3A_1519 : vector<16xi32>
    %or3A_1522 = arith.ori %sub3A_1516, %sub3A_1521 : vector<16xi32>
    %shift_right_arithmetic3A_1523 = arith.constant 31 : i32
    %shift_right_arithmetic3A_1524 = vector.broadcast %shift_right_arithmetic3A_1523 : i32 to vector<16xi32>
    %shift_right_arithmetic3A_1525 = arith.shrsi %or3A_1522, %shift_right_arithmetic3A_1524 : vector<16xi32>
    %add3A_1526 = arith.constant 48 : i32
    %add3A_1527 = vector.broadcast %add3A_1526 : i32 to vector<16xi32>
    %add3A_1528 = arith.addi %iota3A, %add3A_1527 : vector<16xi32>
    %sub3A_1529 = vector.broadcast %squeeze3A_1415 : i32 to vector<16xi32>
    %sub3A_1530 = arith.subi %add3A_1528, %sub3A_1529 : vector<16xi32>
    %add3A_1531 = arith.constant 48 : i32
    %add3A_1532 = vector.broadcast %add3A_1531 : i32 to vector<16xi32>
    %add3A_1533 = arith.addi %iota3A, %add3A_1532 : vector<16xi32>
    %sub3A_1534 = vector.broadcast %squeeze3A_1423 : i32 to vector<16xi32>
    %sub3A_1535 = arith.subi %sub3A_1534, %add3A_1533 : vector<16xi32>
    %or3A_1536 = arith.ori %sub3A_1530, %sub3A_1535 : vector<16xi32>
    %shift_right_arithmetic3A_1537 = arith.constant 31 : i32
    %shift_right_arithmetic3A_1538 = vector.broadcast %shift_right_arithmetic3A_1537 : i32 to vector<16xi32>
    %shift_right_arithmetic3A_1539 = arith.shrsi %or3A_1536, %shift_right_arithmetic3A_1538 : vector<16xi32>
    %add3A_1540 = arith.constant 0 : i32
    %add3A_1541 = vector.broadcast %add3A_1540 : i32 to vector<16xi32>
    %add3A_1542 = arith.addi %iota3A, %add3A_1541 : vector<16xi32>
    %sub3A_1543 = vector.broadcast %squeeze3A_1417 : i32 to vector<16xi32>
    %sub3A_1544 = arith.subi %add3A_1542, %sub3A_1543 : vector<16xi32>
    %add3A_1545 = arith.constant 0 : i32
    %add3A_1546 = vector.broadcast %add3A_1545 : i32 to vector<16xi32>
    %add3A_1547 = arith.addi %iota3A, %add3A_1546 : vector<16xi32>
    %sub3A_1548 = vector.broadcast %squeeze3A_1425 : i32 to vector<16xi32>
    %sub3A_1549 = arith.subi %sub3A_1548, %add3A_1547 : vector<16xi32>
    %or3A_1550 = arith.ori %sub3A_1544, %sub3A_1549 : vector<16xi32>
    %shift_right_arithmetic3A_1551 = arith.constant 31 : i32
    %shift_right_arithmetic3A_1552 = vector.broadcast %shift_right_arithmetic3A_1551 : i32 to vector<16xi32>
    %shift_right_arithmetic3A_1553 = arith.shrsi %or3A_1550, %shift_right_arithmetic3A_1552 : vector<16xi32>
    %add3A_1554 = arith.constant 16 : i32
    %add3A_1555 = vector.broadcast %add3A_1554 : i32 to vector<16xi32>
    %add3A_1556 = arith.addi %iota3A, %add3A_1555 : vector<16xi32>
    %sub3A_1557 = vector.broadcast %squeeze3A_1417 : i32 to vector<16xi32>
    %sub3A_1558 = arith.subi %add3A_1556, %sub3A_1557 : vector<16xi32>
    %add3A_1559 = arith.constant 16 : i32
    %add3A_1560 = vector.broadcast %add3A_1559 : i32 to vector<16xi32>
    %add3A_1561 = arith.addi %iota3A, %add3A_1560 : vector<16xi32>
    %sub3A_1562 = vector.broadcast %squeeze3A_1425 : i32 to vector<16xi32>
    %sub3A_1563 = arith.subi %sub3A_1562, %add3A_1561 : vector<16xi32>
    %or3A_1564 = arith.ori %sub3A_1558, %sub3A_1563 : vector<16xi32>
    %shift_right_arithmetic3A_1565 = arith.constant 31 : i32
    %shift_right_arithmetic3A_1566 = vector.broadcast %shift_right_arithmetic3A_1565 : i32 to vector<16xi32>
    %shift_right_arithmetic3A_1567 = arith.shrsi %or3A_1564, %shift_right_arithmetic3A_1566 : vector<16xi32>
    %add3A_1568 = arith.constant 32 : i32
    %add3A_1569 = vector.broadcast %add3A_1568 : i32 to vector<16xi32>
    %add3A_1570 = arith.addi %iota3A, %add3A_1569 : vector<16xi32>
    %sub3A_1571 = vector.broadcast %squeeze3A_1417 : i32 to vector<16xi32>
    %sub3A_1572 = arith.subi %add3A_1570, %sub3A_1571 : vector<16xi32>
    %add3A_1573 = arith.constant 32 : i32
    %add3A_1574 = vector.broadcast %add3A_1573 : i32 to vector<16xi32>
    %add3A_1575 = arith.addi %iota3A, %add3A_1574 : vector<16xi32>
    %sub3A_1576 = vector.broadcast %squeeze3A_1425 : i32 to vector<16xi32>
    %sub3A_1577 = arith.subi %sub3A_1576, %add3A_1575 : vector<16xi32>
    %or3A_1578 = arith.ori %sub3A_1572, %sub3A_1577 : vector<16xi32>
    %shift_right_arithmetic3A_1579 = arith.constant 31 : i32
    %shift_right_arithmetic3A_1580 = vector.broadcast %shift_right_arithmetic3A_1579 : i32 to vector<16xi32>
    %shift_right_arithmetic3A_1581 = arith.shrsi %or3A_1578, %shift_right_arithmetic3A_1580 : vector<16xi32>
    %add3A_1582 = arith.constant 48 : i32
    %add3A_1583 = vector.broadcast %add3A_1582 : i32 to vector<16xi32>
    %add3A_1584 = arith.addi %iota3A, %add3A_1583 : vector<16xi32>
    %sub3A_1585 = vector.broadcast %squeeze3A_1417 : i32 to vector<16xi32>
    %sub3A_1586 = arith.subi %add3A_1584, %sub3A_1585 : vector<16xi32>
    %add3A_1587 = arith.constant 48 : i32
    %add3A_1588 = vector.broadcast %add3A_1587 : i32 to vector<16xi32>
    %add3A_1589 = arith.addi %iota3A, %add3A_1588 : vector<16xi32>
    %sub3A_1590 = vector.broadcast %squeeze3A_1425 : i32 to vector<16xi32>
    %sub3A_1591 = arith.subi %sub3A_1590, %add3A_1589 : vector<16xi32>
    %or3A_1592 = arith.ori %sub3A_1586, %sub3A_1591 : vector<16xi32>
    %shift_right_arithmetic3A_1593 = arith.constant 31 : i32
    %shift_right_arithmetic3A_1594 = vector.broadcast %shift_right_arithmetic3A_1593 : i32 to vector<16xi32>
    %shift_right_arithmetic3A_1595 = arith.shrsi %or3A_1592, %shift_right_arithmetic3A_1594 : vector<16xi32>
    %add3A_1596 = arith.constant 0 : i32
    %add3A_1597 = vector.broadcast %add3A_1596 : i32 to vector<16xi32>
    %add3A_1598 = arith.addi %iota3A, %add3A_1597 : vector<16xi32>
    %sub3A_1599 = vector.broadcast %squeeze3A_1419 : i32 to vector<16xi32>
    %sub3A_1600 = arith.subi %add3A_1598, %sub3A_1599 : vector<16xi32>
    %add3A_1601 = arith.constant 0 : i32
    %add3A_1602 = vector.broadcast %add3A_1601 : i32 to vector<16xi32>
    %add3A_1603 = arith.addi %iota3A, %add3A_1602 : vector<16xi32>
    %sub3A_1604 = vector.broadcast %squeeze3A_1427 : i32 to vector<16xi32>
    %sub3A_1605 = arith.subi %sub3A_1604, %add3A_1603 : vector<16xi32>
    %or3A_1606 = arith.ori %sub3A_1600, %sub3A_1605 : vector<16xi32>
    %shift_right_arithmetic3A_1607 = arith.constant 31 : i32
    %shift_right_arithmetic3A_1608 = vector.broadcast %shift_right_arithmetic3A_1607 : i32 to vector<16xi32>
    %shift_right_arithmetic3A_1609 = arith.shrsi %or3A_1606, %shift_right_arithmetic3A_1608 : vector<16xi32>
    %add3A_1610 = arith.constant 16 : i32
    %add3A_1611 = vector.broadcast %add3A_1610 : i32 to vector<16xi32>
    %add3A_1612 = arith.addi %iota3A, %add3A_1611 : vector<16xi32>
    %sub3A_1613 = vector.broadcast %squeeze3A_1419 : i32 to vector<16xi32>
    %sub3A_1614 = arith.subi %add3A_1612, %sub3A_1613 : vector<16xi32>
    %add3A_1615 = arith.constant 16 : i32
    %add3A_1616 = vector.broadcast %add3A_1615 : i32 to vector<16xi32>
    %add3A_1617 = arith.addi %iota3A, %add3A_1616 : vector<16xi32>
    %sub3A_1618 = vector.broadcast %squeeze3A_1427 : i32 to vector<16xi32>
    %sub3A_1619 = arith.subi %sub3A_1618, %add3A_1617 : vector<16xi32>
    %or3A_1620 = arith.ori %sub3A_1614, %sub3A_1619 : vector<16xi32>
    %shift_right_arithmetic3A_1621 = arith.constant 31 : i32
    %shift_right_arithmetic3A_1622 = vector.broadcast %shift_right_arithmetic3A_1621 : i32 to vector<16xi32>
    %shift_right_arithmetic3A_1623 = arith.shrsi %or3A_1620, %shift_right_arithmetic3A_1622 : vector<16xi32>
    %add3A_1624 = arith.constant 32 : i32
    %add3A_1625 = vector.broadcast %add3A_1624 : i32 to vector<16xi32>
    %add3A_1626 = arith.addi %iota3A, %add3A_1625 : vector<16xi32>
    %sub3A_1627 = vector.broadcast %squeeze3A_1419 : i32 to vector<16xi32>
    %sub3A_1628 = arith.subi %add3A_1626, %sub3A_1627 : vector<16xi32>
    %add3A_1629 = arith.constant 32 : i32
    %add3A_1630 = vector.broadcast %add3A_1629 : i32 to vector<16xi32>
    %add3A_1631 = arith.addi %iota3A, %add3A_1630 : vector<16xi32>
    %sub3A_1632 = vector.broadcast %squeeze3A_1427 : i32 to vector<16xi32>
    %sub3A_1633 = arith.subi %sub3A_1632, %add3A_1631 : vector<16xi32>
    %or3A_1634 = arith.ori %sub3A_1628, %sub3A_1633 : vector<16xi32>
    %shift_right_arithmetic3A_1635 = arith.constant 31 : i32
    %shift_right_arithmetic3A_1636 = vector.broadcast %shift_right_arithmetic3A_1635 : i32 to vector<16xi32>
    %shift_right_arithmetic3A_1637 = arith.shrsi %or3A_1634, %shift_right_arithmetic3A_1636 : vector<16xi32>
    %add3A_1638 = arith.constant 48 : i32
    %add3A_1639 = vector.broadcast %add3A_1638 : i32 to vector<16xi32>
    %add3A_1640 = arith.addi %iota3A, %add3A_1639 : vector<16xi32>
    %sub3A_1641 = vector.broadcast %squeeze3A_1419 : i32 to vector<16xi32>
    %sub3A_1642 = arith.subi %add3A_1640, %sub3A_1641 : vector<16xi32>
    %add3A_1643 = arith.constant 48 : i32
    %add3A_1644 = vector.broadcast %add3A_1643 : i32 to vector<16xi32>
    %add3A_1645 = arith.addi %iota3A, %add3A_1644 : vector<16xi32>
    %sub3A_1646 = vector.broadcast %squeeze3A_1427 : i32 to vector<16xi32>
    %sub3A_1647 = arith.subi %sub3A_1646, %add3A_1645 : vector<16xi32>
    %or3A_1648 = arith.ori %sub3A_1642, %sub3A_1647 : vector<16xi32>
    %shift_right_arithmetic3A_1649 = arith.constant 31 : i32
    %shift_right_arithmetic3A_1650 = vector.broadcast %shift_right_arithmetic3A_1649 : i32 to vector<16xi32>
    %shift_right_arithmetic3A_1651 = arith.shrsi %or3A_1648, %shift_right_arithmetic3A_1650 : vector<16xi32>
    %scan3A_1652 = arith.constant 0 : i32
    %scan3A_1653 = arith.constant 0 : i32
    %scan3A_1654 = arith.constant 0 : i32
    %scan3A_1655 = arith.constant 64 : i32
    %scan3A_1656 = arith.addi %scan3A_1654, %scan3A_1655 : i32
    %scan3A_1657 = arith.constant 1 : i32
    %scan3A_1658:2 = scf.for %scan3A_2395 = %scan3A_1654 to %scan3A_1656 step %scan3A_1657 iter_args(%scan3A_2396 = %scan3A_1652, %scan3A_2397 = %scan3A_1653) -> (i32, i32)  : i32 {
      %sub3A_2398 = arith.subi %scan3A_2395, %squeeze3A_1137 : i32
      %sub3A_2399 = arith.subi %squeeze3A_1145, %scan3A_2395 : i32
      %or3A_2400 = arith.ori %sub3A_2398, %sub3A_2399 : i32
      %shift_right_arithmetic3A_2401 = arith.constant 31 : i32
      %shift_right_arithmetic3A_2402 = arith.shrsi %or3A_2400, %shift_right_arithmetic3A_2401 : i32
      %sub3A_2403 = arith.subi %scan3A_2395, %squeeze3A_1139 : i32
      %sub3A_2404 = arith.subi %squeeze3A_1147, %scan3A_2395 : i32
      %or3A_2405 = arith.ori %sub3A_2403, %sub3A_2404 : i32
      %shift_right_arithmetic3A_2406 = arith.constant 31 : i32
      %shift_right_arithmetic3A_2407 = arith.shrsi %or3A_2405, %shift_right_arithmetic3A_2406 : i32
      %sub3A_2408 = arith.subi %scan3A_2395, %squeeze3A_1141 : i32
      %sub3A_2409 = arith.subi %squeeze3A_1149, %scan3A_2395 : i32
      %or3A_2410 = arith.ori %sub3A_2408, %sub3A_2409 : i32
      %shift_right_arithmetic3A_2411 = arith.constant 31 : i32
      %shift_right_arithmetic3A_2412 = arith.shrsi %or3A_2410, %shift_right_arithmetic3A_2411 : i32
      %sub3A_2413 = arith.subi %scan3A_2395, %squeeze3A_1143 : i32
      %sub3A_2414 = arith.subi %squeeze3A_1151, %scan3A_2395 : i32
      %or3A_2415 = arith.ori %sub3A_2413, %sub3A_2414 : i32
      %shift_right_arithmetic3A_2416 = arith.constant 31 : i32
      %shift_right_arithmetic3A_2417 = arith.shrsi %or3A_2415, %shift_right_arithmetic3A_2416 : i32
      %mul3A_2418 = arith.constant 64 : i32
      %mul3A_2419 = arith.muli %scan3A_2395, %mul3A_2418 : i32
      %add3A_2420 = arith.constant 0 : i32
      %add3A_2421 = arith.addi %mul3A_2419, %add3A_2420 : i32
      %or3A_2422 = vector.broadcast %shift_right_arithmetic3A_2402 : i32 to vector<16xi32>
      %or3A_2423 = arith.ori %or3A_2422, %shift_right_arithmetic3A_1181 : vector<16xi32>
      %or3A_2424 = vector.broadcast %shift_right_arithmetic3A_2407 : i32 to vector<16xi32>
      %or3A_2425 = arith.ori %or3A_2424, %shift_right_arithmetic3A_1237 : vector<16xi32>
      %and3A = arith.andi %or3A_2423, %or3A_2425 : vector<16xi32>
      %or3A_2426 = vector.broadcast %shift_right_arithmetic3A_2412 : i32 to vector<16xi32>
      %or3A_2427 = arith.ori %or3A_2426, %shift_right_arithmetic3A_1293 : vector<16xi32>
      %and3A_2428 = arith.andi %and3A, %or3A_2427 : vector<16xi32>
      %or3A_2429 = vector.broadcast %shift_right_arithmetic3A_2417 : i32 to vector<16xi32>
      %or3A_2430 = arith.ori %or3A_2429, %shift_right_arithmetic3A_1349 : vector<16xi32>
      %and3A_2431 = arith.andi %and3A_2428, %or3A_2430 : vector<16xi32>
      %add3A_2432 = arith.constant 1 : i32
      %add3A_2433 = vector.broadcast %add3A_2432 : i32 to vector<16xi32>
      %add3A_2434 = arith.addi %and3A_2431, %add3A_2433 : vector<16xi32>
      %swap3A = arith.index_cast %add3A_2421 : i32 to index
      %swap3A_2435 = tpu.vector_load %arg10[%swap3A] {strides = array<i32>} : memref<4096xi32, #tpu.memory_space<vmem>>, vector<16xi32>,
      tpu.vector_store %arg10[%swap3A], %add3A_2434 {strides = array<i32>} : memref<4096xi32, #tpu.memory_space<vmem>>, vector<16xi32>,
      %swap3A_2436 = arith.index_cast %add3A_2421 : i32 to index
      %swap3A_2437 = tpu.vector_load %arg18[%swap3A_2436] {strides = array<i32>} : memref<4112xi32, #tpu.memory_space<vmem>>, vector<16xi32>,
      tpu.vector_store %arg18[%swap3A_2436], %broadcast_in_dim3A_1 {strides = array<i32>} : memref<4112xi32, #tpu.memory_space<vmem>>, vector<16xi32>,
      %add3A_2438 = vector.broadcast %add3A_2421 : i32 to vector<16xi32>
      %add3A_2439 = arith.addi %iota3A, %add3A_2438 : vector<16xi32>
      %gt3A = arith.constant 0 : i32
      %gt3A_2440 = vector.broadcast %gt3A : i32 to vector<16xi32>
      %gt3A_2441 = arith.cmpi sgt, %add3A_2434, %gt3A_2440 : vector<16xi32>
      %swap3A_2442 = arith.index_cast %scan3A_2396 : i32 to index
      %swap3A_2443 = tpu.vector_load %arg18[%swap3A_2442] masked %gt3A_2441 {strides = array<i32>} : memref<4112xi32, #tpu.memory_space<vmem>>, vector<16xi32>, vector<16xi1>
      tpu.vector_store %arg18[%swap3A_2442], %add3A_2439 masked %gt3A_2441 {strides = array<i32>} : memref<4112xi32, #tpu.memory_space<vmem>>, vector<16xi32>, vector<16xi1>
      %gt3A_2444 = arith.constant 0 : i32
      %gt3A_2445 = vector.broadcast %gt3A_2444 : i32 to vector<16xi32>
      %gt3A_2446 = arith.cmpi sgt, %add3A_2434, %gt3A_2445 : vector<16xi32>
      %all_reduce_population_count3A = tpu.all_reduce %gt3A_2446 {dim = 0 : i64, kind = #tpu.reduction_kind<sum>} : vector<16xi1> -> vector<16xi32>
      %slice3A_2447 = vector.extract_strided_slice %all_reduce_population_count3A {offsets = [0], sizes = [1], strides = [1]} : vector<16xi32> to vector<1xi32>
      %squeeze3A_2448 = vector.extract %slice3A_2447[0] : i32 from vector<1xi32>
      %add3A_2449 = arith.addi %scan3A_2396, %squeeze3A_2448 : i32
      %mul3A_2450 = arith.constant 64 : i32
      %mul3A_2451 = arith.muli %scan3A_2395, %mul3A_2450 : i32
      %add3A_2452 = arith.constant 16 : i32
      %add3A_2453 = arith.addi %mul3A_2451, %add3A_2452 : i32
      %or3A_2454 = vector.broadcast %shift_right_arithmetic3A_2402 : i32 to vector<16xi32>
      %or3A_2455 = arith.ori %or3A_2454, %shift_right_arithmetic3A_1195 : vector<16xi32>
      %or3A_2456 = vector.broadcast %shift_right_arithmetic3A_2407 : i32 to vector<16xi32>
      %or3A_2457 = arith.ori %or3A_2456, %shift_right_arithmetic3A_1251 : vector<16xi32>
      %and3A_2458 = arith.andi %or3A_2455, %or3A_2457 : vector<16xi32>
      %or3A_2459 = vector.broadcast %shift_right_arithmetic3A_2412 : i32 to vector<16xi32>
      %or3A_2460 = arith.ori %or3A_2459, %shift_right_arithmetic3A_1307 : vector<16xi32>
      %and3A_2461 = arith.andi %and3A_2458, %or3A_2460 : vector<16xi32>
      %or3A_2462 = vector.broadcast %shift_right_arithmetic3A_2417 : i32 to vector<16xi32>
      %or3A_2463 = arith.ori %or3A_2462, %shift_right_arithmetic3A_1363 : vector<16xi32>
      %and3A_2464 = arith.andi %and3A_2461, %or3A_2463 : vector<16xi32>
      %add3A_2465 = arith.constant 1 : i32
      %add3A_2466 = vector.broadcast %add3A_2465 : i32 to vector<16xi32>
      %add3A_2467 = arith.addi %and3A_2464, %add3A_2466 : vector<16xi32>
      %swap3A_2468 = arith.index_cast %add3A_2453 : i32 to index
      %swap3A_2469 = tpu.vector_load %arg10[%swap3A_2468] {strides = array<i32>} : memref<4096xi32, #tpu.memory_space<vmem>>, vector<16xi32>,
      tpu.vector_store %arg10[%swap3A_2468], %add3A_2467 {strides = array<i32>} : memref<4096xi32, #tpu.memory_space<vmem>>, vector<16xi32>,
      %swap3A_2470 = arith.index_cast %add3A_2453 : i32 to index
      %swap3A_2471 = tpu.vector_load %arg18[%swap3A_2470] {strides = array<i32>} : memref<4112xi32, #tpu.memory_space<vmem>>, vector<16xi32>,
      tpu.vector_store %arg18[%swap3A_2470], %broadcast_in_dim3A_1 {strides = array<i32>} : memref<4112xi32, #tpu.memory_space<vmem>>, vector<16xi32>,
      %add3A_2472 = vector.broadcast %add3A_2453 : i32 to vector<16xi32>
      %add3A_2473 = arith.addi %iota3A, %add3A_2472 : vector<16xi32>
      %gt3A_2474 = arith.constant 0 : i32
      %gt3A_2475 = vector.broadcast %gt3A_2474 : i32 to vector<16xi32>
      %gt3A_2476 = arith.cmpi sgt, %add3A_2467, %gt3A_2475 : vector<16xi32>
      %swap3A_2477 = arith.index_cast %add3A_2449 : i32 to index
      %swap3A_2478 = tpu.vector_load %arg18[%swap3A_2477] masked %gt3A_2476 {strides = array<i32>} : memref<4112xi32, #tpu.memory_space<vmem>>, vector<16xi32>, vector<16xi1>
      tpu.vector_store %arg18[%swap3A_2477], %add3A_2473 masked %gt3A_2476 {strides = array<i32>} : memref<4112xi32, #tpu.memory_space<vmem>>, vector<16xi32>, vector<16xi1>
      %gt3A_2479 = arith.constant 0 : i32
      %gt3A_2480 = vector.broadcast %gt3A_2479 : i32 to vector<16xi32>
      %gt3A_2481 = arith.cmpi sgt, %add3A_2467, %gt3A_2480 : vector<16xi32>
      %all_reduce_population_count3A_2482 = tpu.all_reduce %gt3A_2481 {dim = 0 : i64, kind = #tpu.reduction_kind<sum>} : vector<16xi1> -> vector<16xi32>
      %slice3A_2483 = vector.extract_strided_slice %all_reduce_population_count3A_2482 {offsets = [0], sizes = [1], strides = [1]} : vector<16xi32> to vector<1xi32>
      %squeeze3A_2484 = vector.extract %slice3A_2483[0] : i32 from vector<1xi32>
      %add3A_2485 = arith.addi %add3A_2449, %squeeze3A_2484 : i32
      %mul3A_2486 = arith.constant 64 : i32
      %mul3A_2487 = arith.muli %scan3A_2395, %mul3A_2486 : i32
      %add3A_2488 = arith.constant 32 : i32
      %add3A_2489 = arith.addi %mul3A_2487, %add3A_2488 : i32
      %or3A_2490 = vector.broadcast %shift_right_arithmetic3A_2402 : i32 to vector<16xi32>
      %or3A_2491 = arith.ori %or3A_2490, %shift_right_arithmetic3A_1209 : vector<16xi32>
      %or3A_2492 = vector.broadcast %shift_right_arithmetic3A_2407 : i32 to vector<16xi32>
      %or3A_2493 = arith.ori %or3A_2492, %shift_right_arithmetic3A_1265 : vector<16xi32>
      %and3A_2494 = arith.andi %or3A_2491, %or3A_2493 : vector<16xi32>
      %or3A_2495 = vector.broadcast %shift_right_arithmetic3A_2412 : i32 to vector<16xi32>
      %or3A_2496 = arith.ori %or3A_2495, %shift_right_arithmetic3A_1321 : vector<16xi32>
      %and3A_2497 = arith.andi %and3A_2494, %or3A_2496 : vector<16xi32>
      %or3A_2498 = vector.broadcast %shift_right_arithmetic3A_2417 : i32 to vector<16xi32>
      %or3A_2499 = arith.ori %or3A_2498, %shift_right_arithmetic3A_1377 : vector<16xi32>
      %and3A_2500 = arith.andi %and3A_2497, %or3A_2499 : vector<16xi32>
      %add3A_2501 = arith.constant 1 : i32
      %add3A_2502 = vector.broadcast %add3A_2501 : i32 to vector<16xi32>
      %add3A_2503 = arith.addi %and3A_2500, %add3A_2502 : vector<16xi32>
      %swap3A_2504 = arith.index_cast %add3A_2489 : i32 to index
      %swap3A_2505 = tpu.vector_load %arg10[%swap3A_2504] {strides = array<i32>} : memref<4096xi32, #tpu.memory_space<vmem>>, vector<16xi32>,
      tpu.vector_store %arg10[%swap3A_2504], %add3A_2503 {strides = array<i32>} : memref<4096xi32, #tpu.memory_space<vmem>>, vector<16xi32>,
      %swap3A_2506 = arith.index_cast %add3A_2489 : i32 to index
      %swap3A_2507 = tpu.vector_load %arg18[%swap3A_2506] {strides = array<i32>} : memref<4112xi32, #tpu.memory_space<vmem>>, vector<16xi32>,
      tpu.vector_store %arg18[%swap3A_2506], %broadcast_in_dim3A_1 {strides = array<i32>} : memref<4112xi32, #tpu.memory_space<vmem>>, vector<16xi32>,
      %add3A_2508 = vector.broadcast %add3A_2489 : i32 to vector<16xi32>
      %add3A_2509 = arith.addi %iota3A, %add3A_2508 : vector<16xi32>
      %gt3A_2510 = arith.constant 0 : i32
      %gt3A_2511 = vector.broadcast %gt3A_2510 : i32 to vector<16xi32>
      %gt3A_2512 = arith.cmpi sgt, %add3A_2503, %gt3A_2511 : vector<16xi32>
      %swap3A_2513 = arith.index_cast %add3A_2485 : i32 to index
      %swap3A_2514 = tpu.vector_load %arg18[%swap3A_2513] masked %gt3A_2512 {strides = array<i32>} : memref<4112xi32, #tpu.memory_space<vmem>>, vector<16xi32>, vector<16xi1>
      tpu.vector_store %arg18[%swap3A_2513], %add3A_2509 masked %gt3A_2512 {strides = array<i32>} : memref<4112xi32, #tpu.memory_space<vmem>>, vector<16xi32>, vector<16xi1>
      %gt3A_2515 = arith.constant 0 : i32
      %gt3A_2516 = vector.broadcast %gt3A_2515 : i32 to vector<16xi32>
      %gt3A_2517 = arith.cmpi sgt, %add3A_2503, %gt3A_2516 : vector<16xi32>
      %all_reduce_population_count3A_2518 = tpu.all_reduce %gt3A_2517 {dim = 0 : i64, kind = #tpu.reduction_kind<sum>} : vector<16xi1> -> vector<16xi32>
      %slice3A_2519 = vector.extract_strided_slice %all_reduce_population_count3A_2518 {offsets = [0], sizes = [1], strides = [1]} : vector<16xi32> to vector<1xi32>
      %squeeze3A_2520 = vector.extract %slice3A_2519[0] : i32 from vector<1xi32>
      %add3A_2521 = arith.addi %add3A_2485, %squeeze3A_2520 : i32
      %mul3A_2522 = arith.constant 64 : i32
      %mul3A_2523 = arith.muli %scan3A_2395, %mul3A_2522 : i32
      %add3A_2524 = arith.constant 48 : i32
      %add3A_2525 = arith.addi %mul3A_2523, %add3A_2524 : i32
      %or3A_2526 = vector.broadcast %shift_right_arithmetic3A_2402 : i32 to vector<16xi32>
      %or3A_2527 = arith.ori %or3A_2526, %shift_right_arithmetic3A_1223 : vector<16xi32>
      %or3A_2528 = vector.broadcast %shift_right_arithmetic3A_2407 : i32 to vector<16xi32>
      %or3A_2529 = arith.ori %or3A_2528, %shift_right_arithmetic3A_1279 : vector<16xi32>
      %and3A_2530 = arith.andi %or3A_2527, %or3A_2529 : vector<16xi32>
      %or3A_2531 = vector.broadcast %shift_right_arithmetic3A_2412 : i32 to vector<16xi32>
      %or3A_2532 = arith.ori %or3A_2531, %shift_right_arithmetic3A_1335 : vector<16xi32>
      %and3A_2533 = arith.andi %and3A_2530, %or3A_2532 : vector<16xi32>
      %or3A_2534 = vector.broadcast %shift_right_arithmetic3A_2417 : i32 to vector<16xi32>
      %or3A_2535 = arith.ori %or3A_2534, %shift_right_arithmetic3A_1391 : vector<16xi32>
      %and3A_2536 = arith.andi %and3A_2533, %or3A_2535 : vector<16xi32>
      %add3A_2537 = arith.constant 1 : i32
      %add3A_2538 = vector.broadcast %add3A_2537 : i32 to vector<16xi32>
      %add3A_2539 = arith.addi %and3A_2536, %add3A_2538 : vector<16xi32>
      %swap3A_2540 = arith.index_cast %add3A_2525 : i32 to index
      %swap3A_2541 = tpu.vector_load %arg10[%swap3A_2540] {strides = array<i32>} : memref<4096xi32, #tpu.memory_space<vmem>>, vector<16xi32>,
      tpu.vector_store %arg10[%swap3A_2540], %add3A_2539 {strides = array<i32>} : memref<4096xi32, #tpu.memory_space<vmem>>, vector<16xi32>,
      %swap3A_2542 = arith.index_cast %add3A_2525 : i32 to index
      %swap3A_2543 = tpu.vector_load %arg18[%swap3A_2542] {strides = array<i32>} : memref<4112xi32, #tpu.memory_space<vmem>>, vector<16xi32>,
      tpu.vector_store %arg18[%swap3A_2542], %broadcast_in_dim3A_1 {strides = array<i32>} : memref<4112xi32, #tpu.memory_space<vmem>>, vector<16xi32>,
      %add3A_2544 = vector.broadcast %add3A_2525 : i32 to vector<16xi32>
      %add3A_2545 = arith.addi %iota3A, %add3A_2544 : vector<16xi32>
      %gt3A_2546 = arith.constant 0 : i32
      %gt3A_2547 = vector.broadcast %gt3A_2546 : i32 to vector<16xi32>
      %gt3A_2548 = arith.cmpi sgt, %add3A_2539, %gt3A_2547 : vector<16xi32>
      %swap3A_2549 = arith.index_cast %add3A_2521 : i32 to index
      %swap3A_2550 = tpu.vector_load %arg18[%swap3A_2549] masked %gt3A_2548 {strides = array<i32>} : memref<4112xi32, #tpu.memory_space<vmem>>, vector<16xi32>, vector<16xi1>
      tpu.vector_store %arg18[%swap3A_2549], %add3A_2545 masked %gt3A_2548 {strides = array<i32>} : memref<4112xi32, #tpu.memory_space<vmem>>, vector<16xi32>, vector<16xi1>
      %gt3A_2551 = arith.constant 0 : i32
      %gt3A_2552 = vector.broadcast %gt3A_2551 : i32 to vector<16xi32>
      %gt3A_2553 = arith.cmpi sgt, %add3A_2539, %gt3A_2552 : vector<16xi32>
      %all_reduce_population_count3A_2554 = tpu.all_reduce %gt3A_2553 {dim = 0 : i64, kind = #tpu.reduction_kind<sum>} : vector<16xi1> -> vector<16xi32>
      %slice3A_2555 = vector.extract_strided_slice %all_reduce_population_count3A_2554 {offsets = [0], sizes = [1], strides = [1]} : vector<16xi32> to vector<1xi32>
      %squeeze3A_2556 = vector.extract %slice3A_2555[0] : i32 from vector<1xi32>
      %add3A_2557 = arith.addi %add3A_2521, %squeeze3A_2556 : i32
      %sub3A_2558 = arith.subi %scan3A_2395, %squeeze3A_1397 : i32
      %sub3A_2559 = arith.subi %squeeze3A_1405, %scan3A_2395 : i32
      %or3A_2560 = arith.ori %sub3A_2558, %sub3A_2559 : i32
      %shift_right_arithmetic3A_2561 = arith.constant 31 : i32
      %shift_right_arithmetic3A_2562 = arith.shrsi %or3A_2560, %shift_right_arithmetic3A_2561 : i32
      %sub3A_2563 = arith.subi %scan3A_2395, %squeeze3A_1399 : i32
      %sub3A_2564 = arith.subi %squeeze3A_1407, %scan3A_2395 : i32
      %or3A_2565 = arith.ori %sub3A_2563, %sub3A_2564 : i32
      %shift_right_arithmetic3A_2566 = arith.constant 31 : i32
      %shift_right_arithmetic3A_2567 = arith.shrsi %or3A_2565, %shift_right_arithmetic3A_2566 : i32
      %sub3A_2568 = arith.subi %scan3A_2395, %squeeze3A_1401 : i32
      %sub3A_2569 = arith.subi %squeeze3A_1409, %scan3A_2395 : i32
      %or3A_2570 = arith.ori %sub3A_2568, %sub3A_2569 : i32
      %shift_right_arithmetic3A_2571 = arith.constant 31 : i32
      %shift_right_arithmetic3A_2572 = arith.shrsi %or3A_2570, %shift_right_arithmetic3A_2571 : i32
      %sub3A_2573 = arith.subi %scan3A_2395, %squeeze3A_1403 : i32
      %sub3A_2574 = arith.subi %squeeze3A_1411, %scan3A_2395 : i32
      %or3A_2575 = arith.ori %sub3A_2573, %sub3A_2574 : i32
      %shift_right_arithmetic3A_2576 = arith.constant 31 : i32
      %shift_right_arithmetic3A_2577 = arith.shrsi %or3A_2575, %shift_right_arithmetic3A_2576 : i32
      %mul3A_2578 = arith.constant 64 : i32
      %mul3A_2579 = arith.muli %scan3A_2395, %mul3A_2578 : i32
      %add3A_2580 = arith.constant 0 : i32
      %add3A_2581 = arith.addi %mul3A_2579, %add3A_2580 : i32
      %or3A_2582 = vector.broadcast %shift_right_arithmetic3A_2562 : i32 to vector<16xi32>
      %or3A_2583 = arith.ori %or3A_2582, %shift_right_arithmetic3A_1441 : vector<16xi32>
      %or3A_2584 = vector.broadcast %shift_right_arithmetic3A_2567 : i32 to vector<16xi32>
      %or3A_2585 = arith.ori %or3A_2584, %shift_right_arithmetic3A_1497 : vector<16xi32>
      %and3A_2586 = arith.andi %or3A_2583, %or3A_2585 : vector<16xi32>
      %or3A_2587 = vector.broadcast %shift_right_arithmetic3A_2572 : i32 to vector<16xi32>
      %or3A_2588 = arith.ori %or3A_2587, %shift_right_arithmetic3A_1553 : vector<16xi32>
      %and3A_2589 = arith.andi %and3A_2586, %or3A_2588 : vector<16xi32>
      %or3A_2590 = vector.broadcast %shift_right_arithmetic3A_2577 : i32 to vector<16xi32>
      %or3A_2591 = arith.ori %or3A_2590, %shift_right_arithmetic3A_1609 : vector<16xi32>
      %and3A_2592 = arith.andi %and3A_2589, %or3A_2591 : vector<16xi32>
      %add3A_2593 = arith.constant 1 : i32
      %add3A_2594 = vector.broadcast %add3A_2593 : i32 to vector<16xi32>
      %add3A_2595 = arith.addi %and3A_2592, %add3A_2594 : vector<16xi32>
      %swap3A_2596 = arith.index_cast %add3A_2581 : i32 to index
      %swap3A_2597 = tpu.vector_load %arg11[%swap3A_2596] {strides = array<i32>} : memref<4096xi32, #tpu.memory_space<vmem>>, vector<16xi32>,
      tpu.vector_store %arg11[%swap3A_2596], %add3A_2595 {strides = array<i32>} : memref<4096xi32, #tpu.memory_space<vmem>>, vector<16xi32>,
      %swap3A_2598 = arith.index_cast %add3A_2581 : i32 to index
      %swap3A_2599 = tpu.vector_load %arg19[%swap3A_2598] {strides = array<i32>} : memref<4112xi32, #tpu.memory_space<vmem>>, vector<16xi32>,
      tpu.vector_store %arg19[%swap3A_2598], %broadcast_in_dim3A_1 {strides = array<i32>} : memref<4112xi32, #tpu.memory_space<vmem>>, vector<16xi32>,
      %add3A_2600 = vector.broadcast %add3A_2581 : i32 to vector<16xi32>
      %add3A_2601 = arith.addi %iota3A, %add3A_2600 : vector<16xi32>
      %gt3A_2602 = arith.constant 0 : i32
      %gt3A_2603 = vector.broadcast %gt3A_2602 : i32 to vector<16xi32>
      %gt3A_2604 = arith.cmpi sgt, %add3A_2595, %gt3A_2603 : vector<16xi32>
      %swap3A_2605 = arith.index_cast %scan3A_2397 : i32 to index
      %swap3A_2606 = tpu.vector_load %arg19[%swap3A_2605] masked %gt3A_2604 {strides = array<i32>} : memref<4112xi32, #tpu.memory_space<vmem>>, vector<16xi32>, vector<16xi1>
      tpu.vector_store %arg19[%swap3A_2605], %add3A_2601 masked %gt3A_2604 {strides = array<i32>} : memref<4112xi32, #tpu.memory_space<vmem>>, vector<16xi32>, vector<16xi1>
      %gt3A_2607 = arith.constant 0 : i32
      %gt3A_2608 = vector.broadcast %gt3A_2607 : i32 to vector<16xi32>
      %gt3A_2609 = arith.cmpi sgt, %add3A_2595, %gt3A_2608 : vector<16xi32>
      %all_reduce_population_count3A_2610 = tpu.all_reduce %gt3A_2609 {dim = 0 : i64, kind = #tpu.reduction_kind<sum>} : vector<16xi1> -> vector<16xi32>
      %slice3A_2611 = vector.extract_strided_slice %all_reduce_population_count3A_2610 {offsets = [0], sizes = [1], strides = [1]} : vector<16xi32> to vector<1xi32>
      %squeeze3A_2612 = vector.extract %slice3A_2611[0] : i32 from vector<1xi32>
      %add3A_2613 = arith.addi %scan3A_2397, %squeeze3A_2612 : i32
      %mul3A_2614 = arith.constant 64 : i32
      %mul3A_2615 = arith.muli %scan3A_2395, %mul3A_2614 : i32
      %add3A_2616 = arith.constant 16 : i32
      %add3A_2617 = arith.addi %mul3A_2615, %add3A_2616 : i32
      %or3A_2618 = vector.broadcast %shift_right_arithmetic3A_2562 : i32 to vector<16xi32>
      %or3A_2619 = arith.ori %or3A_2618, %shift_right_arithmetic3A_1455 : vector<16xi32>
      %or3A_2620 = vector.broadcast %shift_right_arithmetic3A_2567 : i32 to vector<16xi32>
      %or3A_2621 = arith.ori %or3A_2620, %shift_right_arithmetic3A_1511 : vector<16xi32>
      %and3A_2622 = arith.andi %or3A_2619, %or3A_2621 : vector<16xi32>
      %or3A_2623 = vector.broadcast %shift_right_arithmetic3A_2572 : i32 to vector<16xi32>
      %or3A_2624 = arith.ori %or3A_2623, %shift_right_arithmetic3A_1567 : vector<16xi32>
      %and3A_2625 = arith.andi %and3A_2622, %or3A_2624 : vector<16xi32>
      %or3A_2626 = vector.broadcast %shift_right_arithmetic3A_2577 : i32 to vector<16xi32>
      %or3A_2627 = arith.ori %or3A_2626, %shift_right_arithmetic3A_1623 : vector<16xi32>
      %and3A_2628 = arith.andi %and3A_2625, %or3A_2627 : vector<16xi32>
      %add3A_2629 = arith.constant 1 : i32
      %add3A_2630 = vector.broadcast %add3A_2629 : i32 to vector<16xi32>
      %add3A_2631 = arith.addi %and3A_2628, %add3A_2630 : vector<16xi32>
      %swap3A_2632 = arith.index_cast %add3A_2617 : i32 to index
      %swap3A_2633 = tpu.vector_load %arg11[%swap3A_2632] {strides = array<i32>} : memref<4096xi32, #tpu.memory_space<vmem>>, vector<16xi32>,
      tpu.vector_store %arg11[%swap3A_2632], %add3A_2631 {strides = array<i32>} : memref<4096xi32, #tpu.memory_space<vmem>>, vector<16xi32>,
      %swap3A_2634 = arith.index_cast %add3A_2617 : i32 to index
      %swap3A_2635 = tpu.vector_load %arg19[%swap3A_2634] {strides = array<i32>} : memref<4112xi32, #tpu.memory_space<vmem>>, vector<16xi32>,
      tpu.vector_store %arg19[%swap3A_2634], %broadcast_in_dim3A_1 {strides = array<i32>} : memref<4112xi32, #tpu.memory_space<vmem>>, vector<16xi32>,
      %add3A_2636 = vector.broadcast %add3A_2617 : i32 to vector<16xi32>
      %add3A_2637 = arith.addi %iota3A, %add3A_2636 : vector<16xi32>
      %gt3A_2638 = arith.constant 0 : i32
      %gt3A_2639 = vector.broadcast %gt3A_2638 : i32 to vector<16xi32>
      %gt3A_2640 = arith.cmpi sgt, %add3A_2631, %gt3A_2639 : vector<16xi32>
      %swap3A_2641 = arith.index_cast %add3A_2613 : i32 to index
      %swap3A_2642 = tpu.vector_load %arg19[%swap3A_2641] masked %gt3A_2640 {strides = array<i32>} : memref<4112xi32, #tpu.memory_space<vmem>>, vector<16xi32>, vector<16xi1>
      tpu.vector_store %arg19[%swap3A_2641], %add3A_2637 masked %gt3A_2640 {strides = array<i32>} : memref<4112xi32, #tpu.memory_space<vmem>>, vector<16xi32>, vector<16xi1>
      %gt3A_2643 = arith.constant 0 : i32
      %gt3A_2644 = vector.broadcast %gt3A_2643 : i32 to vector<16xi32>
      %gt3A_2645 = arith.cmpi sgt, %add3A_2631, %gt3A_2644 : vector<16xi32>
      %all_reduce_population_count3A_2646 = tpu.all_reduce %gt3A_2645 {dim = 0 : i64, kind = #tpu.reduction_kind<sum>} : vector<16xi1> -> vector<16xi32>
      %slice3A_2647 = vector.extract_strided_slice %all_reduce_population_count3A_2646 {offsets = [0], sizes = [1], strides = [1]} : vector<16xi32> to vector<1xi32>
      %squeeze3A_2648 = vector.extract %slice3A_2647[0] : i32 from vector<1xi32>
      %add3A_2649 = arith.addi %add3A_2613, %squeeze3A_2648 : i32
      %mul3A_2650 = arith.constant 64 : i32
      %mul3A_2651 = arith.muli %scan3A_2395, %mul3A_2650 : i32
      %add3A_2652 = arith.constant 32 : i32
      %add3A_2653 = arith.addi %mul3A_2651, %add3A_2652 : i32
      %or3A_2654 = vector.broadcast %shift_right_arithmetic3A_2562 : i32 to vector<16xi32>
      %or3A_2655 = arith.ori %or3A_2654, %shift_right_arithmetic3A_1469 : vector<16xi32>
      %or3A_2656 = vector.broadcast %shift_right_arithmetic3A_2567 : i32 to vector<16xi32>
      %or3A_2657 = arith.ori %or3A_2656, %shift_right_arithmetic3A_1525 : vector<16xi32>
      %and3A_2658 = arith.andi %or3A_2655, %or3A_2657 : vector<16xi32>
      %or3A_2659 = vector.broadcast %shift_right_arithmetic3A_2572 : i32 to vector<16xi32>
      %or3A_2660 = arith.ori %or3A_2659, %shift_right_arithmetic3A_1581 : vector<16xi32>
      %and3A_2661 = arith.andi %and3A_2658, %or3A_2660 : vector<16xi32>
      %or3A_2662 = vector.broadcast %shift_right_arithmetic3A_2577 : i32 to vector<16xi32>
      %or3A_2663 = arith.ori %or3A_2662, %shift_right_arithmetic3A_1637 : vector<16xi32>
      %and3A_2664 = arith.andi %and3A_2661, %or3A_2663 : vector<16xi32>
      %add3A_2665 = arith.constant 1 : i32
      %add3A_2666 = vector.broadcast %add3A_2665 : i32 to vector<16xi32>
      %add3A_2667 = arith.addi %and3A_2664, %add3A_2666 : vector<16xi32>
      %swap3A_2668 = arith.index_cast %add3A_2653 : i32 to index
      %swap3A_2669 = tpu.vector_load %arg11[%swap3A_2668] {strides = array<i32>} : memref<4096xi32, #tpu.memory_space<vmem>>, vector<16xi32>,
      tpu.vector_store %arg11[%swap3A_2668], %add3A_2667 {strides = array<i32>} : memref<4096xi32, #tpu.memory_space<vmem>>, vector<16xi32>,
      %swap3A_2670 = arith.index_cast %add3A_2653 : i32 to index
      %swap3A_2671 = tpu.vector_load %arg19[%swap3A_2670] {strides = array<i32>} : memref<4112xi32, #tpu.memory_space<vmem>>, vector<16xi32>,
      tpu.vector_store %arg19[%swap3A_2670], %broadcast_in_dim3A_1 {strides = array<i32>} : memref<4112xi32, #tpu.memory_space<vmem>>, vector<16xi32>,
      %add3A_2672 = vector.broadcast %add3A_2653 : i32 to vector<16xi32>
      %add3A_2673 = arith.addi %iota3A, %add3A_2672 : vector<16xi32>
      %gt3A_2674 = arith.constant 0 : i32
      %gt3A_2675 = vector.broadcast %gt3A_2674 : i32 to vector<16xi32>
      %gt3A_2676 = arith.cmpi sgt, %add3A_2667, %gt3A_2675 : vector<16xi32>
      %swap3A_2677 = arith.index_cast %add3A_2649 : i32 to index
      %swap3A_2678 = tpu.vector_load %arg19[%swap3A_2677] masked %gt3A_2676 {strides = array<i32>} : memref<4112xi32, #tpu.memory_space<vmem>>, vector<16xi32>, vector<16xi1>
      tpu.vector_store %arg19[%swap3A_2677], %add3A_2673 masked %gt3A_2676 {strides = array<i32>} : memref<4112xi32, #tpu.memory_space<vmem>>, vector<16xi32>, vector<16xi1>
      %gt3A_2679 = arith.constant 0 : i32
      %gt3A_2680 = vector.broadcast %gt3A_2679 : i32 to vector<16xi32>
      %gt3A_2681 = arith.cmpi sgt, %add3A_2667, %gt3A_2680 : vector<16xi32>
      %all_reduce_population_count3A_2682 = tpu.all_reduce %gt3A_2681 {dim = 0 : i64, kind = #tpu.reduction_kind<sum>} : vector<16xi1> -> vector<16xi32>
      %slice3A_2683 = vector.extract_strided_slice %all_reduce_population_count3A_2682 {offsets = [0], sizes = [1], strides = [1]} : vector<16xi32> to vector<1xi32>
      %squeeze3A_2684 = vector.extract %slice3A_2683[0] : i32 from vector<1xi32>
      %add3A_2685 = arith.addi %add3A_2649, %squeeze3A_2684 : i32
      %mul3A_2686 = arith.constant 64 : i32
      %mul3A_2687 = arith.muli %scan3A_2395, %mul3A_2686 : i32
      %add3A_2688 = arith.constant 48 : i32
      %add3A_2689 = arith.addi %mul3A_2687, %add3A_2688 : i32
      %or3A_2690 = vector.broadcast %shift_right_arithmetic3A_2562 : i32 to vector<16xi32>
      %or3A_2691 = arith.ori %or3A_2690, %shift_right_arithmetic3A_1483 : vector<16xi32>
      %or3A_2692 = vector.broadcast %shift_right_arithmetic3A_2567 : i32 to vector<16xi32>
      %or3A_2693 = arith.ori %or3A_2692, %shift_right_arithmetic3A_1539 : vector<16xi32>
      %and3A_2694 = arith.andi %or3A_2691, %or3A_2693 : vector<16xi32>
      %or3A_2695 = vector.broadcast %shift_right_arithmetic3A_2572 : i32 to vector<16xi32>
      %or3A_2696 = arith.ori %or3A_2695, %shift_right_arithmetic3A_1595 : vector<16xi32>
      %and3A_2697 = arith.andi %and3A_2694, %or3A_2696 : vector<16xi32>
      %or3A_2698 = vector.broadcast %shift_right_arithmetic3A_2577 : i32 to vector<16xi32>
      %or3A_2699 = arith.ori %or3A_2698, %shift_right_arithmetic3A_1651 : vector<16xi32>
      %and3A_2700 = arith.andi %and3A_2697, %or3A_2699 : vector<16xi32>
      %add3A_2701 = arith.constant 1 : i32
      %add3A_2702 = vector.broadcast %add3A_2701 : i32 to vector<16xi32>
      %add3A_2703 = arith.addi %and3A_2700, %add3A_2702 : vector<16xi32>
      %swap3A_2704 = arith.index_cast %add3A_2689 : i32 to index
      %swap3A_2705 = tpu.vector_load %arg11[%swap3A_2704] {strides = array<i32>} : memref<4096xi32, #tpu.memory_space<vmem>>, vector<16xi32>,
      tpu.vector_store %arg11[%swap3A_2704], %add3A_2703 {strides = array<i32>} : memref<4096xi32, #tpu.memory_space<vmem>>, vector<16xi32>,
      %swap3A_2706 = arith.index_cast %add3A_2689 : i32 to index
      %swap3A_2707 = tpu.vector_load %arg19[%swap3A_2706] {strides = array<i32>} : memref<4112xi32, #tpu.memory_space<vmem>>, vector<16xi32>,
      tpu.vector_store %arg19[%swap3A_2706], %broadcast_in_dim3A_1 {strides = array<i32>} : memref<4112xi32, #tpu.memory_space<vmem>>, vector<16xi32>,
      %add3A_2708 = vector.broadcast %add3A_2689 : i32 to vector<16xi32>
      %add3A_2709 = arith.addi %iota3A, %add3A_2708 : vector<16xi32>
      %gt3A_2710 = arith.constant 0 : i32
      %gt3A_2711 = vector.broadcast %gt3A_2710 : i32 to vector<16xi32>
      %gt3A_2712 = arith.cmpi sgt, %add3A_2703, %gt3A_2711 : vector<16xi32>
      %swap3A_2713 = arith.index_cast %add3A_2685 : i32 to index
      %swap3A_2714 = tpu.vector_load %arg19[%swap3A_2713] masked %gt3A_2712 {strides = array<i32>} : memref<4112xi32, #tpu.memory_space<vmem>>, vector<16xi32>, vector<16xi1>
      tpu.vector_store %arg19[%swap3A_2713], %add3A_2709 masked %gt3A_2712 {strides = array<i32>} : memref<4112xi32, #tpu.memory_space<vmem>>, vector<16xi32>, vector<16xi1>
      %gt3A_2715 = arith.constant 0 : i32
      %gt3A_2716 = vector.broadcast %gt3A_2715 : i32 to vector<16xi32>
      %gt3A_2717 = arith.cmpi sgt, %add3A_2703, %gt3A_2716 : vector<16xi32>
      %all_reduce_population_count3A_2718 = tpu.all_reduce %gt3A_2717 {dim = 0 : i64, kind = #tpu.reduction_kind<sum>} : vector<16xi1> -> vector<16xi32>
      %slice3A_2719 = vector.extract_strided_slice %all_reduce_population_count3A_2718 {offsets = [0], sizes = [1], strides = [1]} : vector<16xi32> to vector<1xi32>
      %squeeze3A_2720 = vector.extract %slice3A_2719[0] : i32 from vector<1xi32>
      %add3A_2721 = arith.addi %add3A_2685, %squeeze3A_2720 : i32
      scf.yield %add3A_2557, %add3A_2721 : i32, i32
    }
    %scan3A_1659 = arith.constant 64 : i32
    %mul3A_1660 = arith.constant 8 : i32
    %mul3A_1661 = arith.muli %add3A, %mul3A_1660 : i32
    %add3A_1662 = arith.constant 4 : i32
    %add3A_1663 = arith.addi %mul3A_1661, %add3A_1662 : i32
    %dma_start3A_1664 = arith.constant 0 : i32
    %dma_start3A_1665 = tpu.memref_slice %arg3[%add3A_1663, %dma_start3A_1664] : memref<256x4096xi32, #tpu.memory_space<hbm>> -> memref<1x4096xi32, #tpu.memory_space<hbm>>
    %dma_start3A_1666 = tpu.memref_squeeze %dma_start3A_1665 : memref<1x4096xi32, #tpu.memory_space<hbm>> -> memref<4096xi32, #tpu.memory_space<hbm>>
    %dma_start3A_1667 = arith.constant 0 : i32
    %dma_start3A_1668 = tpu.memref_slice %arg3[%add3A_1663, %dma_start3A_1667] : memref<256x4096xi32, #tpu.memory_space<hbm>> -> memref<1x4096xi32, #tpu.memory_space<hbm>>
    %dma_start3A_1669 = tpu.memref_squeeze %dma_start3A_1668 : memref<1x4096xi32, #tpu.memory_space<hbm>> -> memref<4096xi32, #tpu.memory_space<hbm>>
    tpu.enqueue_dma source(%arg10 : memref<4096xi32, #tpu.memory_space<vmem>>) target(%dma_start3A_1669 : memref<4096xi32, #tpu.memory_space<hbm>>) target_semaphore(%arg22 : memref<!tpu.dma_semaphore, #tpu.memory_space<semaphore_mem>>)
    %dma_start3A_1670 = arith.constant 0 : i32
    %dma_start3A_1671 = tpu.memref_slice %arg18[%dma_start3A_1670] : memref<4112xi32, #tpu.memory_space<vmem>> -> memref<4096xi32, #tpu.memory_space<vmem>>
    %dma_start3A_1672 = arith.constant 0 : i32
    %dma_start3A_1673 = tpu.memref_slice %arg4[%add3A_1663, %dma_start3A_1672] : memref<256x4096xi32, #tpu.memory_space<hbm>> -> memref<1x4096xi32, #tpu.memory_space<hbm>>
    %dma_start3A_1674 = tpu.memref_squeeze %dma_start3A_1673 : memref<1x4096xi32, #tpu.memory_space<hbm>> -> memref<4096xi32, #tpu.memory_space<hbm>>
    %dma_start3A_1675 = arith.constant 0 : i32
    %dma_start3A_1676 = tpu.memref_slice %arg4[%add3A_1663, %dma_start3A_1675] : memref<256x4096xi32, #tpu.memory_space<hbm>> -> memref<1x4096xi32, #tpu.memory_space<hbm>>
    %dma_start3A_1677 = tpu.memref_squeeze %dma_start3A_1676 : memref<1x4096xi32, #tpu.memory_space<hbm>> -> memref<4096xi32, #tpu.memory_space<hbm>>
    %dma_start3A_1678 = arith.constant 0 : i32
    %dma_start3A_1679 = tpu.memref_slice %arg18[%dma_start3A_1678] : memref<4112xi32, #tpu.memory_space<vmem>> -> memref<4096xi32, #tpu.memory_space<vmem>>
    tpu.enqueue_dma source(%dma_start3A_1679 : memref<4096xi32, #tpu.memory_space<vmem>>) target(%dma_start3A_1677 : memref<4096xi32, #tpu.memory_space<hbm>>) target_semaphore(%arg23 : memref<!tpu.dma_semaphore, #tpu.memory_space<semaphore_mem>>)
    %mul3A_1680 = arith.constant 8 : i32
    %mul3A_1681 = arith.muli %add3A, %mul3A_1680 : i32
    %add3A_1682 = arith.constant 5 : i32
    %add3A_1683 = arith.addi %mul3A_1681, %add3A_1682 : i32
    %dma_start3A_1684 = arith.constant 0 : i32
    %dma_start3A_1685 = tpu.memref_slice %arg3[%add3A_1683, %dma_start3A_1684] : memref<256x4096xi32, #tpu.memory_space<hbm>> -> memref<1x4096xi32, #tpu.memory_space<hbm>>
    %dma_start3A_1686 = tpu.memref_squeeze %dma_start3A_1685 : memref<1x4096xi32, #tpu.memory_space<hbm>> -> memref<4096xi32, #tpu.memory_space<hbm>>
    %dma_start3A_1687 = arith.constant 0 : i32
    %dma_start3A_1688 = tpu.memref_slice %arg3[%add3A_1683, %dma_start3A_1687] : memref<256x4096xi32, #tpu.memory_space<hbm>> -> memref<1x4096xi32, #tpu.memory_space<hbm>>
    %dma_start3A_1689 = tpu.memref_squeeze %dma_start3A_1688 : memref<1x4096xi32, #tpu.memory_space<hbm>> -> memref<4096xi32, #tpu.memory_space<hbm>>
    tpu.enqueue_dma source(%arg11 : memref<4096xi32, #tpu.memory_space<vmem>>) target(%dma_start3A_1689 : memref<4096xi32, #tpu.memory_space<hbm>>) target_semaphore(%arg22 : memref<!tpu.dma_semaphore, #tpu.memory_space<semaphore_mem>>)
    %dma_start3A_1690 = arith.constant 0 : i32
    %dma_start3A_1691 = tpu.memref_slice %arg19[%dma_start3A_1690] : memref<4112xi32, #tpu.memory_space<vmem>> -> memref<4096xi32, #tpu.memory_space<vmem>>
    %dma_start3A_1692 = arith.constant 0 : i32
    %dma_start3A_1693 = tpu.memref_slice %arg4[%add3A_1683, %dma_start3A_1692] : memref<256x4096xi32, #tpu.memory_space<hbm>> -> memref<1x4096xi32, #tpu.memory_space<hbm>>
    %dma_start3A_1694 = tpu.memref_squeeze %dma_start3A_1693 : memref<1x4096xi32, #tpu.memory_space<hbm>> -> memref<4096xi32, #tpu.memory_space<hbm>>
    %dma_start3A_1695 = arith.constant 0 : i32
    %dma_start3A_1696 = tpu.memref_slice %arg4[%add3A_1683, %dma_start3A_1695] : memref<256x4096xi32, #tpu.memory_space<hbm>> -> memref<1x4096xi32, #tpu.memory_space<hbm>>
    %dma_start3A_1697 = tpu.memref_squeeze %dma_start3A_1696 : memref<1x4096xi32, #tpu.memory_space<hbm>> -> memref<4096xi32, #tpu.memory_space<hbm>>
    %dma_start3A_1698 = arith.constant 0 : i32
    %dma_start3A_1699 = tpu.memref_slice %arg19[%dma_start3A_1698] : memref<4112xi32, #tpu.memory_space<vmem>> -> memref<4096xi32, #tpu.memory_space<vmem>>
    tpu.enqueue_dma source(%dma_start3A_1699 : memref<4096xi32, #tpu.memory_space<vmem>>) target(%dma_start3A_1697 : memref<4096xi32, #tpu.memory_space<hbm>>) target_semaphore(%arg23 : memref<!tpu.dma_semaphore, #tpu.memory_space<semaphore_mem>>)
    %get3A_1700 = arith.constant 6 : i32
    %get3A_1701 = arith.index_cast %get3A_1700 : i32 to index
    %get3A_1702 = arith.constant 0 : index
    %get3A_1703 = tpu.vector_load %arg5[%get3A_1701, %get3A_1702] {strides = array<i32>} : memref<8x16xi32, #tpu.memory_space<vmem>>, vector<16xi32>,
    %slice3A_1704 = vector.extract_strided_slice %get3A_1703 {offsets = [0], sizes = [1], strides = [1]} : vector<16xi32> to vector<1xi32>
    %squeeze3A_1705 = vector.extract %slice3A_1704[0] : i32 from vector<1xi32>
    %slice3A_1706 = vector.extract_strided_slice %get3A_1703 {offsets = [1], sizes = [1], strides = [1]} : vector<16xi32> to vector<1xi32>
    %squeeze3A_1707 = vector.extract %slice3A_1706[0] : i32 from vector<1xi32>
    %slice3A_1708 = vector.extract_strided_slice %get3A_1703 {offsets = [2], sizes = [1], strides = [1]} : vector<16xi32> to vector<1xi32>
    %squeeze3A_1709 = vector.extract %slice3A_1708[0] : i32 from vector<1xi32>
    %slice3A_1710 = vector.extract_strided_slice %get3A_1703 {offsets = [3], sizes = [1], strides = [1]} : vector<16xi32> to vector<1xi32>
    %squeeze3A_1711 = vector.extract %slice3A_1710[0] : i32 from vector<1xi32>
    %slice3A_1712 = vector.extract_strided_slice %get3A_1703 {offsets = [4], sizes = [1], strides = [1]} : vector<16xi32> to vector<1xi32>
    %squeeze3A_1713 = vector.extract %slice3A_1712[0] : i32 from vector<1xi32>
    %slice3A_1714 = vector.extract_strided_slice %get3A_1703 {offsets = [5], sizes = [1], strides = [1]} : vector<16xi32> to vector<1xi32>
    %squeeze3A_1715 = vector.extract %slice3A_1714[0] : i32 from vector<1xi32>
    %slice3A_1716 = vector.extract_strided_slice %get3A_1703 {offsets = [6], sizes = [1], strides = [1]} : vector<16xi32> to vector<1xi32>
    %squeeze3A_1717 = vector.extract %slice3A_1716[0] : i32 from vector<1xi32>
    %slice3A_1718 = vector.extract_strided_slice %get3A_1703 {offsets = [7], sizes = [1], strides = [1]} : vector<16xi32> to vector<1xi32>
    %squeeze3A_1719 = vector.extract %slice3A_1718[0] : i32 from vector<1xi32>
    %slice3A_1720 = vector.extract_strided_slice %get3A_1703 {offsets = [8], sizes = [1], strides = [1]} : vector<16xi32> to vector<1xi32>
    %squeeze3A_1721 = vector.extract %slice3A_1720[0] : i32 from vector<1xi32>
    %slice3A_1722 = vector.extract_strided_slice %get3A_1703 {offsets = [9], sizes = [1], strides = [1]} : vector<16xi32> to vector<1xi32>
    %squeeze3A_1723 = vector.extract %slice3A_1722[0] : i32 from vector<1xi32>
    %slice3A_1724 = vector.extract_strided_slice %get3A_1703 {offsets = [10], sizes = [1], strides = [1]} : vector<16xi32> to vector<1xi32>
    %squeeze3A_1725 = vector.extract %slice3A_1724[0] : i32 from vector<1xi32>
    %slice3A_1726 = vector.extract_strided_slice %get3A_1703 {offsets = [11], sizes = [1], strides = [1]} : vector<16xi32> to vector<1xi32>
    %squeeze3A_1727 = vector.extract %slice3A_1726[0] : i32 from vector<1xi32>
    %slice3A_1728 = vector.extract_strided_slice %get3A_1703 {offsets = [12], sizes = [1], strides = [1]} : vector<16xi32> to vector<1xi32>
    %squeeze3A_1729 = vector.extract %slice3A_1728[0] : i32 from vector<1xi32>
    %slice3A_1730 = vector.extract_strided_slice %get3A_1703 {offsets = [13], sizes = [1], strides = [1]} : vector<16xi32> to vector<1xi32>
    %squeeze3A_1731 = vector.extract %slice3A_1730[0] : i32 from vector<1xi32>
    %slice3A_1732 = vector.extract_strided_slice %get3A_1703 {offsets = [14], sizes = [1], strides = [1]} : vector<16xi32> to vector<1xi32>
    %squeeze3A_1733 = vector.extract %slice3A_1732[0] : i32 from vector<1xi32>
    %slice3A_1734 = vector.extract_strided_slice %get3A_1703 {offsets = [15], sizes = [1], strides = [1]} : vector<16xi32> to vector<1xi32>
    %squeeze3A_1735 = vector.extract %slice3A_1734[0] : i32 from vector<1xi32>
    %add3A_1736 = arith.constant 0 : i32
    %add3A_1737 = vector.broadcast %add3A_1736 : i32 to vector<16xi32>
    %add3A_1738 = arith.addi %iota3A, %add3A_1737 : vector<16xi32>
    %sub3A_1739 = vector.broadcast %squeeze3A_1721 : i32 to vector<16xi32>
    %sub3A_1740 = arith.subi %add3A_1738, %sub3A_1739 : vector<16xi32>
    %add3A_1741 = arith.constant 0 : i32
    %add3A_1742 = vector.broadcast %add3A_1741 : i32 to vector<16xi32>
    %add3A_1743 = arith.addi %iota3A, %add3A_1742 : vector<16xi32>
    %sub3A_1744 = vector.broadcast %squeeze3A_1729 : i32 to vector<16xi32>
    %sub3A_1745 = arith.subi %sub3A_1744, %add3A_1743 : vector<16xi32>
    %or3A_1746 = arith.ori %sub3A_1740, %sub3A_1745 : vector<16xi32>
    %shift_right_arithmetic3A_1747 = arith.constant 31 : i32
    %shift_right_arithmetic3A_1748 = vector.broadcast %shift_right_arithmetic3A_1747 : i32 to vector<16xi32>
    %shift_right_arithmetic3A_1749 = arith.shrsi %or3A_1746, %shift_right_arithmetic3A_1748 : vector<16xi32>
    %add3A_1750 = arith.constant 16 : i32
    %add3A_1751 = vector.broadcast %add3A_1750 : i32 to vector<16xi32>
    %add3A_1752 = arith.addi %iota3A, %add3A_1751 : vector<16xi32>
    %sub3A_1753 = vector.broadcast %squeeze3A_1721 : i32 to vector<16xi32>
    %sub3A_1754 = arith.subi %add3A_1752, %sub3A_1753 : vector<16xi32>
    %add3A_1755 = arith.constant 16 : i32
    %add3A_1756 = vector.broadcast %add3A_1755 : i32 to vector<16xi32>
    %add3A_1757 = arith.addi %iota3A, %add3A_1756 : vector<16xi32>
    %sub3A_1758 = vector.broadcast %squeeze3A_1729 : i32 to vector<16xi32>
    %sub3A_1759 = arith.subi %sub3A_1758, %add3A_1757 : vector<16xi32>
    %or3A_1760 = arith.ori %sub3A_1754, %sub3A_1759 : vector<16xi32>
    %shift_right_arithmetic3A_1761 = arith.constant 31 : i32
    %shift_right_arithmetic3A_1762 = vector.broadcast %shift_right_arithmetic3A_1761 : i32 to vector<16xi32>
    %shift_right_arithmetic3A_1763 = arith.shrsi %or3A_1760, %shift_right_arithmetic3A_1762 : vector<16xi32>
    %add3A_1764 = arith.constant 32 : i32
    %add3A_1765 = vector.broadcast %add3A_1764 : i32 to vector<16xi32>
    %add3A_1766 = arith.addi %iota3A, %add3A_1765 : vector<16xi32>
    %sub3A_1767 = vector.broadcast %squeeze3A_1721 : i32 to vector<16xi32>
    %sub3A_1768 = arith.subi %add3A_1766, %sub3A_1767 : vector<16xi32>
    %add3A_1769 = arith.constant 32 : i32
    %add3A_1770 = vector.broadcast %add3A_1769 : i32 to vector<16xi32>
    %add3A_1771 = arith.addi %iota3A, %add3A_1770 : vector<16xi32>
    %sub3A_1772 = vector.broadcast %squeeze3A_1729 : i32 to vector<16xi32>
    %sub3A_1773 = arith.subi %sub3A_1772, %add3A_1771 : vector<16xi32>
    %or3A_1774 = arith.ori %sub3A_1768, %sub3A_1773 : vector<16xi32>
    %shift_right_arithmetic3A_1775 = arith.constant 31 : i32
    %shift_right_arithmetic3A_1776 = vector.broadcast %shift_right_arithmetic3A_1775 : i32 to vector<16xi32>
    %shift_right_arithmetic3A_1777 = arith.shrsi %or3A_1774, %shift_right_arithmetic3A_1776 : vector<16xi32>
    %add3A_1778 = arith.constant 48 : i32
    %add3A_1779 = vector.broadcast %add3A_1778 : i32 to vector<16xi32>
    %add3A_1780 = arith.addi %iota3A, %add3A_1779 : vector<16xi32>
    %sub3A_1781 = vector.broadcast %squeeze3A_1721 : i32 to vector<16xi32>
    %sub3A_1782 = arith.subi %add3A_1780, %sub3A_1781 : vector<16xi32>
    %add3A_1783 = arith.constant 48 : i32
    %add3A_1784 = vector.broadcast %add3A_1783 : i32 to vector<16xi32>
    %add3A_1785 = arith.addi %iota3A, %add3A_1784 : vector<16xi32>
    %sub3A_1786 = vector.broadcast %squeeze3A_1729 : i32 to vector<16xi32>
    %sub3A_1787 = arith.subi %sub3A_1786, %add3A_1785 : vector<16xi32>
    %or3A_1788 = arith.ori %sub3A_1782, %sub3A_1787 : vector<16xi32>
    %shift_right_arithmetic3A_1789 = arith.constant 31 : i32
    %shift_right_arithmetic3A_1790 = vector.broadcast %shift_right_arithmetic3A_1789 : i32 to vector<16xi32>
    %shift_right_arithmetic3A_1791 = arith.shrsi %or3A_1788, %shift_right_arithmetic3A_1790 : vector<16xi32>
    %add3A_1792 = arith.constant 0 : i32
    %add3A_1793 = vector.broadcast %add3A_1792 : i32 to vector<16xi32>
    %add3A_1794 = arith.addi %iota3A, %add3A_1793 : vector<16xi32>
    %sub3A_1795 = vector.broadcast %squeeze3A_1723 : i32 to vector<16xi32>
    %sub3A_1796 = arith.subi %add3A_1794, %sub3A_1795 : vector<16xi32>
    %add3A_1797 = arith.constant 0 : i32
    %add3A_1798 = vector.broadcast %add3A_1797 : i32 to vector<16xi32>
    %add3A_1799 = arith.addi %iota3A, %add3A_1798 : vector<16xi32>
    %sub3A_1800 = vector.broadcast %squeeze3A_1731 : i32 to vector<16xi32>
    %sub3A_1801 = arith.subi %sub3A_1800, %add3A_1799 : vector<16xi32>
    %or3A_1802 = arith.ori %sub3A_1796, %sub3A_1801 : vector<16xi32>
    %shift_right_arithmetic3A_1803 = arith.constant 31 : i32
    %shift_right_arithmetic3A_1804 = vector.broadcast %shift_right_arithmetic3A_1803 : i32 to vector<16xi32>
    %shift_right_arithmetic3A_1805 = arith.shrsi %or3A_1802, %shift_right_arithmetic3A_1804 : vector<16xi32>
    %add3A_1806 = arith.constant 16 : i32
    %add3A_1807 = vector.broadcast %add3A_1806 : i32 to vector<16xi32>
    %add3A_1808 = arith.addi %iota3A, %add3A_1807 : vector<16xi32>
    %sub3A_1809 = vector.broadcast %squeeze3A_1723 : i32 to vector<16xi32>
    %sub3A_1810 = arith.subi %add3A_1808, %sub3A_1809 : vector<16xi32>
    %add3A_1811 = arith.constant 16 : i32
    %add3A_1812 = vector.broadcast %add3A_1811 : i32 to vector<16xi32>
    %add3A_1813 = arith.addi %iota3A, %add3A_1812 : vector<16xi32>
    %sub3A_1814 = vector.broadcast %squeeze3A_1731 : i32 to vector<16xi32>
    %sub3A_1815 = arith.subi %sub3A_1814, %add3A_1813 : vector<16xi32>
    %or3A_1816 = arith.ori %sub3A_1810, %sub3A_1815 : vector<16xi32>
    %shift_right_arithmetic3A_1817 = arith.constant 31 : i32
    %shift_right_arithmetic3A_1818 = vector.broadcast %shift_right_arithmetic3A_1817 : i32 to vector<16xi32>
    %shift_right_arithmetic3A_1819 = arith.shrsi %or3A_1816, %shift_right_arithmetic3A_1818 : vector<16xi32>
    %add3A_1820 = arith.constant 32 : i32
    %add3A_1821 = vector.broadcast %add3A_1820 : i32 to vector<16xi32>
    %add3A_1822 = arith.addi %iota3A, %add3A_1821 : vector<16xi32>
    %sub3A_1823 = vector.broadcast %squeeze3A_1723 : i32 to vector<16xi32>
    %sub3A_1824 = arith.subi %add3A_1822, %sub3A_1823 : vector<16xi32>
    %add3A_1825 = arith.constant 32 : i32
    %add3A_1826 = vector.broadcast %add3A_1825 : i32 to vector<16xi32>
    %add3A_1827 = arith.addi %iota3A, %add3A_1826 : vector<16xi32>
    %sub3A_1828 = vector.broadcast %squeeze3A_1731 : i32 to vector<16xi32>
    %sub3A_1829 = arith.subi %sub3A_1828, %add3A_1827 : vector<16xi32>
    %or3A_1830 = arith.ori %sub3A_1824, %sub3A_1829 : vector<16xi32>
    %shift_right_arithmetic3A_1831 = arith.constant 31 : i32
    %shift_right_arithmetic3A_1832 = vector.broadcast %shift_right_arithmetic3A_1831 : i32 to vector<16xi32>
    %shift_right_arithmetic3A_1833 = arith.shrsi %or3A_1830, %shift_right_arithmetic3A_1832 : vector<16xi32>
    %add3A_1834 = arith.constant 48 : i32
    %add3A_1835 = vector.broadcast %add3A_1834 : i32 to vector<16xi32>
    %add3A_1836 = arith.addi %iota3A, %add3A_1835 : vector<16xi32>
    %sub3A_1837 = vector.broadcast %squeeze3A_1723 : i32 to vector<16xi32>
    %sub3A_1838 = arith.subi %add3A_1836, %sub3A_1837 : vector<16xi32>
    %add3A_1839 = arith.constant 48 : i32
    %add3A_1840 = vector.broadcast %add3A_1839 : i32 to vector<16xi32>
    %add3A_1841 = arith.addi %iota3A, %add3A_1840 : vector<16xi32>
    %sub3A_1842 = vector.broadcast %squeeze3A_1731 : i32 to vector<16xi32>
    %sub3A_1843 = arith.subi %sub3A_1842, %add3A_1841 : vector<16xi32>
    %or3A_1844 = arith.ori %sub3A_1838, %sub3A_1843 : vector<16xi32>
    %shift_right_arithmetic3A_1845 = arith.constant 31 : i32
    %shift_right_arithmetic3A_1846 = vector.broadcast %shift_right_arithmetic3A_1845 : i32 to vector<16xi32>
    %shift_right_arithmetic3A_1847 = arith.shrsi %or3A_1844, %shift_right_arithmetic3A_1846 : vector<16xi32>
    %add3A_1848 = arith.constant 0 : i32
    %add3A_1849 = vector.broadcast %add3A_1848 : i32 to vector<16xi32>
    %add3A_1850 = arith.addi %iota3A, %add3A_1849 : vector<16xi32>
    %sub3A_1851 = vector.broadcast %squeeze3A_1725 : i32 to vector<16xi32>
    %sub3A_1852 = arith.subi %add3A_1850, %sub3A_1851 : vector<16xi32>
    %add3A_1853 = arith.constant 0 : i32
    %add3A_1854 = vector.broadcast %add3A_1853 : i32 to vector<16xi32>
    %add3A_1855 = arith.addi %iota3A, %add3A_1854 : vector<16xi32>
    %sub3A_1856 = vector.broadcast %squeeze3A_1733 : i32 to vector<16xi32>
    %sub3A_1857 = arith.subi %sub3A_1856, %add3A_1855 : vector<16xi32>
    %or3A_1858 = arith.ori %sub3A_1852, %sub3A_1857 : vector<16xi32>
    %shift_right_arithmetic3A_1859 = arith.constant 31 : i32
    %shift_right_arithmetic3A_1860 = vector.broadcast %shift_right_arithmetic3A_1859 : i32 to vector<16xi32>
    %shift_right_arithmetic3A_1861 = arith.shrsi %or3A_1858, %shift_right_arithmetic3A_1860 : vector<16xi32>
    %add3A_1862 = arith.constant 16 : i32
    %add3A_1863 = vector.broadcast %add3A_1862 : i32 to vector<16xi32>
    %add3A_1864 = arith.addi %iota3A, %add3A_1863 : vector<16xi32>
    %sub3A_1865 = vector.broadcast %squeeze3A_1725 : i32 to vector<16xi32>
    %sub3A_1866 = arith.subi %add3A_1864, %sub3A_1865 : vector<16xi32>
    %add3A_1867 = arith.constant 16 : i32
    %add3A_1868 = vector.broadcast %add3A_1867 : i32 to vector<16xi32>
    %add3A_1869 = arith.addi %iota3A, %add3A_1868 : vector<16xi32>
    %sub3A_1870 = vector.broadcast %squeeze3A_1733 : i32 to vector<16xi32>
    %sub3A_1871 = arith.subi %sub3A_1870, %add3A_1869 : vector<16xi32>
    %or3A_1872 = arith.ori %sub3A_1866, %sub3A_1871 : vector<16xi32>
    %shift_right_arithmetic3A_1873 = arith.constant 31 : i32
    %shift_right_arithmetic3A_1874 = vector.broadcast %shift_right_arithmetic3A_1873 : i32 to vector<16xi32>
    %shift_right_arithmetic3A_1875 = arith.shrsi %or3A_1872, %shift_right_arithmetic3A_1874 : vector<16xi32>
    %add3A_1876 = arith.constant 32 : i32
    %add3A_1877 = vector.broadcast %add3A_1876 : i32 to vector<16xi32>
    %add3A_1878 = arith.addi %iota3A, %add3A_1877 : vector<16xi32>
    %sub3A_1879 = vector.broadcast %squeeze3A_1725 : i32 to vector<16xi32>
    %sub3A_1880 = arith.subi %add3A_1878, %sub3A_1879 : vector<16xi32>
    %add3A_1881 = arith.constant 32 : i32
    %add3A_1882 = vector.broadcast %add3A_1881 : i32 to vector<16xi32>
    %add3A_1883 = arith.addi %iota3A, %add3A_1882 : vector<16xi32>
    %sub3A_1884 = vector.broadcast %squeeze3A_1733 : i32 to vector<16xi32>
    %sub3A_1885 = arith.subi %sub3A_1884, %add3A_1883 : vector<16xi32>
    %or3A_1886 = arith.ori %sub3A_1880, %sub3A_1885 : vector<16xi32>
    %shift_right_arithmetic3A_1887 = arith.constant 31 : i32
    %shift_right_arithmetic3A_1888 = vector.broadcast %shift_right_arithmetic3A_1887 : i32 to vector<16xi32>
    %shift_right_arithmetic3A_1889 = arith.shrsi %or3A_1886, %shift_right_arithmetic3A_1888 : vector<16xi32>
    %add3A_1890 = arith.constant 48 : i32
    %add3A_1891 = vector.broadcast %add3A_1890 : i32 to vector<16xi32>
    %add3A_1892 = arith.addi %iota3A, %add3A_1891 : vector<16xi32>
    %sub3A_1893 = vector.broadcast %squeeze3A_1725 : i32 to vector<16xi32>
    %sub3A_1894 = arith.subi %add3A_1892, %sub3A_1893 : vector<16xi32>
    %add3A_1895 = arith.constant 48 : i32
    %add3A_1896 = vector.broadcast %add3A_1895 : i32 to vector<16xi32>
    %add3A_1897 = arith.addi %iota3A, %add3A_1896 : vector<16xi32>
    %sub3A_1898 = vector.broadcast %squeeze3A_1733 : i32 to vector<16xi32>
    %sub3A_1899 = arith.subi %sub3A_1898, %add3A_1897 : vector<16xi32>
    %or3A_1900 = arith.ori %sub3A_1894, %sub3A_1899 : vector<16xi32>
    %shift_right_arithmetic3A_1901 = arith.constant 31 : i32
    %shift_right_arithmetic3A_1902 = vector.broadcast %shift_right_arithmetic3A_1901 : i32 to vector<16xi32>
    %shift_right_arithmetic3A_1903 = arith.shrsi %or3A_1900, %shift_right_arithmetic3A_1902 : vector<16xi32>
    %add3A_1904 = arith.constant 0 : i32
    %add3A_1905 = vector.broadcast %add3A_1904 : i32 to vector<16xi32>
    %add3A_1906 = arith.addi %iota3A, %add3A_1905 : vector<16xi32>
    %sub3A_1907 = vector.broadcast %squeeze3A_1727 : i32 to vector<16xi32>
    %sub3A_1908 = arith.subi %add3A_1906, %sub3A_1907 : vector<16xi32>
    %add3A_1909 = arith.constant 0 : i32
    %add3A_1910 = vector.broadcast %add3A_1909 : i32 to vector<16xi32>
    %add3A_1911 = arith.addi %iota3A, %add3A_1910 : vector<16xi32>
    %sub3A_1912 = vector.broadcast %squeeze3A_1735 : i32 to vector<16xi32>
    %sub3A_1913 = arith.subi %sub3A_1912, %add3A_1911 : vector<16xi32>
    %or3A_1914 = arith.ori %sub3A_1908, %sub3A_1913 : vector<16xi32>
    %shift_right_arithmetic3A_1915 = arith.constant 31 : i32
    %shift_right_arithmetic3A_1916 = vector.broadcast %shift_right_arithmetic3A_1915 : i32 to vector<16xi32>
    %shift_right_arithmetic3A_1917 = arith.shrsi %or3A_1914, %shift_right_arithmetic3A_1916 : vector<16xi32>
    %add3A_1918 = arith.constant 16 : i32
    %add3A_1919 = vector.broadcast %add3A_1918 : i32 to vector<16xi32>
    %add3A_1920 = arith.addi %iota3A, %add3A_1919 : vector<16xi32>
    %sub3A_1921 = vector.broadcast %squeeze3A_1727 : i32 to vector<16xi32>
    %sub3A_1922 = arith.subi %add3A_1920, %sub3A_1921 : vector<16xi32>
    %add3A_1923 = arith.constant 16 : i32
    %add3A_1924 = vector.broadcast %add3A_1923 : i32 to vector<16xi32>
    %add3A_1925 = arith.addi %iota3A, %add3A_1924 : vector<16xi32>
    %sub3A_1926 = vector.broadcast %squeeze3A_1735 : i32 to vector<16xi32>
    %sub3A_1927 = arith.subi %sub3A_1926, %add3A_1925 : vector<16xi32>
    %or3A_1928 = arith.ori %sub3A_1922, %sub3A_1927 : vector<16xi32>
    %shift_right_arithmetic3A_1929 = arith.constant 31 : i32
    %shift_right_arithmetic3A_1930 = vector.broadcast %shift_right_arithmetic3A_1929 : i32 to vector<16xi32>
    %shift_right_arithmetic3A_1931 = arith.shrsi %or3A_1928, %shift_right_arithmetic3A_1930 : vector<16xi32>
    %add3A_1932 = arith.constant 32 : i32
    %add3A_1933 = vector.broadcast %add3A_1932 : i32 to vector<16xi32>
    %add3A_1934 = arith.addi %iota3A, %add3A_1933 : vector<16xi32>
    %sub3A_1935 = vector.broadcast %squeeze3A_1727 : i32 to vector<16xi32>
    %sub3A_1936 = arith.subi %add3A_1934, %sub3A_1935 : vector<16xi32>
    %add3A_1937 = arith.constant 32 : i32
    %add3A_1938 = vector.broadcast %add3A_1937 : i32 to vector<16xi32>
    %add3A_1939 = arith.addi %iota3A, %add3A_1938 : vector<16xi32>
    %sub3A_1940 = vector.broadcast %squeeze3A_1735 : i32 to vector<16xi32>
    %sub3A_1941 = arith.subi %sub3A_1940, %add3A_1939 : vector<16xi32>
    %or3A_1942 = arith.ori %sub3A_1936, %sub3A_1941 : vector<16xi32>
    %shift_right_arithmetic3A_1943 = arith.constant 31 : i32
    %shift_right_arithmetic3A_1944 = vector.broadcast %shift_right_arithmetic3A_1943 : i32 to vector<16xi32>
    %shift_right_arithmetic3A_1945 = arith.shrsi %or3A_1942, %shift_right_arithmetic3A_1944 : vector<16xi32>
    %add3A_1946 = arith.constant 48 : i32
    %add3A_1947 = vector.broadcast %add3A_1946 : i32 to vector<16xi32>
    %add3A_1948 = arith.addi %iota3A, %add3A_1947 : vector<16xi32>
    %sub3A_1949 = vector.broadcast %squeeze3A_1727 : i32 to vector<16xi32>
    %sub3A_1950 = arith.subi %add3A_1948, %sub3A_1949 : vector<16xi32>
    %add3A_1951 = arith.constant 48 : i32
    %add3A_1952 = vector.broadcast %add3A_1951 : i32 to vector<16xi32>
    %add3A_1953 = arith.addi %iota3A, %add3A_1952 : vector<16xi32>
    %sub3A_1954 = vector.broadcast %squeeze3A_1735 : i32 to vector<16xi32>
    %sub3A_1955 = arith.subi %sub3A_1954, %add3A_1953 : vector<16xi32>
    %or3A_1956 = arith.ori %sub3A_1950, %sub3A_1955 : vector<16xi32>
    %shift_right_arithmetic3A_1957 = arith.constant 31 : i32
    %shift_right_arithmetic3A_1958 = vector.broadcast %shift_right_arithmetic3A_1957 : i32 to vector<16xi32>
    %shift_right_arithmetic3A_1959 = arith.shrsi %or3A_1956, %shift_right_arithmetic3A_1958 : vector<16xi32>
    %get3A_1960 = arith.constant 7 : i32
    %get3A_1961 = arith.index_cast %get3A_1960 : i32 to index
    %get3A_1962 = arith.constant 0 : index
    %get3A_1963 = tpu.vector_load %arg5[%get3A_1961, %get3A_1962] {strides = array<i32>} : memref<8x16xi32, #tpu.memory_space<vmem>>, vector<16xi32>,
    %slice3A_1964 = vector.extract_strided_slice %get3A_1963 {offsets = [0], sizes = [1], strides = [1]} : vector<16xi32> to vector<1xi32>
    %squeeze3A_1965 = vector.extract %slice3A_1964[0] : i32 from vector<1xi32>
    %slice3A_1966 = vector.extract_strided_slice %get3A_1963 {offsets = [1], sizes = [1], strides = [1]} : vector<16xi32> to vector<1xi32>
    %squeeze3A_1967 = vector.extract %slice3A_1966[0] : i32 from vector<1xi32>
    %slice3A_1968 = vector.extract_strided_slice %get3A_1963 {offsets = [2], sizes = [1], strides = [1]} : vector<16xi32> to vector<1xi32>
    %squeeze3A_1969 = vector.extract %slice3A_1968[0] : i32 from vector<1xi32>
    %slice3A_1970 = vector.extract_strided_slice %get3A_1963 {offsets = [3], sizes = [1], strides = [1]} : vector<16xi32> to vector<1xi32>
    %squeeze3A_1971 = vector.extract %slice3A_1970[0] : i32 from vector<1xi32>
    %slice3A_1972 = vector.extract_strided_slice %get3A_1963 {offsets = [4], sizes = [1], strides = [1]} : vector<16xi32> to vector<1xi32>
    %squeeze3A_1973 = vector.extract %slice3A_1972[0] : i32 from vector<1xi32>
    %slice3A_1974 = vector.extract_strided_slice %get3A_1963 {offsets = [5], sizes = [1], strides = [1]} : vector<16xi32> to vector<1xi32>
    %squeeze3A_1975 = vector.extract %slice3A_1974[0] : i32 from vector<1xi32>
    %slice3A_1976 = vector.extract_strided_slice %get3A_1963 {offsets = [6], sizes = [1], strides = [1]} : vector<16xi32> to vector<1xi32>
    %squeeze3A_1977 = vector.extract %slice3A_1976[0] : i32 from vector<1xi32>
    %slice3A_1978 = vector.extract_strided_slice %get3A_1963 {offsets = [7], sizes = [1], strides = [1]} : vector<16xi32> to vector<1xi32>
    %squeeze3A_1979 = vector.extract %slice3A_1978[0] : i32 from vector<1xi32>
    %slice3A_1980 = vector.extract_strided_slice %get3A_1963 {offsets = [8], sizes = [1], strides = [1]} : vector<16xi32> to vector<1xi32>
    %squeeze3A_1981 = vector.extract %slice3A_1980[0] : i32 from vector<1xi32>
    %slice3A_1982 = vector.extract_strided_slice %get3A_1963 {offsets = [9], sizes = [1], strides = [1]} : vector<16xi32> to vector<1xi32>
    %squeeze3A_1983 = vector.extract %slice3A_1982[0] : i32 from vector<1xi32>
    %slice3A_1984 = vector.extract_strided_slice %get3A_1963 {offsets = [10], sizes = [1], strides = [1]} : vector<16xi32> to vector<1xi32>
    %squeeze3A_1985 = vector.extract %slice3A_1984[0] : i32 from vector<1xi32>
    %slice3A_1986 = vector.extract_strided_slice %get3A_1963 {offsets = [11], sizes = [1], strides = [1]} : vector<16xi32> to vector<1xi32>
    %squeeze3A_1987 = vector.extract %slice3A_1986[0] : i32 from vector<1xi32>
    %slice3A_1988 = vector.extract_strided_slice %get3A_1963 {offsets = [12], sizes = [1], strides = [1]} : vector<16xi32> to vector<1xi32>
    %squeeze3A_1989 = vector.extract %slice3A_1988[0] : i32 from vector<1xi32>
    %slice3A_1990 = vector.extract_strided_slice %get3A_1963 {offsets = [13], sizes = [1], strides = [1]} : vector<16xi32> to vector<1xi32>
    %squeeze3A_1991 = vector.extract %slice3A_1990[0] : i32 from vector<1xi32>
    %slice3A_1992 = vector.extract_strided_slice %get3A_1963 {offsets = [14], sizes = [1], strides = [1]} : vector<16xi32> to vector<1xi32>
    %squeeze3A_1993 = vector.extract %slice3A_1992[0] : i32 from vector<1xi32>
    %slice3A_1994 = vector.extract_strided_slice %get3A_1963 {offsets = [15], sizes = [1], strides = [1]} : vector<16xi32> to vector<1xi32>
    %squeeze3A_1995 = vector.extract %slice3A_1994[0] : i32 from vector<1xi32>
    %add3A_1996 = arith.constant 0 : i32
    %add3A_1997 = vector.broadcast %add3A_1996 : i32 to vector<16xi32>
    %add3A_1998 = arith.addi %iota3A, %add3A_1997 : vector<16xi32>
    %sub3A_1999 = vector.broadcast %squeeze3A_1981 : i32 to vector<16xi32>
    %sub3A_2000 = arith.subi %add3A_1998, %sub3A_1999 : vector<16xi32>
    %add3A_2001 = arith.constant 0 : i32
    %add3A_2002 = vector.broadcast %add3A_2001 : i32 to vector<16xi32>
    %add3A_2003 = arith.addi %iota3A, %add3A_2002 : vector<16xi32>
    %sub3A_2004 = vector.broadcast %squeeze3A_1989 : i32 to vector<16xi32>
    %sub3A_2005 = arith.subi %sub3A_2004, %add3A_2003 : vector<16xi32>
    %or3A_2006 = arith.ori %sub3A_2000, %sub3A_2005 : vector<16xi32>
    %shift_right_arithmetic3A_2007 = arith.constant 31 : i32
    %shift_right_arithmetic3A_2008 = vector.broadcast %shift_right_arithmetic3A_2007 : i32 to vector<16xi32>
    %shift_right_arithmetic3A_2009 = arith.shrsi %or3A_2006, %shift_right_arithmetic3A_2008 : vector<16xi32>
    %add3A_2010 = arith.constant 16 : i32
    %add3A_2011 = vector.broadcast %add3A_2010 : i32 to vector<16xi32>
    %add3A_2012 = arith.addi %iota3A, %add3A_2011 : vector<16xi32>
    %sub3A_2013 = vector.broadcast %squeeze3A_1981 : i32 to vector<16xi32>
    %sub3A_2014 = arith.subi %add3A_2012, %sub3A_2013 : vector<16xi32>
    %add3A_2015 = arith.constant 16 : i32
    %add3A_2016 = vector.broadcast %add3A_2015 : i32 to vector<16xi32>
    %add3A_2017 = arith.addi %iota3A, %add3A_2016 : vector<16xi32>
    %sub3A_2018 = vector.broadcast %squeeze3A_1989 : i32 to vector<16xi32>
    %sub3A_2019 = arith.subi %sub3A_2018, %add3A_2017 : vector<16xi32>
    %or3A_2020 = arith.ori %sub3A_2014, %sub3A_2019 : vector<16xi32>
    %shift_right_arithmetic3A_2021 = arith.constant 31 : i32
    %shift_right_arithmetic3A_2022 = vector.broadcast %shift_right_arithmetic3A_2021 : i32 to vector<16xi32>
    %shift_right_arithmetic3A_2023 = arith.shrsi %or3A_2020, %shift_right_arithmetic3A_2022 : vector<16xi32>
    %add3A_2024 = arith.constant 32 : i32
    %add3A_2025 = vector.broadcast %add3A_2024 : i32 to vector<16xi32>
    %add3A_2026 = arith.addi %iota3A, %add3A_2025 : vector<16xi32>
    %sub3A_2027 = vector.broadcast %squeeze3A_1981 : i32 to vector<16xi32>
    %sub3A_2028 = arith.subi %add3A_2026, %sub3A_2027 : vector<16xi32>
    %add3A_2029 = arith.constant 32 : i32
    %add3A_2030 = vector.broadcast %add3A_2029 : i32 to vector<16xi32>
    %add3A_2031 = arith.addi %iota3A, %add3A_2030 : vector<16xi32>
    %sub3A_2032 = vector.broadcast %squeeze3A_1989 : i32 to vector<16xi32>
    %sub3A_2033 = arith.subi %sub3A_2032, %add3A_2031 : vector<16xi32>
    %or3A_2034 = arith.ori %sub3A_2028, %sub3A_2033 : vector<16xi32>
    %shift_right_arithmetic3A_2035 = arith.constant 31 : i32
    %shift_right_arithmetic3A_2036 = vector.broadcast %shift_right_arithmetic3A_2035 : i32 to vector<16xi32>
    %shift_right_arithmetic3A_2037 = arith.shrsi %or3A_2034, %shift_right_arithmetic3A_2036 : vector<16xi32>
    %add3A_2038 = arith.constant 48 : i32
    %add3A_2039 = vector.broadcast %add3A_2038 : i32 to vector<16xi32>
    %add3A_2040 = arith.addi %iota3A, %add3A_2039 : vector<16xi32>
    %sub3A_2041 = vector.broadcast %squeeze3A_1981 : i32 to vector<16xi32>
    %sub3A_2042 = arith.subi %add3A_2040, %sub3A_2041 : vector<16xi32>
    %add3A_2043 = arith.constant 48 : i32
    %add3A_2044 = vector.broadcast %add3A_2043 : i32 to vector<16xi32>
    %add3A_2045 = arith.addi %iota3A, %add3A_2044 : vector<16xi32>
    %sub3A_2046 = vector.broadcast %squeeze3A_1989 : i32 to vector<16xi32>
    %sub3A_2047 = arith.subi %sub3A_2046, %add3A_2045 : vector<16xi32>
    %or3A_2048 = arith.ori %sub3A_2042, %sub3A_2047 : vector<16xi32>
    %shift_right_arithmetic3A_2049 = arith.constant 31 : i32
    %shift_right_arithmetic3A_2050 = vector.broadcast %shift_right_arithmetic3A_2049 : i32 to vector<16xi32>
    %shift_right_arithmetic3A_2051 = arith.shrsi %or3A_2048, %shift_right_arithmetic3A_2050 : vector<16xi32>
    %add3A_2052 = arith.constant 0 : i32
    %add3A_2053 = vector.broadcast %add3A_2052 : i32 to vector<16xi32>
    %add3A_2054 = arith.addi %iota3A, %add3A_2053 : vector<16xi32>
    %sub3A_2055 = vector.broadcast %squeeze3A_1983 : i32 to vector<16xi32>
    %sub3A_2056 = arith.subi %add3A_2054, %sub3A_2055 : vector<16xi32>
    %add3A_2057 = arith.constant 0 : i32
    %add3A_2058 = vector.broadcast %add3A_2057 : i32 to vector<16xi32>
    %add3A_2059 = arith.addi %iota3A, %add3A_2058 : vector<16xi32>
    %sub3A_2060 = vector.broadcast %squeeze3A_1991 : i32 to vector<16xi32>
    %sub3A_2061 = arith.subi %sub3A_2060, %add3A_2059 : vector<16xi32>
    %or3A_2062 = arith.ori %sub3A_2056, %sub3A_2061 : vector<16xi32>
    %shift_right_arithmetic3A_2063 = arith.constant 31 : i32
    %shift_right_arithmetic3A_2064 = vector.broadcast %shift_right_arithmetic3A_2063 : i32 to vector<16xi32>
    %shift_right_arithmetic3A_2065 = arith.shrsi %or3A_2062, %shift_right_arithmetic3A_2064 : vector<16xi32>
    %add3A_2066 = arith.constant 16 : i32
    %add3A_2067 = vector.broadcast %add3A_2066 : i32 to vector<16xi32>
    %add3A_2068 = arith.addi %iota3A, %add3A_2067 : vector<16xi32>
    %sub3A_2069 = vector.broadcast %squeeze3A_1983 : i32 to vector<16xi32>
    %sub3A_2070 = arith.subi %add3A_2068, %sub3A_2069 : vector<16xi32>
    %add3A_2071 = arith.constant 16 : i32
    %add3A_2072 = vector.broadcast %add3A_2071 : i32 to vector<16xi32>
    %add3A_2073 = arith.addi %iota3A, %add3A_2072 : vector<16xi32>
    %sub3A_2074 = vector.broadcast %squeeze3A_1991 : i32 to vector<16xi32>
    %sub3A_2075 = arith.subi %sub3A_2074, %add3A_2073 : vector<16xi32>
    %or3A_2076 = arith.ori %sub3A_2070, %sub3A_2075 : vector<16xi32>
    %shift_right_arithmetic3A_2077 = arith.constant 31 : i32
    %shift_right_arithmetic3A_2078 = vector.broadcast %shift_right_arithmetic3A_2077 : i32 to vector<16xi32>
    %shift_right_arithmetic3A_2079 = arith.shrsi %or3A_2076, %shift_right_arithmetic3A_2078 : vector<16xi32>
    %add3A_2080 = arith.constant 32 : i32
    %add3A_2081 = vector.broadcast %add3A_2080 : i32 to vector<16xi32>
    %add3A_2082 = arith.addi %iota3A, %add3A_2081 : vector<16xi32>
    %sub3A_2083 = vector.broadcast %squeeze3A_1983 : i32 to vector<16xi32>
    %sub3A_2084 = arith.subi %add3A_2082, %sub3A_2083 : vector<16xi32>
    %add3A_2085 = arith.constant 32 : i32
    %add3A_2086 = vector.broadcast %add3A_2085 : i32 to vector<16xi32>
    %add3A_2087 = arith.addi %iota3A, %add3A_2086 : vector<16xi32>
    %sub3A_2088 = vector.broadcast %squeeze3A_1991 : i32 to vector<16xi32>
    %sub3A_2089 = arith.subi %sub3A_2088, %add3A_2087 : vector<16xi32>
    %or3A_2090 = arith.ori %sub3A_2084, %sub3A_2089 : vector<16xi32>
    %shift_right_arithmetic3A_2091 = arith.constant 31 : i32
    %shift_right_arithmetic3A_2092 = vector.broadcast %shift_right_arithmetic3A_2091 : i32 to vector<16xi32>
    %shift_right_arithmetic3A_2093 = arith.shrsi %or3A_2090, %shift_right_arithmetic3A_2092 : vector<16xi32>
    %add3A_2094 = arith.constant 48 : i32
    %add3A_2095 = vector.broadcast %add3A_2094 : i32 to vector<16xi32>
    %add3A_2096 = arith.addi %iota3A, %add3A_2095 : vector<16xi32>
    %sub3A_2097 = vector.broadcast %squeeze3A_1983 : i32 to vector<16xi32>
    %sub3A_2098 = arith.subi %add3A_2096, %sub3A_2097 : vector<16xi32>
    %add3A_2099 = arith.constant 48 : i32
    %add3A_2100 = vector.broadcast %add3A_2099 : i32 to vector<16xi32>
    %add3A_2101 = arith.addi %iota3A, %add3A_2100 : vector<16xi32>
    %sub3A_2102 = vector.broadcast %squeeze3A_1991 : i32 to vector<16xi32>
    %sub3A_2103 = arith.subi %sub3A_2102, %add3A_2101 : vector<16xi32>
    %or3A_2104 = arith.ori %sub3A_2098, %sub3A_2103 : vector<16xi32>
    %shift_right_arithmetic3A_2105 = arith.constant 31 : i32
    %shift_right_arithmetic3A_2106 = vector.broadcast %shift_right_arithmetic3A_2105 : i32 to vector<16xi32>
    %shift_right_arithmetic3A_2107 = arith.shrsi %or3A_2104, %shift_right_arithmetic3A_2106 : vector<16xi32>
    %add3A_2108 = arith.constant 0 : i32
    %add3A_2109 = vector.broadcast %add3A_2108 : i32 to vector<16xi32>
    %add3A_2110 = arith.addi %iota3A, %add3A_2109 : vector<16xi32>
    %sub3A_2111 = vector.broadcast %squeeze3A_1985 : i32 to vector<16xi32>
    %sub3A_2112 = arith.subi %add3A_2110, %sub3A_2111 : vector<16xi32>
    %add3A_2113 = arith.constant 0 : i32
    %add3A_2114 = vector.broadcast %add3A_2113 : i32 to vector<16xi32>
    %add3A_2115 = arith.addi %iota3A, %add3A_2114 : vector<16xi32>
    %sub3A_2116 = vector.broadcast %squeeze3A_1993 : i32 to vector<16xi32>
    %sub3A_2117 = arith.subi %sub3A_2116, %add3A_2115 : vector<16xi32>
    %or3A_2118 = arith.ori %sub3A_2112, %sub3A_2117 : vector<16xi32>
    %shift_right_arithmetic3A_2119 = arith.constant 31 : i32
    %shift_right_arithmetic3A_2120 = vector.broadcast %shift_right_arithmetic3A_2119 : i32 to vector<16xi32>
    %shift_right_arithmetic3A_2121 = arith.shrsi %or3A_2118, %shift_right_arithmetic3A_2120 : vector<16xi32>
    %add3A_2122 = arith.constant 16 : i32
    %add3A_2123 = vector.broadcast %add3A_2122 : i32 to vector<16xi32>
    %add3A_2124 = arith.addi %iota3A, %add3A_2123 : vector<16xi32>
    %sub3A_2125 = vector.broadcast %squeeze3A_1985 : i32 to vector<16xi32>
    %sub3A_2126 = arith.subi %add3A_2124, %sub3A_2125 : vector<16xi32>
    %add3A_2127 = arith.constant 16 : i32
    %add3A_2128 = vector.broadcast %add3A_2127 : i32 to vector<16xi32>
    %add3A_2129 = arith.addi %iota3A, %add3A_2128 : vector<16xi32>
    %sub3A_2130 = vector.broadcast %squeeze3A_1993 : i32 to vector<16xi32>
    %sub3A_2131 = arith.subi %sub3A_2130, %add3A_2129 : vector<16xi32>
    %or3A_2132 = arith.ori %sub3A_2126, %sub3A_2131 : vector<16xi32>
    %shift_right_arithmetic3A_2133 = arith.constant 31 : i32
    %shift_right_arithmetic3A_2134 = vector.broadcast %shift_right_arithmetic3A_2133 : i32 to vector<16xi32>
    %shift_right_arithmetic3A_2135 = arith.shrsi %or3A_2132, %shift_right_arithmetic3A_2134 : vector<16xi32>
    %add3A_2136 = arith.constant 32 : i32
    %add3A_2137 = vector.broadcast %add3A_2136 : i32 to vector<16xi32>
    %add3A_2138 = arith.addi %iota3A, %add3A_2137 : vector<16xi32>
    %sub3A_2139 = vector.broadcast %squeeze3A_1985 : i32 to vector<16xi32>
    %sub3A_2140 = arith.subi %add3A_2138, %sub3A_2139 : vector<16xi32>
    %add3A_2141 = arith.constant 32 : i32
    %add3A_2142 = vector.broadcast %add3A_2141 : i32 to vector<16xi32>
    %add3A_2143 = arith.addi %iota3A, %add3A_2142 : vector<16xi32>
    %sub3A_2144 = vector.broadcast %squeeze3A_1993 : i32 to vector<16xi32>
    %sub3A_2145 = arith.subi %sub3A_2144, %add3A_2143 : vector<16xi32>
    %or3A_2146 = arith.ori %sub3A_2140, %sub3A_2145 : vector<16xi32>
    %shift_right_arithmetic3A_2147 = arith.constant 31 : i32
    %shift_right_arithmetic3A_2148 = vector.broadcast %shift_right_arithmetic3A_2147 : i32 to vector<16xi32>
    %shift_right_arithmetic3A_2149 = arith.shrsi %or3A_2146, %shift_right_arithmetic3A_2148 : vector<16xi32>
    %add3A_2150 = arith.constant 48 : i32
    %add3A_2151 = vector.broadcast %add3A_2150 : i32 to vector<16xi32>
    %add3A_2152 = arith.addi %iota3A, %add3A_2151 : vector<16xi32>
    %sub3A_2153 = vector.broadcast %squeeze3A_1985 : i32 to vector<16xi32>
    %sub3A_2154 = arith.subi %add3A_2152, %sub3A_2153 : vector<16xi32>
    %add3A_2155 = arith.constant 48 : i32
    %add3A_2156 = vector.broadcast %add3A_2155 : i32 to vector<16xi32>
    %add3A_2157 = arith.addi %iota3A, %add3A_2156 : vector<16xi32>
    %sub3A_2158 = vector.broadcast %squeeze3A_1993 : i32 to vector<16xi32>
    %sub3A_2159 = arith.subi %sub3A_2158, %add3A_2157 : vector<16xi32>
    %or3A_2160 = arith.ori %sub3A_2154, %sub3A_2159 : vector<16xi32>
    %shift_right_arithmetic3A_2161 = arith.constant 31 : i32
    %shift_right_arithmetic3A_2162 = vector.broadcast %shift_right_arithmetic3A_2161 : i32 to vector<16xi32>
    %shift_right_arithmetic3A_2163 = arith.shrsi %or3A_2160, %shift_right_arithmetic3A_2162 : vector<16xi32>
    %add3A_2164 = arith.constant 0 : i32
    %add3A_2165 = vector.broadcast %add3A_2164 : i32 to vector<16xi32>
    %add3A_2166 = arith.addi %iota3A, %add3A_2165 : vector<16xi32>
    %sub3A_2167 = vector.broadcast %squeeze3A_1987 : i32 to vector<16xi32>
    %sub3A_2168 = arith.subi %add3A_2166, %sub3A_2167 : vector<16xi32>
    %add3A_2169 = arith.constant 0 : i32
    %add3A_2170 = vector.broadcast %add3A_2169 : i32 to vector<16xi32>
    %add3A_2171 = arith.addi %iota3A, %add3A_2170 : vector<16xi32>
    %sub3A_2172 = vector.broadcast %squeeze3A_1995 : i32 to vector<16xi32>
    %sub3A_2173 = arith.subi %sub3A_2172, %add3A_2171 : vector<16xi32>
    %or3A_2174 = arith.ori %sub3A_2168, %sub3A_2173 : vector<16xi32>
    %shift_right_arithmetic3A_2175 = arith.constant 31 : i32
    %shift_right_arithmetic3A_2176 = vector.broadcast %shift_right_arithmetic3A_2175 : i32 to vector<16xi32>
    %shift_right_arithmetic3A_2177 = arith.shrsi %or3A_2174, %shift_right_arithmetic3A_2176 : vector<16xi32>
    %add3A_2178 = arith.constant 16 : i32
    %add3A_2179 = vector.broadcast %add3A_2178 : i32 to vector<16xi32>
    %add3A_2180 = arith.addi %iota3A, %add3A_2179 : vector<16xi32>
    %sub3A_2181 = vector.broadcast %squeeze3A_1987 : i32 to vector<16xi32>
    %sub3A_2182 = arith.subi %add3A_2180, %sub3A_2181 : vector<16xi32>
    %add3A_2183 = arith.constant 16 : i32
    %add3A_2184 = vector.broadcast %add3A_2183 : i32 to vector<16xi32>
    %add3A_2185 = arith.addi %iota3A, %add3A_2184 : vector<16xi32>
    %sub3A_2186 = vector.broadcast %squeeze3A_1995 : i32 to vector<16xi32>
    %sub3A_2187 = arith.subi %sub3A_2186, %add3A_2185 : vector<16xi32>
    %or3A_2188 = arith.ori %sub3A_2182, %sub3A_2187 : vector<16xi32>
    %shift_right_arithmetic3A_2189 = arith.constant 31 : i32
    %shift_right_arithmetic3A_2190 = vector.broadcast %shift_right_arithmetic3A_2189 : i32 to vector<16xi32>
    %shift_right_arithmetic3A_2191 = arith.shrsi %or3A_2188, %shift_right_arithmetic3A_2190 : vector<16xi32>
    %add3A_2192 = arith.constant 32 : i32
    %add3A_2193 = vector.broadcast %add3A_2192 : i32 to vector<16xi32>
    %add3A_2194 = arith.addi %iota3A, %add3A_2193 : vector<16xi32>
    %sub3A_2195 = vector.broadcast %squeeze3A_1987 : i32 to vector<16xi32>
    %sub3A_2196 = arith.subi %add3A_2194, %sub3A_2195 : vector<16xi32>
    %add3A_2197 = arith.constant 32 : i32
    %add3A_2198 = vector.broadcast %add3A_2197 : i32 to vector<16xi32>
    %add3A_2199 = arith.addi %iota3A, %add3A_2198 : vector<16xi32>
    %sub3A_2200 = vector.broadcast %squeeze3A_1995 : i32 to vector<16xi32>
    %sub3A_2201 = arith.subi %sub3A_2200, %add3A_2199 : vector<16xi32>
    %or3A_2202 = arith.ori %sub3A_2196, %sub3A_2201 : vector<16xi32>
    %shift_right_arithmetic3A_2203 = arith.constant 31 : i32
    %shift_right_arithmetic3A_2204 = vector.broadcast %shift_right_arithmetic3A_2203 : i32 to vector<16xi32>
    %shift_right_arithmetic3A_2205 = arith.shrsi %or3A_2202, %shift_right_arithmetic3A_2204 : vector<16xi32>
    %add3A_2206 = arith.constant 48 : i32
    %add3A_2207 = vector.broadcast %add3A_2206 : i32 to vector<16xi32>
    %add3A_2208 = arith.addi %iota3A, %add3A_2207 : vector<16xi32>
    %sub3A_2209 = vector.broadcast %squeeze3A_1987 : i32 to vector<16xi32>
    %sub3A_2210 = arith.subi %add3A_2208, %sub3A_2209 : vector<16xi32>
    %add3A_2211 = arith.constant 48 : i32
    %add3A_2212 = vector.broadcast %add3A_2211 : i32 to vector<16xi32>
    %add3A_2213 = arith.addi %iota3A, %add3A_2212 : vector<16xi32>
    %sub3A_2214 = vector.broadcast %squeeze3A_1995 : i32 to vector<16xi32>
    %sub3A_2215 = arith.subi %sub3A_2214, %add3A_2213 : vector<16xi32>
    %or3A_2216 = arith.ori %sub3A_2210, %sub3A_2215 : vector<16xi32>
    %shift_right_arithmetic3A_2217 = arith.constant 31 : i32
    %shift_right_arithmetic3A_2218 = vector.broadcast %shift_right_arithmetic3A_2217 : i32 to vector<16xi32>
    %shift_right_arithmetic3A_2219 = arith.shrsi %or3A_2216, %shift_right_arithmetic3A_2218 : vector<16xi32>
    %scan3A_2220 = arith.constant 0 : i32
    %scan3A_2221 = arith.constant 0 : i32
    %scan3A_2222 = arith.constant 0 : i32
    %scan3A_2223 = arith.constant 64 : i32
    %scan3A_2224 = arith.addi %scan3A_2222, %scan3A_2223 : i32
    %scan3A_2225 = arith.constant 1 : i32
    %scan3A_2226:2 = scf.for %scan3A_2395 = %scan3A_2222 to %scan3A_2224 step %scan3A_2225 iter_args(%scan3A_2396 = %scan3A_2220, %scan3A_2397 = %scan3A_2221) -> (i32, i32)  : i32 {
      %sub3A_2398 = arith.subi %scan3A_2395, %squeeze3A_1705 : i32
      %sub3A_2399 = arith.subi %squeeze3A_1713, %scan3A_2395 : i32
      %or3A_2400 = arith.ori %sub3A_2398, %sub3A_2399 : i32
      %shift_right_arithmetic3A_2401 = arith.constant 31 : i32
      %shift_right_arithmetic3A_2402 = arith.shrsi %or3A_2400, %shift_right_arithmetic3A_2401 : i32
      %sub3A_2403 = arith.subi %scan3A_2395, %squeeze3A_1707 : i32
      %sub3A_2404 = arith.subi %squeeze3A_1715, %scan3A_2395 : i32
      %or3A_2405 = arith.ori %sub3A_2403, %sub3A_2404 : i32
      %shift_right_arithmetic3A_2406 = arith.constant 31 : i32
      %shift_right_arithmetic3A_2407 = arith.shrsi %or3A_2405, %shift_right_arithmetic3A_2406 : i32
      %sub3A_2408 = arith.subi %scan3A_2395, %squeeze3A_1709 : i32
      %sub3A_2409 = arith.subi %squeeze3A_1717, %scan3A_2395 : i32
      %or3A_2410 = arith.ori %sub3A_2408, %sub3A_2409 : i32
      %shift_right_arithmetic3A_2411 = arith.constant 31 : i32
      %shift_right_arithmetic3A_2412 = arith.shrsi %or3A_2410, %shift_right_arithmetic3A_2411 : i32
      %sub3A_2413 = arith.subi %scan3A_2395, %squeeze3A_1711 : i32
      %sub3A_2414 = arith.subi %squeeze3A_1719, %scan3A_2395 : i32
      %or3A_2415 = arith.ori %sub3A_2413, %sub3A_2414 : i32
      %shift_right_arithmetic3A_2416 = arith.constant 31 : i32
      %shift_right_arithmetic3A_2417 = arith.shrsi %or3A_2415, %shift_right_arithmetic3A_2416 : i32
      %mul3A_2418 = arith.constant 64 : i32
      %mul3A_2419 = arith.muli %scan3A_2395, %mul3A_2418 : i32
      %add3A_2420 = arith.constant 0 : i32
      %add3A_2421 = arith.addi %mul3A_2419, %add3A_2420 : i32
      %or3A_2422 = vector.broadcast %shift_right_arithmetic3A_2402 : i32 to vector<16xi32>
      %or3A_2423 = arith.ori %or3A_2422, %shift_right_arithmetic3A_1749 : vector<16xi32>
      %or3A_2424 = vector.broadcast %shift_right_arithmetic3A_2407 : i32 to vector<16xi32>
      %or3A_2425 = arith.ori %or3A_2424, %shift_right_arithmetic3A_1805 : vector<16xi32>
      %and3A = arith.andi %or3A_2423, %or3A_2425 : vector<16xi32>
      %or3A_2426 = vector.broadcast %shift_right_arithmetic3A_2412 : i32 to vector<16xi32>
      %or3A_2427 = arith.ori %or3A_2426, %shift_right_arithmetic3A_1861 : vector<16xi32>
      %and3A_2428 = arith.andi %and3A, %or3A_2427 : vector<16xi32>
      %or3A_2429 = vector.broadcast %shift_right_arithmetic3A_2417 : i32 to vector<16xi32>
      %or3A_2430 = arith.ori %or3A_2429, %shift_right_arithmetic3A_1917 : vector<16xi32>
      %and3A_2431 = arith.andi %and3A_2428, %or3A_2430 : vector<16xi32>
      %add3A_2432 = arith.constant 1 : i32
      %add3A_2433 = vector.broadcast %add3A_2432 : i32 to vector<16xi32>
      %add3A_2434 = arith.addi %and3A_2431, %add3A_2433 : vector<16xi32>
      %swap3A = arith.index_cast %add3A_2421 : i32 to index
      %swap3A_2435 = tpu.vector_load %arg12[%swap3A] {strides = array<i32>} : memref<4096xi32, #tpu.memory_space<vmem>>, vector<16xi32>,
      tpu.vector_store %arg12[%swap3A], %add3A_2434 {strides = array<i32>} : memref<4096xi32, #tpu.memory_space<vmem>>, vector<16xi32>,
      %swap3A_2436 = arith.index_cast %add3A_2421 : i32 to index
      %swap3A_2437 = tpu.vector_load %arg20[%swap3A_2436] {strides = array<i32>} : memref<4112xi32, #tpu.memory_space<vmem>>, vector<16xi32>,
      tpu.vector_store %arg20[%swap3A_2436], %broadcast_in_dim3A_1 {strides = array<i32>} : memref<4112xi32, #tpu.memory_space<vmem>>, vector<16xi32>,
      %add3A_2438 = vector.broadcast %add3A_2421 : i32 to vector<16xi32>
      %add3A_2439 = arith.addi %iota3A, %add3A_2438 : vector<16xi32>
      %gt3A = arith.constant 0 : i32
      %gt3A_2440 = vector.broadcast %gt3A : i32 to vector<16xi32>
      %gt3A_2441 = arith.cmpi sgt, %add3A_2434, %gt3A_2440 : vector<16xi32>
      %swap3A_2442 = arith.index_cast %scan3A_2396 : i32 to index
      %swap3A_2443 = tpu.vector_load %arg20[%swap3A_2442] masked %gt3A_2441 {strides = array<i32>} : memref<4112xi32, #tpu.memory_space<vmem>>, vector<16xi32>, vector<16xi1>
      tpu.vector_store %arg20[%swap3A_2442], %add3A_2439 masked %gt3A_2441 {strides = array<i32>} : memref<4112xi32, #tpu.memory_space<vmem>>, vector<16xi32>, vector<16xi1>
      %gt3A_2444 = arith.constant 0 : i32
      %gt3A_2445 = vector.broadcast %gt3A_2444 : i32 to vector<16xi32>
      %gt3A_2446 = arith.cmpi sgt, %add3A_2434, %gt3A_2445 : vector<16xi32>
      %all_reduce_population_count3A = tpu.all_reduce %gt3A_2446 {dim = 0 : i64, kind = #tpu.reduction_kind<sum>} : vector<16xi1> -> vector<16xi32>
      %slice3A_2447 = vector.extract_strided_slice %all_reduce_population_count3A {offsets = [0], sizes = [1], strides = [1]} : vector<16xi32> to vector<1xi32>
      %squeeze3A_2448 = vector.extract %slice3A_2447[0] : i32 from vector<1xi32>
      %add3A_2449 = arith.addi %scan3A_2396, %squeeze3A_2448 : i32
      %mul3A_2450 = arith.constant 64 : i32
      %mul3A_2451 = arith.muli %scan3A_2395, %mul3A_2450 : i32
      %add3A_2452 = arith.constant 16 : i32
      %add3A_2453 = arith.addi %mul3A_2451, %add3A_2452 : i32
      %or3A_2454 = vector.broadcast %shift_right_arithmetic3A_2402 : i32 to vector<16xi32>
      %or3A_2455 = arith.ori %or3A_2454, %shift_right_arithmetic3A_1763 : vector<16xi32>
      %or3A_2456 = vector.broadcast %shift_right_arithmetic3A_2407 : i32 to vector<16xi32>
      %or3A_2457 = arith.ori %or3A_2456, %shift_right_arithmetic3A_1819 : vector<16xi32>
      %and3A_2458 = arith.andi %or3A_2455, %or3A_2457 : vector<16xi32>
      %or3A_2459 = vector.broadcast %shift_right_arithmetic3A_2412 : i32 to vector<16xi32>
      %or3A_2460 = arith.ori %or3A_2459, %shift_right_arithmetic3A_1875 : vector<16xi32>
      %and3A_2461 = arith.andi %and3A_2458, %or3A_2460 : vector<16xi32>
      %or3A_2462 = vector.broadcast %shift_right_arithmetic3A_2417 : i32 to vector<16xi32>
      %or3A_2463 = arith.ori %or3A_2462, %shift_right_arithmetic3A_1931 : vector<16xi32>
      %and3A_2464 = arith.andi %and3A_2461, %or3A_2463 : vector<16xi32>
      %add3A_2465 = arith.constant 1 : i32
      %add3A_2466 = vector.broadcast %add3A_2465 : i32 to vector<16xi32>
      %add3A_2467 = arith.addi %and3A_2464, %add3A_2466 : vector<16xi32>
      %swap3A_2468 = arith.index_cast %add3A_2453 : i32 to index
      %swap3A_2469 = tpu.vector_load %arg12[%swap3A_2468] {strides = array<i32>} : memref<4096xi32, #tpu.memory_space<vmem>>, vector<16xi32>,
      tpu.vector_store %arg12[%swap3A_2468], %add3A_2467 {strides = array<i32>} : memref<4096xi32, #tpu.memory_space<vmem>>, vector<16xi32>,
      %swap3A_2470 = arith.index_cast %add3A_2453 : i32 to index
      %swap3A_2471 = tpu.vector_load %arg20[%swap3A_2470] {strides = array<i32>} : memref<4112xi32, #tpu.memory_space<vmem>>, vector<16xi32>,
      tpu.vector_store %arg20[%swap3A_2470], %broadcast_in_dim3A_1 {strides = array<i32>} : memref<4112xi32, #tpu.memory_space<vmem>>, vector<16xi32>,
      %add3A_2472 = vector.broadcast %add3A_2453 : i32 to vector<16xi32>
      %add3A_2473 = arith.addi %iota3A, %add3A_2472 : vector<16xi32>
      %gt3A_2474 = arith.constant 0 : i32
      %gt3A_2475 = vector.broadcast %gt3A_2474 : i32 to vector<16xi32>
      %gt3A_2476 = arith.cmpi sgt, %add3A_2467, %gt3A_2475 : vector<16xi32>
      %swap3A_2477 = arith.index_cast %add3A_2449 : i32 to index
      %swap3A_2478 = tpu.vector_load %arg20[%swap3A_2477] masked %gt3A_2476 {strides = array<i32>} : memref<4112xi32, #tpu.memory_space<vmem>>, vector<16xi32>, vector<16xi1>
      tpu.vector_store %arg20[%swap3A_2477], %add3A_2473 masked %gt3A_2476 {strides = array<i32>} : memref<4112xi32, #tpu.memory_space<vmem>>, vector<16xi32>, vector<16xi1>
      %gt3A_2479 = arith.constant 0 : i32
      %gt3A_2480 = vector.broadcast %gt3A_2479 : i32 to vector<16xi32>
      %gt3A_2481 = arith.cmpi sgt, %add3A_2467, %gt3A_2480 : vector<16xi32>
      %all_reduce_population_count3A_2482 = tpu.all_reduce %gt3A_2481 {dim = 0 : i64, kind = #tpu.reduction_kind<sum>} : vector<16xi1> -> vector<16xi32>
      %slice3A_2483 = vector.extract_strided_slice %all_reduce_population_count3A_2482 {offsets = [0], sizes = [1], strides = [1]} : vector<16xi32> to vector<1xi32>
      %squeeze3A_2484 = vector.extract %slice3A_2483[0] : i32 from vector<1xi32>
      %add3A_2485 = arith.addi %add3A_2449, %squeeze3A_2484 : i32
      %mul3A_2486 = arith.constant 64 : i32
      %mul3A_2487 = arith.muli %scan3A_2395, %mul3A_2486 : i32
      %add3A_2488 = arith.constant 32 : i32
      %add3A_2489 = arith.addi %mul3A_2487, %add3A_2488 : i32
      %or3A_2490 = vector.broadcast %shift_right_arithmetic3A_2402 : i32 to vector<16xi32>
      %or3A_2491 = arith.ori %or3A_2490, %shift_right_arithmetic3A_1777 : vector<16xi32>
      %or3A_2492 = vector.broadcast %shift_right_arithmetic3A_2407 : i32 to vector<16xi32>
      %or3A_2493 = arith.ori %or3A_2492, %shift_right_arithmetic3A_1833 : vector<16xi32>
      %and3A_2494 = arith.andi %or3A_2491, %or3A_2493 : vector<16xi32>
      %or3A_2495 = vector.broadcast %shift_right_arithmetic3A_2412 : i32 to vector<16xi32>
      %or3A_2496 = arith.ori %or3A_2495, %shift_right_arithmetic3A_1889 : vector<16xi32>
      %and3A_2497 = arith.andi %and3A_2494, %or3A_2496 : vector<16xi32>
      %or3A_2498 = vector.broadcast %shift_right_arithmetic3A_2417 : i32 to vector<16xi32>
      %or3A_2499 = arith.ori %or3A_2498, %shift_right_arithmetic3A_1945 : vector<16xi32>
      %and3A_2500 = arith.andi %and3A_2497, %or3A_2499 : vector<16xi32>
      %add3A_2501 = arith.constant 1 : i32
      %add3A_2502 = vector.broadcast %add3A_2501 : i32 to vector<16xi32>
      %add3A_2503 = arith.addi %and3A_2500, %add3A_2502 : vector<16xi32>
      %swap3A_2504 = arith.index_cast %add3A_2489 : i32 to index
      %swap3A_2505 = tpu.vector_load %arg12[%swap3A_2504] {strides = array<i32>} : memref<4096xi32, #tpu.memory_space<vmem>>, vector<16xi32>,
      tpu.vector_store %arg12[%swap3A_2504], %add3A_2503 {strides = array<i32>} : memref<4096xi32, #tpu.memory_space<vmem>>, vector<16xi32>,
      %swap3A_2506 = arith.index_cast %add3A_2489 : i32 to index
      %swap3A_2507 = tpu.vector_load %arg20[%swap3A_2506] {strides = array<i32>} : memref<4112xi32, #tpu.memory_space<vmem>>, vector<16xi32>,
      tpu.vector_store %arg20[%swap3A_2506], %broadcast_in_dim3A_1 {strides = array<i32>} : memref<4112xi32, #tpu.memory_space<vmem>>, vector<16xi32>,
      %add3A_2508 = vector.broadcast %add3A_2489 : i32 to vector<16xi32>
      %add3A_2509 = arith.addi %iota3A, %add3A_2508 : vector<16xi32>
      %gt3A_2510 = arith.constant 0 : i32
      %gt3A_2511 = vector.broadcast %gt3A_2510 : i32 to vector<16xi32>
      %gt3A_2512 = arith.cmpi sgt, %add3A_2503, %gt3A_2511 : vector<16xi32>
      %swap3A_2513 = arith.index_cast %add3A_2485 : i32 to index
      %swap3A_2514 = tpu.vector_load %arg20[%swap3A_2513] masked %gt3A_2512 {strides = array<i32>} : memref<4112xi32, #tpu.memory_space<vmem>>, vector<16xi32>, vector<16xi1>
      tpu.vector_store %arg20[%swap3A_2513], %add3A_2509 masked %gt3A_2512 {strides = array<i32>} : memref<4112xi32, #tpu.memory_space<vmem>>, vector<16xi32>, vector<16xi1>
      %gt3A_2515 = arith.constant 0 : i32
      %gt3A_2516 = vector.broadcast %gt3A_2515 : i32 to vector<16xi32>
      %gt3A_2517 = arith.cmpi sgt, %add3A_2503, %gt3A_2516 : vector<16xi32>
      %all_reduce_population_count3A_2518 = tpu.all_reduce %gt3A_2517 {dim = 0 : i64, kind = #tpu.reduction_kind<sum>} : vector<16xi1> -> vector<16xi32>
      %slice3A_2519 = vector.extract_strided_slice %all_reduce_population_count3A_2518 {offsets = [0], sizes = [1], strides = [1]} : vector<16xi32> to vector<1xi32>
      %squeeze3A_2520 = vector.extract %slice3A_2519[0] : i32 from vector<1xi32>
      %add3A_2521 = arith.addi %add3A_2485, %squeeze3A_2520 : i32
      %mul3A_2522 = arith.constant 64 : i32
      %mul3A_2523 = arith.muli %scan3A_2395, %mul3A_2522 : i32
      %add3A_2524 = arith.constant 48 : i32
      %add3A_2525 = arith.addi %mul3A_2523, %add3A_2524 : i32
      %or3A_2526 = vector.broadcast %shift_right_arithmetic3A_2402 : i32 to vector<16xi32>
      %or3A_2527 = arith.ori %or3A_2526, %shift_right_arithmetic3A_1791 : vector<16xi32>
      %or3A_2528 = vector.broadcast %shift_right_arithmetic3A_2407 : i32 to vector<16xi32>
      %or3A_2529 = arith.ori %or3A_2528, %shift_right_arithmetic3A_1847 : vector<16xi32>
      %and3A_2530 = arith.andi %or3A_2527, %or3A_2529 : vector<16xi32>
      %or3A_2531 = vector.broadcast %shift_right_arithmetic3A_2412 : i32 to vector<16xi32>
      %or3A_2532 = arith.ori %or3A_2531, %shift_right_arithmetic3A_1903 : vector<16xi32>
      %and3A_2533 = arith.andi %and3A_2530, %or3A_2532 : vector<16xi32>
      %or3A_2534 = vector.broadcast %shift_right_arithmetic3A_2417 : i32 to vector<16xi32>
      %or3A_2535 = arith.ori %or3A_2534, %shift_right_arithmetic3A_1959 : vector<16xi32>
      %and3A_2536 = arith.andi %and3A_2533, %or3A_2535 : vector<16xi32>
      %add3A_2537 = arith.constant 1 : i32
      %add3A_2538 = vector.broadcast %add3A_2537 : i32 to vector<16xi32>
      %add3A_2539 = arith.addi %and3A_2536, %add3A_2538 : vector<16xi32>
      %swap3A_2540 = arith.index_cast %add3A_2525 : i32 to index
      %swap3A_2541 = tpu.vector_load %arg12[%swap3A_2540] {strides = array<i32>} : memref<4096xi32, #tpu.memory_space<vmem>>, vector<16xi32>,
      tpu.vector_store %arg12[%swap3A_2540], %add3A_2539 {strides = array<i32>} : memref<4096xi32, #tpu.memory_space<vmem>>, vector<16xi32>,
      %swap3A_2542 = arith.index_cast %add3A_2525 : i32 to index
      %swap3A_2543 = tpu.vector_load %arg20[%swap3A_2542] {strides = array<i32>} : memref<4112xi32, #tpu.memory_space<vmem>>, vector<16xi32>,
      tpu.vector_store %arg20[%swap3A_2542], %broadcast_in_dim3A_1 {strides = array<i32>} : memref<4112xi32, #tpu.memory_space<vmem>>, vector<16xi32>,
      %add3A_2544 = vector.broadcast %add3A_2525 : i32 to vector<16xi32>
      %add3A_2545 = arith.addi %iota3A, %add3A_2544 : vector<16xi32>
      %gt3A_2546 = arith.constant 0 : i32
      %gt3A_2547 = vector.broadcast %gt3A_2546 : i32 to vector<16xi32>
      %gt3A_2548 = arith.cmpi sgt, %add3A_2539, %gt3A_2547 : vector<16xi32>
      %swap3A_2549 = arith.index_cast %add3A_2521 : i32 to index
      %swap3A_2550 = tpu.vector_load %arg20[%swap3A_2549] masked %gt3A_2548 {strides = array<i32>} : memref<4112xi32, #tpu.memory_space<vmem>>, vector<16xi32>, vector<16xi1>
      tpu.vector_store %arg20[%swap3A_2549], %add3A_2545 masked %gt3A_2548 {strides = array<i32>} : memref<4112xi32, #tpu.memory_space<vmem>>, vector<16xi32>, vector<16xi1>
      %gt3A_2551 = arith.constant 0 : i32
      %gt3A_2552 = vector.broadcast %gt3A_2551 : i32 to vector<16xi32>
      %gt3A_2553 = arith.cmpi sgt, %add3A_2539, %gt3A_2552 : vector<16xi32>
      %all_reduce_population_count3A_2554 = tpu.all_reduce %gt3A_2553 {dim = 0 : i64, kind = #tpu.reduction_kind<sum>} : vector<16xi1> -> vector<16xi32>
      %slice3A_2555 = vector.extract_strided_slice %all_reduce_population_count3A_2554 {offsets = [0], sizes = [1], strides = [1]} : vector<16xi32> to vector<1xi32>
      %squeeze3A_2556 = vector.extract %slice3A_2555[0] : i32 from vector<1xi32>
      %add3A_2557 = arith.addi %add3A_2521, %squeeze3A_2556 : i32
      %sub3A_2558 = arith.subi %scan3A_2395, %squeeze3A_1965 : i32
      %sub3A_2559 = arith.subi %squeeze3A_1973, %scan3A_2395 : i32
      %or3A_2560 = arith.ori %sub3A_2558, %sub3A_2559 : i32
      %shift_right_arithmetic3A_2561 = arith.constant 31 : i32
      %shift_right_arithmetic3A_2562 = arith.shrsi %or3A_2560, %shift_right_arithmetic3A_2561 : i32
      %sub3A_2563 = arith.subi %scan3A_2395, %squeeze3A_1967 : i32
      %sub3A_2564 = arith.subi %squeeze3A_1975, %scan3A_2395 : i32
      %or3A_2565 = arith.ori %sub3A_2563, %sub3A_2564 : i32
      %shift_right_arithmetic3A_2566 = arith.constant 31 : i32
      %shift_right_arithmetic3A_2567 = arith.shrsi %or3A_2565, %shift_right_arithmetic3A_2566 : i32
      %sub3A_2568 = arith.subi %scan3A_2395, %squeeze3A_1969 : i32
      %sub3A_2569 = arith.subi %squeeze3A_1977, %scan3A_2395 : i32
      %or3A_2570 = arith.ori %sub3A_2568, %sub3A_2569 : i32
      %shift_right_arithmetic3A_2571 = arith.constant 31 : i32
      %shift_right_arithmetic3A_2572 = arith.shrsi %or3A_2570, %shift_right_arithmetic3A_2571 : i32
      %sub3A_2573 = arith.subi %scan3A_2395, %squeeze3A_1971 : i32
      %sub3A_2574 = arith.subi %squeeze3A_1979, %scan3A_2395 : i32
      %or3A_2575 = arith.ori %sub3A_2573, %sub3A_2574 : i32
      %shift_right_arithmetic3A_2576 = arith.constant 31 : i32
      %shift_right_arithmetic3A_2577 = arith.shrsi %or3A_2575, %shift_right_arithmetic3A_2576 : i32
      %mul3A_2578 = arith.constant 64 : i32
      %mul3A_2579 = arith.muli %scan3A_2395, %mul3A_2578 : i32
      %add3A_2580 = arith.constant 0 : i32
      %add3A_2581 = arith.addi %mul3A_2579, %add3A_2580 : i32
      %or3A_2582 = vector.broadcast %shift_right_arithmetic3A_2562 : i32 to vector<16xi32>
      %or3A_2583 = arith.ori %or3A_2582, %shift_right_arithmetic3A_2009 : vector<16xi32>
      %or3A_2584 = vector.broadcast %shift_right_arithmetic3A_2567 : i32 to vector<16xi32>
      %or3A_2585 = arith.ori %or3A_2584, %shift_right_arithmetic3A_2065 : vector<16xi32>
      %and3A_2586 = arith.andi %or3A_2583, %or3A_2585 : vector<16xi32>
      %or3A_2587 = vector.broadcast %shift_right_arithmetic3A_2572 : i32 to vector<16xi32>
      %or3A_2588 = arith.ori %or3A_2587, %shift_right_arithmetic3A_2121 : vector<16xi32>
      %and3A_2589 = arith.andi %and3A_2586, %or3A_2588 : vector<16xi32>
      %or3A_2590 = vector.broadcast %shift_right_arithmetic3A_2577 : i32 to vector<16xi32>
      %or3A_2591 = arith.ori %or3A_2590, %shift_right_arithmetic3A_2177 : vector<16xi32>
      %and3A_2592 = arith.andi %and3A_2589, %or3A_2591 : vector<16xi32>
      %add3A_2593 = arith.constant 1 : i32
      %add3A_2594 = vector.broadcast %add3A_2593 : i32 to vector<16xi32>
      %add3A_2595 = arith.addi %and3A_2592, %add3A_2594 : vector<16xi32>
      %swap3A_2596 = arith.index_cast %add3A_2581 : i32 to index
      %swap3A_2597 = tpu.vector_load %arg13[%swap3A_2596] {strides = array<i32>} : memref<4096xi32, #tpu.memory_space<vmem>>, vector<16xi32>,
      tpu.vector_store %arg13[%swap3A_2596], %add3A_2595 {strides = array<i32>} : memref<4096xi32, #tpu.memory_space<vmem>>, vector<16xi32>,
      %swap3A_2598 = arith.index_cast %add3A_2581 : i32 to index
      %swap3A_2599 = tpu.vector_load %arg21[%swap3A_2598] {strides = array<i32>} : memref<4112xi32, #tpu.memory_space<vmem>>, vector<16xi32>,
      tpu.vector_store %arg21[%swap3A_2598], %broadcast_in_dim3A_1 {strides = array<i32>} : memref<4112xi32, #tpu.memory_space<vmem>>, vector<16xi32>,
      %add3A_2600 = vector.broadcast %add3A_2581 : i32 to vector<16xi32>
      %add3A_2601 = arith.addi %iota3A, %add3A_2600 : vector<16xi32>
      %gt3A_2602 = arith.constant 0 : i32
      %gt3A_2603 = vector.broadcast %gt3A_2602 : i32 to vector<16xi32>
      %gt3A_2604 = arith.cmpi sgt, %add3A_2595, %gt3A_2603 : vector<16xi32>
      %swap3A_2605 = arith.index_cast %scan3A_2397 : i32 to index
      %swap3A_2606 = tpu.vector_load %arg21[%swap3A_2605] masked %gt3A_2604 {strides = array<i32>} : memref<4112xi32, #tpu.memory_space<vmem>>, vector<16xi32>, vector<16xi1>
      tpu.vector_store %arg21[%swap3A_2605], %add3A_2601 masked %gt3A_2604 {strides = array<i32>} : memref<4112xi32, #tpu.memory_space<vmem>>, vector<16xi32>, vector<16xi1>
      %gt3A_2607 = arith.constant 0 : i32
      %gt3A_2608 = vector.broadcast %gt3A_2607 : i32 to vector<16xi32>
      %gt3A_2609 = arith.cmpi sgt, %add3A_2595, %gt3A_2608 : vector<16xi32>
      %all_reduce_population_count3A_2610 = tpu.all_reduce %gt3A_2609 {dim = 0 : i64, kind = #tpu.reduction_kind<sum>} : vector<16xi1> -> vector<16xi32>
      %slice3A_2611 = vector.extract_strided_slice %all_reduce_population_count3A_2610 {offsets = [0], sizes = [1], strides = [1]} : vector<16xi32> to vector<1xi32>
      %squeeze3A_2612 = vector.extract %slice3A_2611[0] : i32 from vector<1xi32>
      %add3A_2613 = arith.addi %scan3A_2397, %squeeze3A_2612 : i32
      %mul3A_2614 = arith.constant 64 : i32
      %mul3A_2615 = arith.muli %scan3A_2395, %mul3A_2614 : i32
      %add3A_2616 = arith.constant 16 : i32
      %add3A_2617 = arith.addi %mul3A_2615, %add3A_2616 : i32
      %or3A_2618 = vector.broadcast %shift_right_arithmetic3A_2562 : i32 to vector<16xi32>
      %or3A_2619 = arith.ori %or3A_2618, %shift_right_arithmetic3A_2023 : vector<16xi32>
      %or3A_2620 = vector.broadcast %shift_right_arithmetic3A_2567 : i32 to vector<16xi32>
      %or3A_2621 = arith.ori %or3A_2620, %shift_right_arithmetic3A_2079 : vector<16xi32>
      %and3A_2622 = arith.andi %or3A_2619, %or3A_2621 : vector<16xi32>
      %or3A_2623 = vector.broadcast %shift_right_arithmetic3A_2572 : i32 to vector<16xi32>
      %or3A_2624 = arith.ori %or3A_2623, %shift_right_arithmetic3A_2135 : vector<16xi32>
      %and3A_2625 = arith.andi %and3A_2622, %or3A_2624 : vector<16xi32>
      %or3A_2626 = vector.broadcast %shift_right_arithmetic3A_2577 : i32 to vector<16xi32>
      %or3A_2627 = arith.ori %or3A_2626, %shift_right_arithmetic3A_2191 : vector<16xi32>
      %and3A_2628 = arith.andi %and3A_2625, %or3A_2627 : vector<16xi32>
      %add3A_2629 = arith.constant 1 : i32
      %add3A_2630 = vector.broadcast %add3A_2629 : i32 to vector<16xi32>
      %add3A_2631 = arith.addi %and3A_2628, %add3A_2630 : vector<16xi32>
      %swap3A_2632 = arith.index_cast %add3A_2617 : i32 to index
      %swap3A_2633 = tpu.vector_load %arg13[%swap3A_2632] {strides = array<i32>} : memref<4096xi32, #tpu.memory_space<vmem>>, vector<16xi32>,
      tpu.vector_store %arg13[%swap3A_2632], %add3A_2631 {strides = array<i32>} : memref<4096xi32, #tpu.memory_space<vmem>>, vector<16xi32>,
      %swap3A_2634 = arith.index_cast %add3A_2617 : i32 to index
      %swap3A_2635 = tpu.vector_load %arg21[%swap3A_2634] {strides = array<i32>} : memref<4112xi32, #tpu.memory_space<vmem>>, vector<16xi32>,
      tpu.vector_store %arg21[%swap3A_2634], %broadcast_in_dim3A_1 {strides = array<i32>} : memref<4112xi32, #tpu.memory_space<vmem>>, vector<16xi32>,
      %add3A_2636 = vector.broadcast %add3A_2617 : i32 to vector<16xi32>
      %add3A_2637 = arith.addi %iota3A, %add3A_2636 : vector<16xi32>
      %gt3A_2638 = arith.constant 0 : i32
      %gt3A_2639 = vector.broadcast %gt3A_2638 : i32 to vector<16xi32>
      %gt3A_2640 = arith.cmpi sgt, %add3A_2631, %gt3A_2639 : vector<16xi32>
      %swap3A_2641 = arith.index_cast %add3A_2613 : i32 to index
      %swap3A_2642 = tpu.vector_load %arg21[%swap3A_2641] masked %gt3A_2640 {strides = array<i32>} : memref<4112xi32, #tpu.memory_space<vmem>>, vector<16xi32>, vector<16xi1>
      tpu.vector_store %arg21[%swap3A_2641], %add3A_2637 masked %gt3A_2640 {strides = array<i32>} : memref<4112xi32, #tpu.memory_space<vmem>>, vector<16xi32>, vector<16xi1>
      %gt3A_2643 = arith.constant 0 : i32
      %gt3A_2644 = vector.broadcast %gt3A_2643 : i32 to vector<16xi32>
      %gt3A_2645 = arith.cmpi sgt, %add3A_2631, %gt3A_2644 : vector<16xi32>
      %all_reduce_population_count3A_2646 = tpu.all_reduce %gt3A_2645 {dim = 0 : i64, kind = #tpu.reduction_kind<sum>} : vector<16xi1> -> vector<16xi32>
      %slice3A_2647 = vector.extract_strided_slice %all_reduce_population_count3A_2646 {offsets = [0], sizes = [1], strides = [1]} : vector<16xi32> to vector<1xi32>
      %squeeze3A_2648 = vector.extract %slice3A_2647[0] : i32 from vector<1xi32>
      %add3A_2649 = arith.addi %add3A_2613, %squeeze3A_2648 : i32
      %mul3A_2650 = arith.constant 64 : i32
      %mul3A_2651 = arith.muli %scan3A_2395, %mul3A_2650 : i32
      %add3A_2652 = arith.constant 32 : i32
      %add3A_2653 = arith.addi %mul3A_2651, %add3A_2652 : i32
      %or3A_2654 = vector.broadcast %shift_right_arithmetic3A_2562 : i32 to vector<16xi32>
      %or3A_2655 = arith.ori %or3A_2654, %shift_right_arithmetic3A_2037 : vector<16xi32>
      %or3A_2656 = vector.broadcast %shift_right_arithmetic3A_2567 : i32 to vector<16xi32>
      %or3A_2657 = arith.ori %or3A_2656, %shift_right_arithmetic3A_2093 : vector<16xi32>
      %and3A_2658 = arith.andi %or3A_2655, %or3A_2657 : vector<16xi32>
      %or3A_2659 = vector.broadcast %shift_right_arithmetic3A_2572 : i32 to vector<16xi32>
      %or3A_2660 = arith.ori %or3A_2659, %shift_right_arithmetic3A_2149 : vector<16xi32>
      %and3A_2661 = arith.andi %and3A_2658, %or3A_2660 : vector<16xi32>
      %or3A_2662 = vector.broadcast %shift_right_arithmetic3A_2577 : i32 to vector<16xi32>
      %or3A_2663 = arith.ori %or3A_2662, %shift_right_arithmetic3A_2205 : vector<16xi32>
      %and3A_2664 = arith.andi %and3A_2661, %or3A_2663 : vector<16xi32>
      %add3A_2665 = arith.constant 1 : i32
      %add3A_2666 = vector.broadcast %add3A_2665 : i32 to vector<16xi32>
      %add3A_2667 = arith.addi %and3A_2664, %add3A_2666 : vector<16xi32>
      %swap3A_2668 = arith.index_cast %add3A_2653 : i32 to index
      %swap3A_2669 = tpu.vector_load %arg13[%swap3A_2668] {strides = array<i32>} : memref<4096xi32, #tpu.memory_space<vmem>>, vector<16xi32>,
      tpu.vector_store %arg13[%swap3A_2668], %add3A_2667 {strides = array<i32>} : memref<4096xi32, #tpu.memory_space<vmem>>, vector<16xi32>,
      %swap3A_2670 = arith.index_cast %add3A_2653 : i32 to index
      %swap3A_2671 = tpu.vector_load %arg21[%swap3A_2670] {strides = array<i32>} : memref<4112xi32, #tpu.memory_space<vmem>>, vector<16xi32>,
      tpu.vector_store %arg21[%swap3A_2670], %broadcast_in_dim3A_1 {strides = array<i32>} : memref<4112xi32, #tpu.memory_space<vmem>>, vector<16xi32>,
      %add3A_2672 = vector.broadcast %add3A_2653 : i32 to vector<16xi32>
      %add3A_2673 = arith.addi %iota3A, %add3A_2672 : vector<16xi32>
      %gt3A_2674 = arith.constant 0 : i32
      %gt3A_2675 = vector.broadcast %gt3A_2674 : i32 to vector<16xi32>
      %gt3A_2676 = arith.cmpi sgt, %add3A_2667, %gt3A_2675 : vector<16xi32>
      %swap3A_2677 = arith.index_cast %add3A_2649 : i32 to index
      %swap3A_2678 = tpu.vector_load %arg21[%swap3A_2677] masked %gt3A_2676 {strides = array<i32>} : memref<4112xi32, #tpu.memory_space<vmem>>, vector<16xi32>, vector<16xi1>
      tpu.vector_store %arg21[%swap3A_2677], %add3A_2673 masked %gt3A_2676 {strides = array<i32>} : memref<4112xi32, #tpu.memory_space<vmem>>, vector<16xi32>, vector<16xi1>
      %gt3A_2679 = arith.constant 0 : i32
      %gt3A_2680 = vector.broadcast %gt3A_2679 : i32 to vector<16xi32>
      %gt3A_2681 = arith.cmpi sgt, %add3A_2667, %gt3A_2680 : vector<16xi32>
      %all_reduce_population_count3A_2682 = tpu.all_reduce %gt3A_2681 {dim = 0 : i64, kind = #tpu.reduction_kind<sum>} : vector<16xi1> -> vector<16xi32>
      %slice3A_2683 = vector.extract_strided_slice %all_reduce_population_count3A_2682 {offsets = [0], sizes = [1], strides = [1]} : vector<16xi32> to vector<1xi32>
      %squeeze3A_2684 = vector.extract %slice3A_2683[0] : i32 from vector<1xi32>
      %add3A_2685 = arith.addi %add3A_2649, %squeeze3A_2684 : i32
      %mul3A_2686 = arith.constant 64 : i32
      %mul3A_2687 = arith.muli %scan3A_2395, %mul3A_2686 : i32
      %add3A_2688 = arith.constant 48 : i32
      %add3A_2689 = arith.addi %mul3A_2687, %add3A_2688 : i32
      %or3A_2690 = vector.broadcast %shift_right_arithmetic3A_2562 : i32 to vector<16xi32>
      %or3A_2691 = arith.ori %or3A_2690, %shift_right_arithmetic3A_2051 : vector<16xi32>
      %or3A_2692 = vector.broadcast %shift_right_arithmetic3A_2567 : i32 to vector<16xi32>
      %or3A_2693 = arith.ori %or3A_2692, %shift_right_arithmetic3A_2107 : vector<16xi32>
      %and3A_2694 = arith.andi %or3A_2691, %or3A_2693 : vector<16xi32>
      %or3A_2695 = vector.broadcast %shift_right_arithmetic3A_2572 : i32 to vector<16xi32>
      %or3A_2696 = arith.ori %or3A_2695, %shift_right_arithmetic3A_2163 : vector<16xi32>
      %and3A_2697 = arith.andi %and3A_2694, %or3A_2696 : vector<16xi32>
      %or3A_2698 = vector.broadcast %shift_right_arithmetic3A_2577 : i32 to vector<16xi32>
      %or3A_2699 = arith.ori %or3A_2698, %shift_right_arithmetic3A_2219 : vector<16xi32>
      %and3A_2700 = arith.andi %and3A_2697, %or3A_2699 : vector<16xi32>
      %add3A_2701 = arith.constant 1 : i32
      %add3A_2702 = vector.broadcast %add3A_2701 : i32 to vector<16xi32>
      %add3A_2703 = arith.addi %and3A_2700, %add3A_2702 : vector<16xi32>
      %swap3A_2704 = arith.index_cast %add3A_2689 : i32 to index
      %swap3A_2705 = tpu.vector_load %arg13[%swap3A_2704] {strides = array<i32>} : memref<4096xi32, #tpu.memory_space<vmem>>, vector<16xi32>,
      tpu.vector_store %arg13[%swap3A_2704], %add3A_2703 {strides = array<i32>} : memref<4096xi32, #tpu.memory_space<vmem>>, vector<16xi32>,
      %swap3A_2706 = arith.index_cast %add3A_2689 : i32 to index
      %swap3A_2707 = tpu.vector_load %arg21[%swap3A_2706] {strides = array<i32>} : memref<4112xi32, #tpu.memory_space<vmem>>, vector<16xi32>,
      tpu.vector_store %arg21[%swap3A_2706], %broadcast_in_dim3A_1 {strides = array<i32>} : memref<4112xi32, #tpu.memory_space<vmem>>, vector<16xi32>,
      %add3A_2708 = vector.broadcast %add3A_2689 : i32 to vector<16xi32>
      %add3A_2709 = arith.addi %iota3A, %add3A_2708 : vector<16xi32>
      %gt3A_2710 = arith.constant 0 : i32
      %gt3A_2711 = vector.broadcast %gt3A_2710 : i32 to vector<16xi32>
      %gt3A_2712 = arith.cmpi sgt, %add3A_2703, %gt3A_2711 : vector<16xi32>
      %swap3A_2713 = arith.index_cast %add3A_2685 : i32 to index
      %swap3A_2714 = tpu.vector_load %arg21[%swap3A_2713] masked %gt3A_2712 {strides = array<i32>} : memref<4112xi32, #tpu.memory_space<vmem>>, vector<16xi32>, vector<16xi1>
      tpu.vector_store %arg21[%swap3A_2713], %add3A_2709 masked %gt3A_2712 {strides = array<i32>} : memref<4112xi32, #tpu.memory_space<vmem>>, vector<16xi32>, vector<16xi1>
      %gt3A_2715 = arith.constant 0 : i32
      %gt3A_2716 = vector.broadcast %gt3A_2715 : i32 to vector<16xi32>
      %gt3A_2717 = arith.cmpi sgt, %add3A_2703, %gt3A_2716 : vector<16xi32>
      %all_reduce_population_count3A_2718 = tpu.all_reduce %gt3A_2717 {dim = 0 : i64, kind = #tpu.reduction_kind<sum>} : vector<16xi1> -> vector<16xi32>
      %slice3A_2719 = vector.extract_strided_slice %all_reduce_population_count3A_2718 {offsets = [0], sizes = [1], strides = [1]} : vector<16xi32> to vector<1xi32>
      %squeeze3A_2720 = vector.extract %slice3A_2719[0] : i32 from vector<1xi32>
      %add3A_2721 = arith.addi %add3A_2685, %squeeze3A_2720 : i32
      scf.yield %add3A_2557, %add3A_2721 : i32, i32
    }
    %scan3A_2227 = arith.constant 64 : i32
    %mul3A_2228 = arith.constant 8 : i32
    %mul3A_2229 = arith.muli %add3A, %mul3A_2228 : i32
    %add3A_2230 = arith.constant 6 : i32
    %add3A_2231 = arith.addi %mul3A_2229, %add3A_2230 : i32
    %dma_start3A_2232 = arith.constant 0 : i32
    %dma_start3A_2233 = tpu.memref_slice %arg3[%add3A_2231, %dma_start3A_2232] : memref<256x4096xi32, #tpu.memory_space<hbm>> -> memref<1x4096xi32, #tpu.memory_space<hbm>>
    %dma_start3A_2234 = tpu.memref_squeeze %dma_start3A_2233 : memref<1x4096xi32, #tpu.memory_space<hbm>> -> memref<4096xi32, #tpu.memory_space<hbm>>
    %dma_start3A_2235 = arith.constant 0 : i32
    %dma_start3A_2236 = tpu.memref_slice %arg3[%add3A_2231, %dma_start3A_2235] : memref<256x4096xi32, #tpu.memory_space<hbm>> -> memref<1x4096xi32, #tpu.memory_space<hbm>>
    %dma_start3A_2237 = tpu.memref_squeeze %dma_start3A_2236 : memref<1x4096xi32, #tpu.memory_space<hbm>> -> memref<4096xi32, #tpu.memory_space<hbm>>
    tpu.enqueue_dma source(%arg12 : memref<4096xi32, #tpu.memory_space<vmem>>) target(%dma_start3A_2237 : memref<4096xi32, #tpu.memory_space<hbm>>) target_semaphore(%arg22 : memref<!tpu.dma_semaphore, #tpu.memory_space<semaphore_mem>>)
    %dma_start3A_2238 = arith.constant 0 : i32
    %dma_start3A_2239 = tpu.memref_slice %arg20[%dma_start3A_2238] : memref<4112xi32, #tpu.memory_space<vmem>> -> memref<4096xi32, #tpu.memory_space<vmem>>
    %dma_start3A_2240 = arith.constant 0 : i32
    %dma_start3A_2241 = tpu.memref_slice %arg4[%add3A_2231, %dma_start3A_2240] : memref<256x4096xi32, #tpu.memory_space<hbm>> -> memref<1x4096xi32, #tpu.memory_space<hbm>>
    %dma_start3A_2242 = tpu.memref_squeeze %dma_start3A_2241 : memref<1x4096xi32, #tpu.memory_space<hbm>> -> memref<4096xi32, #tpu.memory_space<hbm>>
    %dma_start3A_2243 = arith.constant 0 : i32
    %dma_start3A_2244 = tpu.memref_slice %arg4[%add3A_2231, %dma_start3A_2243] : memref<256x4096xi32, #tpu.memory_space<hbm>> -> memref<1x4096xi32, #tpu.memory_space<hbm>>
    %dma_start3A_2245 = tpu.memref_squeeze %dma_start3A_2244 : memref<1x4096xi32, #tpu.memory_space<hbm>> -> memref<4096xi32, #tpu.memory_space<hbm>>
    %dma_start3A_2246 = arith.constant 0 : i32
    %dma_start3A_2247 = tpu.memref_slice %arg20[%dma_start3A_2246] : memref<4112xi32, #tpu.memory_space<vmem>> -> memref<4096xi32, #tpu.memory_space<vmem>>
    tpu.enqueue_dma source(%dma_start3A_2247 : memref<4096xi32, #tpu.memory_space<vmem>>) target(%dma_start3A_2245 : memref<4096xi32, #tpu.memory_space<hbm>>) target_semaphore(%arg23 : memref<!tpu.dma_semaphore, #tpu.memory_space<semaphore_mem>>)
    %mul3A_2248 = arith.constant 8 : i32
    %mul3A_2249 = arith.muli %add3A, %mul3A_2248 : i32
    %add3A_2250 = arith.constant 7 : i32
    %add3A_2251 = arith.addi %mul3A_2249, %add3A_2250 : i32
    %dma_start3A_2252 = arith.constant 0 : i32
    %dma_start3A_2253 = tpu.memref_slice %arg3[%add3A_2251, %dma_start3A_2252] : memref<256x4096xi32, #tpu.memory_space<hbm>> -> memref<1x4096xi32, #tpu.memory_space<hbm>>
    %dma_start3A_2254 = tpu.memref_squeeze %dma_start3A_2253 : memref<1x4096xi32, #tpu.memory_space<hbm>> -> memref<4096xi32, #tpu.memory_space<hbm>>
    %dma_start3A_2255 = arith.constant 0 : i32
    %dma_start3A_2256 = tpu.memref_slice %arg3[%add3A_2251, %dma_start3A_2255] : memref<256x4096xi32, #tpu.memory_space<hbm>> -> memref<1x4096xi32, #tpu.memory_space<hbm>>
    %dma_start3A_2257 = tpu.memref_squeeze %dma_start3A_2256 : memref<1x4096xi32, #tpu.memory_space<hbm>> -> memref<4096xi32, #tpu.memory_space<hbm>>
    tpu.enqueue_dma source(%arg13 : memref<4096xi32, #tpu.memory_space<vmem>>) target(%dma_start3A_2257 : memref<4096xi32, #tpu.memory_space<hbm>>) target_semaphore(%arg22 : memref<!tpu.dma_semaphore, #tpu.memory_space<semaphore_mem>>)
    %dma_start3A_2258 = arith.constant 0 : i32
    %dma_start3A_2259 = tpu.memref_slice %arg21[%dma_start3A_2258] : memref<4112xi32, #tpu.memory_space<vmem>> -> memref<4096xi32, #tpu.memory_space<vmem>>
    %dma_start3A_2260 = arith.constant 0 : i32
    %dma_start3A_2261 = tpu.memref_slice %arg4[%add3A_2251, %dma_start3A_2260] : memref<256x4096xi32, #tpu.memory_space<hbm>> -> memref<1x4096xi32, #tpu.memory_space<hbm>>
    %dma_start3A_2262 = tpu.memref_squeeze %dma_start3A_2261 : memref<1x4096xi32, #tpu.memory_space<hbm>> -> memref<4096xi32, #tpu.memory_space<hbm>>
    %dma_start3A_2263 = arith.constant 0 : i32
    %dma_start3A_2264 = tpu.memref_slice %arg4[%add3A_2251, %dma_start3A_2263] : memref<256x4096xi32, #tpu.memory_space<hbm>> -> memref<1x4096xi32, #tpu.memory_space<hbm>>
    %dma_start3A_2265 = tpu.memref_squeeze %dma_start3A_2264 : memref<1x4096xi32, #tpu.memory_space<hbm>> -> memref<4096xi32, #tpu.memory_space<hbm>>
    %dma_start3A_2266 = arith.constant 0 : i32
    %dma_start3A_2267 = tpu.memref_slice %arg21[%dma_start3A_2266] : memref<4112xi32, #tpu.memory_space<vmem>> -> memref<4096xi32, #tpu.memory_space<vmem>>
    tpu.enqueue_dma source(%dma_start3A_2267 : memref<4096xi32, #tpu.memory_space<vmem>>) target(%dma_start3A_2265 : memref<4096xi32, #tpu.memory_space<hbm>>) target_semaphore(%arg23 : memref<!tpu.dma_semaphore, #tpu.memory_space<semaphore_mem>>)
    %dma_wait3A = arith.constant 0 : i32
    %dma_wait3A_2268 = tpu.memref_slice %arg3[%add3A_528, %dma_wait3A] : memref<256x4096xi32, #tpu.memory_space<hbm>> -> memref<1x4096xi32, #tpu.memory_space<hbm>>
    %dma_wait3A_2269 = tpu.memref_squeeze %dma_wait3A_2268 : memref<1x4096xi32, #tpu.memory_space<hbm>> -> memref<4096xi32, #tpu.memory_space<hbm>>
    %dma_wait3A_2270 = arith.constant 0 : i32
    %dma_wait3A_2271 = tpu.memref_slice %arg3[%add3A_528, %dma_wait3A_2270] : memref<256x4096xi32, #tpu.memory_space<hbm>> -> memref<1x4096xi32, #tpu.memory_space<hbm>>
    %dma_wait3A_2272 = tpu.memref_squeeze %dma_wait3A_2271 : memref<1x4096xi32, #tpu.memory_space<hbm>> -> memref<4096xi32, #tpu.memory_space<hbm>>
    tpu.wait_dma2 semaphore(%arg22 : memref<!tpu.dma_semaphore, #tpu.memory_space<semaphore_mem>>) src(%arg6 : memref<4096xi32, #tpu.memory_space<vmem>>) dst(%dma_wait3A_2272 : memref<4096xi32, #tpu.memory_space<hbm>>)
    %dma_wait3A_2273 = arith.constant 0 : i32
    %dma_wait3A_2274 = tpu.memref_slice %arg14[%dma_wait3A_2273] : memref<4112xi32, #tpu.memory_space<vmem>> -> memref<4096xi32, #tpu.memory_space<vmem>>
    %dma_wait3A_2275 = arith.constant 0 : i32
    %dma_wait3A_2276 = tpu.memref_slice %arg4[%add3A_528, %dma_wait3A_2275] : memref<256x4096xi32, #tpu.memory_space<hbm>> -> memref<1x4096xi32, #tpu.memory_space<hbm>>
    %dma_wait3A_2277 = tpu.memref_squeeze %dma_wait3A_2276 : memref<1x4096xi32, #tpu.memory_space<hbm>> -> memref<4096xi32, #tpu.memory_space<hbm>>
    %dma_wait3A_2278 = arith.constant 0 : i32
    %dma_wait3A_2279 = tpu.memref_slice %arg4[%add3A_528, %dma_wait3A_2278] : memref<256x4096xi32, #tpu.memory_space<hbm>> -> memref<1x4096xi32, #tpu.memory_space<hbm>>
    %dma_wait3A_2280 = tpu.memref_squeeze %dma_wait3A_2279 : memref<1x4096xi32, #tpu.memory_space<hbm>> -> memref<4096xi32, #tpu.memory_space<hbm>>
    %dma_wait3A_2281 = arith.constant 0 : i32
    %dma_wait3A_2282 = tpu.memref_slice %arg14[%dma_wait3A_2281] : memref<4112xi32, #tpu.memory_space<vmem>> -> memref<4096xi32, #tpu.memory_space<vmem>>
    tpu.wait_dma2 semaphore(%arg23 : memref<!tpu.dma_semaphore, #tpu.memory_space<semaphore_mem>>) src(%dma_wait3A_2282 : memref<4096xi32, #tpu.memory_space<vmem>>) dst(%dma_wait3A_2280 : memref<4096xi32, #tpu.memory_space<hbm>>)
    %dma_wait3A_2283 = arith.constant 0 : i32
    %dma_wait3A_2284 = tpu.memref_slice %arg3[%add3A_547, %dma_wait3A_2283] : memref<256x4096xi32, #tpu.memory_space<hbm>> -> memref<1x4096xi32, #tpu.memory_space<hbm>>
    %dma_wait3A_2285 = tpu.memref_squeeze %dma_wait3A_2284 : memref<1x4096xi32, #tpu.memory_space<hbm>> -> memref<4096xi32, #tpu.memory_space<hbm>>
    %dma_wait3A_2286 = arith.constant 0 : i32
    %dma_wait3A_2287 = tpu.memref_slice %arg3[%add3A_547, %dma_wait3A_2286] : memref<256x4096xi32, #tpu.memory_space<hbm>> -> memref<1x4096xi32, #tpu.memory_space<hbm>>
    %dma_wait3A_2288 = tpu.memref_squeeze %dma_wait3A_2287 : memref<1x4096xi32, #tpu.memory_space<hbm>> -> memref<4096xi32, #tpu.memory_space<hbm>>
    tpu.wait_dma2 semaphore(%arg22 : memref<!tpu.dma_semaphore, #tpu.memory_space<semaphore_mem>>) src(%arg7 : memref<4096xi32, #tpu.memory_space<vmem>>) dst(%dma_wait3A_2288 : memref<4096xi32, #tpu.memory_space<hbm>>)
    %dma_wait3A_2289 = arith.constant 0 : i32
    %dma_wait3A_2290 = tpu.memref_slice %arg15[%dma_wait3A_2289] : memref<4112xi32, #tpu.memory_space<vmem>> -> memref<4096xi32, #tpu.memory_space<vmem>>
    %dma_wait3A_2291 = arith.constant 0 : i32
    %dma_wait3A_2292 = tpu.memref_slice %arg4[%add3A_547, %dma_wait3A_2291] : memref<256x4096xi32, #tpu.memory_space<hbm>> -> memref<1x4096xi32, #tpu.memory_space<hbm>>
    %dma_wait3A_2293 = tpu.memref_squeeze %dma_wait3A_2292 : memref<1x4096xi32, #tpu.memory_space<hbm>> -> memref<4096xi32, #tpu.memory_space<hbm>>
    %dma_wait3A_2294 = arith.constant 0 : i32
    %dma_wait3A_2295 = tpu.memref_slice %arg4[%add3A_547, %dma_wait3A_2294] : memref<256x4096xi32, #tpu.memory_space<hbm>> -> memref<1x4096xi32, #tpu.memory_space<hbm>>
    %dma_wait3A_2296 = tpu.memref_squeeze %dma_wait3A_2295 : memref<1x4096xi32, #tpu.memory_space<hbm>> -> memref<4096xi32, #tpu.memory_space<hbm>>
    %dma_wait3A_2297 = arith.constant 0 : i32
    %dma_wait3A_2298 = tpu.memref_slice %arg15[%dma_wait3A_2297] : memref<4112xi32, #tpu.memory_space<vmem>> -> memref<4096xi32, #tpu.memory_space<vmem>>
    tpu.wait_dma2 semaphore(%arg23 : memref<!tpu.dma_semaphore, #tpu.memory_space<semaphore_mem>>) src(%dma_wait3A_2298 : memref<4096xi32, #tpu.memory_space<vmem>>) dst(%dma_wait3A_2296 : memref<4096xi32, #tpu.memory_space<hbm>>)
    %dma_wait3A_2299 = arith.constant 0 : i32
    %dma_wait3A_2300 = tpu.memref_slice %arg3[%add3A_1095, %dma_wait3A_2299] : memref<256x4096xi32, #tpu.memory_space<hbm>> -> memref<1x4096xi32, #tpu.memory_space<hbm>>
    %dma_wait3A_2301 = tpu.memref_squeeze %dma_wait3A_2300 : memref<1x4096xi32, #tpu.memory_space<hbm>> -> memref<4096xi32, #tpu.memory_space<hbm>>
    %dma_wait3A_2302 = arith.constant 0 : i32
    %dma_wait3A_2303 = tpu.memref_slice %arg3[%add3A_1095, %dma_wait3A_2302] : memref<256x4096xi32, #tpu.memory_space<hbm>> -> memref<1x4096xi32, #tpu.memory_space<hbm>>
    %dma_wait3A_2304 = tpu.memref_squeeze %dma_wait3A_2303 : memref<1x4096xi32, #tpu.memory_space<hbm>> -> memref<4096xi32, #tpu.memory_space<hbm>>
    tpu.wait_dma2 semaphore(%arg22 : memref<!tpu.dma_semaphore, #tpu.memory_space<semaphore_mem>>) src(%arg8 : memref<4096xi32, #tpu.memory_space<vmem>>) dst(%dma_wait3A_2304 : memref<4096xi32, #tpu.memory_space<hbm>>)
    %dma_wait3A_2305 = arith.constant 0 : i32
    %dma_wait3A_2306 = tpu.memref_slice %arg16[%dma_wait3A_2305] : memref<4112xi32, #tpu.memory_space<vmem>> -> memref<4096xi32, #tpu.memory_space<vmem>>
    %dma_wait3A_2307 = arith.constant 0 : i32
    %dma_wait3A_2308 = tpu.memref_slice %arg4[%add3A_1095, %dma_wait3A_2307] : memref<256x4096xi32, #tpu.memory_space<hbm>> -> memref<1x4096xi32, #tpu.memory_space<hbm>>
    %dma_wait3A_2309 = tpu.memref_squeeze %dma_wait3A_2308 : memref<1x4096xi32, #tpu.memory_space<hbm>> -> memref<4096xi32, #tpu.memory_space<hbm>>
    %dma_wait3A_2310 = arith.constant 0 : i32
    %dma_wait3A_2311 = tpu.memref_slice %arg4[%add3A_1095, %dma_wait3A_2310] : memref<256x4096xi32, #tpu.memory_space<hbm>> -> memref<1x4096xi32, #tpu.memory_space<hbm>>
    %dma_wait3A_2312 = tpu.memref_squeeze %dma_wait3A_2311 : memref<1x4096xi32, #tpu.memory_space<hbm>> -> memref<4096xi32, #tpu.memory_space<hbm>>
    %dma_wait3A_2313 = arith.constant 0 : i32
    %dma_wait3A_2314 = tpu.memref_slice %arg16[%dma_wait3A_2313] : memref<4112xi32, #tpu.memory_space<vmem>> -> memref<4096xi32, #tpu.memory_space<vmem>>
    tpu.wait_dma2 semaphore(%arg23 : memref<!tpu.dma_semaphore, #tpu.memory_space<semaphore_mem>>) src(%dma_wait3A_2314 : memref<4096xi32, #tpu.memory_space<vmem>>) dst(%dma_wait3A_2312 : memref<4096xi32, #tpu.memory_space<hbm>>)
    %dma_wait3A_2315 = arith.constant 0 : i32
    %dma_wait3A_2316 = tpu.memref_slice %arg3[%add3A_1115, %dma_wait3A_2315] : memref<256x4096xi32, #tpu.memory_space<hbm>> -> memref<1x4096xi32, #tpu.memory_space<hbm>>
    %dma_wait3A_2317 = tpu.memref_squeeze %dma_wait3A_2316 : memref<1x4096xi32, #tpu.memory_space<hbm>> -> memref<4096xi32, #tpu.memory_space<hbm>>
    %dma_wait3A_2318 = arith.constant 0 : i32
    %dma_wait3A_2319 = tpu.memref_slice %arg3[%add3A_1115, %dma_wait3A_2318] : memref<256x4096xi32, #tpu.memory_space<hbm>> -> memref<1x4096xi32, #tpu.memory_space<hbm>>
    %dma_wait3A_2320 = tpu.memref_squeeze %dma_wait3A_2319 : memref<1x4096xi32, #tpu.memory_space<hbm>> -> memref<4096xi32, #tpu.memory_space<hbm>>
    tpu.wait_dma2 semaphore(%arg22 : memref<!tpu.dma_semaphore, #tpu.memory_space<semaphore_mem>>) src(%arg9 : memref<4096xi32, #tpu.memory_space<vmem>>) dst(%dma_wait3A_2320 : memref<4096xi32, #tpu.memory_space<hbm>>)
    %dma_wait3A_2321 = arith.constant 0 : i32
    %dma_wait3A_2322 = tpu.memref_slice %arg17[%dma_wait3A_2321] : memref<4112xi32, #tpu.memory_space<vmem>> -> memref<4096xi32, #tpu.memory_space<vmem>>
    %dma_wait3A_2323 = arith.constant 0 : i32
    %dma_wait3A_2324 = tpu.memref_slice %arg4[%add3A_1115, %dma_wait3A_2323] : memref<256x4096xi32, #tpu.memory_space<hbm>> -> memref<1x4096xi32, #tpu.memory_space<hbm>>
    %dma_wait3A_2325 = tpu.memref_squeeze %dma_wait3A_2324 : memref<1x4096xi32, #tpu.memory_space<hbm>> -> memref<4096xi32, #tpu.memory_space<hbm>>
    %dma_wait3A_2326 = arith.constant 0 : i32
    %dma_wait3A_2327 = tpu.memref_slice %arg4[%add3A_1115, %dma_wait3A_2326] : memref<256x4096xi32, #tpu.memory_space<hbm>> -> memref<1x4096xi32, #tpu.memory_space<hbm>>
    %dma_wait3A_2328 = tpu.memref_squeeze %dma_wait3A_2327 : memref<1x4096xi32, #tpu.memory_space<hbm>> -> memref<4096xi32, #tpu.memory_space<hbm>>
    %dma_wait3A_2329 = arith.constant 0 : i32
    %dma_wait3A_2330 = tpu.memref_slice %arg17[%dma_wait3A_2329] : memref<4112xi32, #tpu.memory_space<vmem>> -> memref<4096xi32, #tpu.memory_space<vmem>>
    tpu.wait_dma2 semaphore(%arg23 : memref<!tpu.dma_semaphore, #tpu.memory_space<semaphore_mem>>) src(%dma_wait3A_2330 : memref<4096xi32, #tpu.memory_space<vmem>>) dst(%dma_wait3A_2328 : memref<4096xi32, #tpu.memory_space<hbm>>)
    %dma_wait3A_2331 = arith.constant 0 : i32
    %dma_wait3A_2332 = tpu.memref_slice %arg3[%add3A_1663, %dma_wait3A_2331] : memref<256x4096xi32, #tpu.memory_space<hbm>> -> memref<1x4096xi32, #tpu.memory_space<hbm>>
    %dma_wait3A_2333 = tpu.memref_squeeze %dma_wait3A_2332 : memref<1x4096xi32, #tpu.memory_space<hbm>> -> memref<4096xi32, #tpu.memory_space<hbm>>
    %dma_wait3A_2334 = arith.constant 0 : i32
    %dma_wait3A_2335 = tpu.memref_slice %arg3[%add3A_1663, %dma_wait3A_2334] : memref<256x4096xi32, #tpu.memory_space<hbm>> -> memref<1x4096xi32, #tpu.memory_space<hbm>>
    %dma_wait3A_2336 = tpu.memref_squeeze %dma_wait3A_2335 : memref<1x4096xi32, #tpu.memory_space<hbm>> -> memref<4096xi32, #tpu.memory_space<hbm>>
    tpu.wait_dma2 semaphore(%arg22 : memref<!tpu.dma_semaphore, #tpu.memory_space<semaphore_mem>>) src(%arg10 : memref<4096xi32, #tpu.memory_space<vmem>>) dst(%dma_wait3A_2336 : memref<4096xi32, #tpu.memory_space<hbm>>)
    %dma_wait3A_2337 = arith.constant 0 : i32
    %dma_wait3A_2338 = tpu.memref_slice %arg18[%dma_wait3A_2337] : memref<4112xi32, #tpu.memory_space<vmem>> -> memref<4096xi32, #tpu.memory_space<vmem>>
    %dma_wait3A_2339 = arith.constant 0 : i32
    %dma_wait3A_2340 = tpu.memref_slice %arg4[%add3A_1663, %dma_wait3A_2339] : memref<256x4096xi32, #tpu.memory_space<hbm>> -> memref<1x4096xi32, #tpu.memory_space<hbm>>
    %dma_wait3A_2341 = tpu.memref_squeeze %dma_wait3A_2340 : memref<1x4096xi32, #tpu.memory_space<hbm>> -> memref<4096xi32, #tpu.memory_space<hbm>>
    %dma_wait3A_2342 = arith.constant 0 : i32
    %dma_wait3A_2343 = tpu.memref_slice %arg4[%add3A_1663, %dma_wait3A_2342] : memref<256x4096xi32, #tpu.memory_space<hbm>> -> memref<1x4096xi32, #tpu.memory_space<hbm>>
    %dma_wait3A_2344 = tpu.memref_squeeze %dma_wait3A_2343 : memref<1x4096xi32, #tpu.memory_space<hbm>> -> memref<4096xi32, #tpu.memory_space<hbm>>
    %dma_wait3A_2345 = arith.constant 0 : i32
    %dma_wait3A_2346 = tpu.memref_slice %arg18[%dma_wait3A_2345] : memref<4112xi32, #tpu.memory_space<vmem>> -> memref<4096xi32, #tpu.memory_space<vmem>>
    tpu.wait_dma2 semaphore(%arg23 : memref<!tpu.dma_semaphore, #tpu.memory_space<semaphore_mem>>) src(%dma_wait3A_2346 : memref<4096xi32, #tpu.memory_space<vmem>>) dst(%dma_wait3A_2344 : memref<4096xi32, #tpu.memory_space<hbm>>)
    %dma_wait3A_2347 = arith.constant 0 : i32
    %dma_wait3A_2348 = tpu.memref_slice %arg3[%add3A_1683, %dma_wait3A_2347] : memref<256x4096xi32, #tpu.memory_space<hbm>> -> memref<1x4096xi32, #tpu.memory_space<hbm>>
    %dma_wait3A_2349 = tpu.memref_squeeze %dma_wait3A_2348 : memref<1x4096xi32, #tpu.memory_space<hbm>> -> memref<4096xi32, #tpu.memory_space<hbm>>
    %dma_wait3A_2350 = arith.constant 0 : i32
    %dma_wait3A_2351 = tpu.memref_slice %arg3[%add3A_1683, %dma_wait3A_2350] : memref<256x4096xi32, #tpu.memory_space<hbm>> -> memref<1x4096xi32, #tpu.memory_space<hbm>>
    %dma_wait3A_2352 = tpu.memref_squeeze %dma_wait3A_2351 : memref<1x4096xi32, #tpu.memory_space<hbm>> -> memref<4096xi32, #tpu.memory_space<hbm>>
    tpu.wait_dma2 semaphore(%arg22 : memref<!tpu.dma_semaphore, #tpu.memory_space<semaphore_mem>>) src(%arg11 : memref<4096xi32, #tpu.memory_space<vmem>>) dst(%dma_wait3A_2352 : memref<4096xi32, #tpu.memory_space<hbm>>)
    %dma_wait3A_2353 = arith.constant 0 : i32
    %dma_wait3A_2354 = tpu.memref_slice %arg19[%dma_wait3A_2353] : memref<4112xi32, #tpu.memory_space<vmem>> -> memref<4096xi32, #tpu.memory_space<vmem>>
    %dma_wait3A_2355 = arith.constant 0 : i32
    %dma_wait3A_2356 = tpu.memref_slice %arg4[%add3A_1683, %dma_wait3A_2355] : memref<256x4096xi32, #tpu.memory_space<hbm>> -> memref<1x4096xi32, #tpu.memory_space<hbm>>
    %dma_wait3A_2357 = tpu.memref_squeeze %dma_wait3A_2356 : memref<1x4096xi32, #tpu.memory_space<hbm>> -> memref<4096xi32, #tpu.memory_space<hbm>>
    %dma_wait3A_2358 = arith.constant 0 : i32
    %dma_wait3A_2359 = tpu.memref_slice %arg4[%add3A_1683, %dma_wait3A_2358] : memref<256x4096xi32, #tpu.memory_space<hbm>> -> memref<1x4096xi32, #tpu.memory_space<hbm>>
    %dma_wait3A_2360 = tpu.memref_squeeze %dma_wait3A_2359 : memref<1x4096xi32, #tpu.memory_space<hbm>> -> memref<4096xi32, #tpu.memory_space<hbm>>
    %dma_wait3A_2361 = arith.constant 0 : i32
    %dma_wait3A_2362 = tpu.memref_slice %arg19[%dma_wait3A_2361] : memref<4112xi32, #tpu.memory_space<vmem>> -> memref<4096xi32, #tpu.memory_space<vmem>>
    tpu.wait_dma2 semaphore(%arg23 : memref<!tpu.dma_semaphore, #tpu.memory_space<semaphore_mem>>) src(%dma_wait3A_2362 : memref<4096xi32, #tpu.memory_space<vmem>>) dst(%dma_wait3A_2360 : memref<4096xi32, #tpu.memory_space<hbm>>)
    %dma_wait3A_2363 = arith.constant 0 : i32
    %dma_wait3A_2364 = tpu.memref_slice %arg3[%add3A_2231, %dma_wait3A_2363] : memref<256x4096xi32, #tpu.memory_space<hbm>> -> memref<1x4096xi32, #tpu.memory_space<hbm>>
    %dma_wait3A_2365 = tpu.memref_squeeze %dma_wait3A_2364 : memref<1x4096xi32, #tpu.memory_space<hbm>> -> memref<4096xi32, #tpu.memory_space<hbm>>
    %dma_wait3A_2366 = arith.constant 0 : i32
    %dma_wait3A_2367 = tpu.memref_slice %arg3[%add3A_2231, %dma_wait3A_2366] : memref<256x4096xi32, #tpu.memory_space<hbm>> -> memref<1x4096xi32, #tpu.memory_space<hbm>>
    %dma_wait3A_2368 = tpu.memref_squeeze %dma_wait3A_2367 : memref<1x4096xi32, #tpu.memory_space<hbm>> -> memref<4096xi32, #tpu.memory_space<hbm>>
    tpu.wait_dma2 semaphore(%arg22 : memref<!tpu.dma_semaphore, #tpu.memory_space<semaphore_mem>>) src(%arg12 : memref<4096xi32, #tpu.memory_space<vmem>>) dst(%dma_wait3A_2368 : memref<4096xi32, #tpu.memory_space<hbm>>)
    %dma_wait3A_2369 = arith.constant 0 : i32
    %dma_wait3A_2370 = tpu.memref_slice %arg20[%dma_wait3A_2369] : memref<4112xi32, #tpu.memory_space<vmem>> -> memref<4096xi32, #tpu.memory_space<vmem>>
    %dma_wait3A_2371 = arith.constant 0 : i32
    %dma_wait3A_2372 = tpu.memref_slice %arg4[%add3A_2231, %dma_wait3A_2371] : memref<256x4096xi32, #tpu.memory_space<hbm>> -> memref<1x4096xi32, #tpu.memory_space<hbm>>
    %dma_wait3A_2373 = tpu.memref_squeeze %dma_wait3A_2372 : memref<1x4096xi32, #tpu.memory_space<hbm>> -> memref<4096xi32, #tpu.memory_space<hbm>>
    %dma_wait3A_2374 = arith.constant 0 : i32
    %dma_wait3A_2375 = tpu.memref_slice %arg4[%add3A_2231, %dma_wait3A_2374] : memref<256x4096xi32, #tpu.memory_space<hbm>> -> memref<1x4096xi32, #tpu.memory_space<hbm>>
    %dma_wait3A_2376 = tpu.memref_squeeze %dma_wait3A_2375 : memref<1x4096xi32, #tpu.memory_space<hbm>> -> memref<4096xi32, #tpu.memory_space<hbm>>
    %dma_wait3A_2377 = arith.constant 0 : i32
    %dma_wait3A_2378 = tpu.memref_slice %arg20[%dma_wait3A_2377] : memref<4112xi32, #tpu.memory_space<vmem>> -> memref<4096xi32, #tpu.memory_space<vmem>>
    tpu.wait_dma2 semaphore(%arg23 : memref<!tpu.dma_semaphore, #tpu.memory_space<semaphore_mem>>) src(%dma_wait3A_2378 : memref<4096xi32, #tpu.memory_space<vmem>>) dst(%dma_wait3A_2376 : memref<4096xi32, #tpu.memory_space<hbm>>)
    %dma_wait3A_2379 = arith.constant 0 : i32
    %dma_wait3A_2380 = tpu.memref_slice %arg3[%add3A_2251, %dma_wait3A_2379] : memref<256x4096xi32, #tpu.memory_space<hbm>> -> memref<1x4096xi32, #tpu.memory_space<hbm>>
    %dma_wait3A_2381 = tpu.memref_squeeze %dma_wait3A_2380 : memref<1x4096xi32, #tpu.memory_space<hbm>> -> memref<4096xi32, #tpu.memory_space<hbm>>
    %dma_wait3A_2382 = arith.constant 0 : i32
    %dma_wait3A_2383 = tpu.memref_slice %arg3[%add3A_2251, %dma_wait3A_2382] : memref<256x4096xi32, #tpu.memory_space<hbm>> -> memref<1x4096xi32, #tpu.memory_space<hbm>>
    %dma_wait3A_2384 = tpu.memref_squeeze %dma_wait3A_2383 : memref<1x4096xi32, #tpu.memory_space<hbm>> -> memref<4096xi32, #tpu.memory_space<hbm>>
    tpu.wait_dma2 semaphore(%arg22 : memref<!tpu.dma_semaphore, #tpu.memory_space<semaphore_mem>>) src(%arg13 : memref<4096xi32, #tpu.memory_space<vmem>>) dst(%dma_wait3A_2384 : memref<4096xi32, #tpu.memory_space<hbm>>)
    %dma_wait3A_2385 = arith.constant 0 : i32
    %dma_wait3A_2386 = tpu.memref_slice %arg21[%dma_wait3A_2385] : memref<4112xi32, #tpu.memory_space<vmem>> -> memref<4096xi32, #tpu.memory_space<vmem>>
    %dma_wait3A_2387 = arith.constant 0 : i32
    %dma_wait3A_2388 = tpu.memref_slice %arg4[%add3A_2251, %dma_wait3A_2387] : memref<256x4096xi32, #tpu.memory_space<hbm>> -> memref<1x4096xi32, #tpu.memory_space<hbm>>
    %dma_wait3A_2389 = tpu.memref_squeeze %dma_wait3A_2388 : memref<1x4096xi32, #tpu.memory_space<hbm>> -> memref<4096xi32, #tpu.memory_space<hbm>>
    %dma_wait3A_2390 = arith.constant 0 : i32
    %dma_wait3A_2391 = tpu.memref_slice %arg4[%add3A_2251, %dma_wait3A_2390] : memref<256x4096xi32, #tpu.memory_space<hbm>> -> memref<1x4096xi32, #tpu.memory_space<hbm>>
    %dma_wait3A_2392 = tpu.memref_squeeze %dma_wait3A_2391 : memref<1x4096xi32, #tpu.memory_space<hbm>> -> memref<4096xi32, #tpu.memory_space<hbm>>
    %dma_wait3A_2393 = arith.constant 0 : i32
    %dma_wait3A_2394 = tpu.memref_slice %arg21[%dma_wait3A_2393] : memref<4112xi32, #tpu.memory_space<vmem>> -> memref<4096xi32, #tpu.memory_space<vmem>>
    tpu.wait_dma2 semaphore(%arg23 : memref<!tpu.dma_semaphore, #tpu.memory_space<semaphore_mem>>) src(%dma_wait3A_2394 : memref<4096xi32, #tpu.memory_space<vmem>>) dst(%dma_wait3A_2392 : memref<4096xi32, #tpu.memory_space<hbm>>)
    return
  }
}

</mosaic_0001>

<sc_bundles>
// kernel: kernel.3.cloned.1.call-start
scs
__scs_entry_jumppad:
0x0: {  	(pc) =	sbr.rel $0x88, $3  }
0x1: {  	(tag) =	ssettag $0x0;
	lr =	simm.s32 $0x1  }
0x2: {  	[smem:$0x3F9C] =	sst lr;
	_ =	strace $0xD0000000  }
0x3: {  	_ = 	snop  }
0x4: {  	_ = 	snop  }
0x5: {  	_ = 	snop  }
0x6: {  	_ = 	snop  }
0x7: {  	_ = 	snop  }
__scs_overlays_trampoline_lowered:
0x8: {  	[smem:$0x3FAB] =	sst s0  }
0x9: {  	[smem:$0x3FAC] =	sst s1  }
0xa: {  	[smem:$0x3FAD] =	sst s2  }
0xb: {  	[smem:$0x3FAE] =	sst s3  }
0xc: {  	[smem:$0x3FAF] =	sst s4  }
0xd: {  	[smem:$0x3FB0] =	sst s5  }
0xe: {  	[smem:$0x3FB1] =	sst s6  }
0xf: {  	[smem:$0x3FB2] =	sst s7  }
0x10: {  	[smem:$0x3FB3] =	sst s8  }
0x11: {  	[smem:$0x3FB4] =	sst s9;
	s0 =	simm.s32 @!p0 $0x0  }
0x12: {  	s1 =	sld [smem:$0x3F9A];
	s0 =	simm.s32 @p0 $0x1  }
0x13: {  	[smem:$0x3FB5] =	sst s0;
	s0 =	simm.s32 @!p1 $0x0  }
0x14: {  	s2 =	sld [smem:$0x3F99];
	s0 =	simm.s32 @p1 $0x1  }
0x15: {  	[smem:$0x3FB6] =	sst s0;
	s0 =	simm.s32 @!p2 $0x0  }
0x16: {  	s3 =	sld [smem:$0x3FDB];
	s0 =	simm.s32 @p2 $0x1  }
0x17: {  	s4 =	simm.s32 $0x1BF5;
	[smem:$0x3FB8] =	sst s0  }
0x18: {  	s0 =	sld [smem:$0x3F9B];
	_ =	swait.ge [sflag:s4], $0x0  }
0x19: {  	s7 =	sld [smem:$0x3F9C]  }
0x1a: {  	s8 =	sadd.s32 $0xFFFFE003, lr  }
0x1b: {  	s9 =	sadd.s32 $0xFFFFFEF7, lr;
	s5 =	simm.s32 $0xFFFFFFFF;
	p2 =	slt.u32 s8, $0xFFFFF086  }
0x1c: {  	p1 =	slt.u32 s9, $0xF7A;
	s5 =	simm.s32 @!p2 $0x0  }
0x1d: {  	s5 =	simm.s32 @p1 $0x1;
	p0 =	seq.s32 s7, s2  }
0x1e: {  	s7 =	smul.u32 @!p0 $0xF7A, s2;
	p2 =	seq.s32 @!p0 s5, $0x0  }
0x1f: {  	s9 =	smul.u32 $0xF7A, s1;
	s8 =	simm.s32 @!p0 $0x1BF5;
	p2 =	por !p2, p0  }
0x20: {  	[sflag:s8] =	ssyncset.s32 @!p0 $0xFFFFF086;
	s6 =	sadd.s32 @!p0 s3, s7;
	s7 =	simm.s32 @!p0 $0x108  }
0x21: {  	s3 =	sadd.s32 s3, s9;
	s6 =	sadd.s32 @!p0 $0x88, s6;
	s7 =	simm.s32 @p2 $0x1082  }
0x22: {  	[simem:s7], [sflag:s8] =	dma.local @!p0 [hbm:s6], $0xF7A  }
0x23: {  	s9 =	sor.u32 $0xD0000000, s2;
	s6 =	simm.s32 $0x108;
	_ =	swait.ge @!p0 [sflag:s8], $0x0  }
0x24: {  	s3 =	sadd.s32 $0x88, s3;
	s6 =	simm.s32 @!p1 $0x1082;
	[sflag:s4] =	ssyncset.s32 $0xFFFFF086  }
0x25: {  	[simem:s6], [sflag:s4] =	dma.local [hbm:s3], $0xF7A  }
0x26: {  	[smem:$0x3F9C] =	sst s1;
	(tag) =	ssettag s2;
	_ =	strace s9  }
0x27: {  	s1 =	sld [smem:$0x3FAC]  }
0x28: {  	s2 =	sld [smem:$0x3FAD]  }
0x29: {  	s4 =	sld [smem:$0x3FAF]  }
0x2a: {  	p0 =	seq.s32 s5, $0x0;
	s5 =	sld [smem:$0x3FB0]  }
0x2b: {  	s6 =	sld [smem:$0x3FB1]  }
0x2c: {  	s7 =	sld [smem:$0x3FB2]  }
0x2d: {  	s3 =	simm.s32 $0x108;
	s8 =	sld [smem:$0x3FB3]  }
0x2e: {  	s3 =	simm.s32 @!p0 $0x1082;
	s9 =	sld [smem:$0x3FB4]  }
0x2f: {  	lr =	sadd.s32 s0, s3;
	s0 =	sld [smem:$0x3FAB]  }
0x30: {  	s3 =	sld [smem:$0x3FAE]  }
0x31: {  	[smem:$0x3FB7] =	sst s10  }
0x32: {  	s10 =	sld [smem:$0x3FB5];
	_ =	sdelay $0x3  }
0x33: {  	p0 =	seq.s32 s10, $0x1;
	s10 =	sld [smem:$0x3FB7];
	_ =	sdelay $0x3  }
0x34: {  	[smem:$0x3FB7] =	sst s10  }
0x35: {  	s10 =	sld [smem:$0x3FB6];
	_ =	sdelay $0x3  }
0x36: {  	p1 =	seq.s32 s10, $0x1;
	s10 =	sld [smem:$0x3FB7];
	_ =	sdelay $0x3  }
0x37: {  	[smem:$0x3FB7] =	sst s10  }
0x38: {  	s10 =	sld [smem:$0x3FB8]  }
0x39: {  	_ = 	snop;
	(pc) =	sbr.ind lr, $3  }
0x3a: {  	_ = 	snop  }
0x3b: {  	_ = 	snop  }
0x3c: {  	p2 =	seq.s32 s10, $0x1;
	s10 =	sld [smem:$0x3FB7]  }
0x3d: {  	_ =	shalt  }
0x3e: {  	_ =	shalt  }
0x3f: {  	_ =	shalt  }
0x40: {  	_ =	shalt  }
0x41: {  	_ =	shalt  }
0x42: {  	_ =	shalt  }
0x43: {  	_ =	shalt  }
0x44: {  	_ =	shalt  }
0x45: {  	_ =	shalt  }
0x46: {  	_ =	shalt  }
0x47: {  	_ =	shalt  }
0x48: {  	_ =	shalt  }
0x49: {  	_ =	shalt  }
0x4a: {  	_ =	shalt  }
0x4b: {  	_ =	shalt  }
0x4c: {  	_ =	shalt  }
0x4d: {  	_ =	shalt  }
0x4e: {  	_ =	shalt  }
0x4f: {  	_ =	shalt  }
0x50: {  	_ =	shalt  }
0x51: {  	_ =	shalt  }
0x52: {  	_ =	shalt  }
0x53: {  	_ =	shalt  }
0x54: {  	_ =	shalt  }
0x55: {  	_ =	shalt  }
0x56: {  	_ =	shalt  }
0x57: {  	_ =	shalt  }
0x58: {  	_ =	shalt  }
0x59: {  	_ =	shalt  }
0x5a: {  	_ =	shalt  }
0x5b: {  	_ =	shalt  }
0x5c: {  	_ =	shalt  }
0x5d: {  	_ =	shalt  }
0x5e: {  	_ =	shalt  }
0x5f: {  	_ =	shalt  }
0x60: {  	_ =	shalt  }
0x61: {  	_ =	shalt  }
0x62: {  	_ =	shalt  }
0x63: {  	_ =	shalt  }
0x64: {  	_ =	shalt  }
0x65: {  	_ =	shalt  }
0x66: {  	_ =	shalt  }
0x67: {  	_ =	shalt  }
0x68: {  	_ =	shalt  }
0x69: {  	_ =	shalt  }
0x6a: {  	_ =	shalt  }
0x6b: {  	_ =	shalt  }
0x6c: {  	_ =	shalt  }
0x6d: {  	_ =	shalt  }
0x6e: {  	_ =	shalt  }
0x6f: {  	_ =	shalt  }
0x70: {  	_ =	shalt  }
0x71: {  	_ =	shalt  }
0x72: {  	_ =	shalt  }
0x73: {  	_ =	shalt  }
0x74: {  	_ =	shalt  }
0x75: {  	_ =	shalt  }
0x76: {  	_ =	shalt  }
0x77: {  	_ =	shalt  }
0x78: {  	_ =	shalt  }
0x79: {  	_ =	shalt  }
0x7a: {  	_ =	shalt  }
0x7b: {  	_ =	shalt  }
0x7c: {  	_ =	shalt  }
0x7d: {  	_ =	shalt  }
0x7e: {  	_ =	shalt  }
0x7f: {  	_ =	shalt  }
0x80: {  	_ =	shalt  }
0x81: {  	_ =	shalt  }
0x82: {  	_ =	shalt  }
0x83: {  	_ =	shalt  }
0x84: {  	_ =	shalt  }
0x85: {  	_ =	shalt  }
0x86: {  	_ =	shalt  }
0x87: {  	_ =	shalt  }
.Lfunc_end0:
.L_simem_size_0:
called_computation_lowered:
.L_overlay_start_0:
0x88: {  	s2 =	sld [smem:$0x3FD9]  }
0x89: {  	s3 =	sld [smem:$0x3FFE];
	_ =	sdelay $0x1  }
0x8a: {  	s1 =	srdreg.scid  }
0x8b: {  	s0 =	sand.u32 $0x1, s1  }
0x8c: {  	s14 =	sshll.u32 s0, $0xA;
	s2 =	sadd.s32 s3, s2  }
0x8d: {  	s2 =	sadd.s32 s2, s14  }
0x8e: {  	[smem:$0x3FC3] =	sst s2  }
0x8f: {  	_ = 	snop  }
0x90: {  	s2 =	sld [smem:$0x3FD0];
	_ =	sdelay $0x2  }
0x91: {  	s15 =	simm.s32 $0xA;
	s4 =	simm.s32 $0x10  }
0x92: {  	[smem:s4], [sflag:s15] =	dma.local [hbm:s2], $0x1  }
0x93: {  	_ =	swait.eq [sflag:s15], $0x1  }
0x94: {  	[sflag:s15] =	ssyncset.done $0x0  }
0x95: {  	s16 =	sld [smem:$0x11];
	[sflag:s15] =	ssyncadd.s32 $0xFFFFFFFF  }
0x96: {  	s17 =	sld [smem:$0x12];
	(tm) =	ssettm $0x1  }
0x97: {  	s18 =	sld [smem:$0x3FFB];
	_ =	sdelay $0x3  }
0x98: {  	_ =	strace s18  }
0x99: {  	s4 =	sld [smem:$0x3FFC];
	_ =	sdelay $0x3  }
0x9a: {  	_ =	strace s4  }
0x9b: {  	s4 =	sld [smem:$0x3FFD];
	_ =	sdelay $0x3  }
0x9c: {  	_ =	strace s4  }
0x9d: {  	_ =	strace $0x8FFFFFFF  }
0x9e: {  	s19 =	sld [smem:$0x3FDB];
	_ =	sdelay $0x1  }
0x9f: {  	s5 =	simm.s32 $_scs_section_size  }
0xa0: {  	s6 =	simm.s32 $_size__tile_overlayer_lowered;
	s7 =	simm.s32 $_tile_overlayer_lowered  }
0xa1: {  	s22 =	simm.s32 $0x1BFF;
	s21 =	sshll.u32 s7, $0x1;
	s4 =	sadd.s32 s5, s19  }
0xa2: {  	s8 =	simm.s32 $0x0;
	s20 =	sshll.u32 s6, $0x1;
	s6 =	sadd.s32 s21, s4  }
0xa3: {  	[timem:s8], [sflag:s22] =	dma.local [hbm:s6], s20  }
0xa4: {  	_ =	swait.ge [sflag:s22], s20  }
0xa5: {  	s5 =	ssub.s32 $0x0, s20;
	[sflag:s22] =	ssyncset.done $0x0  }
0xa6: {  	[sflag:s22] =	ssyncadd.s32 s5;
	_ =	sdelay $0x1  }
0xa7: {  	s23 =	simm.s32 $0x1B8B  }
0xa8: {  	_ =	swait.ge [sflag:s23], $0x1  }
0xa9: {  	[sflag:s23] =	ssyncset.done $0x0  }
0xaa: {  	s25 =	simm.s32 $0x1B8E;
	s24 =	sld [smem:$0x3FFE];
	[sflag:s23] =	ssyncadd.s32 $0xFFFFFFFF  }
0xab: {  	s26 =	simm.s32 $execute0_lowered;
	[smem:$0x3FD2] =	sst s25  }
0xac: {  	s6 =	sshll.u32 s26, $0x1;
	_ =	strace $0x80000046;
	[dreg:$0x1] =	wrdreg $0xFFFFFFFF  }
0xad: {  	s28 =	simm.s32 $_size_execute0_lowered;
	s4 =	sadd.s32 s4, s6;
	[dreg:$0x0] =	wrdreg $0x0  }
0xae: {  	s6 =	sshll.u32 s28, $0x1;
	[dreg:$0x2] =	wrdreg s4  }
0xaf: {  	[dreg:$0x3] =	wrdreg s6  }
0xb0: {  	[dreg:$0x4] =	wrdreg $0xC0  }
0xb1: {  	_ =	task [dreg:s8], $0x5FFFF  }
0xb2: {  	[dreg:$0x1] =	wrdreg $0xFFFFFFFF  }
0xb3: {  	[dreg:$0x0] =	wrdreg $0x60  }
0xb4: {  	[dreg:$0x2] =	wrdreg s16  }
0xb5: {  	[dreg:$0x3] =	wrdreg s24  }
0xb6: {  	[dreg:$0x4] =	wrdreg s17  }
0xb7: {  	[dreg:$0x5] =	wrdreg $0x9  }
0xb8: {  	_ =	task.clear_ibuf [dreg:s8], $0x6FFFF;
	_ =	strace $0x90000046  }
0xb9: {  	s29 =	simm.s32 $0x9;
	_ =	strace $0x80000048  }
0xba: {  	_ =	swait.ge [sflag:s29], $0x1  }
0xbb: {  	[sflag:s29] =	ssyncadd.s32 $0xFFFFFFFF  }
0xbc: {  	_ =	strace $0x90000048  }
0xbd: {  	_ =	sfence  }
0xbe: {  	s30 =	sld [smem:$0x0];
	_ =	sdelay $0x2  }
0xbf: {  	s31 =	sshll.u32 s1, $0xD;
	s1 =	sshrl.u32 s1, $0x2  }
0xc0: {  	s3 =	sand.u32 $0x4000, s31;
	s1 =	sadd.s32 s1, s30  }
0xc1: {  	s0 =	sor.u32 s3, s0;
	s1 =	sshll.u32 s1, $0x11  }
0xc2: {  	s0 =	sor.u32 s1, s0  }
0xc3: {  	s0 =	sadd.s32 $0x8F2B, s0  }
0xc4: {  	[sflag:s0] =	ssyncadd.remote.s32 $0x1  }
0xc5: {  	_ =	sfence.sel $0xFFFF  }
0xc6: {  	[dreg:$0x0] =	wrdreg $0xFFFFFFFF;
	(pc) =	sbr.abs _section_cstart, $3  }
0xc7: {  	[dreg:$0x1] =	wrdreg $0xFFFFFFFF  }
0xc8: {  	_ =	task.clear_ibuf [dreg:s8], $0x2FFFF;
	_ =	strace $0x9FFFFFFF  }
0xc9: {  	(tm) =	ssettm $0x7FFFFFFF  }
tec
execute0_lowered:
.L_overlay_start_1:
0x0: {  	(tag) =	ssettag $0x1  }
0x1: {  	s0 =	rddreg [dreg:$0x0]  }
0x2: {  	s1 =	rddreg [dreg:$0x1];
	s3 =	srdreg.scid  }
0x3: {  	s2 =	rddreg [dreg:$0x2];
	s4 =	stileid.u32;
	s3 =	sand.u32 $0x1, s3  }
0x4: {  	s5 =	simm.s32 $0x0;
	s4 =	sshll.u32 s4, $0x4;
	s14 =	sshll.u32 s3, $0x3  }
0x5: {  	[smem:$0x7FF] =	sst s5;
	s4 =	sor.u32 s14, s4  }
0x6: {  	s1 =	sadd.s32 $0xE00, s1;
	_ =	strace $0x80000047;
	s6 =	sshll.u32 s4, $0x4  }
0x7: {  	s3 =	ssub.s32 $0x2, s3;
	s16 =	sshll.u32 s4, $0x9;
	s0 =	sadd.s32 s0, s6  }
0x8: {  	s15 =	sshrl.u32 s3, $0x1;
	s4 =	sadd.s32 s1, s16;
	[smem:$0x7EC] =	sst s0  }
0x9: {  	s3 =	ssub.s32 s3, s15;
	s17 =	sadd.s32 s2, s16;
	[smem:$0x7ED] =	sst s4  }
0xa: {  	s18 =	sor.u32 $0x10, s16;
	s31 =	smax.u32 s3, $0x1;
	[smem:$0x7EE] =	sst s17  }
0xb: {  	s19 =	sadd.s32 s1, s18;
	[smem:$0x7FD] =	sst s31  }
0xc: {  	s20 =	sor.u32 $0x20, s16;
	s4 =	sadd.s32 s2, s18;
	[smem:$0x7EF] =	sst s19  }
0xd: {  	s22 =	sor.u32 $0x30, s16;
	s21 =	sadd.s32 s1, s20;
	[smem:$0x7F0] =	sst s4  }
0xe: {  	s24 =	sor.u32 $0x40, s16;
	s23 =	sadd.s32 s1, s22;
	[smem:$0x7F1] =	sst s21  }
0xf: {  	s26 =	sor.u32 $0x50, s16;
	s25 =	sadd.s32 s1, s24;
	[smem:$0x7F3] =	sst s23  }
0x10: {  	s29 =	sor.u32 $0x60, s16;
	s28 =	sadd.s32 s1, s26;
	[smem:$0x7F5] =	sst s25  }
0x11: {  	v0 =	vlaneseq.u32;
	s30 =	sadd.s32 s1, s29;
	[smem:$0x7F7] =	sst s28  }
0x12: {  	v1 =	vmul.u32 $0xFFFFFFFF, v0;
	v2 =	vor.u32 $0x10, v0;
	s0 =	sor.u32 $0x70, s16;
	s4 =	sadd.s32 s2, s20;
	[smem:$0x7F9] =	sst s30  }
0x13: {  	[tilespmem:$0x1FF90] =	vst v2;
	s1 =	sadd.s32 s1, s0;
	[smem:$0x7F2] =	sst s4  }
0x14: {  	v2 =	vadd.s32 $0xFFFFFFF0, v1;
	[tilespmem:$0x1FFE0] =	vst v1;
	s0 =	sadd.s32 s2, s0;
	[smem:$0x7FB] =	sst s1  }
0x15: {  	[tilespmem:$0x1FFA0] =	vst v2;
	v2 =	vor.u32 $0x20, v0;
	s4 =	sadd.s32 s2, s22;
	[smem:$0x7FC] =	sst s0  }
0x16: {  	[tilespmem:$0x1FFB0] =	vst v2;
	v2 =	vadd.s32 $0xFFFFFFE0, v1;
	[smem:$0x7F4] =	sst s4;
	s4 =	sadd.s32 s2, s24  }
0x17: {  	v1 =	vadd.s32 $0xFFFFFFD0, v1;
	[tilespmem:$0x1FFC0] =	vst v2;
	[smem:$0x7F6] =	sst s4;
	s4 =	sadd.s32 s2, s26  }
0x18: {  	v2 =	vor.u32 $0x30, v0;
	[tilespmem:$0x1FFF0] =	vst v1;
	[smem:$0x7F8] =	sst s4;
	s4 =	sadd.s32 s2, s29  }
0x19: {  	v8 =	vimm.s32 $0xFFFFFFFF;
	[tilespmem:$0x1FFD0] =	vst v2;
	s2 =	simm.s32 $0x0;
	[smem:$0x7FA] =	sst s4  }
.LBB2_1:
0x1a: {  	s0 =	sld [smem:$0x7EC];
	_ =	sdelay $0x1  }
0x1b: {  	[smem:$0x7EB] =	sst s2;
	s23 =	simm.s32 $0x0;
	s31 =	simm.s32 $0x3  }
0x1c: {  	[tilespmem:s23], [sflag:$0x3] =	stream.linear.gather [hbm4b:s0+s23], $0x400, $0x38;
	[tilespmem:$0x10800] =	vst v63  }
0x1d: {  	_ =	swait.ge [sflag:s31], $0x400  }
0x1e: {  	[sflag:s31] =	ssyncset.done $0x0  }
0x1f: {  	[sflag:s31] =	ssyncadd.s32 $0xFFFFFC00  }
0x20: {  	v11 =	vld [tilespmem:$0x0];
	_ =	sdelay $0x1  }
0x21: {  	v1 =	vld [tilespmem:$0x1FFE0]  }
0x22: {  	v23 =	vld [tilespmem:$0x80]  }
0x23: {  	v3 =	vld [tilespmem:$0x1FFA0]  }
0x24: {  	v5 =	vld [tilespmem:$0x1FFC0];
	v9 =	vbroadcast v11, $0x8;
	v10 =	vbroadcast v11, $0xC  }
0x25: {  	v7 =	vld [tilespmem:$0x1FFF0];
	v16 =	vbroadcast v11, $0x9;
	v17 =	vbroadcast v11, $0xD  }
0x26: {  	v4 =	vld [tilespmem:$0x1FFB0];
	v24 =	vbroadcast v11, $0xA;
	v26 =	vbroadcast v11, $0xE  }
0x27: {  	(v2sf) =	vpush v11, $0x4;
	v27 =	vbroadcast v23, $0xC;
	v52 =	vbroadcast v23, $0xA  }
0x28: {  	v2 =	vld [tilespmem:$0x1FF90];
	v37 =	vbroadcast v23, $0xE;
	v40 =	vbroadcast v23, $0xB;
	(v2sf) =	vpush v11, $0x5  }
0x29: {  	(v2sf) =	vpush v11, $0x6;
	v12 =	vsub.s32 v0, v9;
	v13 =	vadd.s32 v1, v10  }
0x2a: {  	v14 =	vadd.s32 v3, v10;
	v15 =	vadd.s32 v5, v10;
	v10 =	vadd.s32 v7, v10  }
0x2b: {  	v18 =	vadd.s32 v1, v17;
	v20 =	vsub.s32 v4, v16;
	v21 =	vadd.s32 v5, v17  }
0x2c: {  	v6 =	vld [tilespmem:$0x1FFD0];
	v22 =	vadd.s32 v3, v26;
	v31 =	vadd.s32 v3, v27;
	v36 =	vadd.s32 v1, v37  }
0x2d: {  	v38 =	vsub.s32 v2, v52;
	v39 =	vadd.s32 v3, v37;
	v53 =	vsub.s32 v4, v52  }
0x2e: {  	v54 =	vadd.s32 v5, v37;
	v37 =	vadd.s32 v7, v37;
	v12 =	vor.u32 v13, v12  }
0x2f: {  	(v2sf) =	vpush v11, $0x7;
	v13 =	vshra.s32 v12, $0x1F;
	v12 =	vsub.s32 v2, v9  }
0x30: {  	v41 =	vsub.s32 v0, v40;
	(v2sf) =	vpush v23, $0x4;
	v12 =	vor.u32 v14, v12  }
0x31: {  	v14 =	vsub.s32 v4, v9;
	v9 =	vsub.s32 v6, v9;
	(v2sf) =	vpush v23, $0x5  }
0x32: {  	v15 =	vor.u32 v15, v14;
	v14 =	vshra.s32 v12, $0x1F;
	v12 =	vsub.s32 v0, v16  }
0x33: {  	v9 =	vor.u32 v10, v9;
	(v2sf) =	vpush v23, $0x6;
	v10 =	vor.u32 v18, v12  }
0x34: {  	v12 =	vadd.s32 v3, v17;
	v18 =	vshra.s32 v10, $0x1F;
	v10 =	vsub.s32 v2, v16  }
0x35: {  	(v2sf) =	vpush v23, $0x7;
	v10 =	vor.u32 v12, v10;
	v12 =	vsub.s32 $0x0, v23  }
0x36: {  	v56 =	vsub.s32 v2, v40;
	v58 =	vsub.s32 v4, v40;
	(v2sf) =	vpush v12, $0x3  }
0x37: {  	v19 =	vshra.s32 v10, $0x1F;
	v10 =	vor.u32 v21, v20;
	(v2sf) =	vpush v12, $0x2  }
0x38: {  	v21 =	vadd.s32 v1, v26;
	v20 =	vshra.s32 v10, $0x1F;
	(v2sf) =	vpush v12, $0x1  }
0x39: {  	v10 =	vsub.s32 $0x0, v11;
	(v2sf) =	vpush v12, $0x0;
	v12 =	vsub.s32 v6, v16;
	s1 =	spop (v2sf)  }
0x3a: {  	v16 =	vadd.s32 v7, v17;
	v17 =	vsub.s32 v0, v24;
	(v2sf) =	vpush v10, $0x0;
	s0 =	spop (v2sf);
	[dreg:$0x5] =	wrdreg s1  }
0x3b: {  	v12 =	vor.u32 v16, v12;
	v16 =	vor.u32 v21, v17;
	(v2sf) =	vpush v10, $0x1;
	[dreg:$0x7] =	wrdreg s0  }
0x3c: {  	v17 =	vsub.s32 v2, v24;
	v21 =	vshra.s32 v16, $0x1F;
	(v2sf) =	vpush v10, $0x2;
	s3 =	spop (v2sf);
	s17 =	rddreg [dreg:$0x5]  }
0x3d: {  	(v2sf) =	vpush v10, $0x3;
	v10 =	vshra.s32 v12, $0x1F;
	v12 =	vor.u32 v22, v17;
	[dreg:$0x9] =	wrdreg s3  }
0x3e: {  	v16 =	vadd.s32 v5, v26;
	v22 =	vshra.s32 v12, $0x1F;
	v12 =	vsub.s32 v4, v24;
	s4 =	spop (v2sf);
	s25 =	rddreg [dreg:$0x7]  }
0x3f: {  	v12 =	vor.u32 v16, v12;
	v16 =	vbroadcast v11, $0xB;
	v11 =	vbroadcast v11, $0xF;
	[dreg:$0xb] =	wrdreg s4  }
0x40: {  	v17 =	vadd.s32 v7, v26;
	s5 =	spop (v2sf);
	s31 =	rddreg [dreg:$0x9];
	v25 =	vshra.s32 v12, $0x1F;
	v12 =	vsub.s32 v6, v24  }
0x41: {  	s6 =	spop (v2sf);
	[dreg:$0xd] =	wrdreg s5;
	v12 =	vor.u32 v17, v12;
	v17 =	vsub.s32 v0, v16;
	v24 =	vadd.s32 v1, v11  }
0x42: {  	s7 =	spop (v2sf);
	v26 =	vadd.s32 v3, v11;
	[dreg:$0xf] =	wrdreg s6;
	v17 =	vor.u32 v24, v17;
	v24 =	vsub.s32 v2, v16  }
0x43: {  	v40 =	vsub.s32 v6, v40;
	[dreg:$0x11] =	wrdreg s7;
	v28 =	vshra.s32 v17, $0x1F;
	v17 =	vor.u32 v26, v24  }
0x44: {  	s8 =	spop (v2sf);
	s7 =	rddreg [dreg:$0xf];
	v24 =	vadd.s32 v5, v11;
	v26 =	vbroadcast v23, $0x8;
	v11 =	vadd.s32 v7, v11  }
0x45: {  	[dreg:$0x13] =	wrdreg s8;
	v29 =	vshra.s32 v17, $0x1F;
	v17 =	vsub.s32 v4, v16;
	v16 =	vsub.s32 v6, v16  }
0x46: {  	v15 =	vshra.s32 v15, $0x1F;
	s8 =	rddreg [dreg:$0xd];
	v17 =	vor.u32 v24, v17;
	v11 =	vor.u32 v11, v16  }
0x47: {  	s19 =	rddreg [dreg:$0x11];
	v16 =	vsub.s32 v0, v26;
	v30 =	vshra.s32 v17, $0x1F;
	v17 =	vadd.s32 v1, v27  }
0x48: {  	s18 =	rddreg [dreg:$0x13];
	s9 =	spop (v2sf);
	v24 =	vsub.s32 v2, v26;
	v17 =	vor.u32 v17, v16;
	v16 =	vshra.s32 v11, $0x1F  }
0x49: {  	s1 =	sadd.s32 $0x40, s17;
	s10 =	spop (v2sf);
	[dreg:$0x12] =	wrdreg s9;
	v11 =	vor.u32 v31, v24;
	v31 =	vbroadcast v23, $0xD;
	v32 =	vshra.s32 v17, $0x1F  }
0x4a: {  	s1 =	sadd.s32 $0xFFFFFFC0, s1;
	[dreg:$0x10] =	wrdreg s10;
	v33 =	vshra.s32 v11, $0x1F;
	v11 =	vsub.s32 v4, v26;
	v17 =	vadd.s32 v5, v27  }
0x4b: {  	v9 =	vshra.s32 v9, $0x1F;
	v12 =	vshra.s32 v12, $0x1F;
	s21 =	sadd.s32 $0x40, s7;
	s11 =	spop (v2sf);
	s3 =	rddreg [dreg:$0x12];
	v11 =	vor.u32 v17, v11  }
0x4c: {  	s8 =	sadd.s32 $0x40, s8;
	s2 =	sadd.s32 $0x40, s18;
	[dreg:$0xe] =	wrdreg s11;
	v17 =	vbroadcast v23, $0x9;
	v35 =	vadd.s32 v3, v31;
	v51 =	vadd.s32 v5, v31  }
0x4d: {  	s24 =	sadd.s32 $0xFFFFFFC0, s8;
	s12 =	spop (v2sf);
	s5 =	rddreg [dreg:$0x10];
	v23 =	vbroadcast v23, $0xF;
	v24 =	vshra.s32 v11, $0x1F;
	v11 =	vsub.s32 v6, v26  }
0x4e: {  	s8 =	sadd.s32 $0x40, s25;
	s2 =	sadd.s32 $0xFFFFFFC0, s2;
	[dreg:$0xc] =	wrdreg s12;
	v26 =	vadd.s32 v7, v27;
	v27 =	vadd.s32 v1, v31;
	v31 =	vadd.s32 v7, v31  }
0x4f: {  	s3 =	sadd.s32 $0x0, s3;
	s13 =	spop (v2sf);
	s6 =	rddreg [dreg:$0xe];
	v11 =	vor.u32 v26, v11;
	v26 =	vsub.s32 v0, v17;
	v42 =	vadd.s32 v1, v23  }
0x50: {  	s8 =	sadd.s32 $0xFFFFFFC0, s8;
	s2 =	sor.u32 s2, s3;
	[dreg:$0x4] =	wrdreg s13;
	v57 =	vadd.s32 v3, v23;
	v43 =	vadd.s32 v5, v23;
	v23 =	vadd.s32 v7, v23  }
0x51: {  	s11 =	sadd.s32 $0x0, s5;
	s14 =	spop (v2sf);
	s4 =	rddreg [dreg:$0xc];
	v26 =	vor.u32 v27, v26;
	v27 =	vsub.s32 v2, v17;
	v11 =	vshra.s32 v11, $0x1F  }
0x52: {  	s3 =	sadd.s32 $0x40, s19;
	[dreg:$0x6] =	wrdreg s14;
	s10 =	sadd.s32 $0x0, s4;
	v55 =	vor.u32 v42, v41;
	v59 =	vor.u32 v43, v58;
	v23 =	vor.u32 v23, v40  }
0x53: {  	s6 =	sadd.s32 $0x0, s6;
	s12 =	rddreg [dreg:$0x4];
	s26 =	sor.u32 s24, s10;
	v34 =	vshra.s32 v26, $0x1F;
	v26 =	vor.u32 v35, v27;
	v35 =	vsub.s32 v6, v52  }
0x54: {  	s4 =	sshra.s32 s2, $0x1F;
	s0 =	sadd.s32 $0x0, s12;
	s2 =	sshra.s32 s26, $0x1F;
	v23 =	vshra.s32 v23, $0x1F;
	v27 =	vshra.s32 v26, $0x1F;
	v26 =	vsub.s32 v4, v17  }
0x55: {  	s13 =	sadd.s32 $0xFFFFFFC0, s21;
	s22 =	rddreg [dreg:$0x6];
	s1 =	sor.u32 s1, s0;
	v17 =	vsub.s32 v6, v17;
	v35 =	vor.u32 v37, v35;
	v41 =	vor.u32 s2, v33  }
0x56: {  	s15 =	spop (v2sf);
	s7 =	sadd.s32 $0x0, s22;
	s5 =	sshra.s32 s1, $0x1F;
	v60 =	vor.u32 s2, v32;
	v26 =	vor.u32 v51, v26;
	v17 =	vor.u32 v31, v17  }
0x57: {  	s3 =	sadd.s32 $0xFFFFFFC0, s3;
	[dreg:$0x8] =	wrdreg s15;
	s8 =	sor.u32 s8, s7;
	v31 =	vsub.s32 v0, v52;
	v45 =	vor.u32 s5, v14;
	v46 =	vor.u32 s5, v13  }
0x58: {  	s16 =	spop (v2sf);
	s12 =	sor.u32 s13, s6;
	s6 =	sshra.s32 s8, $0x1F;
	v48 =	vor.u32 s5, v15;
	v26 =	vshra.s32 v26, $0x1F;
	v31 =	vor.u32 v36, v31  }
0x59: {  	s10 =	sadd.s32 $0x40, s31;
	s9 =	rddreg [dreg:$0x8];
	s8 =	sshra.s32 s12, $0x1F;
	v17 =	vshra.s32 v17, $0x1F;
	v47 =	vor.u32 s6, v18;
	v49 =	vor.u32 s6, v20  }
0x5a: {  	[dreg:$0xa] =	wrdreg s16;
	s16 =	sadd.s32 $0xFFFFFFC0, s10;
	s9 =	sadd.s32 $0x0, s9;
	v51 =	vor.u32 s8, v34;
	v61 =	vor.u32 s6, v19;
	v58 =	vor.u32 s8, v27  }
0x5b: {  	s13 =	sor.u32 s3, s11;
	s3 =	sor.u32 s16, s9;
	v36 =	vshra.s32 v31, $0x1F;
	v31 =	vor.u32 v39, v38;
	v38 =	vor.u32 v54, v53  }
0x5c: {  	s20 =	rddreg [dreg:$0xb];
	s7 =	sshra.s32 s3, $0x1F;
	v39 =	vshra.s32 v55, $0x1F;
	v46 =	vand.u32 v47, v46;
	v45 =	vand.u32 v61, v45  }
0x5d: {  	s15 =	sadd.s32 $0x40, s20;
	s14 =	rddreg [dreg:$0xa];
	v62 =	vand.u32 v49, v48;
	v63 =	vor.u32 s7, v21;
	v4 =	vor.u32 s7, v22  }
0x5e: {  	s19 =	sadd.s32 $0xFFFFFFC0, s15;
	s18 =	sadd.s32 $0x0, s14;
	v54 =	vor.u32 s7, v25;
	v41 =	vand.u32 v58, v41;
	v61 =	vor.u32 s8, v26  }
0x5f: {  	s17 =	sshra.s32 s13, $0x1F;
	s1 =	sor.u32 s19, s18;
	v31 =	vshra.s32 v31, $0x1F;
	v37 =	vshra.s32 v38, $0x1F;
	v38 =	vshra.s32 v35, $0x1F  }
0x60: {  	s1 =	sshra.s32 s1, $0x1F;
	v35 =	vor.u32 v57, v56;
	v42 =	vor.u32 s4, v39;
	v52 =	vor.u32 s17, v36  }
0x61: {  	v55 =	vor.u32 s1, v28;
	v56 =	vor.u32 s1, v29;
	v57 =	vand.u32 v63, v46  }
0x62: {  	s25 =	rddreg [dreg:$0x10];
	v5 =	vor.u32 s1, v30;
	v45 =	vand.u32 v4, v45;
	v47 =	vand.u32 v54, v62  }
0x63: {  	s21 =	rddreg [dreg:$0x13];
	v54 =	vand.u32 v51, v60;
	v60 =	vor.u32 s2, v24;
	v63 =	vor.u32 s2, v11  }
0x64: {  	s20 =	rddreg [dreg:$0x5];
	v4 =	vor.u32 s8, v17;
	v40 =	vshra.s32 v35, $0x1F;
	v35 =	vshra.s32 v59, $0x1F  }
0x65: {  	s24 =	rddreg [dreg:$0xc];
	v50 =	vor.u32 s17, v38;
	v53 =	vor.u32 s17, v37;
	v43 =	vand.u32 v56, v45  }
0x66: {  	s22 =	rddreg [dreg:$0x12];
	v46 =	vand.u32 v5, v47;
	v51 =	vand.u32 v52, v54;
	v59 =	vor.u32 s17, v31  }
0x67: {  	s31 =	sadd.s32 $0x3F, s21;
	s26 =	rddreg [dreg:$0xe];
	v62 =	vand.u32 v61, v60;
	v56 =	vand.u32 v4, v63;
	v60 =	vor.u32 s5, v9  }
0x68: {  	s0 =	rddreg [dreg:$0xf];
	s13 =	sadd.s32 $0x1, s25;
	s3 =	sadd.s32 $0x3F, s20;
	v61 =	vor.u32 s6, v10;
	v63 =	vor.u32 s7, v12;
	v4 =	vor.u32 s1, v16  }
0x69: {  	s11 =	sadd.s32 $0x1, s22;
	s10 =	sadd.s32 $0xFFFFFFC0, s3;
	s3 =	sadd.s32 $0xFFFFFFC0, s31;
	v44 =	vor.u32 s4, v40;
	v41 =	vand.u32 v59, v41;
	v5 =	vor.u32 s4, v35  }
0x6a: {  	s25 =	rddreg [dreg:$0x11];
	s19 =	simm.s32 $0x0;
	s3 =	sor.u32 s3, s11;
	v45 =	vand.u32 v53, v62;
	v58 =	vand.u32 v50, v56;
	v59 =	vor.u32 s4, v23  }
0x6b: {  	s16 =	rddreg [dreg:$0x4];
	s3 =	sshra.s32 s3, $0x1F;
	v62 =	vand.u32 v61, v60;
	v50 =	vor.u32 s19, v0;
	vm0 =	vlt.u32 v46, $0x7FFFFFFF  }
0x6c: {  	s18 =	sadd.s32 $0x1, s24;
	s24 =	rddreg [dreg:$0x7];
	s16 =	sadd.s32 $0x1, s16;
	v53 =	vor.u32 s3, v39;
	v54 =	vand.u32 v42, v51;
	v51 =	vand.u32 v55, v57  }
0x6d: {  	s17 =	rddreg [dreg:$0xd];
	s6 =	sadd.s32 $0x3F, s25;
	s7 =	sor.u32 s10, s16;
	vm2 =	vlt.u32 v43, $0x7FFFFFFF;
	v46 =	vadd.s32 $0x1, v46;
	v47 =	vand.u32 v44, v41  }
0x6e: {  	s15 =	sadd.s32 $0x3F, s17;
	s17 =	sadd.s32 $0xFFFFFFC0, s6;
	s6 =	sshra.s32 s7, $0x1F;
	v48 =	vand.u32 v5, v45;
	v52 =	vand.u32 v59, v58;
	v41 =	vand.u32 v63, v62  }
0x6f: {  	s20 =	rddreg [dreg:$0x6];
	s5 =	sadd.s32 $0x3F, s24;
	v58 =	vor.u32 s3, v40;
	vm3 =	vlt.u32 v54, $0x7FFFFFFF;
	v44 =	vor.u32 s6, v14  }
0x70: {  	s9 =	sadd.s32 $0x3F, s0;
	s0 =	sadd.s32 $0x1, s20;
	s5 =	sadd.s32 $0xFFFFFFC0, s5;
	vm1 =	vlt.u32 v51, $0x7FFFFFFF;
	v45 =	vor.u32 s6, v13;
	v51 =	vadd.s32 $0x1, v51  }
0x71: {  	s21 =	sadd.s32 $0x1, s26;
	s31 =	rddreg [dreg:$0xb];
	s5 =	sor.u32 s5, s0;
	v54 =	vadd.s32 $0x1, v54;
	v49 =	vand.u32 v4, v41;
	v56 =	vmpcnt.ones.xlane vm1  }
0x72: {  	s22 =	sadd.s32 $0xFFFFFFC0, s15;
	s19 =	sor.u32 s17, s13;
	s5 =	sshra.s32 s5, $0x1F;
	v4 =	vor.u32 s6, v15;
	vm5 =	vmmov vm3;
	vm6 =	vlt.u32 v47, $0x7FFFFFFF  }
0x73: {  	s26 =	sor.u32 s22, s18;
	s18 =	sadd.s32 $0xFFFFFFC0, s9;
	s9 =	sshra.s32 s19, $0x1F;
	vm7 =	vlt.u32 v48, $0x7FFFFFFF;
	v5 =	vor.u32 s5, v18;
	v59 =	vor.u32 s5, v20  }
0x74: {  	s15 =	rddreg [dreg:$0x9];
	s12 =	sshra.s32 s26, $0x1F;
	v60 =	vor.u32 s9, v38;
	v62 =	vor.u32 s9, v36;
	v63 =	vor.u32 s9, v37  }
0x75: {  	s2 =	rddreg [dreg:$0x8];
	s4 =	sor.u32 s18, s21;
	s21 =	sadd.s32 $0x3F, s15;
	vm3 =	vlt.u32 v49, $0x7FFFFFFF;
	v41 =	vor.u32 s12, v33;
	v42 =	vor.u32 s12, v32  }
0x76: {  	s2 =	sadd.s32 $0x1, s2;
	s22 =	sshra.s32 s4, $0x1F;
	s7 =	sadd.s32 $0xFFFFFFC0, s21;
	v45 =	vand.u32 v5, v45;
	v55 =	vand.u32 v59, v4;
	v59 =	vmpcnt.ones.xlane vm2  }
0x77: {  	s20 =	rddreg [dreg:$0xa];
	s25 =	sadd.s32 $0x3F, s31;
	v5 =	vor.u32 s5, v19;
	(v2sf) =	vpush v56, $0x0;
	v61 =	vor.u32 s22, v34;
	s2 =	sor.u32 s7, s2  }
0x78: {  	s26 =	sadd.s32 $0x1, s20;
	s4 =	sadd.s32 $0xFFFFFFC0, s25;
	v44 =	vand.u32 v5, v44;
	s13 =	sshra.s32 s2, $0x1F;
	(v2sf) =	vpush v59, $0x0;
	v59 =	vmpcnt.ones.xlane vm0  }
0x79: {  	s4 =	sor.u32 s4, s26;
	v42 =	vand.u32 v61, v42;
	v61 =	vor.u32 s9, v31;
	v56 =	vor.u32 s13, v21  }
0x7a: {  	s31 =	rddreg [dreg:$0x5];
	s8 =	sshra.s32 s4, $0x1F;
	v2 =	vor.u32 s13, v22;
	v3 =	vor.u32 s13, v25;
	v56 =	vand.u32 v56, v45  }
0x7b: {  	s0 =	rddreg [dreg:$0x13];
	v45 =	vor.u32 s8, v29;
	v2 =	vand.u32 v2, v44;
	v3 =	vand.u32 v3, v55  }
0x7c: {  	s29 =	simm.s32 $0x460;
	s28 =	simm.s32 $0x1460;
	s17 =	rddreg [dreg:$0xc];
	v55 =	vor.u32 s8, v30;
	(v2sf) =	vpush v59, $0x0;
	v45 =	vand.u32 v45, v2  }
0x7d: {  	s30 =	simm.s32 $0x70;
	s14 =	simm.s32 $0x94A0;
	s20 =	rddreg [dreg:$0x10];
	v44 =	vand.u32 v55, v3;
	v2 =	vand.u32 v62, v42;
	v3 =	vor.u32 s22, v27  }
0x7e: {  	s11 =	simm.s32 $0x420;
	s10 =	simm.s32 $0x30;
	s21 =	rddreg [dreg:$0xe];
	v42 =	vor.u32 s12, v24;
	v62 =	vor.u32 s22, v26;
	v3 =	vand.u32 v3, v41  }
0x7f: {  	s19 =	simm.s32 $0x20;
	[tilespmem:s11+$0xFFFFFFE0] =	vst v51;
	v51 =	vmpcnt.ones.xlane vm7;
	s25 =	sadd.s32 $0x3E, s0;
	s0 =	rddreg [dreg:$0xd];
	v42 =	vand.u32 v62, v42;
	v3 =	vand.u32 v61, v3  }
0x80: {  	s7 =	simm.s32 $0x8420;
	s1 =	sadd.s32 $0xFFFFFFC0, s25;
	s15 =	sadd.s32 $0x3E, s0;
	v62 =	vor.u32 s3, v35;
	v41 =	vand.u32 v58, v3;
	v3 =	vand.u32 v63, v42  }
0x81: {  	v4 =	vmpcnt.ones.xlane vm6;
	s25 =	simm.s32 $0x40;
	s4 =	simm.s32 $0x1420;
	s9 =	rddreg [dreg:$0x12];
	[tilespmem:s7+$0xFFFFFFE0] =	vst v8;
	v42 =	vand.u32 v62, v3;
	v62 =	vmpcnt.ones.xlane vm5  }
0x82: {  	v5 =	vor.u32 s12, v11;
	s15 =	sadd.s32 $0xFFFFFFC0, s15;
	v57 =	vor.u32 s8, v28;
	[tilespmem:s23+$0x8400] =	vst.msk vm1, v50;
	v59 =	vadd.s32 $0x1, v43;
	s12 =	sadd.s32 $0x3E, s31;
	s31 =	sadd.s32 $0x2, s9  }
0x83: {  	s9 =	sadd.s32 $0x2, s17;
	[tilespmem:s11+$0xFFFFFFF0] =	vst v59;
	v59 =	vor.u32 s5, v10;
	s5 =	sadd.s32 $0x2, s20;
	s20 =	rddreg [dreg:$0x9];
	v61 =	vor.u32 s22, v17;
	(v2sf) =	vpush v62, $0x0  }
0x84: {  	vm1 =	vlt.u32 v52, $0x7FFFFFFF;
	v55 =	vor.u32 s10, v0;
	s2 =	sor.u32 s1, s31;
	s1 =	rddreg [dreg:$0x8];
	s15 =	sor.u32 s15, s9;
	v3 =	vand.u32 v61, v5  }
0x85: {  	s9 =	rddreg [dreg:$0x6];
	s10 =	sadd.s32 $0x3E, s20;
	s22 =	simm.s32 $0x10;
	v63 =	vor.u32 s3, v23;
	v5 =	vmpcnt.ones.xlane vm3;
	v3 =	vand.u32 v60, v3  }
0x86: {  	s16 =	sshra.s32 s2, $0x1F;
	s1 =	sadd.s32 $0x2, s1;
	v60 =	vor.u32 s19, v0;
	v43 =	vand.u32 v63, v3;
	(v2sf) =	vpush v4, $0x0;
	s19 =	spop (v2sf)  }
0x87: {  	[tilespmem:s7+$0xFFFFFFF0] =	vst v8;
	s10 =	sadd.s32 $0xFFFFFFC0, s10;
	s3 =	rddreg [dreg:$0xf];
	v3 =	vor.u32 s22, v0;
	v4 =	vmpcnt.ones.xlane vm1;
	(v2sf) =	vpush v5, $0x0;
	s2 =	sadd.s32 $0x0, s19  }
0x88: {  	s12 =	sadd.s32 $0xFFFFFFC0, s12;
	v58 =	vor.u32 s6, v9;
	s6 =	rddreg [dreg:$0x11];
	s1 =	sor.u32 s10, s1;
	v61 =	vor.u32 s13, v12;
	(v2sf) =	vpush v51, $0x0;
	[tilespmem:s2+$0x8400] =	vst.msk vm2, v3  }
0x89: {  	v58 =	vand.u32 v59, v58;
	v59 =	vor.u32 s8, v16;
	s8 =	rddreg [dreg:$0x7];
	s31 =	sadd.s32 $0x3E, s3;
	s22 =	spop (v2sf);
	(v2sf) =	vpush v4, $0x0;
	[tilespmem:s11+$0x0] =	vst v46  }
0x8a: {  	s3 =	sshra.s32 s15, $0x1F;
	s8 =	sadd.s32 $0x3E, s8;
	v62 =	vadd.s32 $0x1, v47;
	v47 =	vor.u32 s16, v39;
	v5 =	vadd.s32 $0x1, v49;
	s17 =	sadd.s32 s2, s22;
	[tilespmem:s7+$0x0] =	vst v8  }
0x8b: {  	s0 =	sadd.s32 $0xFFFFFFC0, s31;
	s8 =	sadd.s32 $0xFFFFFFC0, s8;
	v49 =	vand.u32 v61, v58;
	v61 =	vadd.s32 $0x1, v52;
	v52 =	vor.u32 s16, v40;
	s19 =	sadd.s32 $0x2, s9;
	[tilespmem:s17+$0x8400] =	vst.msk vm0, v60  }
0x8c: {  	v58 =	vand.u32 v57, v56;
	v49 =	vand.u32 v59, v49;
	s8 =	sor.u32 s8, s19;
	s22 =	rddreg [dreg:$0x4];
	v46 =	vor.u32 s25, v0;
	s25 =	spop (v2sf);
	[tilespmem:s11+$0x10] =	vst v5  }
0x8d: {  	v59 =	vadd.s32 $0x1, v48;
	v48 =	vand.u32 v53, v2;
	v2 =	vor.u32 s3, v32;
	s2 =	sadd.s32 $0x2, s21;
	s21 =	sadd.s32 $0x2, s22;
	s31 =	sadd.s32 s17, s25;
	[tilespmem:s7+$0x10] =	vst v8  }
0x8e: {  	s13 =	rddreg [dreg:$0xb];
	v51 =	vor.u32 s3, v33;
	vm4 =	vlt.u32 v48, $0x7FFFFFFF;
	vm2 =	vlt.u32 v45, $0x7FFFFFFF;
	s8 =	sshra.s32 s8, $0x1F;
	s22 =	sor.u32 s12, s21;
	[tilespmem:s31+$0x8400] =	vst.msk vm3, v55  }
0x8f: {  	s6 =	sadd.s32 $0x3E, s6;
	s10 =	sshra.s32 s1, $0x1F;
	v63 =	vor.u32 s8, v18;
	vm0 =	vlt.u32 v44, $0x7FFFFFFF;
	s7 =	sshra.s32 s22, $0x1F;
	vm3 =	vlt.u32 v58, $0x7FFFFFFF;
	[tilespmem:s4+$0xFFFFFFE0] =	vst v54  }
0x90: {  	s13 =	sadd.s32 $0x3E, s13;
	s6 =	sadd.s32 $0xFFFFFFC0, s6;
	s9 =	rddreg [dreg:$0xa];
	v53 =	vor.u32 s7, v14;
	v54 =	vor.u32 s7, v13;
	v4 =	vmpcnt.ones.xlane vm3;
	[tilespmem:s14+$0xFFFFFFE0] =	vst v8  }
0x91: {  	s5 =	sor.u32 s6, s5;
	s20 =	sadd.s32 $0xFFFFFFC0, s13;
	s12 =	sadd.s32 $0x2, s9;
	v5 =	vor.u32 s7, v15;
	v54 =	vand.u32 v63, v54;
	v63 =	vor.u32 s8, v19;
	[tilespmem:s23+$0x9480] =	vst.msk vm5, v50  }
0x92: {  	s19 =	sshra.s32 s5, $0x1F;
	s1 =	sor.u32 s20, s12;
	(v2sf) =	vpush v4, $0x0;
	v4 =	vor.u32 s8, v20;
	s17 =	spop (v2sf);
	v56 =	vand.u32 v63, v53;
	[tilespmem:s4+$0xFFFFFFF0] =	vst v62  }
0x93: {  	s2 =	sor.u32 s0, s2;
	s11 =	sshra.s32 s1, $0x1F;
	v50 =	vor.u32 s19, v38;
	v63 =	vor.u32 s10, v25;
	s21 =	sadd.s32 $0x0, s17;
	v57 =	vand.u32 v4, v5;
	[tilespmem:s14+$0xFFFFFFF0] =	vst v8  }
0x94: {  	s24 =	simm.s32 $0x94E0;
	s18 =	simm.s32 $0x3D;
	s12 =	sshra.s32 s2, $0x1F;
	v62 =	vmpcnt.ones.xlane vm2;
	v5 =	vor.u32 s10, v21;
	v4 =	vor.u32 s11, v29;
	[tilespmem:s21+$0x9480] =	vst.msk vm6, v3  }
0x95: {  	s26 =	simm.s32 $0x8460;
	s15 =	simm.s32 $0x70;
	s22 =	spop (v2sf);
	v53 =	vand.u32 v5, v54;
	v5 =	vor.u32 s12, v34;
	v54 =	vand.u32 v63, v57;
	[tilespmem:s4+$0x0] =	vst v59  }
0x96: {  	s13 =	simm.s32 $0x2;
	s1 =	sadd.s32 s21, s22;
	s23 =	spop (v2sf);
	v3 =	vor.u32 s10, v22;
	(v2sf) =	vpush v62, $0x0;
	v62 =	vor.u32 s19, v36;
	[tilespmem:s14+$0x0] =	vst v8  }
0x97: {  	s6 =	simm.s32 $0x84A0;
	s5 =	simm.s32 $0x4A0;
	v2 =	vand.u32 v5, v2;
	v5 =	vor.u32 s11, v30;
	v3 =	vand.u32 v3, v56;
	s25 =	spop (v2sf);
	[tilespmem:s1+$0x9480] =	vst.msk vm7, v60  }
0x98: {  	s21 =	sadd.s32 s31, s23;
	v59 =	vor.u32 s19, v37;
	v57 =	vand.u32 v5, v54;
	v56 =	vor.u32 s11, v28;
	s1 =	sadd.s32 s1, s25;
	s31 =	spop (v2sf);
	[tilespmem:s4+$0x10] =	vst v61  }
0x99: {  	s20 =	simm.s32 $0x14A0;
	v54 =	vand.u32 v62, v2;
	v60 =	vand.u32 v4, v3;
	s4 =	simm.s32 $0x9520;
	v61 =	vmpcnt.ones.xlane vm0;
	s9 =	sadd.s32 s1, s31;
	[tilespmem:s14+$0x10] =	vst v8  }
.LBB2_2:
0x9a: {  	[smem:$0x7E9] =	sst s9  }
0x9b: {  	[smem:$0x7E8] =	sst s20  }
0x9c: {  	s2 =	rddreg [dreg:$0x5]  }
0x9d: {  	s17 =	smov.u32 s24;
	s24 =	rddreg [dreg:$0x13]  }
0x9e: {  	s25 =	rddreg [dreg:$0x12]  }
0x9f: {  	s22 =	rddreg [dreg:$0xc]  }
0xa0: {  	s14 =	rddreg [dreg:$0x10]  }
0xa1: {  	v3 =	vor.u32 s3, v24;
	s13 =	sadd.s32 $0x1, s13;
	v63 =	vadd.s32 $0x1, v58;
	v58 =	vor.u32 s3, v11;
	s3 =	rddreg [dreg:$0xe]  }
0xa2: {  	v62 =	vor.u32 s12, v26;
	[tilespmem:s1+$0x9480] =	vst.msk vm1, v55;
	v55 =	vor.u32 s19, v31;
	s19 =	sadd.s32 s13, s3;
	s3 =	rddreg [dreg:$0xb];
	s0 =	sadd.s32 $0xFFFFFFFF, s18  }
0xa3: {  	s30 =	sadd.s32 $0x40, s30;
	vm5 =	vmmov vm4;
	(v2sf) =	vpush v61, $0x0;
	v3 =	vand.u32 v62, v3;
	[tilespmem:s29+$0xFFFFFFE0] =	vst v63;
	[smem:$0x7EA] =	sst s0  }
0xa4: {  	s9 =	smov.u32 s4;
	v62 =	vor.u32 s16, v35;
	v61 =	vmpcnt.ones.xlane vm5;
	s20 =	smov.u32 s18;
	v3 =	vand.u32 v59, v3;
	[tilespmem:s26+$0xFFFFFFE0] =	vst v8;
	s0 =	rddreg [dreg:$0xf]  }
0xa5: {  	s23 =	sadd.s32 $0xFFFFFFF0, s15;
	v63 =	vadd.s32 $0x1, v45;
	s2 =	sadd.s32 s20, s2;
	v3 =	vand.u32 v62, v3;
	v62 =	vor.u32 s16, v23;
	[tilespmem:s21+$0x8400] =	vst.msk vm3, v46;
	s16 =	rddreg [dreg:$0x11]  }
0xa6: {  	s1 =	sadd.s32 s20, s24;
	s2 =	sadd.s32 $0xFFFFFFC0, s2;
	[tilespmem:s29+$0xFFFFFFF0] =	vst v63;
	v63 =	vor.u32 s8, v10;
	s8 =	rddreg [dreg:$0x4]  }
0xa7: {  	s24 =	sadd.s32 s13, s25;
	(v2sf) =	vpush v61, $0x0;
	s25 =	sadd.s32 $0xFFFFFFC0, s1;
	[smem:$0x7E7] =	sst s2  }
0xa8: {  	v2 =	vor.u32 s12, v27;
	s31 =	sadd.s32 $0xFFFFFFE0, s15;
	v59 =	vor.u32 s12, v17;
	s12 =	sor.u32 s25, s24;
	s25 =	rddreg [dreg:$0xd]  }
0xa9: {  	vm6 =	vlt.u32 v41, $0x7FFFFFFF;
	v2 =	vand.u32 v2, v51;
	p0 =	sne.s32 s18, $0x1;
	v51 =	vand.u32 v59, v58;
	s0 =	sadd.s32 s20, s0;
	s24 =	rddreg [dreg:$0x8]  }
0xaa: {  	vm8 =	vlt.u32 v49, $0x7FFFFFFF;
	v45 =	vmovc v60;
	v60 =	vor.u32 s23, v0;
	s18 =	smov.u32 s28;
	v50 =	vand.u32 v50, v51;
	s23 =	sadd.s32 $0xFFFFFFC0, s0;
	s0 =	rddreg [dreg:$0xa]  }
0xab: {  	v5 =	vadd.s32 $0x1, v44;
	s1 =	sadd.s32 s13, s22;
	s22 =	sadd.s32 $0xFFFFFFD0, s30;
	v50 =	vand.u32 v62, v50;
	v62 =	vor.u32 s7, v9;
	s7 =	rddreg [dreg:$0x7]  }
0xac: {  	v44 =	vmovc v57;
	v57 =	vadd.s32 $0x1, v49;
	vm7 =	vlt.u32 v42, $0x7FFFFFFF;
	v4 =	vmpcnt.ones.xlane vm6;
	s8 =	sadd.s32 s13, s8;
	s28 =	sshra.s32 s12, $0x1F;
	s25 =	sadd.s32 s20, s25  }
0xad: {  	vm1 =	vlt.u32 v43, $0x7FFFFFFF;
	v2 =	vand.u32 v55, v2;
	v51 =	vmpcnt.ones.xlane vm8;
	s12 =	sadd.s32 s13, s14;
	s2 =	sadd.s32 s13, s24;
	s24 =	sadd.s32 $0xFFFFFFC0, s25  }
0xae: {  	v61 =	vor.u32 s31, v0;
	v59 =	vmpcnt.ones.xlane vm7;
	s1 =	sor.u32 s24, s1;
	s24 =	smov.u32 s9;
	s14 =	spop (v2sf);
	(v2sf) =	vpush v4, $0x0  }
0xaf: {  	v58 =	vand.u32 v56, v53;
	[tilespmem:s26+$0xFFFFFFF0] =	vst v8;
	v4 =	vmpcnt.ones.xlane vm1;
	s31 =	sadd.s32 s21, s14;
	s14 =	smov.u32 s4;
	s4 =	smov.u32 s26;
	(v2sf) =	vpush v51, $0x0  }
0xb0: {  	v2 =	vand.u32 v52, v2;
	vm3 =	vlt.u32 v58, $0x7FFFFFFF;
	s26 =	rddreg [dreg:$0x6];
	s25 =	spop (v2sf);
	s21 =	sadd.s32 s20, s3;
	[tilespmem:s31+$0x8400] =	vst.msk vm2, v61;
	(v2sf) =	vpush v59, $0x0  }
0xb1: {  	v51 =	vand.u32 v63, v62;
	v62 =	vor.u32 s11, v16;
	s11 =	rddreg [dreg:$0x9];
	s3 =	sshra.s32 s1, $0x1F;
	s25 =	sadd.s32 s31, s25;
	[tilespmem:s29+$0x0] =	vst v5;
	(v2sf) =	vpush v4, $0x0  }
0xb2: {  	v56 =	vmpcnt.ones.xlane vm3;
	s26 =	sadd.s32 s13, s26;
	s31 =	sadd.s32 s20, s16;
	v59 =	vor.u32 s22, v0;
	s22 =	sadd.s32 s20, s7;
	v5 =	vor.u32 s10, v12;
	[tilespmem:s4+$0x0] =	vst v8  }
0xb3: {  	v52 =	vor.u32 s28, v40;
	v63 =	vadd.s32 $0x1, v41;
	s11 =	sadd.s32 s20, s11;
	s20 =	sld [smem:$0x7E8];
	s10 =	sadd.s32 s13, s0;
	v55 =	vand.u32 v5, v51;
	[tilespmem:s25+$0x8400] =	vst.msk vm0, v60  }
0xb4: {  	v41 =	vmovc v2;
	v2 =	vor.u32 s3, v32;
	s0 =	spop (v2sf);
	s31 =	sadd.s32 $0xFFFFFFC0, s31;
	v49 =	vand.u32 v62, v55;
	v55 =	vor.u32 s15, v0;
	s15 =	sld [smem:$0x7E7];
	[tilespmem:s29+$0x10] =	vst v57  }
0xb5: {  	vm2 =	vlt.u32 v45, $0x7FFFFFFF;
	v51 =	vor.u32 s3, v33;
	s1 =	sadd.s32 s25, s0;
	v62 =	vadd.s32 $0x1, v43;
	s25 =	sor.u32 s31, s12;
	[tilespmem:s4+$0x10] =	vst v8;
	s4 =	sadd.s32 $0xFFFFFFC0, s22  }
0xb6: {  	vm0 =	vlt.u32 v44, $0x7FFFFFFF;
	s31 =	spop (v2sf);
	v57 =	vadd.s32 $0x1, v42;
	v42 =	vmovc v3;
	v3 =	vadd.s32 $0x1, v48;
	s9 =	sor.u32 s4, s26;
	[tilespmem:s1+$0x8400] =	vst.msk vm8, v55;
	s26 =	sld [smem:$0x7E9]  }
0xb7: {  	(v2sf) =	vpush v56, $0x0;
	v48 =	vand.u32 v47, v54;
	v47 =	vor.u32 s28, v39;
	s22 =	sor.u32 s23, s19;
	s19 =	sshra.s32 s25, $0x1F;
	s8 =	sor.u32 s15, s8;
	[tilespmem:s18+$0xFFFFFFE0] =	vst v3  }
0xb8: {  	v43 =	vmovc v50;
	vm4 =	vlt.u32 v48, $0x7FFFFFFF;
	s23 =	sadd.s32 $0xFFFFFFC0, s11;
	s12 =	sshra.s32 s22, $0x1F;
	v50 =	vor.u32 s19, v38;
	v6 =	vor.u32 s19, v36;
	s7 =	sshra.s32 s8, $0x1F;
	[tilespmem:s17+$0xFFFFFFE0] =	vst v8  }
0xb9: {  	s0 =	sor.u32 s23, s2;
	s4 =	sadd.s32 $0xFFFFFFC0, s21;
	s8 =	sshra.s32 s9, $0x1F;
	v1 =	vor.u32 s12, v34;
	v53 =	vor.u32 s7, v14;
	v3 =	vor.u32 s7, v13;
	[tilespmem:s26+$0x9480] =	vst.msk vm5, v46  }
0xba: {  	s21 =	sor.u32 s4, s10;
	s10 =	sshra.s32 s0, $0x1F;
	v54 =	vor.u32 s8, v18;
	v4 =	vor.u32 s7, v15;
	v5 =	vor.u32 s8, v20;
	[tilespmem:s18+$0xFFFFFFF0] =	vst v63  }
0xbb: {  	s16 =	smov.u32 s28;
	s29 =	smov.u32 s5;
	v7 =	vor.u32 s10, v25;
	v1 =	vand.u32 v1, v2;
	v46 =	vmovc v59;
	v59 =	vor.u32 s19, v37;
	s2 =	sadd.s32 s26, s31;
	[tilespmem:s17+$0xFFFFFFF0] =	vst v8  }
0xbc: {  	s28 =	smov.u32 s20;
	s5 =	sadd.s32 $0x40, s5;
	s11 =	sshra.s32 s21, $0x1F;
	v3 =	vand.u32 v54, v3;
	v4 =	vand.u32 v5, v4;
	v5 =	vmpcnt.ones.xlane vm2;
	[tilespmem:s2+$0x9480] =	vst.msk vm6, v61  }
.Ltmp0:
0xbd: {  	s20 =	sadd.s32 $0x40, s20;
	v56 =	vor.u32 s11, v28;
	v63 =	vor.u32 s8, v19;
	v4 =	vand.u32 v7, v4;
	s22 =	spop (v2sf);
	[tilespmem:s18+$0x0] =	vst v57;
	(pc) =	sbr.rel @p0 .LBB2_2-.Ltmp0, $4  }
0xbe: {  	s15 =	smov.u32 s30;
	v54 =	vand.u32 v63, v53;
	v53 =	vor.u32 s10, v21;
	v63 =	vor.u32 s10, v22;
	s0 =	sadd.s32 s2, s22;
	s23 =	spop (v2sf);
	[tilespmem:s17+$0x0] =	vst v8  }
0xbf: {  	s4 =	sadd.s32 $0x40, s14;
	s26 =	smov.u32 s6;
	v61 =	vmpcnt.ones.xlane vm0;
	v53 =	vand.u32 v53, v3;
	v3 =	vor.u32 s11, v30;
	[tilespmem:s0+$0x9480] =	vst.msk vm7, v60;
	s25 =	spop (v2sf)  }
0xc0: {  	v63 =	vand.u32 v63, v54;
	v54 =	vand.u32 v6, v1;
	v57 =	vor.u32 s11, v29;
	s21 =	sadd.s32 s1, s23;
	s1 =	sadd.s32 s0, s25;
	[tilespmem:s18+$0x10] =	vst v62;
	s31 =	spop (v2sf)  }
0xc1: {  	s6 =	sadd.s32 $0x40, s6;
	(v2sf) =	vpush v5, $0x0;
	v60 =	vand.u32 v57, v63;
	v57 =	vand.u32 v3, v4;
	s18 =	sld [smem:$0x7EA];
	[tilespmem:s17+$0x10] =	vst v8;
	s9 =	sadd.s32 s1, s31  }
0xc2: {  	_ =	sdelay $0x1  }
0xc3: {  	(v2sf) =	vpush v61, $0x0;
	_ =	sdelay $0x2  }
0xc4: {  	vm6 =	vmmov vm4  }
0xc5: {  	v1 =	vmpcnt.ones.xlane vm6  }
0xc6: {  	[tilespmem:s1+$0x9480] =	vst.msk vm1, v55;
	v2 =	vadd.s32 $0x1, v58  }
0xc7: {  	vm4 =	vlt.u32 v41, $0x7FFFFFFF;
	[tilespmem:s29+$0xFFFFFFE0] =	vst v2;
	(v2sf) =	vpush v1, $0x0  }
0xc8: {  	[tilespmem:s26+$0xFFFFFFE0] =	vst v8;
	v1 =	vmpcnt.ones.xlane vm4  }
0xc9: {  	vm1 =	vlt.u32 v49, $0x7FFFFFFF;
	v2 =	vadd.s32 $0x1, v45;
	[tilespmem:s21+$0x8400] =	vst.msk vm3, v46  }
0xca: {  	s0 =	sadd.s32 $0xFFFFFFE0, s15;
	v3 =	vmpcnt.ones.xlane vm1;
	vm3 =	vlt.u32 v42, $0x7FFFFFFF;
	s25 =	spop (v2sf);
	[tilespmem:s29+$0xFFFFFFF0] =	vst v2;
	(v2sf) =	vpush v1, $0x0  }
0xcb: {  	v2 =	vmpcnt.ones.xlane vm3;
	v1 =	vor.u32 s0, v0;
	s31 =	sadd.s32 s21, s25;
	[tilespmem:s26+$0xFFFFFFF0] =	vst v8  }
0xcc: {  	v4 =	vadd.s32 $0x1, v44;
	[tilespmem:s31+$0x8400] =	vst.msk vm2, v1;
	(v2sf) =	vpush v3, $0x0  }
0xcd: {  	s13 =	sadd.s32 $0xFFFFFFF0, s15;
	[tilespmem:s29+$0x0] =	vst v4;
	(v2sf) =	vpush v2, $0x0;
	s2 =	spop (v2sf)  }
0xce: {  	v2 =	vor.u32 s13, v0;
	[tilespmem:s26+$0x0] =	vst v8;
	s0 =	sadd.s32 s31, s2  }
0xcf: {  	vm5 =	vlt.u32 v43, $0x7FFFFFFF;
	v38 =	vand.u32 v56, v53;
	v3 =	vadd.s32 $0x1, v49;
	[tilespmem:s0+$0x8400] =	vst.msk vm0, v2  }
0xd0: {  	v5 =	vmpcnt.ones.xlane vm5;
	vm2 =	vlt.u32 v38, $0x7FFFFFFF;
	s14 =	spop (v2sf);
	[tilespmem:s29+$0x10] =	vst v3  }
0xd1: {  	v6 =	vmpcnt.ones.xlane vm2;
	s0 =	sadd.s32 s0, s14;
	v3 =	vor.u32 s15, v0;
	[tilespmem:s26+$0x10] =	vst v8  }
0xd2: {  	v39 =	vadd.s32 $0x1, v48;
	(v2sf) =	vpush v5, $0x0;
	[tilespmem:s0+$0x8400] =	vst.msk vm1, v3  }
0xd3: {  	(v2sf) =	vpush v6, $0x0;
	vm1 =	vlt.u32 v60, $0x7FFFFFFF;
	[tilespmem:s28+$0xFFFFFFE0] =	vst v39  }
0xd4: {  	v40 =	vmpcnt.ones.xlane vm1;
	[tilespmem:s24+$0xFFFFFFE0] =	vst v8  }
0xd5: {  	v6 =	vadd.s32 $0x1, v41;
	[tilespmem:s9+$0x9480] =	vst.msk vm6, v46  }
0xd6: {  	v41 =	vor.u32 s12, v27;
	vm0 =	vlt.u32 v57, $0x7FFFFFFF;
	s17 =	spop (v2sf);
	(v2sf) =	vpush v40, $0x0;
	[tilespmem:s28+$0xFFFFFFF0] =	vst v6  }
0xd7: {  	v13 =	vor.u32 s19, v31;
	v5 =	vand.u32 v41, v51;
	v7 =	vmpcnt.ones.xlane vm0;
	s1 =	sadd.s32 s9, s17;
	[tilespmem:s24+$0xFFFFFFF0] =	vst v8  }
0xd8: {  	v14 =	vadd.s32 $0x1, v42;
	v5 =	vand.u32 v13, v5;
	[tilespmem:s1+$0x9480] =	vst.msk vm4, v1  }
0xd9: {  	v13 =	vadd.s32 $0x1, v43;
	v43 =	vor.u32 s11, v16;
	s18 =	spop (v2sf);
	(v2sf) =	vpush v7, $0x0;
	[tilespmem:s28+$0x0] =	vst v14  }
0xda: {  	v6 =	vor.u32 s3, v24;
	v7 =	vand.u32 v47, v54;
	v1 =	vor.u32 s12, v26;
	s1 =	sadd.s32 s1, s18;
	[tilespmem:s24+$0x0] =	vst v8  }
0xdb: {  	v5 =	vand.u32 v52, v5;
	s19 =	spop (v2sf);
	vm4 =	vlt.u32 v7, $0x7FFFFFFF;
	v1 =	vand.u32 v1, v6;
	[tilespmem:s1+$0x9480] =	vst.msk vm3, v2  }
0xdc: {  	s21 =	spop (v2sf);
	v6 =	vor.u32 s16, v35;
	v1 =	vand.u32 v59, v1;
	vm3 =	vmmov vm4;
	[tilespmem:s28+$0x10] =	vst v13  }
0xdd: {  	v2 =	vor.u32 s7, v9;
	v9 =	vor.u32 s8, v10;
	s1 =	sadd.s32 s1, s21;
	v10 =	vmpcnt.ones.xlane vm3;
	[tilespmem:s24+$0x10] =	vst v8  }
0xde: {  	s22 =	sadd.s32 $0x40, s30;
	v2 =	vand.u32 v9, v2;
	v9 =	vor.u32 s10, v12;
	[tilespmem:s1+$0x9480] =	vst.msk vm5, v3;
	v3 =	vadd.s32 $0x1, v38  }
0xdf: {  	s23 =	sadd.s32 $0xFFFFFFD0, s22;
	vm4 =	vlt.u32 v5, $0x7FFFFFFF;
	v2 =	vand.u32 v9, v2;
	(v2sf) =	vpush v10, $0x0;
	[tilespmem:s5+$0xFFFFFFE0] =	vst v3  }
0xe0: {  	s0 =	sadd.s32 s0, s19;
	v44 =	vmpcnt.ones.xlane vm4;
	v2 =	vand.u32 v43, v2;
	v3 =	vor.u32 s23, v0;
	[tilespmem:s6+$0xFFFFFFE0] =	vst v8  }
0xe1: {  	v1 =	vand.u32 v6, v1;
	v6 =	vadd.s32 $0x1, v60;
	s24 =	spop (v2sf);
	vm5 =	vlt.u32 v2, $0x7FFFFFFF;
	[tilespmem:s0+$0x8400] =	vst.msk vm2, v3  }
0xe2: {  	s25 =	sadd.s32 $0xFFFFFFE0, s22;
	s26 =	spop (v2sf);
	(v2sf) =	vpush v44, $0x0;
	v9 =	vmpcnt.ones.xlane vm5;
	vm2 =	vlt.u32 v1, $0x7FFFFFFF;
	[tilespmem:s5+$0xFFFFFFF0] =	vst v6  }
0xe3: {  	v45 =	vor.u32 s25, v0;
	s0 =	sadd.s32 s0, s26;
	v6 =	vmpcnt.ones.xlane vm2;
	[tilespmem:s6+$0xFFFFFFF0] =	vst v8  }
0xe4: {  	v10 =	vadd.s32 $0x1, v57;
	(v2sf) =	vpush v9, $0x0;
	[tilespmem:s0+$0x8400] =	vst.msk vm1, v45  }
0xe5: {  	s30 =	sadd.s32 $0xFFFFFFF0, s22;
	s31 =	spop (v2sf);
	(v2sf) =	vpush v6, $0x0;
	[tilespmem:s5+$0x0] =	vst v10  }
0xe6: {  	v6 =	vor.u32 s30, v0;
	s0 =	sadd.s32 s0, s31;
	[tilespmem:s6+$0x0] =	vst v8  }
0xe7: {  	v2 =	vadd.s32 $0x1, v2;
	[tilespmem:s0+$0x8400] =	vst.msk vm0, v6  }
0xe8: {  	s9 =	spop (v2sf);
	[tilespmem:s5+$0x10] =	vst v2  }
0xe9: {  	s0 =	sadd.s32 s0, s9;
	v2 =	vor.u32 s22, v0;
	[tilespmem:s6+$0x10] =	vst v8  }
0xea: {  	v7 =	vadd.s32 $0x1, v7;
	[tilespmem:s0+$0x8400] =	vst.msk vm5, v2  }
0xeb: {  	[tilespmem:s20+$0xFFFFFFE0] =	vst v7  }
0xec: {  	s10 =	sadd.s32 s1, s24;
	[tilespmem:s4+$0xFFFFFFE0] =	vst v8  }
0xed: {  	v5 =	vadd.s32 $0x1, v5;
	[tilespmem:s10+$0x9480] =	vst.msk vm3, v3  }
0xee: {  	s11 =	spop (v2sf);
	[tilespmem:s20+$0xFFFFFFF0] =	vst v5  }
0xef: {  	v46 =	vor.u32 s12, v17;
	v3 =	vor.u32 s3, v11;
	s0 =	sadd.s32 s10, s11;
	[tilespmem:s4+$0xFFFFFFF0] =	vst v8  }
0xf0: {  	v1 =	vadd.s32 $0x1, v1;
	v3 =	vand.u32 v46, v3;
	[tilespmem:s0+$0x9480] =	vst.msk vm4, v45  }
0xf1: {  	v47 =	vor.u32 s16, v23;
	s12 =	spop (v2sf);
	v3 =	vand.u32 v50, v3;
	[tilespmem:s20+$0x0] =	vst v1  }
0xf2: {  	s0 =	sadd.s32 s0, s12;
	v1 =	vand.u32 v47, v3;
	[tilespmem:s4+$0x0] =	vst v8  }
0xf3: {  	s13 =	spop (v2sf);
	v3 =	vadd.s32 $0x1, v1;
	[tilespmem:s0+$0x9480] =	vst.msk vm2, v6  }
0xf4: {  	s14 =	sld [smem:$0x7ED];
	s1 =	spop (v2sf);
	[tilespmem:s20+$0x10] =	vst v3  }
0xf5: {  	vm0 =	vlt.u32 v1, $0x7FFFFFFF;
	s0 =	sadd.s32 s0, s1;
	[tilespmem:s4+$0x10] =	vst v8  }
0xf6: {  	s15 =	simm.s32 $0x80;
	s17 =	sld [smem:$0x7EE];
	s16 =	simm.s32 $0x400;
	[tilespmem:s0+$0x9480] =	vst.msk vm0, v2  }
0xf7: {  	[hbm4b:s14+s15] =	stream.strided.scatter [tilespmem:s16], [sflag:$0x1], $0x1000, s16, s15, $0x38;
	[tilespmem:$0x10800] =	vst v63  }
0xf8: {  	s19 =	sld [smem:$0x7EF];
	s18 =	simm.s32 $0x8400  }
0xf9: {  	[hbm4b:s17+s15] =	stream.strided.scatter [tilespmem:s18], [sflag:$0x2], $0x1000, s16, s15, $0x38;
	[tilespmem:$0x10800] =	vst v63  }
0xfa: {  	s21 =	sld [smem:$0x7F0];
	s20 =	simm.s32 $0x1400  }
0xfb: {  	[hbm4b:s19+s15] =	stream.strided.scatter [tilespmem:s20], [sflag:$0x1], $0x1000, s16, s15, $0x38;
	[tilespmem:$0x10800] =	vst v63  }
0xfc: {  	s22 =	simm.s32 $0x9480  }
0xfd: {  	[hbm4b:s21+s15] =	stream.strided.scatter [tilespmem:s22], [sflag:$0x2], $0x1000, s16, s15, $0x38;
	[tilespmem:$0x10800] =	vst v63  }
0xfe: {  	v1 =	vld [tilespmem:$0x100];
	_ =	sdelay $0x1  }
0xff: {  	v2 =	vmpcnt.ones.xlane vm0  }
0x100: {  	v42 =	vld [tilespmem:$0x1FFB0]  }
0x101: {  	v41 =	vld [tilespmem:$0x1FFA0];
	(v2sf) =	vpush v2, $0x0  }
0x102: {  	v23 =	vld [tilespmem:$0x180];
	(v2sf) =	vpush v1, $0x4  }
0x103: {  	v40 =	vld [tilespmem:$0x1FF90];
	(v2sf) =	vpush v1, $0x5  }
0x104: {  	v35 =	vld [tilespmem:$0x1FFE0]  }
0x105: {  	v43 =	vld [tilespmem:$0x1FFC0];
	(v2sf) =	vpush v1, $0x6  }
0x106: {  	v44 =	vld [tilespmem:$0x1FFD0];
	(v2sf) =	vpush v1, $0x7  }
0x107: {  	v45 =	vld [tilespmem:$0x1FFF0];
	v2 =	vbroadcast v1, $0x8;
	v3 =	vbroadcast v1, $0xC;
	(v2sf) =	vpush v23, $0x4  }
0x108: {  	v7 =	vbroadcast v1, $0xD  }
0x109: {  	v48 =	vsub.s32 v0, v2;
	v49 =	vadd.s32 v35, v3;
	(v2sf) =	vpush v23, $0x5  }
0x10a: {  	v50 =	vsub.s32 v40, v2;
	v52 =	vsub.s32 v42, v2;
	v6 =	vadd.s32 v43, v3  }
0x10b: {  	v51 =	vadd.s32 v41, v3;
	v5 =	vor.u32 v6, v52;
	v6 =	vbroadcast v1, $0x9  }
0x10c: {  	v2 =	vsub.s32 v44, v2;
	v3 =	vadd.s32 v45, v3;
	(v2sf) =	vpush v23, $0x6  }
0x10d: {  	v54 =	vadd.s32 v35, v7;
	v2 =	vor.u32 v3, v2;
	v53 =	vsub.s32 v0, v6  }
0x10e: {  	v9 =	vshra.s32 v2, $0x1F;
	v3 =	vor.u32 v54, v53;
	(v2sf) =	vpush v23, $0x7  }
0x10f: {  	v2 =	vsub.s32 v40, v6;
	v18 =	vshra.s32 v3, $0x1F;
	v3 =	vadd.s32 v41, v7  }
0x110: {  	s23 =	spop (v2sf);
	v2 =	vor.u32 v3, v2;
	v3 =	vsub.s32 $0x0, v23  }
0x111: {  	v57 =	vbroadcast v1, $0xE;
	(v2sf) =	vpush v3, $0x3;
	s0 =	spop (v2sf)  }
0x112: {  	v60 =	vbroadcast v1, $0xB;
	v63 =	vbroadcast v23, $0xC;
	(v2sf) =	vpush v3, $0x2;
	s24 =	spop (v2sf);
	[dreg:$0x15] =	wrdreg s0  }
0x113: {  	v37 =	vbroadcast v23, $0xD;
	v46 =	vbroadcast v23, $0xE;
	v56 =	vadd.s32 v43, v7;
	[dreg:$0x17] =	wrdreg s24  }
0x114: {  	v10 =	vadd.s32 v35, v57;
	v11 =	vadd.s32 v41, v57;
	(v2sf) =	vpush v3, $0x1;
	s25 =	spop (v2sf);
	s12 =	rddreg [dreg:$0x15]  }
0x115: {  	v59 =	vadd.s32 v43, v57;
	v62 =	vsub.s32 v40, v60;
	v34 =	vadd.s32 v35, v63;
	s26 =	spop (v2sf);
	[dreg:$0x19] =	wrdreg s25  }
0x116: {  	v38 =	vadd.s32 v35, v37;
	v55 =	vsub.s32 v42, v6;
	(v2sf) =	vpush v3, $0x0;
	s30 =	spop (v2sf);
	[dreg:$0x1b] =	wrdreg s26  }
0x117: {  	v19 =	vshra.s32 v2, $0x1F;
	v2 =	vor.u32 v56, v55;
	v3 =	vsub.s32 $0x0, v1;
	[dreg:$0x1d] =	wrdreg s30  }
0x118: {  	v20 =	vshra.s32 v2, $0x1F;
	v2 =	vbroadcast v1, $0xA;
	(v2sf) =	vpush v3, $0x0;
	s31 =	spop (v2sf);
	s22 =	rddreg [dreg:$0x1b]  }
0x119: {  	v15 =	vshra.s32 v5, $0x1F;
	v58 =	vsub.s32 v44, v6;
	v6 =	vadd.s32 v45, v7;
	[dreg:$0x1f] =	wrdreg s31  }
0x11a: {  	v5 =	vor.u32 v6, v58;
	v7 =	vsub.s32 v0, v2;
	(v2sf) =	vpush v3, $0x1;
	s19 =	rddreg [dreg:$0x1d]  }
0x11b: {  	v6 =	vor.u32 v10, v7;
	v7 =	vsub.s32 v40, v2;
	(v2sf) =	vpush v3, $0x2;
	s2 =	spop (v2sf);
	s31 =	rddreg [dreg:$0x17]  }
0x11c: {  	v47 =	vadd.s32 v35, v46;
	(v2sf) =	vpush v3, $0x3;
	v3 =	vor.u32 v11, v7;
	[smem:$0x7E6] =	sst s2  }
0x11d: {  	v4 =	vor.u32 v49, v48;
	v22 =	vshra.s32 v3, $0x1F;
	v3 =	vsub.s32 v42, v2;
	s3 =	spop (v2sf);
	s18 =	rddreg [dreg:$0x1f]  }
0x11e: {  	v13 =	vshra.s32 v4, $0x1F;
	v1 =	vbroadcast v1, $0xF;
	v3 =	vor.u32 v59, v3;
	[smem:$0x7E3] =	sst s3  }
0x11f: {  	v2 =	vsub.s32 v44, v2;
	v25 =	vshra.s32 v3, $0x1F;
	v3 =	vadd.s32 v45, v57;
	s21 =	sld [smem:$0x7E6]  }
0x120: {  	v61 =	vadd.s32 v35, v1;
	v2 =	vor.u32 v3, v2;
	v3 =	vsub.s32 v0, v60;
	s4 =	spop (v2sf);
	s13 =	sld [smem:$0x7E3]  }
0x121: {  	v21 =	vshra.s32 v6, $0x1F;
	v6 =	vadd.s32 v41, v1;
	v3 =	vor.u32 v61, v3;
	s5 =	spop (v2sf);
	[smem:$0x7E4] =	sst s4  }
0x122: {  	v12 =	vshra.s32 v2, $0x1F;
	v2 =	vor.u32 v6, v62;
	v28 =	vshra.s32 v3, $0x1F;
	[smem:$0x7E5] =	sst s5  }
0x123: {  	v29 =	vshra.s32 v2, $0x1F;
	v2 =	vsub.s32 v42, v60;
	v3 =	vadd.s32 v43, v1;
	s6 =	spop (v2sf);
	s14 =	sld [smem:$0x7E4]  }
0x124: {  	v4 =	vor.u32 v51, v50;
	v2 =	vor.u32 v3, v2;
	v3 =	vbroadcast v23, $0x8;
	[dreg:$0x1e] =	wrdreg s6  }
0x125: {  	s0 =	sadd.s32 $0x40, s12;
	v1 =	vadd.s32 v45, v1;
	v30 =	vshra.s32 v2, $0x1F;
	v2 =	vsub.s32 v44, v60;
	s7 =	spop (v2sf);
	s16 =	sld [smem:$0x7E5]  }
0x126: {  	v14 =	vshra.s32 v4, $0x1F;
	s0 =	sadd.s32 $0xFFFFFFC0, s0;
	s23 =	sadd.s32 $0x40, s18;
	v1 =	vor.u32 v1, v2;
	v2 =	vsub.s32 v0, v3;
	[dreg:$0x1c] =	wrdreg s7  }
0x127: {  	v6 =	vadd.s32 v41, v63;
	v36 =	vsub.s32 v40, v3;
	v2 =	vor.u32 v34, v2;
	s1 =	sadd.s32 $0x40, s13;
	s8 =	spop (v2sf);
	s17 =	rddreg [dreg:$0x1e]  }
0x128: {  	s26 =	sadd.s32 $0xFFFFFFC0, s23;
	v16 =	vshra.s32 v1, $0x1F;
	v1 =	vor.u32 v6, v36;
	v32 =	vshra.s32 v2, $0x1F;
	s1 =	sadd.s32 $0xFFFFFFC0, s1;
	[dreg:$0x14] =	wrdreg s8  }
0x129: {  	v33 =	vshra.s32 v1, $0x1F;
	v1 =	vsub.s32 v42, v3;
	v2 =	vadd.s32 v43, v63;
	s9 =	spop (v2sf);
	s15 =	rddreg [dreg:$0x1c];
	s2 =	sadd.s32 $0x0, s14  }
0x12a: {  	v4 =	vadd.s32 v45, v46;
	v1 =	vor.u32 v2, v1;
	v2 =	vbroadcast v23, $0x9;
	s6 =	sadd.s32 $0x0, s17;
	s8 =	sadd.s32 $0x40, s19;
	s14 =	sadd.s32 $0x40, s22  }
0x12b: {  	v24 =	vshra.s32 v1, $0x1F;
	v1 =	vsub.s32 v44, v3;
	v3 =	vadd.s32 v45, v63;
	s17 =	sadd.s32 $0x40, s21;
	[dreg:$0x16] =	wrdreg s9;
	s10 =	spop (v2sf)  }
0x12c: {  	v10 =	vshra.s32 v5, $0x1F;
	v1 =	vor.u32 v3, v1;
	v3 =	vsub.s32 v0, v2;
	s3 =	sadd.s32 $0x0, s15;
	s1 =	sor.u32 s1, s2;
	s25 =	rddreg [dreg:$0x14]  }
0x12d: {  	v6 =	vadd.s32 v41, v37;
	v39 =	vsub.s32 v40, v2;
	s30 =	sadd.s32 $0xFFFFFFC0, s8;
	s8 =	sadd.s32 $0x40, s31;
	s19 =	sadd.s32 $0xFFFFFFC0, s17;
	v3 =	vor.u32 v38, v3  }
0x12e: {  	s22 =	sor.u32 s26, s6;
	[dreg:$0x18] =	wrdreg s10;
	v11 =	vshra.s32 v1, $0x1F;
	v1 =	vor.u32 v6, v39;
	s4 =	sshra.s32 s1, $0x1F;
	v34 =	vshra.s32 v3, $0x1F  }
0x12f: {  	s24 =	rddreg [dreg:$0x16];
	s5 =	sor.u32 s30, s3;
	s18 =	sadd.s32 $0x0, s25;
	v27 =	vshra.s32 v1, $0x1F;
	v1 =	vsub.s32 v42, v2;
	v3 =	vadd.s32 v43, v37  }
0x130: {  	v6 =	vadd.s32 v41, v46;
	s25 =	sshra.s32 s22, $0x1F;
	s2 =	sshra.s32 s5, $0x1F;
	s0 =	sor.u32 s0, s18;
	v1 =	vor.u32 v3, v1;
	v3 =	vbroadcast v23, $0xA  }
0x131: {  	s1 =	sadd.s32 $0x0, s16;
	s16 =	rddreg [dreg:$0x19];
	s5 =	sshra.s32 s0, $0x1F;
	v54 =	vor.u32 s2, v32;
	v58 =	vor.u32 s25, v34;
	v26 =	vshra.s32 v1, $0x1F  }
0x132: {  	s8 =	sadd.s32 $0xFFFFFFC0, s8;
	s20 =	rddreg [dreg:$0x18];
	s15 =	sadd.s32 $0x0, s24;
	v1 =	vsub.s32 v44, v2;
	v2 =	vadd.s32 v45, v37;
	v55 =	vor.u32 s5, v14  }
0x133: {  	s21 =	sadd.s32 $0x40, s16;
	s9 =	sadd.s32 $0x0, s20;
	s20 =	sor.u32 s8, s15;
	v56 =	vor.u32 s5, v15;
	v1 =	vor.u32 v2, v1;
	v2 =	vsub.s32 v0, v3  }
0x134: {  	s11 =	spop (v2sf);
	s24 =	sadd.s32 $0xFFFFFFC0, s21;
	s6 =	sshra.s32 s20, $0x1F;
	v48 =	vsub.s32 v40, v3;
	v49 =	vsub.s32 v42, v3;
	v3 =	vsub.s32 v44, v3  }
0x135: {  	[dreg:$0x1a] =	wrdreg s11;
	s23 =	sor.u32 s19, s1;
	s1 =	sor.u32 s24, s9;
	v57 =	vor.u32 s6, v20;
	v2 =	vor.u32 v47, v2;
	v17 =	vshra.s32 v1, $0x1F  }
0x136: {  	s13 =	rddreg [dreg:$0x1a];
	s31 =	sshra.s32 s1, $0x1F;
	v1 =	vor.u32 v6, v48;
	v6 =	vadd.s32 v43, v46;
	v3 =	vor.u32 v4, v3  }
0x137: {  	s30 =	sadd.s32 $0xFFFFFFC0, s14;
	s26 =	sadd.s32 $0x0, s13;
	v60 =	vor.u32 s31, v21;
	v61 =	vor.u32 s31, v22;
	v62 =	vor.u32 s31, v25  }
0x138: {  	s8 =	sor.u32 s30, s26;
	v4 =	vand.u32 v58, v54;
	v54 =	vor.u32 s25, v27;
	v36 =	vshra.s32 v2, $0x1F  }
0x139: {  	s1 =	sshra.s32 s8, $0x1F;
	v31 =	vshra.s32 v1, $0x1F;
	v1 =	vbroadcast v23, $0xB;
	v2 =	vbroadcast v23, $0xF  }
0x13a: {  	s0 =	sshra.s32 s23, $0x1F;
	v5 =	vor.u32 v6, v49;
	v38 =	vshra.s32 v3, $0x1F;
	v63 =	vor.u32 s1, v28  }
0x13b: {  	v58 =	vor.u32 s25, v17;
	v37 =	vshra.s32 v5, $0x1F;
	v59 =	vor.u32 s0, v36  }
0x13c: {  	v7 =	vsub.s32 v0, v1;
	v23 =	vadd.s32 v35, v2;
	v3 =	vsub.s32 v40, v1  }
0x13d: {  	v51 =	vadd.s32 v41, v2;
	v52 =	vsub.s32 v42, v1;
	v6 =	vadd.s32 v43, v2  }
0x13e: {  	v1 =	vsub.s32 v44, v1;
	v2 =	vadd.s32 v45, v2;
	v44 =	vor.u32 s0, v38  }
0x13f: {  	s12 =	sld [smem:$0x7E4];
	v47 =	vor.u32 s0, v37;
	v4 =	vand.u32 v59, v4;
	v50 =	vor.u32 v23, v7  }
0x140: {  	s17 =	rddreg [dreg:$0x1d];
	v3 =	vor.u32 v51, v3;
	v53 =	vor.u32 v6, v52;
	v1 =	vor.u32 v2, v1  }
0x141: {  	s10 =	rddreg [dreg:$0x15];
	v6 =	vor.u32 s5, v13;
	v7 =	vor.u32 s6, v18;
	v52 =	vor.u32 s1, v29  }
0x142: {  	s14 =	sld [smem:$0x7E5];
	v39 =	vshra.s32 v50, $0x1F;
	v40 =	vshra.s32 v3, $0x1F;
	v35 =	vshra.s32 v53, $0x1F  }
0x143: {  	s11 =	sld [smem:$0x7E3];
	s19 =	simm.s32 $0x0;
	v23 =	vshra.s32 v1, $0x1F;
	v1 =	vor.u32 s2, v33;
	v6 =	vand.u32 v7, v6  }
0x144: {  	s13 =	rddreg [dreg:$0x1c];
	s9 =	sadd.s32 $0x3F, s10;
	v7 =	vor.u32 s6, v19;
	v53 =	vor.u32 s1, v30;
	v50 =	vor.u32 s19, v0  }
0x145: {  	s10 =	sadd.s32 $0x1, s12;
	s12 =	sadd.s32 $0x1, s14;
	s14 =	sadd.s32 $0x3F, s17;
	v2 =	vor.u32 s4, v39;
	v3 =	vor.u32 s4, v40;
	v5 =	vand.u32 v7, v55  }
0x146: {  	s23 =	sadd.s32 $0xFFFFFFC0, s14;
	s8 =	sadd.s32 $0x3F, s11;
	s11 =	sadd.s32 $0x1, s13;
	v7 =	vand.u32 v57, v56;
	v6 =	vand.u32 v60, v6;
	v1 =	vand.u32 v54, v1  }
0x147: {  	s16 =	rddreg [dreg:$0x1f];
	s8 =	sadd.s32 $0xFFFFFFC0, s8;
	s30 =	sor.u32 s23, s11;
	v55 =	vor.u32 s0, v31;
	v56 =	vor.u32 s25, v26;
	v59 =	vor.u32 s4, v35  }
0x148: {  	s26 =	sld [smem:$0x7E6];
	s18 =	sor.u32 s8, s10;
	s13 =	sshra.s32 s30, $0x1F;
	v60 =	vor.u32 s5, v9;
	v5 =	vand.u32 v61, v5;
	v7 =	vand.u32 v62, v7  }
0x149: {  	s21 =	rddreg [dreg:$0x14];
	s3 =	sshra.s32 s18, $0x1F;
	v1 =	vand.u32 v55, v1;
	v54 =	vand.u32 v2, v4;
	v2 =	vor.u32 s13, v32  }
0x14a: {  	s0 =	sadd.s32 $0xFFFFFFC0, s9;
	s25 =	sadd.s32 $0x3F, s16;
	s16 =	sadd.s32 $0x1, s21;
	v4 =	vand.u32 v63, v6;
	v43 =	vand.u32 v52, v5;
	v46 =	vand.u32 v53, v7  }
0x14b: {  	s17 =	sadd.s32 $0x3F, s26;
	s0 =	sor.u32 s0, s16;
	v7 =	vor.u32 s2, v24;
	v53 =	vor.u32 s3, v39;
	vm3 =	vlt.u32 v54, $0x7FFFFFFF  }
0x14c: {  	s20 =	rddreg [dreg:$0x16];
	s8 =	sadd.s32 $0xFFFFFFC0, s17;
	s7 =	sshra.s32 s0, $0x1F;
	vm1 =	vlt.u32 v4, $0x7FFFFFFF;
	v57 =	vand.u32 v56, v7;
	v7 =	vor.u32 s2, v11  }
0x14d: {  	s10 =	sadd.s32 $0x1, s20;
	s20 =	sor.u32 s8, s12;
	vm0 =	vlt.u32 v46, $0x7FFFFFFF;
	v61 =	vor.u32 s7, v14;
	vm2 =	vlt.u32 v43, $0x7FFFFFFF  }
0x14e: {  	s0 =	sshra.s32 s20, $0x1F;
	v6 =	vor.u32 s7, v13;
	v62 =	vmpcnt.ones.xlane vm1;
	v63 =	vor.u32 s7, v15  }
0x14f: {  	v51 =	vor.u32 s0, v38;
	v55 =	vor.u32 s0, v36;
	vm5 =	vmmov vm3  }
0x150: {  	s24 =	rddreg [dreg:$0x17];
	v42 =	vor.u32 s0, v31;
	v46 =	vadd.s32 $0x1, v46;
	v5 =	vand.u32 v47, v57  }
0x151: {  	s15 =	rddreg [dreg:$0x1e];
	s5 =	sadd.s32 $0x3F, s24;
	v7 =	vand.u32 v58, v7;
	v47 =	vand.u32 v3, v1;
	v3 =	vor.u32 s4, v23  }
0x152: {  	s22 =	sadd.s32 $0x1, s15;
	s5 =	sadd.s32 $0xFFFFFFC0, s5;
	s19 =	sadd.s32 $0xFFFFFFC0, s25;
	v58 =	vor.u32 s0, v37;
	v48 =	vand.u32 v59, v5;
	v1 =	vand.u32 v44, v7  }
0x153: {  	s18 =	sor.u32 s5, s10;
	s4 =	sor.u32 s19, s22;
	v7 =	vor.u32 s6, v10;
	(v2sf) =	vpush v62, $0x0;
	vm6 =	vlt.u32 v47, $0x7FFFFFFF  }
0x154: {  	s6 =	sshra.s32 s18, $0x1F;
	s23 =	sshra.s32 s4, $0x1F;
	v52 =	vand.u32 v3, v1;
	v1 =	vand.u32 v7, v60;
	v3 =	vor.u32 s31, v12  }
0x155: {  	s14 =	rddreg [dreg:$0x19];
	v7 =	vor.u32 s6, v18;
	v60 =	vor.u32 s6, v20;
	v45 =	vor.u32 s23, v34  }
0x156: {  	s2 =	rddreg [dreg:$0x18];
	s22 =	sadd.s32 $0x3F, s14;
	v59 =	vor.u32 s23, v17;
	vm7 =	vlt.u32 v48, $0x7FFFFFFF;
	v1 =	vand.u32 v3, v1  }
0x157: {  	s2 =	sadd.s32 $0x1, s2;
	s5 =	sadd.s32 $0xFFFFFFC0, s22;
	v3 =	vor.u32 s1, v16;
	v6 =	vand.u32 v7, v6;
	v7 =	vor.u32 s6, v19  }
0x158: {  	s30 =	sld [smem:$0x7E3];
	s2 =	sor.u32 s5, s2;
	v2 =	vand.u32 v45, v2;
	v49 =	vand.u32 v3, v1;
	v1 =	vor.u32 s13, v33  }
0x159: {  	s17 =	sld [smem:$0x7E4];
	s15 =	sshra.s32 s2, $0x1F;
	v3 =	vor.u32 s3, v40;
	v5 =	vand.u32 v7, v61;
	v7 =	vand.u32 v60, v63  }
0x15a: {  	s31 =	rddreg [dreg:$0x1b];
	v61 =	vmpcnt.ones.xlane vm2;
	v62 =	vor.u32 s15, v21;
	v63 =	vor.u32 s15, v22  }
0x15b: {  	s21 =	rddreg [dreg:$0x1a];
	s24 =	sadd.s32 $0x3F, s31;
	v60 =	vor.u32 s15, v25;
	v2 =	vand.u32 v55, v2;
	v56 =	vand.u32 v62, v6  }
0x15c: {  	s8 =	sadd.s32 $0x1, s21;
	s25 =	rddreg [dreg:$0x15];
	s4 =	sadd.s32 $0xFFFFFFC0, s24;
	v5 =	vand.u32 v63, v5;
	v7 =	vand.u32 v60, v7;
	(v2sf) =	vpush v61, $0x0  }
0x15d: {  	s21 =	rddreg [dreg:$0x1e];
	s4 =	sor.u32 s4, s8;
	v63 =	vor.u32 s23, v27;
	v60 =	vmpcnt.ones.xlane vm5;
	v61 =	vmpcnt.ones.xlane vm0  }
0x15e: {  	s29 =	simm.s32 $0x70;
	s20 =	sld [smem:$0x7E5];
	vm3 =	vlt.u32 v49, $0x7FFFFFFF;
	s10 =	sshra.s32 s4, $0x1F;
	v1 =	vand.u32 v63, v1;
	v63 =	vor.u32 s15, v12  }
0x15f: {  	s11 =	simm.s32 $0x30;
	s0 =	sadd.s32 $0x3E, s30;
	s30 =	rddreg [dreg:$0x1d];
	v57 =	vor.u32 s10, v28;
	v6 =	vor.u32 s10, v29;
	(v2sf) =	vpush v61, $0x0  }
0x160: {  	s12 =	simm.s32 $0x2420;
	s14 =	simm.s32 $0xB5A0;
	s19 =	rddreg [dreg:$0x1b];
	v62 =	vor.u32 s10, v30;
	v1 =	vand.u32 v42, v1;
	v45 =	vand.u32 v6, v5  }
0x161: {  	s0 =	sadd.s32 $0xFFFFFFC0, s0;
	s5 =	simm.s32 $0x0;
	s31 =	rddreg [dreg:$0x1c];
	v44 =	vand.u32 v62, v7;
	v6 =	vor.u32 s13, v24;
	v7 =	vor.u32 s23, v26  }
0x162: {  	s1 =	rddreg [dreg:$0x18];
	s2 =	sadd.s32 $0x3E, s30;
	s30 =	simm.s32 $0x40;
	v41 =	vand.u32 v3, v1;
	v3 =	vadd.s32 $0x1, v4;
	v61 =	vor.u32 s3, v23  }
0x163: {  	s24 =	simm.s32 $0x10;
	s31 =	sadd.s32 $0x2, s31;
	s2 =	sadd.s32 $0xFFFFFFC0, s2;
	v62 =	vmpcnt.ones.xlane vm3;
	v4 =	vadd.s32 $0x1, v52;
	v55 =	vand.u32 v7, v6  }
0x164: {  	s1 =	sadd.s32 $0x2, s1;
	s8 =	simm.s32 $0xA520;
	s31 =	sor.u32 s2, s31;
	v6 =	vor.u32 s3, v35;
	[tilespmem:s12+$0xFFFFFFE0] =	vst v3;
	(v2sf) =	vpush v60, $0x0;
	v3 =	vmpcnt.ones.xlane vm6  }
0x165: {  	s2 =	sadd.s32 $0x2, s21;
	s4 =	simm.s32 $0x3420;
	s23 =	sadd.s32 $0x3E, s25;
	v7 =	vor.u32 s7, v9;
	v1 =	vand.u32 v58, v55;
	v58 =	vor.u32 s13, v11  }
0x166: {  	s25 =	sadd.s32 $0x2, s17;
	s17 =	rddreg [dreg:$0x14];
	s13 =	simm.s32 $0x20;
	[tilespmem:s8+$0xFFFFFFE0] =	vst v8;
	v42 =	vand.u32 v6, v1;
	v1 =	vand.u32 v59, v58;
	v6 =	vadd.s32 $0x1, v43  }
0x167: {  	s22 =	sadd.s32 $0xFFFFFFC0, s23;
	s3 =	rddreg [dreg:$0x1f];
	s17 =	sadd.s32 $0x2, s17;
	v5 =	vor.u32 s13, v0;
	[tilespmem:s5+$0xA500] =	vst.msk vm1, v50;
	(v2sf) =	vpush v3, $0x0;
	v3 =	vmpcnt.ones.xlane vm7  }
0x168: {  	s0 =	sor.u32 s0, s25;
	s7 =	sor.u32 s22, s17;
	vm1 =	vlt.u32 v52, $0x7FFFFFFF;
	v1 =	vand.u32 v51, v1;
	[tilespmem:s12+$0xFFFFFFF0] =	vst v6;
	(v2sf) =	vpush v62, $0x0;
	s23 =	spop (v2sf)  }
0x169: {  	s13 =	sld [smem:$0x7E6];
	v55 =	vmpcnt.ones.xlane vm1;
	v43 =	vand.u32 v61, v1;
	v1 =	vor.u32 s24, v0;
	s24 =	sshra.s32 s0, $0x1F;
	[tilespmem:s8+$0xFFFFFFF0] =	vst v8;
	s0 =	sadd.s32 $0x0, s23  }
0x16a: {  	s15 =	sadd.s32 $0x2, s20;
	v60 =	vadd.s32 $0x1, v49;
	s7 =	sshra.s32 s7, $0x1F;
	v58 =	vand.u32 v57, v56;
	(v2sf) =	vpush v3, $0x0;
	s23 =	rddreg [dreg:$0x17];
	[tilespmem:s0+$0xA500] =	vst.msk vm2, v1  }
0x16b: {  	v6 =	vor.u32 s6, v10;
	v3 =	vor.u32 s10, v16;
	s10 =	sadd.s32 $0x3E, s23;
	s23 =	rddreg [dreg:$0x1a];
	[tilespmem:s12+$0x0] =	vst v46;
	s25 =	spop (v2sf);
	(v2sf) =	vpush v55, $0x0  }
0x16c: {  	v59 =	vor.u32 s7, v15;
	v6 =	vand.u32 v6, v7;
	s13 =	sadd.s32 $0x3E, s13;
	v46 =	vor.u32 s30, v0;
	s30 =	rddreg [dreg:$0x16];
	[tilespmem:s8+$0x0] =	vst v8;
	s6 =	sadd.s32 s0, s25  }
0x16d: {  	v7 =	vadd.s32 $0x1, v47;
	v61 =	vor.u32 s7, v14;
	v6 =	vand.u32 v63, v6;
	s22 =	sadd.s32 $0xFFFFFFC0, s10;
	s25 =	sadd.s32 $0x3E, s3;
	s3 =	sshra.s32 s31, $0x1F;
	[tilespmem:s6+$0xA500] =	vst.msk vm0, v5  }
0x16e: {  	v47 =	vor.u32 s24, v39;
	v52 =	vor.u32 s24, v40;
	v49 =	vand.u32 v3, v6;
	s31 =	rddreg [dreg:$0x19];
	s0 =	sadd.s32 $0x2, s30;
	s21 =	spop (v2sf);
	[tilespmem:s12+$0x10] =	vst v60  }
0x16f: {  	v3 =	vadd.s32 $0x1, v48;
	v48 =	vand.u32 v53, v2;
	v55 =	vor.u32 s11, v0;
	s30 =	sadd.s32 $0x3E, s19;
	s19 =	sadd.s32 $0xFFFFFFC0, s13;
	s6 =	sadd.s32 s6, s21;
	[tilespmem:s8+$0x10] =	vst v8  }
0x170: {  	v6 =	vadd.s32 $0x1, v54;
	vm4 =	vlt.u32 v48, $0x7FFFFFFF;
	vm2 =	vlt.u32 v45, $0x7FFFFFFF;
	s11 =	sadd.s32 $0xFFFFFFC0, s25;
	s0 =	sor.u32 s22, s0;
	s25 =	sadd.s32 $0x3E, s31;
	[tilespmem:s6+$0xA500] =	vst.msk vm3, v55  }
0x171: {  	v51 =	vor.u32 s3, v33;
	vm0 =	vlt.u32 v44, $0x7FFFFFFF;
	v2 =	vor.u32 s3, v32;
	s31 =	sadd.s32 $0x2, s23;
	s12 =	sadd.s32 $0xFFFFFFC0, s25;
	s8 =	sshra.s32 s0, $0x1F;
	[tilespmem:s4+$0xFFFFFFE0] =	vst v6  }
0x172: {  	s20 =	sor.u32 s19, s15;
	s1 =	sor.u32 s12, s1;
	s0 =	sadd.s32 $0xFFFFFFC0, s30;
	vm3 =	vlt.u32 v58, $0x7FFFFFFF;
	v62 =	vor.u32 s8, v18;
	v60 =	vor.u32 s8, v19;
	[tilespmem:s14+$0xFFFFFFE0] =	vst v8  }
0x173: {  	s21 =	spop (v2sf);
	s10 =	sshra.s32 s1, $0x1F;
	s0 =	sor.u32 s0, s31;
	v6 =	vor.u32 s7, v13;
	v63 =	vmpcnt.ones.xlane vm3;
	v54 =	vand.u32 v60, v61;
	[tilespmem:s5+$0xB580] =	vst.msk vm5, v50  }
0x174: {  	s19 =	sshra.s32 s20, $0x1F;
	s2 =	sor.u32 s11, s2;
	v61 =	vmpcnt.ones.xlane vm2;
	s11 =	sshra.s32 s0, $0x1F;
	v6 =	vand.u32 v62, v6;
	v62 =	vor.u32 s10, v21;
	[tilespmem:s4+$0xFFFFFFF0] =	vst v7  }
0x175: {  	s28 =	simm.s32 $0x2460;
	s22 =	sadd.s32 $0x0, s21;
	s12 =	sshra.s32 s2, $0x1F;
	v56 =	vor.u32 s11, v28;
	(v2sf) =	vpush v63, $0x0;
	v50 =	vor.u32 s19, v38;
	[tilespmem:s14+$0xFFFFFFF0] =	vst v8  }
0x176: {  	s26 =	simm.s32 $0xA560;
	s9 =	simm.s32 $0x3460;
	s16 =	simm.s32 $0xB5E0;
	v53 =	vand.u32 v62, v6;
	v6 =	vor.u32 s12, v34;
	v63 =	vor.u32 s11, v29;
	[tilespmem:s22+$0xB580] =	vst.msk vm6, v1  }
0x177: {  	s18 =	simm.s32 $0x3D;
	s13 =	simm.s32 $0x2;
	s23 =	spop (v2sf);
	v7 =	vor.u32 s8, v20;
	(v2sf) =	vpush v61, $0x0;
	v2 =	vand.u32 v6, v2;
	[tilespmem:s4+$0x0] =	vst v3  }
0x178: {  	s15 =	simm.s32 $0x70;
	s0 =	sadd.s32 s22, s23;
	s25 =	spop (v2sf);
	v6 =	vor.u32 s11, v30;
	v61 =	vmpcnt.ones.xlane vm0;
	v7 =	vand.u32 v7, v59;
	[tilespmem:s14+$0x0] =	vst v8  }
0x179: {  	s21 =	sadd.s32 s6, s25;
	s6 =	simm.s32 $0xA5A0;
	s30 =	spop (v2sf);
	v59 =	vor.u32 s19, v37;
	v1 =	vor.u32 s10, v22;
	v3 =	vor.u32 s10, v25;
	[tilespmem:s0+$0xB580] =	vst.msk vm7, v5  }
0x17a: {  	s5 =	simm.s32 $0x24A0;
	s1 =	sadd.s32 s0, s30;
	v1 =	vand.u32 v1, v54;
	v3 =	vand.u32 v3, v7;
	v7 =	vor.u32 s19, v36;
	[tilespmem:s4+$0x10] =	vst v4;
	s31 =	spop (v2sf)  }
0x17b: {  	s22 =	simm.s32 $0xB620;
	v60 =	vand.u32 v63, v1;
	v57 =	vand.u32 v6, v3;
	v54 =	vand.u32 v7, v2;
	s4 =	simm.s32 $0x34A0;
	[tilespmem:s14+$0x10] =	vst v8;
	s14 =	sadd.s32 s1, s31  }
.LBB2_4:
0x17c: {  	[smem:$0x7E1] =	sst s14  }
0x17d: {  	[smem:$0x7E0] =	sst s22  }
0x17e: {  	s0 =	rddreg [dreg:$0x15]  }
0x17f: {  	s2 =	sld [smem:$0x7E4]  }
0x180: {  	s25 =	rddreg [dreg:$0x1c]  }
0x181: {  	v2 =	vor.u32 s3, v24;
	s30 =	rddreg [dreg:$0x1e]  }
0x182: {  	v3 =	vor.u32 s12, v26;
	s29 =	sadd.s32 $0x40, s29;
	s13 =	sadd.s32 $0x1, s13;
	v62 =	vadd.s32 $0x1, v58;
	v58 =	vor.u32 s8, v10;
	s8 =	rddreg [dreg:$0x14]  }
0x183: {  	s23 =	sadd.s32 $0xFFFFFFF0, s15;
	s31 =	sadd.s32 $0xFFFFFFE0, s15;
	v6 =	vor.u32 s24, v23;
	v2 =	vand.u32 v3, v2;
	v3 =	vor.u32 s24, v35;
	s24 =	rddreg [dreg:$0x1d]  }
0x184: {  	v4 =	vor.u32 s19, v31;
	(v2sf) =	vpush v61, $0x0;
	s19 =	sadd.s32 s13, s30;
	v61 =	vor.u32 s31, v0;
	s31 =	rddreg [dreg:$0x1b];
	s14 =	sadd.s32 $0xFFFFFFFF, s18  }
0x185: {  	s17 =	smov.u32 s16;
	s16 =	smov.u32 s22;
	s22 =	sld [smem:$0x7E3]  }
0x186: {  	s8 =	sadd.s32 s13, s8;
	s20 =	smov.u32 s18;
	[smem:$0x7E2] =	sst s14  }
0x187: {  	v1 =	vor.u32 s12, v27;
	vm5 =	vmmov vm4;
	p0 =	sne.s32 s18, $0x1;
	s18 =	smov.u32 s9;
	[smem:$0x7DF] =	sst s16  }
0x188: {  	v5 =	vor.u32 s12, v17;
	v63 =	vmpcnt.ones.xlane vm5;
	v2 =	vand.u32 v59, v2;
	s0 =	sadd.s32 s20, s0;
	s16 =	sld [smem:$0x7E5];
	s24 =	sadd.s32 s20, s24  }
0x189: {  	vm6 =	vlt.u32 v41, $0x7FFFFFFF;
	v2 =	vand.u32 v3, v2;
	v3 =	vor.u32 s3, v11;
	s2 =	sadd.s32 s13, s2;
	s9 =	sadd.s32 $0xFFFFFFC0, s0;
	s3 =	sadd.s32 $0xFFFFFFC0, s24  }
0x18a: {  	[tilespmem:s1+$0xB580] =	vst.msk vm1, v55;
	vm8 =	vlt.u32 v49, $0x7FFFFFFF;
	v55 =	vadd.s32 $0x1, v44;
	(v2sf) =	vpush v63, $0x0;
	s1 =	sadd.s32 s20, s22;
	s22 =	sadd.s32 $0xFFFFFFD0, s29;
	s8 =	sor.u32 s9, s8  }
0x18b: {  	v44 =	vmovc v57;
	vm7 =	vlt.u32 v42, $0x7FFFFFFF;
	v57 =	vor.u32 s7, v9;
	v3 =	vand.u32 v5, v3;
	s14 =	sadd.s32 $0xFFFFFFC0, s1;
	s1 =	sadd.s32 s13, s25;
	s25 =	rddreg [dreg:$0x1f]  }
0x18c: {  	v1 =	vand.u32 v1, v51;
	[tilespmem:s28+$0xFFFFFFE0] =	vst v62;
	v3 =	vand.u32 v50, v3;
	s12 =	sadd.s32 s13, s16;
	v63 =	vor.u32 s22, v0;
	s7 =	sshra.s32 s8, $0x1F;
	s22 =	sld [smem:$0x7E0]  }
0x18d: {  	v1 =	vand.u32 v4, v1;
	[tilespmem:s26+$0xFFFFFFE0] =	vst v8;
	v3 =	vand.u32 v6, v3;
	v6 =	vmpcnt.ones.xlane vm6;
	s2 =	sor.u32 s14, s2;
	s14 =	smov.u32 s6;
	s6 =	smov.u32 s5  }
0x18e: {  	v51 =	vadd.s32 $0x1, v45;
	v1 =	vand.u32 v52, v1;
	[tilespmem:s21+$0xA500] =	vst.msk vm3, v46;
	v52 =	vmpcnt.ones.xlane vm8;
	s5 =	smov.u32 s4;
	s30 =	sadd.s32 s20, s25;
	s25 =	sld [smem:$0x7E6]  }
0x18f: {  	vm1 =	vlt.u32 v43, $0x7FFFFFFF;
	[tilespmem:s28+$0xFFFFFFF0] =	vst v51;
	s1 =	sor.u32 s3, s1;
	s4 =	sshra.s32 s2, $0x1F;
	s16 =	spop (v2sf);
	(v2sf) =	vpush v6, $0x0;
	v6 =	vmpcnt.ones.xlane vm7  }
0x190: {  	v45 =	vmovc v60;
	v60 =	vor.u32 s23, v0;
	v59 =	vmpcnt.ones.xlane vm1;
	[tilespmem:s26+$0xFFFFFFF0] =	vst v8;
	s2 =	rddreg [dreg:$0x18];
	s23 =	sadd.s32 $0xFFFFFFC0, s30;
	s0 =	sadd.s32 s21, s16;
	(v2sf) =	vpush v52, $0x0  }
0x191: {  	v7 =	vadd.s32 $0x1, v49;
	v62 =	vor.u32 s10, v12;
	s24 =	smov.u32 s4;
	s4 =	smov.u32 s5;
	[tilespmem:s0+$0xA500] =	vst.msk vm2, v61;
	s5 =	spop (v2sf);
	(v2sf) =	vpush v6, $0x0  }
0x192: {  	v5 =	vand.u32 v58, v57;
	v58 =	vand.u32 v56, v53;
	s30 =	rddreg [dreg:$0x1a];
	s3 =	sshra.s32 s1, $0x1F;
	s2 =	sadd.s32 s13, s2;
	[tilespmem:s28+$0x0] =	vst v55;
	(v2sf) =	vpush v59, $0x0  }
0x193: {  	v5 =	vand.u32 v62, v5;
	vm3 =	vlt.u32 v58, $0x7FFFFFFF;
	v56 =	vor.u32 s7, v15;
	s10 =	sadd.s32 s13, s30;
	s16 =	rddreg [dreg:$0x16];
	s0 =	sadd.s32 s0, s5;
	[tilespmem:s26+$0x0] =	vst v8  }
0x194: {  	v51 =	vor.u32 s3, v33;
	s25 =	sadd.s32 s20, s25;
	s21 =	sadd.s32 s20, s31;
	v52 =	vor.u32 s24, v40;
	v6 =	vor.u32 s11, v16;
	s11 =	rddreg [dreg:$0x19];
	[tilespmem:s0+$0xA500] =	vst.msk vm0, v60  }
0x195: {  	s16 =	sadd.s32 s13, s16;
	vm2 =	vlt.u32 v45, $0x7FFFFFFF;
	s5 =	rddreg [dreg:$0x17];
	v49 =	vand.u32 v6, v5;
	v55 =	vor.u32 s15, v0;
	s30 =	spop (v2sf);
	[tilespmem:s28+$0x10] =	vst v7  }
0x196: {  	v5 =	vadd.s32 $0x1, v42;
	v6 =	vadd.s32 $0x1, v43;
	v42 =	vmovc v2;
	v2 =	vadd.s32 $0x1, v48;
	s31 =	sadd.s32 s20, s5;
	s5 =	sadd.s32 $0xFFFFFFC0, s25;
	s1 =	sadd.s32 s0, s30;
	[tilespmem:s26+$0x10] =	vst v8  }
0x197: {  	v43 =	vmovc v3;
	v3 =	vadd.s32 $0x1, v41;
	v48 =	vand.u32 v47, v54;
	v54 =	vmpcnt.ones.xlane vm3;
	s9 =	sadd.s32 $0xFFFFFFC0, s31;
	s31 =	sor.u32 s5, s12;
	s5 =	sld [smem:$0x7E1];
	[tilespmem:s1+$0xA500] =	vst.msk vm8, v55  }
0x198: {  	s22 =	sadd.s32 $0x40, s22;
	v41 =	vmovc v1;
	v47 =	vor.u32 s24, v39;
	v1 =	vor.u32 s3, v32;
	s25 =	sadd.s32 s20, s11;
	vm4 =	vlt.u32 v48, $0x7FFFFFFF;
	s15 =	sor.u32 s9, s16;
	[tilespmem:s18+$0xFFFFFFE0] =	vst v2  }
0x199: {  	s20 =	sadd.s32 $0xFFFFFFC0, s21;
	vm0 =	vlt.u32 v44, $0x7FFFFFFF;
	v7 =	vor.u32 s7, v14;
	s9 =	spop (v2sf);
	(v2sf) =	vpush v54, $0x0;
	s8 =	sshra.s32 s15, $0x1F;
	[tilespmem:s17+$0xFFFFFFE0] =	vst v8  }
0x19a: {  	s30 =	sadd.s32 $0xFFFFFFC0, s25;
	v54 =	vmpcnt.ones.xlane vm2;
	s26 =	sor.u32 s23, s19;
	s19 =	sshra.s32 s31, $0x1F;
	v53 =	vor.u32 s8, v18;
	v57 =	vor.u32 s8, v20;
	[tilespmem:s5+$0xB580] =	vst.msk vm5, v46  }
0x19b: {  	s21 =	sor.u32 s20, s10;
	s0 =	sor.u32 s30, s2;
	s12 =	sshra.s32 s26, $0x1F;
	v50 =	vor.u32 s19, v38;
	v62 =	vor.u32 s19, v36;
	v2 =	vor.u32 s7, v13;
	[tilespmem:s18+$0xFFFFFFF0] =	vst v3  }
0x19c: {  	s16 =	sld [smem:$0x7DF];
	s10 =	sshra.s32 s0, $0x1F;
	v59 =	vor.u32 s19, v37;
	s2 =	sadd.s32 s5, s9;
	v4 =	vor.u32 s12, v34;
	v2 =	vand.u32 v53, v2;
	[tilespmem:s17+$0xFFFFFFF0] =	vst v8  }
0x19d: {  	s28 =	smov.u32 s6;
	s11 =	sshra.s32 s21, $0x1F;
	s15 =	smov.u32 s29;
	v53 =	vor.u32 s10, v21;
	v1 =	vand.u32 v4, v1;
	v46 =	vmovc v63;
	v63 =	vor.u32 s10, v25;
	[tilespmem:s2+$0xB580] =	vst.msk vm6, v61  }
.Ltmp1:
0x19e: {  	s26 =	smov.u32 s14;
	v53 =	vand.u32 v53, v2;
	v2 =	vor.u32 s11, v30;
	v3 =	vor.u32 s8, v19;
	s23 =	spop (v2sf);
	[tilespmem:s18+$0x0] =	vst v5;
	(pc) =	sbr.rel @p0 .LBB2_4-.Ltmp1, $4  }
0x19f: {  	s9 =	smov.u32 s4;
	v3 =	vand.u32 v3, v7;
	v7 =	vand.u32 v57, v56;
	v57 =	vor.u32 s10, v22;
	s0 =	sadd.s32 s2, s23;
	s25 =	spop (v2sf);
	[tilespmem:s17+$0x0] =	vst v8  }
0x1a0: {  	s4 =	sadd.s32 $0x40, s4;
	s5 =	sadd.s32 $0x40, s6;
	v56 =	vor.u32 s11, v28;
	v61 =	vmpcnt.ones.xlane vm0;
	v7 =	vand.u32 v63, v7;
	[tilespmem:s0+$0xB580] =	vst.msk vm7, v60;
	s30 =	spop (v2sf)  }
0x1a1: {  	v3 =	vand.u32 v57, v3;
	v5 =	vor.u32 s11, v29;
	v57 =	vand.u32 v2, v7;
	s21 =	sadd.s32 s1, s25;
	s1 =	sadd.s32 s0, s30;
	[tilespmem:s18+$0x10] =	vst v6;
	s31 =	spop (v2sf)  }
0x1a2: {  	s6 =	sadd.s32 $0x40, s14;
	(v2sf) =	vpush v54, $0x0;
	v54 =	vand.u32 v62, v1;
	v60 =	vand.u32 v5, v3;
	s18 =	sld [smem:$0x7E2];
	[tilespmem:s17+$0x10] =	vst v8;
	s14 =	sadd.s32 s1, s31  }
0x1a3: {  	_ =	sdelay $0x1  }
0x1a4: {  	(v2sf) =	vpush v61, $0x0;
	_ =	sdelay $0x2  }
0x1a5: {  	vm6 =	vmmov vm4  }
0x1a6: {  	v1 =	vmpcnt.ones.xlane vm6  }
0x1a7: {  	[tilespmem:s1+$0xB580] =	vst.msk vm1, v55;
	v2 =	vadd.s32 $0x1, v58  }
0x1a8: {  	vm4 =	vlt.u32 v41, $0x7FFFFFFF;
	[tilespmem:s28+$0xFFFFFFE0] =	vst v2;
	(v2sf) =	vpush v1, $0x0  }
0x1a9: {  	[tilespmem:s26+$0xFFFFFFE0] =	vst v8;
	v1 =	vmpcnt.ones.xlane vm4  }
0x1aa: {  	vm1 =	vlt.u32 v49, $0x7FFFFFFF;
	v2 =	vadd.s32 $0x1, v45;
	[tilespmem:s21+$0xA500] =	vst.msk vm3, v46  }
0x1ab: {  	s0 =	sadd.s32 $0xFFFFFFE0, s15;
	v3 =	vmpcnt.ones.xlane vm1;
	vm3 =	vlt.u32 v42, $0x7FFFFFFF;
	[tilespmem:s28+$0xFFFFFFF0] =	vst v2;
	s23 =	spop (v2sf);
	(v2sf) =	vpush v1, $0x0  }
0x1ac: {  	v2 =	vmpcnt.ones.xlane vm3;
	v1 =	vor.u32 s0, v0;
	[tilespmem:s26+$0xFFFFFFF0] =	vst v8;
	s25 =	sadd.s32 s21, s23  }
0x1ad: {  	v4 =	vadd.s32 $0x1, v44;
	(v2sf) =	vpush v3, $0x0;
	[tilespmem:s25+$0xA500] =	vst.msk vm2, v1  }
0x1ae: {  	s30 =	sadd.s32 $0xFFFFFFF0, s15;
	(v2sf) =	vpush v2, $0x0;
	[tilespmem:s28+$0x0] =	vst v4;
	s2 =	spop (v2sf)  }
0x1af: {  	v2 =	vor.u32 s30, v0;
	[tilespmem:s26+$0x0] =	vst v8;
	s0 =	sadd.s32 s25, s2  }
0x1b0: {  	vm5 =	vlt.u32 v43, $0x7FFFFFFF;
	v38 =	vand.u32 v56, v53;
	v3 =	vadd.s32 $0x1, v49;
	[tilespmem:s0+$0xA500] =	vst.msk vm0, v2  }
0x1b1: {  	v5 =	vmpcnt.ones.xlane vm5;
	vm2 =	vlt.u32 v38, $0x7FFFFFFF;
	s31 =	spop (v2sf);
	[tilespmem:s28+$0x10] =	vst v3  }
0x1b2: {  	v6 =	vmpcnt.ones.xlane vm2;
	s0 =	sadd.s32 s0, s31;
	v3 =	vor.u32 s15, v0;
	[tilespmem:s26+$0x10] =	vst v8  }
0x1b3: {  	v39 =	vadd.s32 $0x1, v48;
	(v2sf) =	vpush v5, $0x0;
	[tilespmem:s0+$0xA500] =	vst.msk vm1, v3  }
0x1b4: {  	(v2sf) =	vpush v6, $0x0;
	vm1 =	vlt.u32 v60, $0x7FFFFFFF;
	[tilespmem:s9+$0xFFFFFFE0] =	vst v39  }
0x1b5: {  	v40 =	vmpcnt.ones.xlane vm1;
	[tilespmem:s16+$0xFFFFFFE0] =	vst v8  }
0x1b6: {  	v6 =	vadd.s32 $0x1, v41;
	[tilespmem:s14+$0xB580] =	vst.msk vm6, v46  }
0x1b7: {  	v41 =	vor.u32 s12, v27;
	vm0 =	vlt.u32 v57, $0x7FFFFFFF;
	s2 =	spop (v2sf);
	(v2sf) =	vpush v40, $0x0;
	[tilespmem:s9+$0xFFFFFFF0] =	vst v6  }
0x1b8: {  	v13 =	vor.u32 s19, v31;
	v5 =	vand.u32 v41, v51;
	v7 =	vmpcnt.ones.xlane vm0;
	s1 =	sadd.s32 s14, s2;
	[tilespmem:s16+$0xFFFFFFF0] =	vst v8  }
0x1b9: {  	v14 =	vadd.s32 $0x1, v42;
	v5 =	vand.u32 v13, v5;
	[tilespmem:s1+$0xB580] =	vst.msk vm4, v1  }
0x1ba: {  	v13 =	vadd.s32 $0x1, v43;
	v43 =	vor.u32 s11, v16;
	s13 =	spop (v2sf);
	(v2sf) =	vpush v7, $0x0;
	[tilespmem:s9+$0x0] =	vst v14  }
0x1bb: {  	v6 =	vor.u32 s3, v24;
	v7 =	vand.u32 v47, v54;
	v1 =	vor.u32 s12, v26;
	s1 =	sadd.s32 s1, s13;
	[tilespmem:s16+$0x0] =	vst v8  }
0x1bc: {  	v5 =	vand.u32 v52, v5;
	s14 =	spop (v2sf);
	vm4 =	vlt.u32 v7, $0x7FFFFFFF;
	v1 =	vand.u32 v1, v6;
	[tilespmem:s1+$0xB580] =	vst.msk vm3, v2  }
0x1bd: {  	s15 =	spop (v2sf);
	v6 =	vor.u32 s24, v35;
	v1 =	vand.u32 v59, v1;
	vm3 =	vmmov vm4;
	[tilespmem:s9+$0x10] =	vst v13  }
0x1be: {  	v2 =	vor.u32 s7, v9;
	v9 =	vor.u32 s8, v10;
	s1 =	sadd.s32 s1, s15;
	v10 =	vmpcnt.ones.xlane vm3;
	[tilespmem:s16+$0x10] =	vst v8  }
0x1bf: {  	s17 =	sadd.s32 $0x40, s29;
	v2 =	vand.u32 v9, v2;
	v9 =	vor.u32 s10, v12;
	[tilespmem:s1+$0xB580] =	vst.msk vm5, v3;
	v3 =	vadd.s32 $0x1, v38  }
0x1c0: {  	s18 =	sadd.s32 $0xFFFFFFD0, s17;
	vm4 =	vlt.u32 v5, $0x7FFFFFFF;
	v2 =	vand.u32 v9, v2;
	(v2sf) =	vpush v10, $0x0;
	[tilespmem:s5+$0xFFFFFFE0] =	vst v3  }
0x1c1: {  	s0 =	sadd.s32 s0, s14;
	v44 =	vmpcnt.ones.xlane vm4;
	v2 =	vand.u32 v43, v2;
	v3 =	vor.u32 s18, v0;
	[tilespmem:s6+$0xFFFFFFE0] =	vst v8  }
0x1c2: {  	s19 =	spop (v2sf);
	v1 =	vand.u32 v6, v1;
	v6 =	vadd.s32 $0x1, v60;
	vm5 =	vlt.u32 v2, $0x7FFFFFFF;
	[tilespmem:s0+$0xA500] =	vst.msk vm2, v3  }
0x1c3: {  	s20 =	sadd.s32 $0xFFFFFFE0, s17;
	s21 =	spop (v2sf);
	(v2sf) =	vpush v44, $0x0;
	v9 =	vmpcnt.ones.xlane vm5;
	vm2 =	vlt.u32 v1, $0x7FFFFFFF;
	[tilespmem:s5+$0xFFFFFFF0] =	vst v6  }
0x1c4: {  	v45 =	vor.u32 s20, v0;
	s0 =	sadd.s32 s0, s21;
	v6 =	vmpcnt.ones.xlane vm2;
	[tilespmem:s6+$0xFFFFFFF0] =	vst v8  }
0x1c5: {  	v10 =	vadd.s32 $0x1, v57;
	(v2sf) =	vpush v9, $0x0;
	[tilespmem:s0+$0xA500] =	vst.msk vm1, v45  }
0x1c6: {  	s23 =	sadd.s32 $0xFFFFFFF0, s17;
	s25 =	spop (v2sf);
	(v2sf) =	vpush v6, $0x0;
	[tilespmem:s5+$0x0] =	vst v10  }
0x1c7: {  	v6 =	vor.u32 s23, v0;
	s0 =	sadd.s32 s0, s25;
	[tilespmem:s6+$0x0] =	vst v8  }
0x1c8: {  	v2 =	vadd.s32 $0x1, v2;
	[tilespmem:s0+$0xA500] =	vst.msk vm0, v6  }
0x1c9: {  	s26 =	spop (v2sf);
	[tilespmem:s5+$0x10] =	vst v2  }
0x1ca: {  	s0 =	sadd.s32 s0, s26;
	v2 =	vor.u32 s17, v0;
	[tilespmem:s6+$0x10] =	vst v8  }
0x1cb: {  	v7 =	vadd.s32 $0x1, v7;
	[tilespmem:s0+$0xA500] =	vst.msk vm5, v2  }
0x1cc: {  	[tilespmem:s4+$0xFFFFFFE0] =	vst v7  }
0x1cd: {  	s30 =	sadd.s32 s1, s19;
	[tilespmem:s22+$0xFFFFFFE0] =	vst v8  }
0x1ce: {  	v5 =	vadd.s32 $0x1, v5;
	[tilespmem:s30+$0xB580] =	vst.msk vm3, v3  }
0x1cf: {  	s31 =	spop (v2sf);
	[tilespmem:s4+$0xFFFFFFF0] =	vst v5  }
0x1d0: {  	v46 =	vor.u32 s12, v17;
	v3 =	vor.u32 s3, v11;
	s0 =	sadd.s32 s30, s31;
	[tilespmem:s22+$0xFFFFFFF0] =	vst v8  }
0x1d1: {  	v1 =	vadd.s32 $0x1, v1;
	v3 =	vand.u32 v46, v3;
	[tilespmem:s0+$0xB580] =	vst.msk vm4, v45  }
0x1d2: {  	v47 =	vor.u32 s24, v23;
	s2 =	spop (v2sf);
	v3 =	vand.u32 v50, v3;
	[tilespmem:s4+$0x0] =	vst v1  }
0x1d3: {  	s0 =	sadd.s32 s0, s2;
	v1 =	vand.u32 v47, v3;
	[tilespmem:s22+$0x0] =	vst v8  }
0x1d4: {  	s3 =	spop (v2sf);
	v3 =	vadd.s32 $0x1, v1;
	[tilespmem:s0+$0xB580] =	vst.msk vm2, v6  }
0x1d5: {  	s5 =	sld [smem:$0x7F1];
	s1 =	spop (v2sf);
	[tilespmem:s4+$0x10] =	vst v3  }
0x1d6: {  	s7 =	simm.s32 $0x400;
	vm0 =	vlt.u32 v1, $0x7FFFFFFF;
	s0 =	sadd.s32 s0, s1;
	[tilespmem:s22+$0x10] =	vst v8  }
0x1d7: {  	s8 =	simm.s32 $0x2400;
	s9 =	sld [smem:$0x7F2];
	s6 =	simm.s32 $0x80;
	[tilespmem:s0+$0xB580] =	vst.msk vm0, v2  }
0x1d8: {  	[hbm4b:s5+s6] =	stream.strided.scatter [tilespmem:s8], [sflag:$0x1], $0x1000, s7, s6, $0x38;
	[tilespmem:$0x10800] =	vst v63  }
0x1d9: {  	s11 =	sld [smem:$0x7F3];
	s10 =	simm.s32 $0xA500  }
0x1da: {  	[hbm4b:s9+s6] =	stream.strided.scatter [tilespmem:s10], [sflag:$0x2], $0x1000, s7, s6, $0x38;
	[tilespmem:$0x10800] =	vst v63  }
0x1db: {  	s12 =	simm.s32 $0x3400;
	s13 =	sld [smem:$0x7F4]  }
0x1dc: {  	[hbm4b:s11+s6] =	stream.strided.scatter [tilespmem:s12], [sflag:$0x1], $0x1000, s7, s6, $0x38;
	[tilespmem:$0x10800] =	vst v63  }
0x1dd: {  	s14 =	simm.s32 $0xB580  }
0x1de: {  	[hbm4b:s13+s6] =	stream.strided.scatter [tilespmem:s14], [sflag:$0x2], $0x1000, s7, s6, $0x38;
	[tilespmem:$0x10800] =	vst v63  }
0x1df: {  	v1 =	vld [tilespmem:$0x200];
	_ =	sdelay $0x1  }
0x1e0: {  	v2 =	vmpcnt.ones.xlane vm0  }
0x1e1: {  	v42 =	vld [tilespmem:$0x1FFB0]  }
0x1e2: {  	v41 =	vld [tilespmem:$0x1FFA0];
	(v2sf) =	vpush v2, $0x0  }
0x1e3: {  	v40 =	vld [tilespmem:$0x1FF90];
	(v2sf) =	vpush v1, $0x4  }
0x1e4: {  	v23 =	vld [tilespmem:$0x280];
	(v2sf) =	vpush v1, $0x5  }
0x1e5: {  	v35 =	vld [tilespmem:$0x1FFE0]  }
0x1e6: {  	v43 =	vld [tilespmem:$0x1FFC0];
	(v2sf) =	vpush v1, $0x6  }
0x1e7: {  	v44 =	vld [tilespmem:$0x1FFD0];
	(v2sf) =	vpush v1, $0x7  }
0x1e8: {  	v45 =	vld [tilespmem:$0x1FFF0];
	v2 =	vbroadcast v1, $0x8;
	v3 =	vbroadcast v1, $0xC  }
0x1e9: {  	v7 =	vbroadcast v1, $0xD;
	(v2sf) =	vpush v23, $0x4  }
0x1ea: {  	v48 =	vsub.s32 v0, v2;
	v49 =	vadd.s32 v35, v3;
	(v2sf) =	vpush v23, $0x5  }
0x1eb: {  	v50 =	vsub.s32 v40, v2;
	v52 =	vsub.s32 v42, v2;
	v6 =	vadd.s32 v43, v3  }
0x1ec: {  	v5 =	vor.u32 v6, v52;
	v6 =	vbroadcast v1, $0x9;
	(v2sf) =	vpush v23, $0x6  }
0x1ed: {  	v51 =	vadd.s32 v41, v3;
	v2 =	vsub.s32 v44, v2;
	v3 =	vadd.s32 v45, v3  }
0x1ee: {  	v54 =	vadd.s32 v35, v7;
	v2 =	vor.u32 v3, v2;
	v53 =	vsub.s32 v0, v6  }
0x1ef: {  	v9 =	vshra.s32 v2, $0x1F;
	v3 =	vor.u32 v54, v53;
	(v2sf) =	vpush v23, $0x7  }
0x1f0: {  	v2 =	vsub.s32 v40, v6;
	v18 =	vshra.s32 v3, $0x1F;
	v3 =	vadd.s32 v41, v7  }
0x1f1: {  	s15 =	spop (v2sf);
	v2 =	vor.u32 v3, v2;
	v3 =	vsub.s32 $0x0, v23  }
0x1f2: {  	v57 =	vbroadcast v1, $0xE;
	(v2sf) =	vpush v3, $0x3;
	s0 =	spop (v2sf)  }
0x1f3: {  	v60 =	vbroadcast v1, $0xB;
	v63 =	vbroadcast v23, $0xC;
	(v2sf) =	vpush v3, $0x2;
	s16 =	spop (v2sf);
	[smem:$0x7CF] =	sst s0  }
0x1f4: {  	v37 =	vbroadcast v23, $0xD;
	v46 =	vbroadcast v23, $0xE;
	v56 =	vadd.s32 v43, v7;
	[smem:$0x7DB] =	sst s16  }
0x1f5: {  	v10 =	vadd.s32 v35, v57;
	v11 =	vadd.s32 v41, v57;
	(v2sf) =	vpush v3, $0x1;
	s17 =	spop (v2sf);
	s3 =	sld [smem:$0x7CF]  }
0x1f6: {  	v59 =	vadd.s32 v43, v57;
	v62 =	vsub.s32 v40, v60;
	v34 =	vadd.s32 v35, v63;
	s18 =	spop (v2sf);
	[smem:$0x7DD] =	sst s17  }
0x1f7: {  	v38 =	vadd.s32 v35, v37;
	v55 =	vsub.s32 v42, v6;
	(v2sf) =	vpush v3, $0x0;
	[smem:$0x7D9] =	sst s18  }
0x1f8: {  	v19 =	vshra.s32 v2, $0x1F;
	v2 =	vor.u32 v56, v55;
	v3 =	vsub.s32 $0x0, v1;
	s19 =	spop (v2sf);
	s16 =	sld [smem:$0x7DD]  }
0x1f9: {  	v20 =	vshra.s32 v2, $0x1F;
	v2 =	vbroadcast v1, $0xA;
	(v2sf) =	vpush v3, $0x0;
	s20 =	spop (v2sf);
	[smem:$0x7D6] =	sst s19  }
0x1fa: {  	v15 =	vshra.s32 v5, $0x1F;
	v58 =	vsub.s32 v44, v6;
	v6 =	vadd.s32 v45, v7;
	[smem:$0x7D5] =	sst s20  }
0x1fb: {  	v5 =	vor.u32 v6, v58;
	v7 =	vsub.s32 v0, v2;
	(v2sf) =	vpush v3, $0x1;
	s21 =	spop (v2sf);
	s10 =	sld [smem:$0x7D6]  }
0x1fc: {  	v6 =	vor.u32 v10, v7;
	v7 =	vsub.s32 v40, v2;
	(v2sf) =	vpush v3, $0x2;
	[smem:$0x7D8] =	sst s21  }
0x1fd: {  	v47 =	vadd.s32 v35, v46;
	(v2sf) =	vpush v3, $0x3;
	v3 =	vor.u32 v11, v7;
	s9 =	sld [smem:$0x7D5]  }
0x1fe: {  	v4 =	vor.u32 v49, v48;
	v22 =	vshra.s32 v3, $0x1F;
	v3 =	vsub.s32 v42, v2;
	s22 =	spop (v2sf);
	s21 =	sld [smem:$0x7D9]  }
0x1ff: {  	v13 =	vshra.s32 v4, $0x1F;
	v1 =	vbroadcast v1, $0xF;
	v3 =	vor.u32 v59, v3;
	[smem:$0x7D0] =	sst s22  }
0x200: {  	v2 =	vsub.s32 v44, v2;
	v25 =	vshra.s32 v3, $0x1F;
	v3 =	vadd.s32 v45, v57;
	s12 =	sld [smem:$0x7D8]  }
0x201: {  	v61 =	vadd.s32 v35, v1;
	v2 =	vor.u32 v3, v2;
	v3 =	vsub.s32 v0, v60;
	s23 =	spop (v2sf);
	s4 =	sld [smem:$0x7D0]  }
0x202: {  	v21 =	vshra.s32 v6, $0x1F;
	v6 =	vadd.s32 v41, v1;
	v3 =	vor.u32 v61, v3;
	s24 =	spop (v2sf);
	[smem:$0x7D1] =	sst s23  }
0x203: {  	v12 =	vshra.s32 v2, $0x1F;
	v2 =	vor.u32 v6, v62;
	v28 =	vshra.s32 v3, $0x1F;
	[smem:$0x7D3] =	sst s24  }
0x204: {  	v29 =	vshra.s32 v2, $0x1F;
	v2 =	vsub.s32 v42, v60;
	v3 =	vadd.s32 v43, v1;
	s25 =	spop (v2sf);
	s5 =	sld [smem:$0x7D1]  }
0x205: {  	v4 =	vor.u32 v51, v50;
	v2 =	vor.u32 v3, v2;
	v3 =	vbroadcast v23, $0x8;
	[smem:$0x7D4] =	sst s25  }
0x206: {  	v1 =	vadd.s32 v45, v1;
	v30 =	vshra.s32 v2, $0x1F;
	v2 =	vsub.s32 v44, v60;
	s26 =	spop (v2sf);
	s7 =	sld [smem:$0x7D3]  }
0x207: {  	v14 =	vshra.s32 v4, $0x1F;
	v1 =	vor.u32 v1, v2;
	v2 =	vsub.s32 v0, v3;
	[smem:$0x7D2] =	sst s26  }
0x208: {  	v6 =	vadd.s32 v41, v63;
	v36 =	vsub.s32 v40, v3;
	v2 =	vor.u32 v34, v2;
	s30 =	spop (v2sf);
	s8 =	sld [smem:$0x7D4]  }
0x209: {  	v16 =	vshra.s32 v1, $0x1F;
	v1 =	vor.u32 v6, v36;
	v32 =	vshra.s32 v2, $0x1F;
	[smem:$0x7DA] =	sst s30  }
0x20a: {  	v33 =	vshra.s32 v1, $0x1F;
	v1 =	vsub.s32 v42, v3;
	v2 =	vadd.s32 v43, v63;
	s6 =	sld [smem:$0x7D2]  }
0x20b: {  	v4 =	vadd.s32 v45, v46;
	s0 =	sadd.s32 $0x40, s3;
	v1 =	vor.u32 v2, v1;
	v2 =	vbroadcast v23, $0x9;
	s31 =	spop (v2sf);
	s30 =	sld [smem:$0x7DB]  }
0x20c: {  	s0 =	sadd.s32 $0xFFFFFFC0, s0;
	s22 =	sadd.s32 $0x40, s9;
	v24 =	vshra.s32 v1, $0x1F;
	v1 =	vsub.s32 v44, v3;
	v3 =	vadd.s32 v45, v63;
	[smem:$0x7DC] =	sst s31  }
0x20d: {  	v10 =	vshra.s32 v5, $0x1F;
	s17 =	sadd.s32 $0x40, s12;
	s1 =	spop (v2sf);
	v1 =	vor.u32 v3, v1;
	v3 =	vsub.s32 v0, v2;
	s24 =	sld [smem:$0x7DA]  }
0x20e: {  	v6 =	vadd.s32 v41, v37;
	s25 =	sadd.s32 $0xFFFFFFC0, s22;
	s19 =	sadd.s32 $0xFFFFFFC0, s17;
	v39 =	vsub.s32 v40, v2;
	[smem:$0x7D7] =	sst s1;
	v3 =	vor.u32 v38, v3  }
0x20f: {  	s14 =	sadd.s32 $0x0, s7;
	s2 =	spop (v2sf);
	v11 =	vshra.s32 v1, $0x1F;
	v1 =	vor.u32 v6, v39;
	s23 =	sld [smem:$0x7DC];
	v34 =	vshra.s32 v3, $0x1F  }
0x210: {  	s31 =	sadd.s32 $0x40, s21;
	s1 =	sadd.s32 $0x40, s4;
	[smem:$0x7DE] =	sst s2;
	v27 =	vshra.s32 v1, $0x1F;
	v1 =	vsub.s32 v42, v2;
	v3 =	vadd.s32 v43, v37  }
0x211: {  	v6 =	vadd.s32 v41, v46;
	s2 =	sadd.s32 $0x0, s5;
	s3 =	sadd.s32 $0x0, s6;
	s6 =	sadd.s32 $0x0, s8;
	v1 =	vor.u32 v3, v1;
	v3 =	vbroadcast v23, $0xA  }
0x212: {  	s1 =	sadd.s32 $0xFFFFFFC0, s1;
	s8 =	sadd.s32 $0x40, s10;
	s22 =	sor.u32 s25, s6;
	v26 =	vshra.s32 v1, $0x1F;
	v1 =	vsub.s32 v44, v2;
	v2 =	vadd.s32 v45, v37  }
0x213: {  	s11 =	sld [smem:$0x7D7];
	s26 =	sadd.s32 $0xFFFFFFC0, s8;
	s25 =	sshra.s32 s22, $0x1F;
	v1 =	vor.u32 v2, v1;
	v2 =	vsub.s32 v0, v3;
	v48 =	vsub.s32 v40, v3  }
0x214: {  	s1 =	sor.u32 s1, s2;
	s18 =	sadd.s32 $0x0, s24;
	s5 =	sor.u32 s26, s3;
	v49 =	vsub.s32 v42, v3;
	v3 =	vsub.s32 v44, v3;
	v58 =	vor.u32 s25, v34  }
0x215: {  	s8 =	sadd.s32 $0x40, s30;
	s0 =	sor.u32 s0, s18;
	s2 =	sshra.s32 s5, $0x1F;
	v2 =	vor.u32 v47, v2;
	v17 =	vshra.s32 v1, $0x1F;
	v1 =	vor.u32 v6, v48  }
0x216: {  	s15 =	sadd.s32 $0x0, s23;
	s8 =	sadd.s32 $0xFFFFFFC0, s8;
	s5 =	sshra.s32 s0, $0x1F;
	v6 =	vadd.s32 v43, v46;
	v3 =	vor.u32 v4, v3;
	v54 =	vor.u32 s2, v32  }
0x217: {  	s21 =	sadd.s32 $0x40, s16;
	s13 =	sld [smem:$0x7DE];
	s20 =	sor.u32 s8, s15;
	v55 =	vor.u32 s5, v14;
	v56 =	vor.u32 s5, v15;
	v36 =	vshra.s32 v2, $0x1F  }
0x218: {  	s24 =	sadd.s32 $0xFFFFFFC0, s21;
	s9 =	sadd.s32 $0x0, s11;
	s6 =	sshra.s32 s20, $0x1F;
	v31 =	vshra.s32 v1, $0x1F;
	v1 =	vbroadcast v23, $0xB;
	v2 =	vbroadcast v23, $0xF  }
0x219: {  	s4 =	sshra.s32 s1, $0x1F;
	s23 =	sor.u32 s19, s14;
	s1 =	sor.u32 s24, s9;
	v5 =	vor.u32 v6, v49;
	v38 =	vshra.s32 v3, $0x1F;
	v57 =	vor.u32 s6, v20  }
0x21a: {  	s30 =	sadd.s32 $0xFFFFFFC0, s31;
	s0 =	sshra.s32 s23, $0x1F;
	s31 =	sshra.s32 s1, $0x1F;
	v4 =	vand.u32 v58, v54;
	v54 =	vor.u32 s25, v27;
	v58 =	vor.u32 s25, v17  }
0x21b: {  	v37 =	vshra.s32 v5, $0x1F;
	v59 =	vor.u32 s0, v36;
	v60 =	vor.u32 s31, v21  }
0x21c: {  	v61 =	vor.u32 s31, v22;
	v62 =	vor.u32 s31, v25;
	v7 =	vsub.s32 v0, v1  }
0x21d: {  	s26 =	sadd.s32 $0x0, s13;
	v23 =	vadd.s32 v35, v2;
	v3 =	vsub.s32 v40, v1;
	v51 =	vadd.s32 v41, v2  }
0x21e: {  	s8 =	sor.u32 s30, s26;
	v52 =	vsub.s32 v42, v1;
	v6 =	vadd.s32 v43, v2;
	v1 =	vsub.s32 v44, v1  }
0x21f: {  	s12 =	sld [smem:$0x7D1];
	s1 =	sshra.s32 s8, $0x1F;
	v2 =	vadd.s32 v45, v2;
	v44 =	vor.u32 s0, v38;
	v47 =	vor.u32 s0, v37  }
0x220: {  	s17 =	sld [smem:$0x7D6];
	v63 =	vor.u32 s1, v28;
	v4 =	vand.u32 v59, v4;
	v50 =	vor.u32 v23, v7  }
0x221: {  	s10 =	sld [smem:$0x7CF];
	v3 =	vor.u32 v51, v3;
	v53 =	vor.u32 v6, v52;
	v1 =	vor.u32 v2, v1  }
0x222: {  	s14 =	sld [smem:$0x7D3];
	v6 =	vor.u32 s5, v13;
	v7 =	vor.u32 s6, v18;
	v52 =	vor.u32 s1, v29  }
0x223: {  	s11 =	sld [smem:$0x7D0];
	v39 =	vshra.s32 v50, $0x1F;
	v40 =	vshra.s32 v3, $0x1F;
	v35 =	vshra.s32 v53, $0x1F  }
0x224: {  	s19 =	simm.s32 $0x0;
	s13 =	sld [smem:$0x7D2];
	v23 =	vshra.s32 v1, $0x1F;
	v1 =	vor.u32 s2, v33;
	v6 =	vand.u32 v7, v6  }
0x225: {  	s16 =	sld [smem:$0x7D5];
	s9 =	sadd.s32 $0x3F, s10;
	v7 =	vor.u32 s6, v19;
	v53 =	vor.u32 s1, v30;
	v50 =	vor.u32 s19, v0  }
0x226: {  	s10 =	sadd.s32 $0x1, s12;
	s12 =	sadd.s32 $0x1, s14;
	s14 =	sadd.s32 $0x3F, s17;
	v2 =	vor.u32 s4, v39;
	v3 =	vor.u32 s4, v40;
	v5 =	vand.u32 v7, v55  }
0x227: {  	s8 =	sadd.s32 $0x3F, s11;
	s23 =	sadd.s32 $0xFFFFFFC0, s14;
	s11 =	sadd.s32 $0x1, s13;
	v7 =	vand.u32 v57, v56;
	v6 =	vand.u32 v60, v6;
	v1 =	vand.u32 v54, v1  }
0x228: {  	s21 =	sld [smem:$0x7DA];
	s8 =	sadd.s32 $0xFFFFFFC0, s8;
	s30 =	sor.u32 s23, s11;
	v55 =	vor.u32 s0, v31;
	v56 =	vor.u32 s25, v26;
	v59 =	vor.u32 s4, v35  }
0x229: {  	s26 =	sld [smem:$0x7D8];
	s18 =	sor.u32 s8, s10;
	s13 =	sshra.s32 s30, $0x1F;
	v60 =	vor.u32 s5, v9;
	v5 =	vand.u32 v61, v5;
	v7 =	vand.u32 v62, v7  }
0x22a: {  	s20 =	sld [smem:$0x7DC];
	s3 =	sshra.s32 s18, $0x1F;
	v1 =	vand.u32 v55, v1;
	v54 =	vand.u32 v2, v4;
	v2 =	vor.u32 s13, v32  }
0x22b: {  	s0 =	sadd.s32 $0xFFFFFFC0, s9;
	s25 =	sadd.s32 $0x3F, s16;
	s16 =	sadd.s32 $0x1, s21;
	v4 =	vand.u32 v63, v6;
	v43 =	vand.u32 v52, v5;
	v46 =	vand.u32 v53, v7  }
0x22c: {  	s17 =	sadd.s32 $0x3F, s26;
	s0 =	sor.u32 s0, s16;
	v7 =	vor.u32 s2, v24;
	v53 =	vor.u32 s3, v39;
	vm3 =	vlt.u32 v54, $0x7FFFFFFF  }
0x22d: {  	s8 =	sadd.s32 $0xFFFFFFC0, s17;
	s7 =	sshra.s32 s0, $0x1F;
	vm1 =	vlt.u32 v4, $0x7FFFFFFF;
	v57 =	vand.u32 v56, v7;
	v7 =	vor.u32 s2, v11  }
0x22e: {  	s10 =	sadd.s32 $0x1, s20;
	s20 =	sor.u32 s8, s12;
	vm0 =	vlt.u32 v46, $0x7FFFFFFF;
	v61 =	vor.u32 s7, v14;
	vm2 =	vlt.u32 v43, $0x7FFFFFFF  }
0x22f: {  	s24 =	sld [smem:$0x7DB];
	s0 =	sshra.s32 s20, $0x1F;
	v6 =	vor.u32 s7, v13;
	v62 =	vmpcnt.ones.xlane vm1;
	v63 =	vor.u32 s7, v15  }
0x230: {  	s15 =	sld [smem:$0x7D4];
	v51 =	vor.u32 s0, v38;
	v55 =	vor.u32 s0, v36;
	vm5 =	vmmov vm3  }
0x231: {  	v42 =	vor.u32 s0, v31;
	v46 =	vadd.s32 $0x1, v46;
	v5 =	vand.u32 v47, v57  }
0x232: {  	s5 =	sadd.s32 $0x3F, s24;
	v7 =	vand.u32 v58, v7;
	v47 =	vand.u32 v3, v1;
	v3 =	vor.u32 s4, v23  }
0x233: {  	s22 =	sadd.s32 $0x1, s15;
	s5 =	sadd.s32 $0xFFFFFFC0, s5;
	s19 =	sadd.s32 $0xFFFFFFC0, s25;
	v58 =	vor.u32 s0, v37;
	v48 =	vand.u32 v59, v5;
	v1 =	vand.u32 v44, v7  }
0x234: {  	s14 =	sld [smem:$0x7DD];
	s18 =	sor.u32 s5, s10;
	s4 =	sor.u32 s19, s22;
	v7 =	vor.u32 s6, v10;
	(v2sf) =	vpush v62, $0x0;
	vm6 =	vlt.u32 v47, $0x7FFFFFFF  }
0x235: {  	s2 =	sld [smem:$0x7D7];
	s6 =	sshra.s32 s18, $0x1F;
	s23 =	sshra.s32 s4, $0x1F;
	v52 =	vand.u32 v3, v1;
	v1 =	vand.u32 v7, v60;
	v3 =	vor.u32 s31, v12  }
0x236: {  	v7 =	vor.u32 s6, v18;
	v60 =	vor.u32 s6, v20;
	v45 =	vor.u32 s23, v34  }
0x237: {  	s22 =	sadd.s32 $0x3F, s14;
	v59 =	vor.u32 s23, v17;
	vm7 =	vlt.u32 v48, $0x7FFFFFFF;
	v1 =	vand.u32 v3, v1  }
0x238: {  	s5 =	sadd.s32 $0xFFFFFFC0, s22;
	s2 =	sadd.s32 $0x1, s2;
	v3 =	vor.u32 s1, v16;
	v6 =	vand.u32 v7, v6;
	v7 =	vor.u32 s6, v19  }
0x239: {  	s30 =	sld [smem:$0x7D0];
	s2 =	sor.u32 s5, s2;
	v2 =	vand.u32 v45, v2;
	v49 =	vand.u32 v3, v1;
	v1 =	vor.u32 s13, v33  }
0x23a: {  	s31 =	sld [smem:$0x7D9];
	v3 =	vor.u32 s3, v40;
	s15 =	sshra.s32 s2, $0x1F;
	v5 =	vand.u32 v7, v61;
	v7 =	vand.u32 v60, v63  }
0x23b: {  	s21 =	sld [smem:$0x7DE];
	v61 =	vmpcnt.ones.xlane vm2;
	v2 =	vand.u32 v55, v2;
	v62 =	vor.u32 s15, v21  }
0x23c: {  	s17 =	sld [smem:$0x7D1];
	v63 =	vor.u32 s15, v22;
	v60 =	vor.u32 s15, v25;
	vm3 =	vlt.u32 v49, $0x7FFFFFFF  }
0x23d: {  	s29 =	simm.s32 $0x70;
	s25 =	sld [smem:$0x7CF];
	s24 =	sadd.s32 $0x3F, s31;
	v56 =	vand.u32 v62, v6;
	(v2sf) =	vpush v61, $0x0;
	v5 =	vand.u32 v63, v5  }
0x23e: {  	s20 =	sld [smem:$0x7D3];
	s8 =	sadd.s32 $0x1, s21;
	s4 =	sadd.s32 $0xFFFFFFC0, s24;
	v61 =	vmpcnt.ones.xlane vm0;
	v7 =	vand.u32 v60, v7;
	v63 =	vor.u32 s23, v27  }
0x23f: {  	s11 =	simm.s32 $0x30;
	s21 =	sld [smem:$0x7D4];
	v60 =	vmpcnt.ones.xlane vm5;
	s4 =	sor.u32 s4, s8;
	v1 =	vand.u32 v63, v1;
	v63 =	vor.u32 s15, v12  }
0x240: {  	s0 =	sadd.s32 $0x3E, s30;
	s30 =	sld [smem:$0x7D6];
	s10 =	sshra.s32 s4, $0x1F;
	(v2sf) =	vpush v61, $0x0;
	v1 =	vand.u32 v42, v1;
	v61 =	vor.u32 s3, v23  }
0x241: {  	s12 =	simm.s32 $0x4420;
	s14 =	simm.s32 $0xD6A0;
	s19 =	sld [smem:$0x7D9];
	v57 =	vor.u32 s10, v28;
	v6 =	vor.u32 s10, v29;
	v62 =	vor.u32 s10, v30  }
0x242: {  	s0 =	sadd.s32 $0xFFFFFFC0, s0;
	s5 =	simm.s32 $0x0;
	s1 =	sld [smem:$0x7D7];
	v41 =	vand.u32 v3, v1;
	v3 =	vadd.s32 $0x1, v4;
	(v2sf) =	vpush v60, $0x0  }
0x243: {  	s2 =	sadd.s32 $0x3E, s30;
	s30 =	simm.s32 $0x40;
	s31 =	sld [smem:$0x7D2];
	v60 =	vadd.s32 $0x1, v49;
	v45 =	vand.u32 v6, v5;
	v44 =	vand.u32 v62, v7  }
0x244: {  	s2 =	sadd.s32 $0xFFFFFFC0, s2;
	s24 =	simm.s32 $0x10;
	s8 =	simm.s32 $0xC620;
	v6 =	vor.u32 s13, v24;
	v7 =	vor.u32 s23, v26;
	[tilespmem:s12+$0xFFFFFFE0] =	vst v3;
	v3 =	vmpcnt.ones.xlane vm6  }
0x245: {  	s23 =	sadd.s32 $0x3E, s25;
	s25 =	sadd.s32 $0x2, s17;
	v62 =	vmpcnt.ones.xlane vm3;
	s17 =	sld [smem:$0x7DA];
	v55 =	vand.u32 v7, v6;
	v6 =	vor.u32 s3, v35  }
0x246: {  	s1 =	sadd.s32 $0x2, s1;
	s15 =	sadd.s32 $0x2, s20;
	s31 =	sadd.s32 $0x2, s31;
	[tilespmem:s8+$0xFFFFFFE0] =	vst v8;
	v7 =	vor.u32 s7, v9;
	v1 =	vand.u32 v58, v55;
	v58 =	vor.u32 s13, v11  }
0x247: {  	s4 =	simm.s32 $0x5420;
	s31 =	sor.u32 s2, s31;
	s22 =	sadd.s32 $0xFFFFFFC0, s23;
	[tilespmem:s5+$0xC600] =	vst.msk vm1, v50;
	(v2sf) =	vpush v3, $0x0;
	v3 =	vmpcnt.ones.xlane vm7;
	vm1 =	vlt.u32 v52, $0x7FFFFFFF  }
0x248: {  	s0 =	sor.u32 s0, s25;
	s13 =	simm.s32 $0x20;
	v42 =	vand.u32 v6, v1;
	v1 =	vand.u32 v59, v58;
	v6 =	vadd.s32 $0x1, v43;
	s17 =	sadd.s32 $0x2, s17  }
0x249: {  	v5 =	vor.u32 s13, v0;
	s13 =	sld [smem:$0x7D8];
	(v2sf) =	vpush v62, $0x0;
	v1 =	vand.u32 v51, v1;
	[tilespmem:s12+$0xFFFFFFF0] =	vst v6;
	s7 =	sor.u32 s22, s17;
	s23 =	spop (v2sf)  }
0x24a: {  	v55 =	vmpcnt.ones.xlane vm1;
	v43 =	vand.u32 v61, v1;
	v1 =	vor.u32 s24, v0;
	s24 =	sshra.s32 s0, $0x1F;
	[tilespmem:s8+$0xFFFFFFF0] =	vst v8;
	s0 =	sadd.s32 $0x0, s23;
	s23 =	sld [smem:$0x7DB]  }
0x24b: {  	s2 =	sadd.s32 $0x2, s21;
	v4 =	vadd.s32 $0x1, v52;
	s3 =	sld [smem:$0x7D5];
	v58 =	vand.u32 v57, v56;
	s7 =	sshra.s32 s7, $0x1F;
	(v2sf) =	vpush v3, $0x0;
	[tilespmem:s0+$0xC600] =	vst.msk vm2, v1  }
0x24c: {  	v6 =	vor.u32 s6, v10;
	s13 =	sadd.s32 $0x3E, s13;
	[tilespmem:s12+$0x0] =	vst v46;
	v46 =	vor.u32 s30, v0;
	s30 =	sld [smem:$0x7DC];
	s25 =	spop (v2sf);
	(v2sf) =	vpush v55, $0x0  }
0x24d: {  	v6 =	vand.u32 v6, v7;
	v7 =	vadd.s32 $0x1, v47;
	v3 =	vor.u32 s10, v16;
	[tilespmem:s8+$0x0] =	vst v8;
	s10 =	sadd.s32 $0x3E, s23;
	s23 =	sld [smem:$0x7DE];
	s6 =	sadd.s32 s0, s25  }
0x24e: {  	v6 =	vand.u32 v63, v6;
	v47 =	vor.u32 s24, v39;
	v52 =	vor.u32 s24, v40;
	s25 =	sadd.s32 $0x3E, s3;
	s3 =	sshra.s32 s31, $0x1F;
	s31 =	sld [smem:$0x7DD];
	[tilespmem:s6+$0xC600] =	vst.msk vm0, v5  }
0x24f: {  	v61 =	vor.u32 s7, v14;
	v59 =	vor.u32 s7, v15;
	v49 =	vand.u32 v3, v6;
	s22 =	sadd.s32 $0xFFFFFFC0, s10;
	s0 =	sadd.s32 $0x2, s30;
	s21 =	spop (v2sf);
	[tilespmem:s12+$0x10] =	vst v60  }
0x250: {  	v3 =	vadd.s32 $0x1, v48;
	v48 =	vand.u32 v53, v2;
	v55 =	vor.u32 s11, v0;
	s30 =	sadd.s32 $0x3E, s19;
	s19 =	sadd.s32 $0xFFFFFFC0, s13;
	s6 =	sadd.s32 s6, s21;
	[tilespmem:s8+$0x10] =	vst v8  }
0x251: {  	v6 =	vadd.s32 $0x1, v54;
	vm4 =	vlt.u32 v48, $0x7FFFFFFF;
	vm2 =	vlt.u32 v45, $0x7FFFFFFF;
	s11 =	sadd.s32 $0xFFFFFFC0, s25;
	s0 =	sor.u32 s22, s0;
	s25 =	sadd.s32 $0x3E, s31;
	[tilespmem:s6+$0xC600] =	vst.msk vm3, v55  }
0x252: {  	v51 =	vor.u32 s3, v33;
	vm0 =	vlt.u32 v44, $0x7FFFFFFF;
	v2 =	vor.u32 s3, v32;
	s8 =	sshra.s32 s0, $0x1F;
	s31 =	sadd.s32 $0x2, s23;
	s0 =	sadd.s32 $0xFFFFFFC0, s30;
	[tilespmem:s4+$0xFFFFFFE0] =	vst v6  }
0x253: {  	s20 =	sor.u32 s19, s15;
	vm3 =	vlt.u32 v58, $0x7FFFFFFF;
	s12 =	sadd.s32 $0xFFFFFFC0, s25;
	v62 =	vor.u32 s8, v18;
	v60 =	vor.u32 s8, v19;
	s0 =	sor.u32 s0, s31;
	[tilespmem:s14+$0xFFFFFFE0] =	vst v8  }
0x254: {  	s2 =	sor.u32 s11, s2;
	v6 =	vor.u32 s7, v13;
	v63 =	vmpcnt.ones.xlane vm3;
	s1 =	sor.u32 s12, s1;
	v54 =	vand.u32 v60, v61;
	s11 =	sshra.s32 s0, $0x1F;
	[tilespmem:s5+$0xD680] =	vst.msk vm5, v50  }
0x255: {  	s21 =	spop (v2sf);
	s19 =	sshra.s32 s20, $0x1F;
	v61 =	vmpcnt.ones.xlane vm2;
	v6 =	vand.u32 v62, v6;
	s10 =	sshra.s32 s1, $0x1F;
	v56 =	vor.u32 s11, v28;
	[tilespmem:s4+$0xFFFFFFF0] =	vst v7  }
0x256: {  	s28 =	simm.s32 $0x4460;
	s26 =	simm.s32 $0xC660;
	s22 =	sadd.s32 $0x0, s21;
	(v2sf) =	vpush v63, $0x0;
	v62 =	vor.u32 s10, v21;
	v50 =	vor.u32 s19, v38;
	[tilespmem:s14+$0xFFFFFFF0] =	vst v8  }
0x257: {  	s9 =	simm.s32 $0x5460;
	s16 =	simm.s32 $0xD6E0;
	s12 =	sshra.s32 s2, $0x1F;
	v63 =	vor.u32 s11, v29;
	v7 =	vor.u32 s8, v20;
	v53 =	vand.u32 v62, v6;
	[tilespmem:s22+$0xD680] =	vst.msk vm6, v1  }
0x258: {  	s18 =	simm.s32 $0x3D;
	s13 =	simm.s32 $0x2;
	s23 =	spop (v2sf);
	(v2sf) =	vpush v61, $0x0;
	v6 =	vor.u32 s12, v34;
	v61 =	vmpcnt.ones.xlane vm0;
	[tilespmem:s4+$0x0] =	vst v3  }
0x259: {  	s15 =	simm.s32 $0x70;
	s0 =	sadd.s32 s22, s23;
	s25 =	spop (v2sf);
	v7 =	vand.u32 v7, v59;
	v2 =	vand.u32 v6, v2;
	v6 =	vor.u32 s11, v30;
	[tilespmem:s14+$0x0] =	vst v8  }
0x25a: {  	s5 =	simm.s32 $0x44A0;
	s21 =	sadd.s32 s6, s25;
	s30 =	spop (v2sf);
	v59 =	vor.u32 s19, v37;
	v1 =	vor.u32 s10, v22;
	v3 =	vor.u32 s10, v25;
	[tilespmem:s0+$0xD680] =	vst.msk vm7, v5  }
0x25b: {  	s6 =	simm.s32 $0xC6A0;
	s1 =	sadd.s32 s0, s30;
	v1 =	vand.u32 v1, v54;
	v3 =	vand.u32 v3, v7;
	v7 =	vor.u32 s19, v36;
	[tilespmem:s4+$0x10] =	vst v4;
	s31 =	spop (v2sf)  }
0x25c: {  	s22 =	simm.s32 $0xD720;
	v60 =	vand.u32 v63, v1;
	v57 =	vand.u32 v6, v3;
	v54 =	vand.u32 v7, v2;
	s4 =	simm.s32 $0x54A0;
	[tilespmem:s14+$0x10] =	vst v8;
	s14 =	sadd.s32 s1, s31  }
.LBB2_6:
0x25d: {  	[smem:$0x7CD] =	sst s14  }
0x25e: {  	[smem:$0x7CC] =	sst s22  }
0x25f: {  	s0 =	sld [smem:$0x7CF]  }
0x260: {  	s2 =	sld [smem:$0x7D1]  }
0x261: {  	s25 =	sld [smem:$0x7D2]  }
0x262: {  	v2 =	vor.u32 s3, v24;
	s30 =	sld [smem:$0x7D4]  }
0x263: {  	v3 =	vor.u32 s12, v26;
	v62 =	vadd.s32 $0x1, v58;
	v58 =	vor.u32 s8, v10;
	s8 =	sld [smem:$0x7DA]  }
0x264: {  	s31 =	sadd.s32 $0xFFFFFFE0, s15;
	v6 =	vor.u32 s24, v23;
	v2 =	vand.u32 v3, v2;
	v3 =	vor.u32 s24, v35;
	s24 =	sld [smem:$0x7D6]  }
0x265: {  	s29 =	sadd.s32 $0x40, s29;
	(v2sf) =	vpush v61, $0x0;
	v61 =	vor.u32 s31, v0;
	s31 =	sld [smem:$0x7D9];
	s14 =	sadd.s32 $0xFFFFFFFF, s18  }
0x266: {  	s17 =	smov.u32 s16;
	s16 =	smov.u32 s22;
	s22 =	sld [smem:$0x7D0]  }
0x267: {  	s13 =	sadd.s32 $0x1, s13;
	s23 =	sadd.s32 $0xFFFFFFF0, s15;
	[smem:$0x7CE] =	sst s14  }
0x268: {  	s20 =	smov.u32 s18;
	p0 =	sne.s32 s18, $0x1;
	[smem:$0x7CB] =	sst s16  }
0x269: {  	v1 =	vor.u32 s12, v27;
	vm5 =	vmmov vm4;
	v4 =	vor.u32 s19, v31;
	s18 =	smov.u32 s9;
	s0 =	sadd.s32 s20, s0;
	s16 =	sld [smem:$0x7D3]  }
0x26a: {  	v5 =	vor.u32 s12, v17;
	vm6 =	vlt.u32 v41, $0x7FFFFFFF;
	v63 =	vmpcnt.ones.xlane vm5;
	s2 =	sadd.s32 s13, s2;
	s19 =	sadd.s32 s13, s30;
	s8 =	sadd.s32 s13, s8  }
0x26b: {  	[tilespmem:s1+$0xD680] =	vst.msk vm1, v55;
	vm8 =	vlt.u32 v49, $0x7FFFFFFF;
	v55 =	vadd.s32 $0x1, v44;
	v2 =	vand.u32 v59, v2;
	s9 =	sadd.s32 $0xFFFFFFC0, s0;
	s24 =	sadd.s32 s20, s24;
	s1 =	sadd.s32 s20, s22  }
0x26c: {  	v2 =	vand.u32 v3, v2;
	v3 =	vor.u32 s3, v11;
	(v2sf) =	vpush v63, $0x0;
	s22 =	sadd.s32 $0xFFFFFFD0, s29;
	s3 =	sadd.s32 $0xFFFFFFC0, s24;
	s8 =	sor.u32 s9, s8  }
0x26d: {  	v44 =	vmovc v57;
	vm7 =	vlt.u32 v42, $0x7FFFFFFF;
	v57 =	vor.u32 s7, v9;
	v3 =	vand.u32 v5, v3;
	s14 =	sadd.s32 $0xFFFFFFC0, s1;
	s1 =	sadd.s32 s13, s25;
	s25 =	sld [smem:$0x7D5]  }
0x26e: {  	v1 =	vand.u32 v1, v51;
	[tilespmem:s28+$0xFFFFFFE0] =	vst v62;
	v3 =	vand.u32 v50, v3;
	s12 =	sadd.s32 s13, s16;
	v63 =	vor.u32 s22, v0;
	s7 =	sshra.s32 s8, $0x1F;
	s22 =	sld [smem:$0x7CC]  }
0x26f: {  	v1 =	vand.u32 v4, v1;
	[tilespmem:s26+$0xFFFFFFE0] =	vst v8;
	v3 =	vand.u32 v6, v3;
	v6 =	vmpcnt.ones.xlane vm6;
	s2 =	sor.u32 s14, s2;
	s14 =	smov.u32 s6;
	s6 =	smov.u32 s5  }
0x270: {  	v51 =	vadd.s32 $0x1, v45;
	v1 =	vand.u32 v52, v1;
	[tilespmem:s21+$0xC600] =	vst.msk vm3, v46;
	v52 =	vmpcnt.ones.xlane vm8;
	s5 =	smov.u32 s4;
	s1 =	sor.u32 s3, s1;
	s4 =	sshra.s32 s2, $0x1F  }
0x271: {  	vm1 =	vlt.u32 v43, $0x7FFFFFFF;
	[tilespmem:s28+$0xFFFFFFF0] =	vst v51;
	s2 =	sld [smem:$0x7D7];
	s3 =	sshra.s32 s1, $0x1F;
	s16 =	spop (v2sf);
	(v2sf) =	vpush v6, $0x0;
	v6 =	vmpcnt.ones.xlane vm7  }
0x272: {  	v7 =	vadd.s32 $0x1, v49;
	v59 =	vmpcnt.ones.xlane vm1;
	[tilespmem:s26+$0xFFFFFFF0] =	vst v8;
	s30 =	sadd.s32 s20, s25;
	s25 =	sld [smem:$0x7D8];
	s0 =	sadd.s32 s21, s16;
	(v2sf) =	vpush v52, $0x0  }
0x273: {  	v45 =	vmovc v60;
	v60 =	vor.u32 s23, v0;
	v62 =	vor.u32 s10, v12;
	s24 =	smov.u32 s4;
	s4 =	smov.u32 s5;
	[tilespmem:s0+$0xC600] =	vst.msk vm2, v61;
	s5 =	spop (v2sf);
	(v2sf) =	vpush v6, $0x0  }
0x274: {  	v5 =	vand.u32 v58, v57;
	v58 =	vand.u32 v56, v53;
	s22 =	sadd.s32 $0x40, s22;
	s23 =	sadd.s32 $0xFFFFFFC0, s30;
	s30 =	sld [smem:$0x7DE];
	[tilespmem:s28+$0x0] =	vst v55;
	(v2sf) =	vpush v59, $0x0  }
0x275: {  	v5 =	vand.u32 v62, v5;
	vm3 =	vlt.u32 v58, $0x7FFFFFFF;
	v56 =	vor.u32 s7, v15;
	s2 =	sadd.s32 s13, s2;
	s0 =	sadd.s32 s0, s5;
	s5 =	sld [smem:$0x7DB];
	[tilespmem:s26+$0x0] =	vst v8  }
0x276: {  	v51 =	vor.u32 s3, v33;
	s25 =	sadd.s32 s20, s25;
	s16 =	sld [smem:$0x7DC];
	s21 =	sadd.s32 s20, s31;
	v52 =	vor.u32 s24, v40;
	v6 =	vor.u32 s11, v16;
	[tilespmem:s0+$0xC600] =	vst.msk vm0, v60  }
0x277: {  	s10 =	sadd.s32 s13, s30;
	s11 =	sld [smem:$0x7DD];
	vm2 =	vlt.u32 v45, $0x7FFFFFFF;
	v49 =	vand.u32 v6, v5;
	v55 =	vor.u32 s15, v0;
	s30 =	spop (v2sf);
	[tilespmem:s28+$0x10] =	vst v7  }
0x278: {  	v5 =	vadd.s32 $0x1, v42;
	v6 =	vadd.s32 $0x1, v43;
	v42 =	vmovc v2;
	v2 =	vadd.s32 $0x1, v48;
	s1 =	sadd.s32 s0, s30;
	s31 =	sadd.s32 s20, s5;
	s5 =	sadd.s32 $0xFFFFFFC0, s25;
	[tilespmem:s26+$0x10] =	vst v8  }
0x279: {  	v43 =	vmovc v3;
	v3 =	vadd.s32 $0x1, v41;
	v48 =	vand.u32 v47, v54;
	v54 =	vmpcnt.ones.xlane vm3;
	s9 =	sadd.s32 $0xFFFFFFC0, s31;
	s31 =	sor.u32 s5, s12;
	s5 =	sld [smem:$0x7CD];
	[tilespmem:s1+$0xC600] =	vst.msk vm8, v55  }
0x27a: {  	v41 =	vmovc v1;
	v47 =	vor.u32 s24, v39;
	v1 =	vor.u32 s3, v32;
	s16 =	sadd.s32 s13, s16;
	vm4 =	vlt.u32 v48, $0x7FFFFFFF;
	s25 =	sadd.s32 s20, s11;
	s26 =	sor.u32 s23, s19;
	[tilespmem:s18+$0xFFFFFFE0] =	vst v2  }
0x27b: {  	vm0 =	vlt.u32 v44, $0x7FFFFFFF;
	v7 =	vor.u32 s7, v14;
	s15 =	sor.u32 s9, s16;
	s19 =	sshra.s32 s31, $0x1F;
	s9 =	spop (v2sf);
	(v2sf) =	vpush v54, $0x0;
	[tilespmem:s17+$0xFFFFFFE0] =	vst v8  }
0x27c: {  	s28 =	smov.u32 s6;
	s30 =	sadd.s32 $0xFFFFFFC0, s25;
	s12 =	sshra.s32 s26, $0x1F;
	v54 =	vmpcnt.ones.xlane vm2;
	v2 =	vor.u32 s7, v13;
	v50 =	vor.u32 s19, v38;
	[tilespmem:s5+$0xD680] =	vst.msk vm5, v46  }
0x27d: {  	s20 =	sadd.s32 $0xFFFFFFC0, s21;
	s0 =	sor.u32 s30, s2;
	s8 =	sshra.s32 s15, $0x1F;
	v4 =	vor.u32 s12, v34;
	v62 =	vor.u32 s19, v36;
	v59 =	vor.u32 s19, v37;
	[tilespmem:s18+$0xFFFFFFF0] =	vst v3  }
0x27e: {  	s21 =	sor.u32 s20, s10;
	s10 =	sshra.s32 s0, $0x1F;
	v53 =	vor.u32 s8, v18;
	v57 =	vor.u32 s8, v20;
	s2 =	sadd.s32 s5, s9;
	v1 =	vand.u32 v4, v1;
	[tilespmem:s17+$0xFFFFFFF0] =	vst v8  }
0x27f: {  	s16 =	sld [smem:$0x7CB];
	s26 =	smov.u32 s14;
	s11 =	sshra.s32 s21, $0x1F;
	v46 =	vmovc v63;
	v2 =	vand.u32 v53, v2;
	v53 =	vor.u32 s10, v21;
	v63 =	vor.u32 s10, v25;
	[tilespmem:s2+$0xD680] =	vst.msk vm6, v61  }
.Ltmp2:
0x280: {  	s15 =	smov.u32 s29;
	v3 =	vor.u32 s8, v19;
	v53 =	vand.u32 v53, v2;
	v2 =	vor.u32 s11, v30;
	s23 =	spop (v2sf);
	[tilespmem:s18+$0x0] =	vst v5;
	(pc) =	sbr.rel @p0 .LBB2_6-.Ltmp2, $4  }
0x281: {  	s9 =	smov.u32 s4;
	v3 =	vand.u32 v3, v7;
	v7 =	vand.u32 v57, v56;
	v57 =	vor.u32 s10, v22;
	s0 =	sadd.s32 s2, s23;
	s25 =	spop (v2sf);
	[tilespmem:s17+$0x0] =	vst v8  }
0x282: {  	s4 =	sadd.s32 $0x40, s4;
	s5 =	sadd.s32 $0x40, s6;
	v56 =	vor.u32 s11, v28;
	v61 =	vmpcnt.ones.xlane vm0;
	v7 =	vand.u32 v63, v7;
	[tilespmem:s0+$0xD680] =	vst.msk vm7, v60;
	s30 =	spop (v2sf)  }
0x283: {  	v3 =	vand.u32 v57, v3;
	v5 =	vor.u32 s11, v29;
	v57 =	vand.u32 v2, v7;
	s21 =	sadd.s32 s1, s25;
	s1 =	sadd.s32 s0, s30;
	[tilespmem:s18+$0x10] =	vst v6;
	s31 =	spop (v2sf)  }
0x284: {  	s6 =	sadd.s32 $0x40, s14;
	(v2sf) =	vpush v54, $0x0;
	v54 =	vand.u32 v62, v1;
	v60 =	vand.u32 v5, v3;
	s18 =	sld [smem:$0x7CE];
	[tilespmem:s17+$0x10] =	vst v8;
	s14 =	sadd.s32 s1, s31  }
0x285: {  	_ =	sdelay $0x1  }
0x286: {  	(v2sf) =	vpush v61, $0x0;
	_ =	sdelay $0x2  }
0x287: {  	vm6 =	vmmov vm4  }
0x288: {  	v1 =	vmpcnt.ones.xlane vm6  }
0x289: {  	[tilespmem:s1+$0xD680] =	vst.msk vm1, v55;
	v2 =	vadd.s32 $0x1, v58  }
0x28a: {  	vm4 =	vlt.u32 v41, $0x7FFFFFFF;
	[tilespmem:s28+$0xFFFFFFE0] =	vst v2;
	(v2sf) =	vpush v1, $0x0  }
0x28b: {  	[tilespmem:s26+$0xFFFFFFE0] =	vst v8;
	v1 =	vmpcnt.ones.xlane vm4  }
0x28c: {  	vm1 =	vlt.u32 v49, $0x7FFFFFFF;
	v2 =	vadd.s32 $0x1, v45;
	[tilespmem:s21+$0xC600] =	vst.msk vm3, v46  }
0x28d: {  	s0 =	sadd.s32 $0xFFFFFFE0, s15;
	v3 =	vmpcnt.ones.xlane vm1;
	vm3 =	vlt.u32 v42, $0x7FFFFFFF;
	[tilespmem:s28+$0xFFFFFFF0] =	vst v2;
	s20 =	spop (v2sf);
	(v2sf) =	vpush v1, $0x0  }
0x28e: {  	v2 =	vmpcnt.ones.xlane vm3;
	v1 =	vor.u32 s0, v0;
	[tilespmem:s26+$0xFFFFFFF0] =	vst v8;
	s21 =	sadd.s32 s21, s20  }
0x28f: {  	v4 =	vadd.s32 $0x1, v44;
	(v2sf) =	vpush v3, $0x0;
	[tilespmem:s21+$0xC600] =	vst.msk vm2, v1  }
0x290: {  	s23 =	sadd.s32 $0xFFFFFFF0, s15;
	(v2sf) =	vpush v2, $0x0;
	[tilespmem:s28+$0x0] =	vst v4;
	s2 =	spop (v2sf)  }
0x291: {  	v2 =	vor.u32 s23, v0;
	[tilespmem:s26+$0x0] =	vst v8;
	s0 =	sadd.s32 s21, s2  }
0x292: {  	vm5 =	vlt.u32 v43, $0x7FFFFFFF;
	v38 =	vand.u32 v56, v53;
	v3 =	vadd.s32 $0x1, v49;
	[tilespmem:s0+$0xC600] =	vst.msk vm0, v2  }
0x293: {  	v5 =	vmpcnt.ones.xlane vm5;
	vm2 =	vlt.u32 v38, $0x7FFFFFFF;
	s25 =	spop (v2sf);
	[tilespmem:s28+$0x10] =	vst v3  }
0x294: {  	v6 =	vmpcnt.ones.xlane vm2;
	s0 =	sadd.s32 s0, s25;
	v3 =	vor.u32 s15, v0;
	[tilespmem:s26+$0x10] =	vst v8  }
0x295: {  	v39 =	vadd.s32 $0x1, v48;
	(v2sf) =	vpush v5, $0x0;
	[tilespmem:s0+$0xC600] =	vst.msk vm1, v3  }
0x296: {  	(v2sf) =	vpush v6, $0x0;
	vm1 =	vlt.u32 v60, $0x7FFFFFFF;
	[tilespmem:s9+$0xFFFFFFE0] =	vst v39  }
0x297: {  	v40 =	vmpcnt.ones.xlane vm1;
	[tilespmem:s16+$0xFFFFFFE0] =	vst v8  }
0x298: {  	v6 =	vadd.s32 $0x1, v41;
	[tilespmem:s14+$0xD680] =	vst.msk vm6, v46  }
0x299: {  	v41 =	vor.u32 s12, v27;
	vm0 =	vlt.u32 v57, $0x7FFFFFFF;
	s26 =	spop (v2sf);
	(v2sf) =	vpush v40, $0x0;
	[tilespmem:s9+$0xFFFFFFF0] =	vst v6  }
0x29a: {  	v13 =	vor.u32 s19, v31;
	v5 =	vand.u32 v41, v51;
	v7 =	vmpcnt.ones.xlane vm0;
	s1 =	sadd.s32 s14, s26;
	[tilespmem:s16+$0xFFFFFFF0] =	vst v8  }
0x29b: {  	v14 =	vadd.s32 $0x1, v42;
	v5 =	vand.u32 v13, v5;
	[tilespmem:s1+$0xD680] =	vst.msk vm4, v1  }
0x29c: {  	v13 =	vadd.s32 $0x1, v43;
	v43 =	vor.u32 s11, v16;
	s31 =	spop (v2sf);
	(v2sf) =	vpush v7, $0x0;
	[tilespmem:s9+$0x0] =	vst v14  }
0x29d: {  	v6 =	vor.u32 s3, v24;
	v7 =	vand.u32 v47, v54;
	v1 =	vor.u32 s12, v26;
	s1 =	sadd.s32 s1, s31;
	[tilespmem:s16+$0x0] =	vst v8  }
0x29e: {  	v5 =	vand.u32 v52, v5;
	s13 =	spop (v2sf);
	vm4 =	vlt.u32 v7, $0x7FFFFFFF;
	v1 =	vand.u32 v1, v6;
	[tilespmem:s1+$0xD680] =	vst.msk vm3, v2  }
0x29f: {  	s14 =	spop (v2sf);
	v6 =	vor.u32 s24, v35;
	v1 =	vand.u32 v59, v1;
	vm3 =	vmmov vm4;
	[tilespmem:s9+$0x10] =	vst v13  }
0x2a0: {  	v2 =	vor.u32 s7, v9;
	v9 =	vor.u32 s8, v10;
	s1 =	sadd.s32 s1, s14;
	v10 =	vmpcnt.ones.xlane vm3;
	[tilespmem:s16+$0x10] =	vst v8  }
0x2a1: {  	s15 =	sadd.s32 $0x40, s29;
	v2 =	vand.u32 v9, v2;
	v9 =	vor.u32 s10, v12;
	[tilespmem:s1+$0xD680] =	vst.msk vm5, v3;
	v3 =	vadd.s32 $0x1, v38  }
0x2a2: {  	vm4 =	vlt.u32 v5, $0x7FFFFFFF;
	v2 =	vand.u32 v9, v2;
	s16 =	sadd.s32 $0xFFFFFFD0, s15;
	(v2sf) =	vpush v10, $0x0;
	[tilespmem:s5+$0xFFFFFFE0] =	vst v3  }
0x2a3: {  	s0 =	sadd.s32 s0, s13;
	v44 =	vmpcnt.ones.xlane vm4;
	v2 =	vand.u32 v43, v2;
	v3 =	vor.u32 s16, v0;
	[tilespmem:s6+$0xFFFFFFE0] =	vst v8  }
0x2a4: {  	s17 =	spop (v2sf);
	v1 =	vand.u32 v6, v1;
	v6 =	vadd.s32 $0x1, v60;
	vm5 =	vlt.u32 v2, $0x7FFFFFFF;
	[tilespmem:s0+$0xC600] =	vst.msk vm2, v3  }
0x2a5: {  	s18 =	sadd.s32 $0xFFFFFFE0, s15;
	s19 =	spop (v2sf);
	(v2sf) =	vpush v44, $0x0;
	v9 =	vmpcnt.ones.xlane vm5;
	vm2 =	vlt.u32 v1, $0x7FFFFFFF;
	[tilespmem:s5+$0xFFFFFFF0] =	vst v6  }
0x2a6: {  	v45 =	vor.u32 s18, v0;
	s0 =	sadd.s32 s0, s19;
	v6 =	vmpcnt.ones.xlane vm2;
	[tilespmem:s6+$0xFFFFFFF0] =	vst v8  }
0x2a7: {  	v10 =	vadd.s32 $0x1, v57;
	(v2sf) =	vpush v9, $0x0;
	[tilespmem:s0+$0xC600] =	vst.msk vm1, v45  }
0x2a8: {  	s20 =	sadd.s32 $0xFFFFFFF0, s15;
	s21 =	spop (v2sf);
	(v2sf) =	vpush v6, $0x0;
	[tilespmem:s5+$0x0] =	vst v10  }
0x2a9: {  	v6 =	vor.u32 s20, v0;
	s0 =	sadd.s32 s0, s21;
	[tilespmem:s6+$0x0] =	vst v8  }
0x2aa: {  	v2 =	vadd.s32 $0x1, v2;
	[tilespmem:s0+$0xC600] =	vst.msk vm0, v6  }
0x2ab: {  	s23 =	spop (v2sf);
	[tilespmem:s5+$0x10] =	vst v2  }
0x2ac: {  	s0 =	sadd.s32 s0, s23;
	v2 =	vor.u32 s15, v0;
	[tilespmem:s6+$0x10] =	vst v8  }
0x2ad: {  	v7 =	vadd.s32 $0x1, v7;
	[tilespmem:s0+$0xC600] =	vst.msk vm5, v2  }
0x2ae: {  	[tilespmem:s4+$0xFFFFFFE0] =	vst v7  }
0x2af: {  	s25 =	sadd.s32 s1, s17;
	[tilespmem:s22+$0xFFFFFFE0] =	vst v8  }
0x2b0: {  	v5 =	vadd.s32 $0x1, v5;
	[tilespmem:s25+$0xD680] =	vst.msk vm3, v3  }
0x2b1: {  	s26 =	spop (v2sf);
	[tilespmem:s4+$0xFFFFFFF0] =	vst v5  }
0x2b2: {  	v46 =	vor.u32 s12, v17;
	v3 =	vor.u32 s3, v11;
	s0 =	sadd.s32 s25, s26;
	[tilespmem:s22+$0xFFFFFFF0] =	vst v8  }
0x2b3: {  	v1 =	vadd.s32 $0x1, v1;
	v3 =	vand.u32 v46, v3;
	[tilespmem:s0+$0xD680] =	vst.msk vm4, v45  }
0x2b4: {  	v47 =	vor.u32 s24, v23;
	s31 =	spop (v2sf);
	v3 =	vand.u32 v50, v3;
	[tilespmem:s4+$0x0] =	vst v1  }
0x2b5: {  	s0 =	sadd.s32 s0, s31;
	v1 =	vand.u32 v47, v3;
	[tilespmem:s22+$0x0] =	vst v8  }
0x2b6: {  	s2 =	spop (v2sf);
	v3 =	vadd.s32 $0x1, v1;
	[tilespmem:s0+$0xD680] =	vst.msk vm2, v6  }
0x2b7: {  	s3 =	sld [smem:$0x7F5];
	s1 =	spop (v2sf);
	[tilespmem:s4+$0x10] =	vst v3  }
0x2b8: {  	s7 =	sld [smem:$0x7F6];
	vm0 =	vlt.u32 v1, $0x7FFFFFFF;
	s0 =	sadd.s32 s0, s1;
	[tilespmem:s22+$0x10] =	vst v8  }
0x2b9: {  	s5 =	simm.s32 $0x400;
	s6 =	simm.s32 $0x4400;
	s4 =	simm.s32 $0x80;
	[tilespmem:s0+$0xD680] =	vst.msk vm0, v2  }
0x2ba: {  	[hbm4b:s3+s4] =	stream.strided.scatter [tilespmem:s6], [sflag:$0x1], $0x1000, s5, s4, $0x38;
	[tilespmem:$0x10800] =	vst v63  }
0x2bb: {  	s8 =	simm.s32 $0xC600;
	s9 =	sld [smem:$0x7F7]  }
0x2bc: {  	[hbm4b:s7+s4] =	stream.strided.scatter [tilespmem:s8], [sflag:$0x2], $0x1000, s5, s4, $0x38;
	[tilespmem:$0x10800] =	vst v63  }
0x2bd: {  	s11 =	sld [smem:$0x7F8];
	s10 =	simm.s32 $0x5400  }
0x2be: {  	[hbm4b:s9+s4] =	stream.strided.scatter [tilespmem:s10], [sflag:$0x1], $0x1000, s5, s4, $0x38;
	[tilespmem:$0x10800] =	vst v63  }
0x2bf: {  	s12 =	simm.s32 $0xD680  }
0x2c0: {  	[hbm4b:s11+s4] =	stream.strided.scatter [tilespmem:s12], [sflag:$0x2], $0x1000, s5, s4, $0x38;
	[tilespmem:$0x10800] =	vst v63  }
0x2c1: {  	v1 =	vld [tilespmem:$0x300];
	_ =	sdelay $0x1  }
0x2c2: {  	v34 =	vld [tilespmem:$0x1FFE0];
	v2 =	vmpcnt.ones.xlane vm0  }
0x2c3: {  	v42 =	vld [tilespmem:$0x1FFB0]  }
0x2c4: {  	v41 =	vld [tilespmem:$0x1FFA0];
	(v2sf) =	vpush v2, $0x0  }
0x2c5: {  	v27 =	vld [tilespmem:$0x380];
	(v2sf) =	vpush v1, $0x4  }
0x2c6: {  	v40 =	vld [tilespmem:$0x1FF90];
	(v2sf) =	vpush v1, $0x5  }
0x2c7: {  	v43 =	vld [tilespmem:$0x1FFC0]  }
0x2c8: {  	v44 =	vld [tilespmem:$0x1FFD0];
	(v2sf) =	vpush v1, $0x6  }
0x2c9: {  	v45 =	vld [tilespmem:$0x1FFF0];
	v2 =	vbroadcast v1, $0x8;
	v3 =	vbroadcast v1, $0xC;
	(v2sf) =	vpush v1, $0x7  }
0x2ca: {  	v7 =	vbroadcast v1, $0xD;
	(v2sf) =	vpush v27, $0x4  }
0x2cb: {  	v48 =	vsub.s32 v0, v2;
	v49 =	vadd.s32 v34, v3;
	v50 =	vsub.s32 v40, v2  }
0x2cc: {  	v52 =	vsub.s32 v42, v2;
	v6 =	vadd.s32 v43, v3;
	(v2sf) =	vpush v27, $0x5  }
0x2cd: {  	v51 =	vadd.s32 v41, v3;
	v5 =	vor.u32 v6, v52;
	v6 =	vbroadcast v1, $0x9  }
0x2ce: {  	v2 =	vsub.s32 v44, v2;
	v3 =	vadd.s32 v45, v3;
	(v2sf) =	vpush v27, $0x6  }
0x2cf: {  	v54 =	vadd.s32 v34, v7;
	v2 =	vor.u32 v3, v2;
	v53 =	vsub.s32 v0, v6  }
0x2d0: {  	v9 =	vshra.s32 v2, $0x1F;
	v3 =	vor.u32 v54, v53;
	(v2sf) =	vpush v27, $0x7  }
0x2d1: {  	v2 =	vsub.s32 v40, v6;
	v17 =	vshra.s32 v3, $0x1F;
	v3 =	vadd.s32 v41, v7  }
0x2d2: {  	v2 =	vor.u32 v3, v2;
	v3 =	vsub.s32 $0x0, v27  }
0x2d3: {  	s13 =	spop (v2sf);
	(v2sf) =	vpush v3, $0x3  }
0x2d4: {  	v57 =	vbroadcast v1, $0xE;
	(v2sf) =	vpush v3, $0x2;
	s0 =	spop (v2sf)  }
0x2d5: {  	v60 =	vbroadcast v1, $0xB;
	v63 =	vbroadcast v27, $0xC;
	s14 =	spop (v2sf);
	[smem:$0x7BB] =	sst s0  }
0x2d6: {  	v37 =	vbroadcast v27, $0xD;
	v46 =	vbroadcast v27, $0xE;
	v56 =	vadd.s32 v43, v7;
	[smem:$0x7C7] =	sst s14  }
0x2d7: {  	v10 =	vadd.s32 v34, v57;
	v12 =	vadd.s32 v41, v57;
	(v2sf) =	vpush v3, $0x1;
	s15 =	spop (v2sf);
	s2 =	sld [smem:$0x7BB]  }
0x2d8: {  	v59 =	vadd.s32 v43, v57;
	v62 =	vsub.s32 v40, v60;
	v35 =	vadd.s32 v34, v63;
	s16 =	spop (v2sf);
	[smem:$0x7C9] =	sst s15  }
0x2d9: {  	v38 =	vadd.s32 v34, v37;
	v55 =	vsub.s32 v42, v6;
	(v2sf) =	vpush v3, $0x0;
	s17 =	spop (v2sf);
	[smem:$0x7C5] =	sst s16  }
0x2da: {  	v18 =	vshra.s32 v2, $0x1F;
	v2 =	vor.u32 v56, v55;
	v3 =	vsub.s32 $0x0, v1;
	[smem:$0x7C2] =	sst s17  }
0x2db: {  	v19 =	vshra.s32 v2, $0x1F;
	v2 =	vbroadcast v1, $0xA;
	(v2sf) =	vpush v3, $0x0;
	s18 =	spop (v2sf);
	s16 =	sld [smem:$0x7C5]  }
0x2dc: {  	v15 =	vshra.s32 v5, $0x1F;
	v58 =	vsub.s32 v44, v6;
	v6 =	vadd.s32 v45, v7;
	[smem:$0x7C1] =	sst s18  }
0x2dd: {  	v5 =	vor.u32 v6, v58;
	v7 =	vsub.s32 v0, v2;
	(v2sf) =	vpush v3, $0x1;
	s19 =	spop (v2sf);
	s9 =	sld [smem:$0x7C2]  }
0x2de: {  	v6 =	vor.u32 v10, v7;
	v7 =	vsub.s32 v40, v2;
	(v2sf) =	vpush v3, $0x2;
	[smem:$0x7C4] =	sst s19  }
0x2df: {  	v47 =	vadd.s32 v34, v46;
	(v2sf) =	vpush v3, $0x3;
	v3 =	vor.u32 v12, v7;
	s20 =	spop (v2sf);
	s8 =	sld [smem:$0x7C1]  }
0x2e0: {  	v4 =	vor.u32 v49, v48;
	v22 =	vshra.s32 v3, $0x1F;
	v3 =	vsub.s32 v42, v2;
	[smem:$0x7BC] =	sst s20  }
0x2e1: {  	v11 =	vshra.s32 v4, $0x1F;
	v1 =	vbroadcast v1, $0xF;
	v3 =	vor.u32 v59, v3;
	s12 =	sld [smem:$0x7C4]  }
0x2e2: {  	v2 =	vsub.s32 v44, v2;
	v24 =	vshra.s32 v3, $0x1F;
	v3 =	vadd.s32 v45, v57;
	s21 =	spop (v2sf);
	s3 =	sld [smem:$0x7BC]  }
0x2e3: {  	v61 =	vadd.s32 v34, v1;
	v2 =	vor.u32 v3, v2;
	v3 =	vsub.s32 v0, v60;
	s22 =	spop (v2sf);
	[smem:$0x7BD] =	sst s21  }
0x2e4: {  	v21 =	vshra.s32 v6, $0x1F;
	v6 =	vadd.s32 v41, v1;
	v3 =	vor.u32 v61, v3;
	[smem:$0x7BF] =	sst s22  }
0x2e5: {  	v12 =	vshra.s32 v2, $0x1F;
	v2 =	vor.u32 v6, v62;
	v28 =	vshra.s32 v3, $0x1F;
	s4 =	sld [smem:$0x7BD]  }
0x2e6: {  	v29 =	vshra.s32 v2, $0x1F;
	v2 =	vsub.s32 v42, v60;
	v3 =	vadd.s32 v43, v1;
	s23 =	spop (v2sf);
	s22 =	sld [smem:$0x7C7]  }
0x2e7: {  	v4 =	vor.u32 v51, v50;
	v2 =	vor.u32 v3, v2;
	v3 =	vbroadcast v27, $0x8;
	[smem:$0x7C0] =	sst s23  }
0x2e8: {  	v1 =	vadd.s32 v45, v1;
	v30 =	vshra.s32 v2, $0x1F;
	v2 =	vsub.s32 v44, v60;
	s24 =	spop (v2sf);
	s6 =	sld [smem:$0x7BF]  }
0x2e9: {  	v14 =	vshra.s32 v4, $0x1F;
	v1 =	vor.u32 v1, v2;
	v2 =	vsub.s32 v0, v3;
	[smem:$0x7BE] =	sst s24  }
0x2ea: {  	v6 =	vadd.s32 v41, v63;
	v36 =	vsub.s32 v40, v3;
	v2 =	vor.u32 v35, v2;
	s25 =	spop (v2sf);
	s7 =	sld [smem:$0x7C0]  }
0x2eb: {  	v16 =	vshra.s32 v1, $0x1F;
	v1 =	vor.u32 v6, v36;
	v32 =	vshra.s32 v2, $0x1F;
	[smem:$0x7C6] =	sst s25  }
0x2ec: {  	v33 =	vshra.s32 v1, $0x1F;
	v1 =	vsub.s32 v42, v3;
	v2 =	vadd.s32 v43, v63;
	s5 =	sld [smem:$0x7BE]  }
0x2ed: {  	v4 =	vadd.s32 v45, v46;
	s0 =	sadd.s32 $0x40, s2;
	v1 =	vor.u32 v2, v1;
	v2 =	vbroadcast v27, $0x9;
	s26 =	spop (v2sf);
	s25 =	sld [smem:$0x7C9]  }
0x2ee: {  	s0 =	sadd.s32 $0xFFFFFFC0, s0;
	v23 =	vshra.s32 v1, $0x1F;
	v1 =	vsub.s32 v44, v3;
	v3 =	vadd.s32 v45, v63;
	[smem:$0x7C8] =	sst s26  }
0x2ef: {  	v10 =	vshra.s32 v5, $0x1F;
	s17 =	sadd.s32 $0x40, s8;
	s31 =	spop (v2sf);
	v1 =	vor.u32 v3, v1;
	v3 =	vsub.s32 v0, v2;
	s19 =	sld [smem:$0x7C6]  }
0x2f0: {  	v6 =	vadd.s32 v41, v37;
	s20 =	sadd.s32 $0xFFFFFFC0, s17;
	s23 =	sadd.s32 $0x40, s16;
	v39 =	vsub.s32 v40, v2;
	[smem:$0x7C3] =	sst s31;
	v3 =	vor.u32 v38, v3  }
0x2f1: {  	s2 =	sadd.s32 $0x0, s4;
	s1 =	spop (v2sf);
	v13 =	vshra.s32 v1, $0x1F;
	v1 =	vor.u32 v6, v39;
	s18 =	sld [smem:$0x7C8];
	v35 =	vshra.s32 v3, $0x1F  }
0x2f2: {  	s14 =	sadd.s32 $0x0, s6;
	s26 =	sadd.s32 $0x40, s12;
	[smem:$0x7CA] =	sst s1;
	v26 =	vshra.s32 v1, $0x1F;
	v1 =	vsub.s32 v42, v2;
	v3 =	vadd.s32 v43, v37  }
0x2f3: {  	v6 =	vadd.s32 v41, v46;
	s1 =	sadd.s32 $0x40, s3;
	s11 =	sadd.s32 $0x0, s5;
	s5 =	sadd.s32 $0x0, s7;
	v1 =	vor.u32 v3, v1;
	v3 =	vbroadcast v27, $0xA  }
0x2f4: {  	s10 =	sld [smem:$0x7C3];
	s7 =	sadd.s32 $0x40, s9;
	s5 =	sor.u32 s20, s5;
	v25 =	vshra.s32 v1, $0x1F;
	v1 =	vsub.s32 v44, v2;
	v2 =	vadd.s32 v45, v37  }
0x2f5: {  	s1 =	sadd.s32 $0xFFFFFFC0, s1;
	s21 =	sadd.s32 $0xFFFFFFC0, s7;
	s5 =	sshra.s32 s5, $0x1F;
	v1 =	vor.u32 v2, v1;
	v2 =	vsub.s32 v0, v3;
	v48 =	vsub.s32 v40, v3  }
0x2f6: {  	s31 =	sadd.s32 $0x0, s19;
	s7 =	sadd.s32 $0x40, s22;
	s24 =	sor.u32 s21, s11;
	v49 =	vsub.s32 v42, v3;
	v3 =	vsub.s32 v44, v3;
	v58 =	vor.u32 s5, v35  }
0x2f7: {  	s1 =	sor.u32 s1, s2;
	s0 =	sor.u32 s0, s31;
	s2 =	sshra.s32 s24, $0x1F;
	v2 =	vor.u32 v47, v2;
	v20 =	vshra.s32 v1, $0x1F;
	v1 =	vor.u32 v6, v48  }
0x2f8: {  	s6 =	sadd.s32 $0x0, s18;
	s7 =	sadd.s32 $0xFFFFFFC0, s7;
	s4 =	sshra.s32 s0, $0x1F;
	v6 =	vadd.s32 v43, v46;
	v3 =	vor.u32 v4, v3;
	v54 =	vor.u32 s2, v32  }
0x2f9: {  	s16 =	sadd.s32 $0x40, s25;
	s11 =	sadd.s32 $0xFFFFFFC0, s26;
	s15 =	sor.u32 s7, s6;
	v55 =	vor.u32 s4, v14;
	v56 =	vor.u32 s4, v15;
	v36 =	vshra.s32 v2, $0x1F  }
0x2fa: {  	s18 =	sadd.s32 $0xFFFFFFC0, s16;
	s8 =	sadd.s32 $0x0, s10;
	s6 =	sshra.s32 s15, $0x1F;
	v31 =	vshra.s32 v1, $0x1F;
	v1 =	vbroadcast v27, $0xB;
	v2 =	vbroadcast v27, $0xF  }
0x2fb: {  	s3 =	sshra.s32 s1, $0x1F;
	s17 =	sor.u32 s11, s14;
	s1 =	sor.u32 s18, s8;
	v5 =	vor.u32 v6, v49;
	v38 =	vshra.s32 v3, $0x1F;
	v57 =	vor.u32 s6, v19  }
0x2fc: {  	s13 =	sld [smem:$0x7CA];
	s0 =	sshra.s32 s17, $0x1F;
	s7 =	sshra.s32 s1, $0x1F;
	v4 =	vand.u32 v58, v54;
	v54 =	vor.u32 s5, v26;
	v58 =	vor.u32 s5, v20  }
0x2fd: {  	v37 =	vshra.s32 v5, $0x1F;
	v59 =	vor.u32 s0, v36;
	v60 =	vor.u32 s7, v21  }
0x2fe: {  	v61 =	vor.u32 s7, v22;
	v62 =	vor.u32 s7, v24;
	v7 =	vsub.s32 v0, v1  }
0x2ff: {  	s20 =	sadd.s32 $0xFFFFFFC0, s23;
	s19 =	sadd.s32 $0x0, s13;
	v27 =	vadd.s32 v34, v2;
	v3 =	vsub.s32 v40, v1;
	v51 =	vadd.s32 v41, v2  }
0x300: {  	s8 =	sor.u32 s20, s19;
	v52 =	vsub.s32 v42, v1;
	v6 =	vadd.s32 v43, v2;
	v1 =	vsub.s32 v44, v1  }
0x301: {  	s1 =	sshra.s32 s8, $0x1F;
	v2 =	vadd.s32 v45, v2;
	v44 =	vor.u32 s0, v38;
	v47 =	vor.u32 s0, v37  }
0x302: {  	v63 =	vor.u32 s1, v28;
	v4 =	vand.u32 v59, v4;
	v50 =	vor.u32 v27, v7  }
0x303: {  	s25 =	sld [smem:$0x7BF];
	v3 =	vor.u32 v51, v3;
	v53 =	vor.u32 v6, v52;
	v1 =	vor.u32 v2, v1  }
0x304: {  	s21 =	sld [smem:$0x7BB];
	v6 =	vor.u32 s4, v11;
	v7 =	vor.u32 s6, v17;
	v52 =	vor.u32 s1, v29  }
0x305: {  	s15 =	sld [smem:$0x7C2];
	v39 =	vshra.s32 v50, $0x1F;
	v40 =	vshra.s32 v3, $0x1F;
	v34 =	vshra.s32 v53, $0x1F  }
0x306: {  	s24 =	sld [smem:$0x7BE];
	v27 =	vshra.s32 v1, $0x1F;
	v1 =	vor.u32 s2, v33;
	v6 =	vand.u32 v7, v6  }
0x307: {  	s22 =	sld [smem:$0x7BC];
	v7 =	vor.u32 s6, v18;
	v53 =	vor.u32 s1, v30;
	v2 =	vor.u32 s3, v39  }
0x308: {  	s23 =	sld [smem:$0x7BD];
	s14 =	sadd.s32 $0x3F, s15;
	v3 =	vor.u32 s3, v40;
	v5 =	vand.u32 v7, v55;
	v7 =	vand.u32 v57, v56  }
0x309: {  	s9 =	sadd.s32 $0x3F, s21;
	s11 =	sadd.s32 $0x1, s24;
	s21 =	sadd.s32 $0xFFFFFFC0, s14;
	v6 =	vand.u32 v60, v6;
	v1 =	vand.u32 v54, v1;
	v55 =	vor.u32 s0, v31  }
0x30a: {  	s12 =	sadd.s32 $0x1, s25;
	s8 =	sadd.s32 $0x3F, s22;
	s25 =	sor.u32 s21, s11;
	v56 =	vor.u32 s5, v25;
	v59 =	vor.u32 s3, v34;
	v60 =	vor.u32 s4, v9  }
0x30b: {  	s10 =	sadd.s32 $0x1, s23;
	s8 =	sadd.s32 $0xFFFFFFC0, s8;
	s13 =	sshra.s32 s25, $0x1F;
	v5 =	vand.u32 v61, v5;
	v7 =	vand.u32 v62, v7;
	v1 =	vand.u32 v55, v1  }
0x30c: {  	s26 =	sld [smem:$0x7C0];
	s16 =	sor.u32 s8, s10;
	v54 =	vand.u32 v2, v4;
	v2 =	vor.u32 s13, v32;
	v4 =	vand.u32 v63, v6  }
0x30d: {  	s31 =	sld [smem:$0x7C1];
	s17 =	simm.s32 $0x0;
	s5 =	sshra.s32 s16, $0x1F;
	v43 =	vand.u32 v52, v5;
	v46 =	vand.u32 v53, v7;
	v7 =	vor.u32 s2, v23  }
0x30e: {  	s22 =	sld [smem:$0x7C7];
	v52 =	vor.u32 s17, v0;
	v53 =	vor.u32 s5, v39;
	vm3 =	vlt.u32 v54, $0x7FFFFFFF  }
0x30f: {  	s18 =	sld [smem:$0x7C8];
	vm1 =	vlt.u32 v4, $0x7FFFFFFF;
	v57 =	vand.u32 v56, v7;
	v7 =	vor.u32 s2, v13  }
0x310: {  	s19 =	sld [smem:$0x7C6];
	vm0 =	vlt.u32 v46, $0x7FFFFFFF;
	vm2 =	vlt.u32 v43, $0x7FFFFFFF;
	v62 =	vmpcnt.ones.xlane vm1  }
0x311: {  	s20 =	sadd.s32 $0x1, s26;
	s23 =	sadd.s32 $0x3F, s31;
	s4 =	sadd.s32 $0x3F, s22;
	vm5 =	vmmov vm3;
	v46 =	vadd.s32 $0x1, v46;
	v5 =	vand.u32 v47, v57  }
0x312: {  	s24 =	sld [smem:$0x7C4];
	s10 =	sadd.s32 $0x1, s18;
	s4 =	sadd.s32 $0xFFFFFFC0, s4;
	v7 =	vand.u32 v58, v7;
	v47 =	vand.u32 v3, v1;
	v3 =	vor.u32 s3, v27  }
0x313: {  	s26 =	sld [smem:$0x7C5];
	s16 =	sor.u32 s4, s10;
	s17 =	sadd.s32 $0xFFFFFFC0, s23;
	v48 =	vand.u32 v59, v5;
	v1 =	vand.u32 v44, v7;
	v7 =	vor.u32 s6, v10  }
0x314: {  	s14 =	sadd.s32 $0x1, s19;
	s3 =	sor.u32 s17, s20;
	s6 =	sshra.s32 s16, $0x1F;
	(v2sf) =	vpush v62, $0x0;
	vm6 =	vlt.u32 v47, $0x7FFFFFFF;
	v50 =	vand.u32 v3, v1  }
0x315: {  	s15 =	sadd.s32 $0x3F, s24;
	s0 =	sadd.s32 $0xFFFFFFC0, s9;
	s21 =	sshra.s32 s3, $0x1F;
	v1 =	vand.u32 v7, v60;
	v3 =	vor.u32 s7, v12;
	v7 =	vor.u32 s6, v17  }
0x316: {  	s19 =	sld [smem:$0x7CA];
	s8 =	sadd.s32 $0xFFFFFFC0, s15;
	s0 =	sor.u32 s0, s14;
	v60 =	vor.u32 s6, v19;
	v45 =	vor.u32 s21, v35;
	v59 =	vor.u32 s21, v20  }
0x317: {  	s31 =	sld [smem:$0x7C9];
	s18 =	sor.u32 s8, s12;
	s7 =	sshra.s32 s0, $0x1F;
	vm7 =	vlt.u32 v48, $0x7FFFFFFF;
	v1 =	vand.u32 v3, v1;
	v3 =	vor.u32 s1, v16  }
0x318: {  	s22 =	sadd.s32 $0x3F, s26;
	s2 =	sld [smem:$0x7C3];
	s0 =	sshra.s32 s18, $0x1F;
	v61 =	vor.u32 s7, v14;
	v6 =	vor.u32 s7, v11;
	v63 =	vor.u32 s7, v15  }
0x319: {  	s8 =	sadd.s32 $0x1, s19;
	s3 =	sadd.s32 $0xFFFFFFC0, s22;
	v51 =	vor.u32 s0, v38;
	v55 =	vor.u32 s0, v36;
	v58 =	vor.u32 s0, v37  }
0x31a: {  	s20 =	sadd.s32 $0x3F, s31;
	s3 =	sor.u32 s3, s8;
	v2 =	vand.u32 v45, v2;
	v42 =	vor.u32 s0, v31;
	v49 =	vand.u32 v3, v1  }
0x31b: {  	s4 =	sadd.s32 $0xFFFFFFC0, s20;
	s2 =	sadd.s32 $0x1, s2;
	s10 =	sshra.s32 s3, $0x1F;
	v1 =	vor.u32 s13, v33;
	v3 =	vor.u32 s5, v40;
	v6 =	vand.u32 v7, v6  }
0x31c: {  	s2 =	sor.u32 s4, s2;
	v7 =	vor.u32 s6, v18;
	v57 =	vor.u32 s10, v28;
	v2 =	vand.u32 v55, v2  }
0x31d: {  	s15 =	sshra.s32 s2, $0x1F;
	v5 =	vand.u32 v7, v61;
	v7 =	vand.u32 v60, v63;
	v61 =	vmpcnt.ones.xlane vm2  }
0x31e: {  	v62 =	vor.u32 s15, v21;
	v63 =	vor.u32 s15, v22;
	v60 =	vor.u32 s15, v24  }
0x31f: {  	s25 =	sld [smem:$0x7BC];
	vm3 =	vlt.u32 v49, $0x7FFFFFFF;
	v56 =	vand.u32 v62, v6;
	(v2sf) =	vpush v61, $0x0  }
0x320: {  	s30 =	simm.s32 $0x70;
	s23 =	sld [smem:$0x7BB];
	v6 =	vor.u32 s10, v29;
	v5 =	vand.u32 v63, v5;
	v61 =	vmpcnt.ones.xlane vm0  }
0x321: {  	s11 =	simm.s32 $0x30;
	s9 =	simm.s32 $0xE720;
	s26 =	sld [smem:$0x7BD];
	v7 =	vand.u32 v60, v7;
	v62 =	vor.u32 s10, v30;
	v63 =	vor.u32 s21, v26  }
0x322: {  	s14 =	simm.s32 $0xF7A0;
	s12 =	simm.s32 $0x6420;
	s17 =	sld [smem:$0x7BE];
	v60 =	vmpcnt.ones.xlane vm5;
	v45 =	vand.u32 v6, v5;
	(v2sf) =	vpush v61, $0x0  }
0x323: {  	s31 =	simm.s32 $0x20;
	s20 =	sld [smem:$0x7BF];
	s22 =	sadd.s32 $0x3E, s23;
	v44 =	vand.u32 v62, v7;
	v6 =	vor.u32 s13, v23;
	v7 =	vor.u32 s21, v25  }
0x324: {  	s0 =	sadd.s32 $0x3E, s25;
	s25 =	sadd.s32 $0x2, s26;
	s26 =	sld [smem:$0x7C2];
	v1 =	vand.u32 v63, v1;
	v62 =	vmpcnt.ones.xlane vm3;
	v5 =	vor.u32 s31, v0  }
0x325: {  	s23 =	simm.s32 $0x10;
	s16 =	simm.s32 $0x40;
	s4 =	simm.s32 $0x0;
	v63 =	vor.u32 s15, v12;
	v1 =	vand.u32 v42, v1;
	v55 =	vand.u32 v7, v6  }
0x326: {  	s3 =	simm.s32 $0x7420;
	s1 =	sld [smem:$0x7C3];
	s0 =	sadd.s32 $0xFFFFFFC0, s0;
	v6 =	vor.u32 s5, v34;
	v7 =	vor.u32 s7, v9;
	v41 =	vand.u32 v3, v1  }
0x327: {  	s0 =	sor.u32 s0, s25;
	s2 =	sadd.s32 $0x3E, s26;
	s26 =	sld [smem:$0x7C7];
	v1 =	vand.u32 v58, v55;
	v3 =	vadd.s32 $0x1, v4;
	v58 =	vor.u32 s13, v13  }
0x328: {  	s20 =	sadd.s32 $0x2, s20;
	s25 =	sshra.s32 s0, $0x1F;
	s21 =	sld [smem:$0x7C0];
	v42 =	vand.u32 v6, v1;
	v1 =	vand.u32 v59, v58;
	[tilespmem:s12+$0xFFFFFFE0] =	vst v3;
	(v2sf) =	vpush v60, $0x0  }
0x329: {  	s1 =	sadd.s32 $0x2, s1;
	s2 =	sadd.s32 $0xFFFFFFC0, s2;
	v61 =	vor.u32 s5, v27;
	s5 =	sld [smem:$0x7C4];
	v3 =	vmpcnt.ones.xlane vm6;
	v1 =	vand.u32 v51, v1;
	[tilespmem:s9+$0xFFFFFFE0] =	vst v8  }
0x32a: {  	s13 =	sadd.s32 $0xFFFFFFC0, s22;
	v6 =	vadd.s32 $0x1, v43;
	v43 =	vand.u32 v61, v1;
	v1 =	vor.u32 s23, v0;
	s23 =	sadd.s32 $0x2, s17;
	[tilespmem:s4+$0xE700] =	vst.msk vm1, v52;
	s17 =	sld [smem:$0x7C5]  }
0x32b: {  	(v2sf) =	vpush v3, $0x0;
	v3 =	vmpcnt.ones.xlane vm7;
	vm1 =	vlt.u32 v50, $0x7FFFFFFF;
	[tilespmem:s12+$0xFFFFFFF0] =	vst v6;
	s19 =	sor.u32 s2, s23;
	s23 =	sld [smem:$0x7C6];
	s31 =	spop (v2sf)  }
0x32c: {  	s22 =	sld [smem:$0x7C1];
	v4 =	vadd.s32 $0x1, v50;
	s5 =	sadd.s32 $0x3E, s5;
	(v2sf) =	vpush v62, $0x0;
	v55 =	vmpcnt.ones.xlane vm1;
	[tilespmem:s9+$0xFFFFFFF0] =	vst v8;
	s0 =	sadd.s32 $0x0, s31  }
0x32d: {  	v60 =	vadd.s32 $0x1, v49;
	v6 =	vor.u32 s6, v10;
	s2 =	sadd.s32 $0x2, s21;
	s5 =	sadd.s32 $0xFFFFFFC0, s5;
	s6 =	sshra.s32 s19, $0x1F;
	(v2sf) =	vpush v3, $0x0;
	[tilespmem:s0+$0xE700] =	vst.msk vm2, v1  }
0x32e: {  	v58 =	vand.u32 v57, v56;
	v50 =	vor.u32 s25, v40;
	s17 =	sadd.s32 $0x3E, s17;
	s15 =	sadd.s32 $0x2, s23;
	[tilespmem:s12+$0x0] =	vst v46;
	s7 =	spop (v2sf);
	(v2sf) =	vpush v55, $0x0  }
0x32f: {  	v6 =	vand.u32 v6, v7;
	v7 =	vadd.s32 $0x1, v47;
	s23 =	sadd.s32 $0x3E, s26;
	v46 =	vor.u32 s16, v0;
	s16 =	sld [smem:$0x7C8];
	[tilespmem:s9+$0x0] =	vst v8;
	s7 =	sadd.s32 s0, s7  }
0x330: {  	v6 =	vand.u32 v63, v6;
	v3 =	vor.u32 s10, v16;
	s31 =	sadd.s32 $0x3E, s22;
	s21 =	sor.u32 s13, s15;
	v55 =	vor.u32 s11, v0;
	s11 =	sld [smem:$0x7C9];
	[tilespmem:s7+$0xE700] =	vst.msk vm0, v5  }
0x331: {  	v47 =	vor.u32 s25, v39;
	v51 =	vor.u32 s6, v33;
	v49 =	vand.u32 v3, v6;
	s26 =	sadd.s32 $0xFFFFFFC0, s23;
	s10 =	sadd.s32 $0xFFFFFFC0, s31;
	s22 =	spop (v2sf);
	[tilespmem:s12+$0x10] =	vst v60  }
0x332: {  	v3 =	vadd.s32 $0x1, v48;
	v6 =	vadd.s32 $0x1, v54;
	v48 =	vand.u32 v53, v2;
	s0 =	sadd.s32 $0x2, s16;
	s16 =	sld [smem:$0x7CA];
	s31 =	sadd.s32 s7, s22;
	[tilespmem:s9+$0x10] =	vst v8  }
0x333: {  	v2 =	vor.u32 s6, v32;
	vm4 =	vlt.u32 v48, $0x7FFFFFFF;
	vm2 =	vlt.u32 v45, $0x7FFFFFFF;
	s0 =	sor.u32 s26, s0;
	s7 =	sshra.s32 s21, $0x1F;
	s11 =	sadd.s32 $0x3E, s11;
	[tilespmem:s31+$0xE700] =	vst.msk vm3, v55  }
0x334: {  	s19 =	sor.u32 s5, s20;
	vm0 =	vlt.u32 v44, $0x7FFFFFFF;
	s9 =	sshra.s32 s0, $0x1F;
	v61 =	vor.u32 s7, v14;
	s11 =	sadd.s32 $0xFFFFFFC0, s11;
	v59 =	vor.u32 s7, v15;
	[tilespmem:s3+$0xFFFFFFE0] =	vst v6  }
0x335: {  	s13 =	sadd.s32 $0x2, s16;
	s0 =	sadd.s32 $0xFFFFFFC0, s17;
	vm3 =	vlt.u32 v58, $0x7FFFFFFF;
	v62 =	vor.u32 s9, v17;
	s1 =	sor.u32 s11, s1;
	v60 =	vor.u32 s9, v18;
	[tilespmem:s14+$0xFFFFFFE0] =	vst v8  }
0x336: {  	s19 =	sshra.s32 s19, $0x1F;
	s0 =	sor.u32 s0, s13;
	v6 =	vor.u32 s7, v11;
	v63 =	vmpcnt.ones.xlane vm3;
	s12 =	sshra.s32 s1, $0x1F;
	v54 =	vand.u32 v60, v61;
	[tilespmem:s4+$0xF780] =	vst.msk vm5, v52  }
0x337: {  	s2 =	sor.u32 s10, s2;
	s20 =	spop (v2sf);
	v61 =	vmpcnt.ones.xlane vm2;
	s10 =	sshra.s32 s0, $0x1F;
	v6 =	vand.u32 v62, v6;
	v62 =	vor.u32 s12, v21;
	[tilespmem:s3+$0xFFFFFFF0] =	vst v7  }
0x338: {  	s28 =	simm.s32 $0x6460;
	s21 =	sadd.s32 $0x0, s20;
	s13 =	sshra.s32 s2, $0x1F;
	v56 =	vor.u32 s10, v28;
	(v2sf) =	vpush v63, $0x0;
	v52 =	vor.u32 s19, v38;
	[tilespmem:s14+$0xFFFFFFF0] =	vst v8  }
0x339: {  	s29 =	simm.s32 $0xE760;
	s24 =	simm.s32 $0xF7E0;
	s8 =	simm.s32 $0x7460;
	v53 =	vand.u32 v62, v6;
	v6 =	vor.u32 s13, v35;
	v63 =	vor.u32 s10, v29;
	[tilespmem:s21+$0xF780] =	vst.msk vm6, v1  }
0x33a: {  	s18 =	simm.s32 $0x3D;
	s5 =	simm.s32 $0xE7A0;
	s22 =	spop (v2sf);
	v7 =	vor.u32 s9, v19;
	(v2sf) =	vpush v61, $0x0;
	v2 =	vand.u32 v6, v2;
	[tilespmem:s3+$0x0] =	vst v3  }
0x33b: {  	s15 =	simm.s32 $0x70;
	s0 =	sadd.s32 s21, s22;
	s23 =	spop (v2sf);
	v6 =	vor.u32 s10, v30;
	v61 =	vmpcnt.ones.xlane vm0;
	v7 =	vand.u32 v7, v59;
	[tilespmem:s14+$0x0] =	vst v8  }
0x33c: {  	s16 =	simm.s32 $0xF820;
	s11 =	simm.s32 $0x2;
	s26 =	spop (v2sf);
	v59 =	vor.u32 s19, v37;
	v1 =	vor.u32 s12, v22;
	v3 =	vor.u32 s12, v24;
	[tilespmem:s0+$0xF780] =	vst.msk vm7, v5  }
0x33d: {  	s1 =	sadd.s32 s0, s26;
	s21 =	sadd.s32 s31, s23;
	v1 =	vand.u32 v1, v54;
	v3 =	vand.u32 v3, v7;
	v7 =	vor.u32 s19, v36;
	[tilespmem:s3+$0x10] =	vst v4;
	s31 =	spop (v2sf)  }
0x33e: {  	s4 =	simm.s32 $0x64A0;
	v60 =	vand.u32 v63, v1;
	v57 =	vand.u32 v6, v3;
	v54 =	vand.u32 v7, v2;
	s3 =	simm.s32 $0x74A0;
	[tilespmem:s14+$0x10] =	vst v8;
	s14 =	sadd.s32 s1, s31  }
.LBB2_8:
0x33f: {  	[smem:$0x7B9] =	sst s14  }
0x340: {  	s0 =	sld [smem:$0x7BB]  }
0x341: {  	s14 =	sld [smem:$0x7BC]  }
0x342: {  	s22 =	sld [smem:$0x7BE]  }
0x343: {  	s26 =	sld [smem:$0x7C1]  }
0x344: {  	s2 =	smov.u32 s16;
	v63 =	vadd.s32 $0x1, v58;
	v58 =	vor.u32 s9, v10;
	s9 =	sld [smem:$0x7C6]  }
0x345: {  	s30 =	sadd.s32 $0x40, s30;
	[smem:$0x7B7] =	sst s2  }
0x346: {  	v2 =	vor.u32 s6, v23;
	v3 =	vor.u32 s13, v25;
	s11 =	sadd.s32 $0x1, s11;
	s23 =	sadd.s32 $0xFFFFFFF0, s15;
	s2 =	sld [smem:$0x7BD]  }
0x347: {  	v6 =	vor.u32 s25, v27;
	v2 =	vand.u32 v3, v2;
	v3 =	vor.u32 s25, v34;
	s25 =	sld [smem:$0x7C2];
	s20 =	smov.u32 s18;
	s31 =	sadd.s32 $0xFFFFFFFF, s18  }
0x348: {  	s17 =	smov.u32 s24;
	p0 =	sne.s32 s18, $0x1;
	s18 =	smov.u32 s8  }
0x349: {  	v1 =	vor.u32 s13, v26;
	vm5 =	vmmov vm4;
	v2 =	vand.u32 v59, v2;
	[smem:$0x7BA] =	sst s31;
	s0 =	sadd.s32 s20, s0;
	s31 =	sadd.s32 $0xFFFFFFE0, s15  }
0x34a: {  	[tilespmem:s1+$0xF780] =	vst.msk vm1, v55;
	(v2sf) =	vpush v61, $0x0;
	s1 =	sadd.s32 s20, s14;
	v2 =	vand.u32 v3, v2;
	v3 =	vor.u32 s6, v13;
	s6 =	sld [smem:$0x7C0];
	s14 =	smov.u32 s4  }
0x34b: {  	v4 =	vor.u32 s19, v31;
	v5 =	vor.u32 s13, v20;
	vm6 =	vlt.u32 v41, $0x7FFFFFFF;
	s26 =	sadd.s32 s20, s26;
	s9 =	sadd.s32 s11, s9;
	s8 =	sadd.s32 $0xFFFFFFC0, s0  }
0x34c: {  	vm8 =	vlt.u32 v49, $0x7FFFFFFF;
	v55 =	vadd.s32 $0x1, v44;
	v1 =	vand.u32 v1, v51;
	s0 =	sld [smem:$0x7BF];
	s2 =	sadd.s32 s11, s2;
	s24 =	sadd.s32 $0xFFFFFFC0, s1  }
0x34d: {  	v51 =	vadd.s32 $0x1, v45;
	v1 =	vand.u32 v4, v1;
	s1 =	sadd.s32 s11, s22;
	s22 =	sadd.s32 $0xFFFFFFD0, s30;
	v61 =	vor.u32 s31, v0;
	s31 =	sld [smem:$0x7C5]  }
0x34e: {  	v45 =	vmovc v60;
	v60 =	vor.u32 s23, v0;
	v1 =	vand.u32 v50, v1;
	v50 =	vmpcnt.ones.xlane vm5;
	s25 =	sadd.s32 s20, s25;
	s23 =	sadd.s32 $0xFFFFFFC0, s26;
	s26 =	sld [smem:$0x7CA]  }
0x34f: {  	v7 =	vadd.s32 $0x1, v49;
	vm7 =	vlt.u32 v42, $0x7FFFFFFF;
	v3 =	vand.u32 v5, v3;
	s2 =	sor.u32 s24, s2;
	s24 =	sld [smem:$0x7C4];
	s8 =	sor.u32 s8, s9  }
0x350: {  	vm1 =	vlt.u32 v43, $0x7FFFFFFF;
	[tilespmem:s28+$0xFFFFFFE0] =	vst v63;
	v3 =	vand.u32 v52, v3;
	(v2sf) =	vpush v50, $0x0;
	s4 =	sshra.s32 s2, $0x1F;
	s19 =	sadd.s32 s11, s6;
	s6 =	sadd.s32 $0xFFFFFFC0, s25  }
0x351: {  	v44 =	vmovc v57;
	v57 =	vor.u32 s7, v9;
	[tilespmem:s29+$0xFFFFFFE0] =	vst v8;
	v3 =	vand.u32 v6, v3;
	s2 =	sld [smem:$0x7C3];
	v6 =	vmpcnt.ones.xlane vm6;
	s0 =	sadd.s32 s11, s0;
	s1 =	sor.u32 s6, s1  }
0x352: {  	v62 =	vor.u32 s12, v12;
	v59 =	vmpcnt.ones.xlane vm1;
	[tilespmem:s21+$0xE700] =	vst.msk vm3, v46;
	v52 =	vmpcnt.ones.xlane vm8;
	[smem:$0x7B8] =	sst s0;
	s6 =	sshra.s32 s1, $0x1F;
	s13 =	spop (v2sf)  }
0x353: {  	[tilespmem:s28+$0xFFFFFFF0] =	vst v51;
	v5 =	vand.u32 v58, v57;
	s1 =	sadd.s32 s20, s24;
	(v2sf) =	vpush v6, $0x0;
	v6 =	vmpcnt.ones.xlane vm7;
	s0 =	sadd.s32 s21, s13;
	s13 =	smov.u32 s5  }
0x354: {  	[tilespmem:s29+$0xFFFFFFF0] =	vst v8;
	v5 =	vand.u32 v62, v5;
	v63 =	vor.u32 s22, v0;
	s5 =	smov.u32 s3;
	s3 =	smov.u32 s16;
	s16 =	sld [smem:$0x7C8];
	(v2sf) =	vpush v52, $0x0  }
0x355: {  	v50 =	vor.u32 s4, v40;
	s21 =	sadd.s32 s20, s31;
	s31 =	sld [smem:$0x7C7];
	[tilespmem:s0+$0xE700] =	vst.msk vm2, v61;
	s7 =	spop (v2sf);
	(v2sf) =	vpush v6, $0x0;
	v6 =	vor.u32 s10, v16  }
0x356: {  	s25 =	smov.u32 s4;
	s24 =	sld [smem:$0x7B7];
	s22 =	sadd.s32 $0xFFFFFFC0, s1;
	[tilespmem:s28+$0x0] =	vst v55;
	(v2sf) =	vpush v59, $0x0;
	v49 =	vand.u32 v6, v5;
	v5 =	vadd.s32 $0x1, v42  }
0x357: {  	s10 =	sadd.s32 s11, s26;
	s0 =	sadd.s32 s0, s7;
	v42 =	vmovc v2;
	v2 =	vadd.s32 $0x1, v48;
	v48 =	vand.u32 v47, v54;
	v47 =	vor.u32 s4, v39;
	s4 =	sld [smem:$0x7B8];
	[tilespmem:s29+$0x0] =	vst v8  }
0x358: {  	v58 =	vand.u32 v56, v53;
	s7 =	sshra.s32 s8, $0x1F;
	s12 =	sadd.s32 s11, s16;
	s31 =	sadd.s32 s20, s31;
	[tilespmem:s0+$0xE700] =	vst.msk vm0, v60  }
0x359: {  	vm3 =	vlt.u32 v58, $0x7FFFFFFF;
	s16 =	sld [smem:$0x7C9];
	s26 =	spop (v2sf);
	s9 =	sadd.s32 $0xFFFFFFC0, s31;
	[tilespmem:s28+$0x10] =	vst v7  }
0x35a: {  	v51 =	vor.u32 s6, v33;
	vm2 =	vlt.u32 v45, $0x7FFFFFFF;
	v55 =	vor.u32 s15, v0;
	s1 =	sadd.s32 s0, s26;
	s26 =	sor.u32 s23, s19;
	s8 =	sor.u32 s22, s4;
	[tilespmem:s29+$0x10] =	vst v8  }
0x35b: {  	v6 =	vadd.s32 $0x1, v43;
	v43 =	vmovc v3;
	v3 =	vadd.s32 $0x1, v41;
	v41 =	vmovc v1;
	v1 =	vor.u32 s6, v32;
	s15 =	sor.u32 s9, s12;
	s19 =	sshra.s32 s8, $0x1F;
	s8 =	sld [smem:$0x7B9];
	[tilespmem:s1+$0xE700] =	vst.msk vm8, v55  }
0x35c: {  	v54 =	vmpcnt.ones.xlane vm3;
	vm4 =	vlt.u32 v48, $0x7FFFFFFF;
	v56 =	vor.u32 s7, v15;
	s20 =	sadd.s32 s20, s16;
	s16 =	smov.u32 s3;
	s9 =	sshra.s32 s15, $0x1F;
	[tilespmem:s18+$0xFFFFFFE0] =	vst v2  }
0x35d: {  	vm0 =	vlt.u32 v44, $0x7FFFFFFF;
	v7 =	vor.u32 s7, v14;
	s3 =	smov.u32 s5;
	s5 =	smov.u32 s13;
	s13 =	sshra.s32 s26, $0x1F;
	v53 =	vor.u32 s9, v17;
	[tilespmem:s17+$0xFFFFFFE0] =	vst v8  }
0x35e: {  	s2 =	sadd.s32 s11, s2;
	s21 =	sadd.s32 $0xFFFFFFC0, s21;
	s31 =	sadd.s32 $0xFFFFFFC0, s20;
	v57 =	vor.u32 s9, v19;
	v52 =	vor.u32 s19, v38;
	v4 =	vor.u32 s13, v35;
	[tilespmem:s8+$0xF780] =	vst.msk vm5, v46  }
0x35f: {  	s10 =	sor.u32 s21, s10;
	s20 =	spop (v2sf);
	v62 =	vor.u32 s19, v36;
	v59 =	vor.u32 s19, v37;
	(v2sf) =	vpush v54, $0x0;
	s0 =	sor.u32 s31, s2;
	[tilespmem:s18+$0xFFFFFFF0] =	vst v3  }
0x360: {  	s10 =	sshra.s32 s10, $0x1F;
	v54 =	vmpcnt.ones.xlane vm2;
	v2 =	vor.u32 s7, v11;
	v1 =	vand.u32 v4, v1;
	s2 =	sadd.s32 s8, s20;
	s12 =	sshra.s32 s0, $0x1F;
	[tilespmem:s17+$0xFFFFFFF0] =	vst v8  }
0x361: {  	s28 =	smov.u32 s14;
	s4 =	sadd.s32 $0x40, s14;
	s15 =	smov.u32 s30;
	v2 =	vand.u32 v53, v2;
	v46 =	vmovc v63;
	v53 =	vor.u32 s12, v21;
	v63 =	vor.u32 s12, v24;
	[tilespmem:s2+$0xF780] =	vst.msk vm6, v61  }
.Ltmp3:
0x362: {  	s29 =	smov.u32 s5;
	v3 =	vor.u32 s9, v18;
	v53 =	vand.u32 v53, v2;
	v2 =	vor.u32 s10, v30;
	s22 =	spop (v2sf);
	[tilespmem:s18+$0x0] =	vst v5;
	(pc) =	sbr.rel @p0 .LBB2_8-.Ltmp3, $4  }
0x363: {  	s5 =	sadd.s32 $0x40, s5;
	v3 =	vand.u32 v3, v7;
	v7 =	vand.u32 v57, v56;
	v57 =	vor.u32 s12, v22;
	s0 =	sadd.s32 s2, s22;
	s23 =	spop (v2sf);
	[tilespmem:s17+$0x0] =	vst v8  }
0x364: {  	s16 =	sadd.s32 $0x40, s16;
	s8 =	smov.u32 s3;
	v56 =	vor.u32 s10, v28;
	v61 =	vmpcnt.ones.xlane vm0;
	v7 =	vand.u32 v63, v7;
	[tilespmem:s0+$0xF780] =	vst.msk vm7, v60;
	s26 =	spop (v2sf)  }
0x365: {  	v3 =	vand.u32 v57, v3;
	v5 =	vor.u32 s10, v29;
	v57 =	vand.u32 v2, v7;
	s21 =	sadd.s32 s1, s23;
	s1 =	sadd.s32 s0, s26;
	[tilespmem:s18+$0x10] =	vst v6;
	s31 =	spop (v2sf)  }
0x366: {  	s3 =	sadd.s32 $0x40, s3;
	(v2sf) =	vpush v54, $0x0;
	v54 =	vand.u32 v62, v1;
	v60 =	vand.u32 v5, v3;
	s18 =	sld [smem:$0x7BA];
	[tilespmem:s17+$0x10] =	vst v8;
	s14 =	sadd.s32 s1, s31  }
0x367: {  	_ =	sdelay $0x1  }
0x368: {  	(v2sf) =	vpush v61, $0x0;
	_ =	sdelay $0x2  }
0x369: {  	vm6 =	vmmov vm4  }
0x36a: {  	v1 =	vmpcnt.ones.xlane vm6  }
0x36b: {  	[tilespmem:s1+$0xF780] =	vst.msk vm1, v55;
	v2 =	vadd.s32 $0x1, v58  }
0x36c: {  	vm12 =	vlt.u32 v41, $0x7FFFFFFF;
	[tilespmem:s28+$0xFFFFFFE0] =	vst v2;
	(v2sf) =	vpush v1, $0x0  }
0x36d: {  	[tilespmem:s29+$0xFFFFFFE0] =	vst v8;
	v1 =	vmpcnt.ones.xlane vm12  }
0x36e: {  	vm13 =	vlt.u32 v49, $0x7FFFFFFF;
	v2 =	vadd.s32 $0x1, v45;
	[tilespmem:s21+$0xE700] =	vst.msk vm3, v46  }
0x36f: {  	s0 =	sadd.s32 $0xFFFFFFE0, s15;
	vm14 =	vlt.u32 v42, $0x7FFFFFFF;
	v3 =	vmpcnt.ones.xlane vm13;
	[tilespmem:s28+$0xFFFFFFF0] =	vst v2;
	s2 =	spop (v2sf);
	(v2sf) =	vpush v1, $0x0  }
0x370: {  	v2 =	vmpcnt.ones.xlane vm14;
	[tilespmem:s29+$0xFFFFFFF0] =	vst v8;
	v1 =	vor.u32 s0, v0;
	s11 =	sadd.s32 s21, s2  }
0x371: {  	v4 =	vadd.s32 $0x1, v44;
	(v2sf) =	vpush v3, $0x0;
	[tilespmem:s11+$0xE700] =	vst.msk vm2, v1  }
0x372: {  	s17 =	sadd.s32 $0xFFFFFFF0, s15;
	[tilespmem:s28+$0x0] =	vst v4;
	s2 =	spop (v2sf);
	(v2sf) =	vpush v2, $0x0  }
0x373: {  	[tilespmem:s29+$0x0] =	vst v8;
	v2 =	vor.u32 s17, v0;
	s0 =	sadd.s32 s11, s2  }
0x374: {  	vm5 =	vlt.u32 v43, $0x7FFFFFFF;
	v3 =	vadd.s32 $0x1, v49;
	v49 =	vand.u32 v56, v53;
	[tilespmem:s0+$0xE700] =	vst.msk vm0, v2  }
0x375: {  	v5 =	vmpcnt.ones.xlane vm5;
	vm15 =	vlt.u32 v49, $0x7FFFFFFF;
	s18 =	spop (v2sf);
	[tilespmem:s28+$0x10] =	vst v3  }
0x376: {  	v6 =	vmpcnt.ones.xlane vm15;
	s0 =	sadd.s32 s0, s18;
	v3 =	vor.u32 s15, v0;
	[tilespmem:s29+$0x10] =	vst v8  }
0x377: {  	v53 =	vadd.s32 $0x1, v48;
	(v2sf) =	vpush v5, $0x0;
	[tilespmem:s0+$0xE700] =	vst.msk vm13, v3  }
0x378: {  	vm8 =	vlt.u32 v60, $0x7FFFFFFF;
	(v2sf) =	vpush v6, $0x0;
	[tilespmem:s8+$0xFFFFFFE0] =	vst v53  }
0x379: {  	v55 =	vmpcnt.ones.xlane vm8;
	[tilespmem:s24+$0xFFFFFFE0] =	vst v8  }
0x37a: {  	v6 =	vadd.s32 $0x1, v41;
	[tilespmem:s14+$0xF780] =	vst.msk vm6, v46  }
0x37b: {  	vm9 =	vlt.u32 v57, $0x7FFFFFFF;
	s20 =	spop (v2sf);
	(v2sf) =	vpush v55, $0x0;
	[tilespmem:s8+$0xFFFFFFF0] =	vst v6  }
0x37c: {  	v11 =	vor.u32 s6, v23;
	v58 =	vand.u32 v47, v54;
	v7 =	vmpcnt.ones.xlane vm9;
	s1 =	sadd.s32 s14, s20;
	[tilespmem:s24+$0xFFFFFFF0] =	vst v8  }
0x37d: {  	v14 =	vadd.s32 $0x1, v42;
	v61 =	vadd.s32 $0x1, v43;
	vm10 =	vlt.u32 v58, $0x7FFFFFFF;
	[tilespmem:s1+$0xF780] =	vst.msk vm12, v1  }
0x37e: {  	v62 =	vor.u32 s10, v16;
	vm11 =	vmmov vm10;
	s21 =	spop (v2sf);
	(v2sf) =	vpush v7, $0x0;
	[tilespmem:s8+$0x0] =	vst v14  }
0x37f: {  	v56 =	vor.u32 s19, v31;
	v6 =	vor.u32 s7, v9;
	v9 =	vor.u32 s13, v26;
	s1 =	sadd.s32 s1, s21;
	[tilespmem:s24+$0x0] =	vst v8  }
0x380: {  	v7 =	vor.u32 s13, v25;
	s22 =	spop (v2sf);
	v1 =	vand.u32 v9, v51;
	v9 =	vor.u32 s9, v10;
	[tilespmem:s1+$0xF780] =	vst.msk vm14, v2  }
0x381: {  	v10 =	vor.u32 s12, v12;
	v1 =	vand.u32 v56, v1;
	v6 =	vand.u32 v9, v6;
	[tilespmem:s8+$0x10] =	vst v61;
	s23 =	spop (v2sf)  }
0x382: {  	v9 =	vmpcnt.ones.xlane vm11;
	v1 =	vand.u32 v50, v1;
	v6 =	vand.u32 v10, v6;
	s1 =	sadd.s32 s1, s23;
	[tilespmem:s24+$0x10] =	vst v8  }
0x383: {  	s26 =	sadd.s32 $0x40, s30;
	v2 =	vand.u32 v7, v11;
	v7 =	vor.u32 s25, v34;
	[tilespmem:s1+$0xF780] =	vst.msk vm5, v3;
	v3 =	vadd.s32 $0x1, v49  }
0x384: {  	s28 =	sadd.s32 $0xFFFFFFD0, s26;
	vm12 =	vlt.u32 v1, $0x7FFFFFFF;
	v4 =	vand.u32 v62, v6;
	(v2sf) =	vpush v9, $0x0;
	[tilespmem:s4+$0xFFFFFFE0] =	vst v3  }
0x385: {  	s0 =	sadd.s32 s0, s22;
	v2 =	vand.u32 v59, v2;
	v6 =	vmpcnt.ones.xlane vm12;
	v3 =	vor.u32 s28, v0;
	[tilespmem:s5+$0xFFFFFFE0] =	vst v8  }
0x386: {  	vm13 =	vlt.u32 v4, $0x7FFFFFFF;
	v2 =	vand.u32 v7, v2;
	s29 =	spop (v2sf);
	v7 =	vadd.s32 $0x1, v60;
	[tilespmem:s0+$0xE700] =	vst.msk vm15, v3  }
0x387: {  	s30 =	sadd.s32 $0xFFFFFFE0, s26;
	v9 =	vmpcnt.ones.xlane vm13;
	s31 =	spop (v2sf);
	vm14 =	vlt.u32 v2, $0x7FFFFFFF;
	(v2sf) =	vpush v6, $0x0;
	[tilespmem:s4+$0xFFFFFFF0] =	vst v7  }
0x388: {  	v6 =	vor.u32 s30, v0;
	s0 =	sadd.s32 s0, s31;
	v7 =	vmpcnt.ones.xlane vm14;
	[tilespmem:s5+$0xFFFFFFF0] =	vst v8  }
0x389: {  	v10 =	vadd.s32 $0x1, v57;
	(v2sf) =	vpush v9, $0x0;
	[tilespmem:s0+$0xE700] =	vst.msk vm8, v6  }
0x38a: {  	s9 =	sadd.s32 $0xFFFFFFF0, s26;
	s10 =	spop (v2sf);
	(v2sf) =	vpush v7, $0x0;
	[tilespmem:s4+$0x0] =	vst v10  }
0x38b: {  	v9 =	vor.u32 s13, v20;
	v7 =	vor.u32 s6, v13;
	s0 =	sadd.s32 s0, s10;
	v10 =	vor.u32 s9, v0;
	[tilespmem:s5+$0x0] =	vst v8  }
0x38c: {  	v4 =	vadd.s32 $0x1, v4;
	v7 =	vand.u32 v9, v7;
	[tilespmem:s0+$0xE700] =	vst.msk vm9, v10  }
0x38d: {  	s11 =	spop (v2sf);
	v9 =	vor.u32 s25, v27;
	v7 =	vand.u32 v52, v7;
	[tilespmem:s4+$0x10] =	vst v4  }
0x38e: {  	v63 =	vor.u32 s26, v0;
	s0 =	sadd.s32 s0, s11;
	v7 =	vand.u32 v9, v7;
	[tilespmem:s5+$0x10] =	vst v8  }
0x38f: {  	v5 =	vadd.s32 $0x1, v58;
	vm15 =	vlt.u32 v7, $0x7FFFFFFF;
	[tilespmem:s0+$0xE700] =	vst.msk vm13, v63  }
0x390: {  	v9 =	vmpcnt.ones.xlane vm15;
	[tilespmem:s3+$0xFFFFFFE0] =	vst v5  }
0x391: {  	s12 =	sadd.s32 s1, s29;
	[tilespmem:s16+$0xFFFFFFE0] =	vst v8  }
0x392: {  	v1 =	vadd.s32 $0x1, v1;
	(v2sf) =	vpush v9, $0x0;
	[tilespmem:s12+$0xF780] =	vst.msk vm11, v3  }
0x393: {  	s13 =	spop (v2sf);
	[tilespmem:s3+$0xFFFFFFF0] =	vst v1  }
0x394: {  	s0 =	sadd.s32 s12, s13;
	[tilespmem:s16+$0xFFFFFFF0] =	vst v8  }
0x395: {  	v1 =	vadd.s32 $0x1, v2;
	[tilespmem:s0+$0xF780] =	vst.msk vm12, v6  }
0x396: {  	s14 =	spop (v2sf);
	[tilespmem:s3+$0x0] =	vst v1  }
0x397: {  	s0 =	sadd.s32 s0, s14;
	[tilespmem:s16+$0x0] =	vst v8  }
0x398: {  	s15 =	spop (v2sf);
	v1 =	vadd.s32 $0x1, v7;
	[tilespmem:s0+$0xF780] =	vst.msk vm14, v10  }
0x399: {  	s17 =	sld [smem:$0x7F9];
	s1 =	spop (v2sf);
	[tilespmem:s3+$0x10] =	vst v1  }
0x39a: {  	s19 =	simm.s32 $0x400;
	s0 =	sadd.s32 s0, s1;
	[tilespmem:s16+$0x10] =	vst v8  }
0x39b: {  	s18 =	simm.s32 $0x80;
	s20 =	simm.s32 $0x6400;
	s21 =	sld [smem:$0x7FA];
	[tilespmem:s0+$0xF780] =	vst.msk vm15, v63  }
0x39c: {  	[hbm4b:s17+s18] =	stream.strided.scatter [tilespmem:s20], [sflag:$0x1], $0x1000, s19, s18, $0x38;
	[tilespmem:$0x10800] =	vst v63  }
0x39d: {  	s22 =	simm.s32 $0xE700;
	s23 =	sld [smem:$0x7FB]  }
0x39e: {  	[hbm4b:s21+s18] =	stream.strided.scatter [tilespmem:s22], [sflag:$0x2], $0x1000, s19, s18, $0x38;
	[tilespmem:$0x10800] =	vst v63  }
0x39f: {  	s24 =	simm.s32 $0x7400;
	s0 =	sld [smem:$0x7FC]  }
0x3a0: {  	[hbm4b:s23+s18] =	stream.strided.scatter [tilespmem:s24], [sflag:$0x1], $0x1000, s19, s18, $0x38;
	[tilespmem:$0x10800] =	vst v63  }
0x3a1: {  	s26 =	simm.s32 $0xF780;
	s28 =	simm.s32 $0x1;
	s25 =	spop (v2sf)  }
0x3a2: {  	[hbm4b:s0+s18] =	stream.strided.scatter [tilespmem:s26], [sflag:$0x2], $0x1000, s19, s18, $0x38;
	[tilespmem:$0x10800] =	vst v63  }
0x3a3: {  	_ =	swait.ge [sflag:s28], $0x1000  }
0x3a4: {  	[sflag:s28] =	ssyncset.done $0x0  }
0x3a5: {  	s29 =	simm.s32 $0x2;
	[sflag:s28] =	ssyncadd.s32 $0xFFFFF000  }
0x3a6: {  	_ =	swait.ge [sflag:s29], $0x1000  }
0x3a7: {  	[sflag:s29] =	ssyncset.done $0x0  }
0x3a8: {  	[sflag:s29] =	ssyncadd.s32 $0xFFFFF000  }
0x3a9: {  	_ =	swait.ge [sflag:s28], $0x1000  }
0x3aa: {  	[sflag:s28] =	ssyncset.done $0x0  }
0x3ab: {  	[sflag:s28] =	ssyncadd.s32 $0xFFFFF000  }
0x3ac: {  	_ =	swait.ge [sflag:s29], $0x1000  }
0x3ad: {  	[sflag:s29] =	ssyncset.done $0x0  }
0x3ae: {  	[sflag:s29] =	ssyncadd.s32 $0xFFFFF000  }
0x3af: {  	_ =	swait.ge [sflag:s28], $0x1000  }
0x3b0: {  	[sflag:s28] =	ssyncset.done $0x0  }
0x3b1: {  	[sflag:s28] =	ssyncadd.s32 $0xFFFFF000  }
0x3b2: {  	_ =	swait.ge [sflag:s29], $0x1000  }
0x3b3: {  	[sflag:s29] =	ssyncset.done $0x0  }
0x3b4: {  	[sflag:s29] =	ssyncadd.s32 $0xFFFFF000  }
0x3b5: {  	_ =	swait.ge [sflag:s28], $0x1000  }
0x3b6: {  	[sflag:s28] =	ssyncset.done $0x0  }
0x3b7: {  	[sflag:s28] =	ssyncadd.s32 $0xFFFFF000  }
0x3b8: {  	_ =	swait.ge [sflag:s29], $0x1000  }
0x3b9: {  	[sflag:s29] =	ssyncset.done $0x0  }
0x3ba: {  	[sflag:s29] =	ssyncadd.s32 $0xFFFFF000  }
0x3bb: {  	_ =	swait.ge [sflag:s28], $0x1000  }
0x3bc: {  	[sflag:s28] =	ssyncset.done $0x0  }
0x3bd: {  	[sflag:s28] =	ssyncadd.s32 $0xFFFFF000  }
0x3be: {  	_ =	swait.ge [sflag:s29], $0x1000  }
0x3bf: {  	[sflag:s29] =	ssyncset.done $0x0  }
0x3c0: {  	[sflag:s29] =	ssyncadd.s32 $0xFFFFF000  }
0x3c1: {  	_ =	swait.ge [sflag:s28], $0x1000  }
0x3c2: {  	[sflag:s28] =	ssyncset.done $0x0  }
0x3c3: {  	[sflag:s28] =	ssyncadd.s32 $0xFFFFF000  }
0x3c4: {  	_ =	swait.ge [sflag:s29], $0x1000  }
0x3c5: {  	[sflag:s29] =	ssyncset.done $0x0  }
0x3c6: {  	[sflag:s29] =	ssyncadd.s32 $0xFFFFF000  }
0x3c7: {  	_ =	swait.ge [sflag:s28], $0x1000  }
0x3c8: {  	[sflag:s28] =	ssyncset.done $0x0  }
0x3c9: {  	[sflag:s28] =	ssyncadd.s32 $0xFFFFF000  }
0x3ca: {  	_ =	swait.ge [sflag:s29], $0x1000  }
0x3cb: {  	[sflag:s29] =	ssyncset.done $0x0  }
0x3cc: {  	[sflag:s29] =	ssyncadd.s32 $0xFFFFF000  }
0x3cd: {  	_ =	swait.ge [sflag:s28], $0x1000  }
0x3ce: {  	[sflag:s28] =	ssyncset.done $0x0  }
0x3cf: {  	[sflag:s28] =	ssyncadd.s32 $0xFFFFF000  }
0x3d0: {  	_ =	swait.ge [sflag:s29], $0x1000  }
0x3d1: {  	s30 =	sld [smem:$0x7EB]  }
0x3d2: {  	s31 =	sld [smem:$0x7FD];
	_ =	sdelay $0x1  }
0x3d3: {  	s2 =	sadd.s32 $0x1, s30  }
0x3d4: {  	p0 =	sne.s32 s2, s31  }
.Ltmp4:
0x3d5: {  	_ = 	snop;
	(pc) =	sbr.rel @p0 .LBB2_1-.Ltmp4, $3  }
0x3d6: {  	_ =	sdelay $0x1  }
0x3d7: {  	[sflag:s29] =	ssyncset.done $0x0  }
0x3d8: {  	[sflag:s29] =	ssyncadd.s32 $0xFFFFF000  }
0x3d9: {  	_ =	sfence.sel $0x180000  }
0x3da: {  	[bflag:$0x0] =	sbarrier.arrive $0xFFFF  }
0x3db: {  	_ =	strace $0x90000047  }
0x3dc: {  	s0 =	stileid.u32;
	[bflag:$0x2] =	sbarrier.arrive $0xFFFF  }
0x3dd: {  	p0 =	sne.s32 s0, $0x0;
	s0 =	rddreg [dreg:$0x3]  }
0x3de: {  	s0 =	sadd.s32 @!p0 $0x100000, s0  }
0x3df: {  	[sflag:s0] =	ssyncadd.tile.s32 @!p0 $0x1;
	_ =	shalt  }
.Lfunc_end2:
_tile_overlayer_lowered:
.L_overlay_start_2:
0x3e0: {  	(tag) =	ssettag $0x2  }
0x3e1: {  	s0 =	rddreg [dreg:$0x0];
	s2 =	stileid.u32  }
0x3e2: {  	s1 =	rddreg [dreg:$0x1];
	p0 =	sne.s32 s2, $0x0  }
0x3e3: {  	s3 =	rddreg [dreg:$0x2];
	[bflag:$0x3] =	sbarrier.arrive $0xFFFF;
	s2 =	simm.s32 @!p0 $0x1C03  }
0x3e4: {  	[timem:s3], [sflag:s2] =	dma.local @!p0 [hbm:s0], s1  }
0x3e5: {  	s0 =	simm.s32 @!p0 $0x3  }
0x3e6: {  	_ =	swait.ge @!p0 [sflag:s0], s1  }
0x3e7: {  	s1 =	ssub.s32 @!p0 $0x0, s1;
	[sflag:s0] =	ssyncset.done @!p0 $0x0  }
0x3e8: {  	[sflag:s0] =	ssyncadd.s32 @!p0 s1  }
0x3e9: {  	[bflag:$0x3] =	sbarrier.arrive $0xFFFF  }
0x3ea: {  	_ =	shalt  }

</sc_bundles>
